<compile_context>
chip_gen: v7x
topology: tpu7x:2x2x1
jax: 0.10.2.dev20260603
libtpu: 0.0.44.dev20260713+nightly
codegen_flags: <defaults>
</compile_context>

<pallas_src>
import dataclasses
import functools

import jax
import jax.numpy as jnp
from jax import lax
from jax.experimental import pallas as pl
from jax.experimental.pallas import tpu as pltpu
from jax.experimental.pallas import tpu_sc as plsc

N_NODES = 10000
N_EDGES = 320000
D = 128

CHUNK = 32
NUM_CHUNKS = N_EDGES // CHUNK
N_CORES = 2
N_SUBCORES = 16
NW = N_CORES * N_SUBCORES
CPW = 320
IDX_ROWS = CPW * CHUNK // 128
CHUNKS_PAD = NW * CPW
E_PAD = CHUNKS_PAD * CHUNK
IDX_ROWS_PAD = E_PAD // 128
N_PAD = 10240
ROWS_PER_TILE = N_PAD // N_SUBCORES
LANES = 16


def _sc_aggregate(x, packed_idx, edge_attr, zeros):
  mesh = plsc.VectorSubcoreMesh(core_axis_name="c", subcore_axis_name="s")
  cp = pltpu.CompilerParams()
  if "needs_layout_passes" in pltpu.CompilerParams.__dataclass_fields__:
    cp = dataclasses.replace(cp, needs_layout_passes=False)
  cp = dataclasses.replace(cp, use_tc_tiling_on_sc=False)

  @functools.partial(
      pl.kernel,
      out_type=jax.ShapeDtypeStruct((N_CORES, N_PAD, D), jnp.float32),
      mesh=mesh,
      compiler_params=cp,
      scratch_types=[
          pltpu.VMEM((IDX_ROWS, 128), jnp.int32),
          pltpu.VMEM((CHUNK, D // 2), jnp.int32),
          pltpu.VMEM((CHUNK, D // 2), jnp.int32),
          [pltpu.VMEM((CHUNK, D), jnp.float32)] * 4,
          pltpu.VMEM((CHUNK, D), jnp.float32),
          pltpu.VMEM((CHUNK, D), jnp.float32),
          [pltpu.VMEM((CHUNK,), jnp.int32)] * 4,
          [pltpu.VMEM((CHUNK,), jnp.int32)] * 4,
          pltpu.VMEM_SHARED((N_PAD, D), jnp.float32),
          pltpu.SemaphoreType.DMA,
          pltpu.SemaphoreType.DMA,
          [pltpu.SemaphoreType.DMA] * 4,
          pltpu.SemaphoreType.DMA,
          pltpu.SemaphoreType.DMA,
      ],
  )
  def kernel(x_hbm, pk_hbm, ea_hbm, z_hbm, out_hbm,
             win_v, xr0, xr1, er, ms0, ms1, si_ring, di_ring, aggr_sh,
             sgx0, sgx1, sge, ssc0, ssc1):
    c = lax.axis_index("c")
    s = lax.axis_index("s")
    w = c * N_SUBCORES + s
    xr = (xr0, xr1)
    ms = (ms0, ms1)
    sgx = (sgx0, sgx1)
    ssc = (ssc0, ssc1)

    chunk0 = w * CPW
    n_my = jnp.minimum(CPW, NUM_CHUNKS - chunk0)

    pltpu.sync_copy(pk_hbm.at[pl.ds(w * IDX_ROWS, IDX_ROWS)], win_v)

    def stage_idx(row, col, rb):
      for h in range(CHUNK // LANES):
        p = win_v.at[row, pl.ds(col * CHUNK + h * LANES, LANES)][...]
        dsl = pl.ds(h * LANES, LANES)
        si_ring[rb].at[dsl][...] = p & 0xFFFF
        di_ring[rb].at[dsl][...] = lax.shift_right_logical(p, 16)

    def start_gather(rb, db):
      pltpu.async_copy(x_hbm.at[si_ring[rb]], xr[db], sgx[db])

    def wait_gather(rb, db):
      pltpu.make_async_copy(x_hbm.at[si_ring[rb]], xr[db], sgx[db]).wait()

    def start_ea(m, eb):
      pltpu.async_copy(ea_hbm.at[pl.ds((chunk0 + m) * CHUNK, CHUNK)],
                       er[eb], sge[eb])

    def wait_ea(m, eb):
      pltpu.make_async_copy(ea_hbm.at[pl.ds((chunk0 + m) * CHUNK, CHUNK)],
                            er[eb], sge[eb]).wait()

    def compute(db, eb):
      @plsc.parallel_loop(0, CHUNK, unroll=4)
      def _(r):
        for jj in range(D // (2 * LANES)):
          xi = xr[db].at[r, pl.ds(jj * LANES, LANES)][...]
          xb = plsc.bitcast(xi, jnp.bfloat16)
          x0, x1 = plsc.unpack(xb, format=plsc.PackFormat.INTERLEAVED)
          sl0 = pl.ds(jj * 2 * LANES, LANES)
          sl1 = pl.ds(jj * 2 * LANES + LANES, LANES)
          ms[db].at[r, sl0][...] = jnp.maximum(
              x0 + er[eb].at[r, sl0][...], 0.0)
          ms[db].at[r, sl1][...] = jnp.maximum(
              x1 + er[eb].at[r, sl1][...], 0.0)

    def wait_scatter(rb, db):
      pltpu.make_async_copy(ms[db], aggr_sh.at[di_ring[rb]], ssc[db]).wait()

    stage_idx(0, 0, 0)
    stage_idx(0, 1, 1)
    start_gather(0, 0)
    start_gather(1, 1)
    for eb in range(4):
      start_ea(eb, eb)

    pltpu.sync_copy(z_hbm, aggr_sh.at[pl.ds(s * ROWS_PER_TILE, ROWS_PER_TILE)])
    plsc.subcore_barrier()

    @pl.loop(0, n_my, step=4)
    def _(j):
      row = j // 4
      for b in range(4):
        m = j + b
        db = b % 2
        rb2 = (b + 2) % 4

        if b < 2:
          @pl.when(m >= 2)
          def _():
            wait_scatter(rb2, db)
        else:
          wait_scatter(rb2, db)

        wait_gather(b, db)
        wait_ea(m, b)
        compute(db, b)
        pltpu.async_copy(ms[db], aggr_sh.at[di_ring[b]], ssc[db], add=True)

        @pl.when(m + 2 < n_my)
        def _():
          row2 = row + (b + 2) // 4
          stage_idx(row2, rb2, rb2)
          start_gather(rb2, db)

        @pl.when(m + 4 < n_my)
        def _():
          start_ea(m + 4, b)

    wait_scatter(2, 0)
    wait_scatter(3, 1)

    plsc.subcore_barrier()
    row0 = s * ROWS_PER_TILE
    pltpu.sync_copy(aggr_sh.at[pl.ds(row0, ROWS_PER_TILE)],
                    out_hbm.at[c].at[pl.ds(row0, ROWS_PER_TILE)])

  return kernel(x, packed_idx, edge_attr, zeros)


def _tc_mlp(x, aggr, W1, b1, W2, b2):
  BLK = 1000

  def body(x_ref, a_ref, w1_ref, b1_ref, w2_ref, b2_ref, o_ref):
    h = x_ref[...] + a_ref[0] + a_ref[1]
    h = jnp.dot(h, w1_ref[...], preferred_element_type=jnp.float32)
    h = jnp.maximum(h + b1_ref[...], 0.0)
    h = jnp.dot(h, w2_ref[...], preferred_element_type=jnp.float32)
    o_ref[...] = h + b2_ref[...]

  row_spec = pl.BlockSpec((BLK, D), lambda i: (i, 0))
  aggr_spec = pl.BlockSpec((N_CORES, BLK, D), lambda i: (0, i, 0))
  full_spec = pl.BlockSpec((D, D), lambda i: (0, 0))
  bias_spec = pl.BlockSpec((1, D), lambda i: (0, 0))
  return pl.pallas_call(
      body,
      grid=(N_NODES // BLK,),
      in_specs=[row_spec, aggr_spec,
                full_spec, bias_spec, full_spec, bias_spec],
      out_specs=row_spec,
      out_shape=jax.ShapeDtypeStruct((N_NODES, D), jnp.float32),
  )(x, aggr, W1, b1.reshape(1, D), W2, b2.reshape(1, D))


def kernel(x, edge_index, edge_attr, W1, b1, W2, b2):
  src = edge_index[0].astype(jnp.int32)
  dst = edge_index[1].astype(jnp.int32)
  packed = src | (dst << 16)
  pad = E_PAD - N_EDGES
  packed = jnp.pad(packed, (0, pad)).reshape(IDX_ROWS_PAD, 128)
  zeros = jnp.zeros((ROWS_PER_TILE, D), jnp.float32)
  x_bf = (x.astype(jnp.bfloat16)
          .reshape(N_NODES, D // 32, 2, 16)
          .transpose(0, 1, 3, 2)
          .reshape(N_NODES, D // 2, 2))
  x_pk = jax.lax.bitcast_convert_type(x_bf, jnp.int32)
  aggr = _sc_aggregate(x_pk, packed, edge_attr, zeros)
  return _tc_mlp(x, aggr, W1, b1, W2, b2)

# --- scband reference (transcript-rebuilt; emitter-appended) ---
"""Pipeline reference for scband-edge-gineconv-39599598469666 (READ-ONLY COPY).

The authoritative reference and input builder live on the scoring server;
editing this copy changes nothing except your own understanding.
"""

import jax, jax.numpy as jnp
import numpy as np

N_NODES = 10000
N_EDGES = 320000
D_IN = 128
D_HID = 128
D_OUT = 128


def setup_inputs(seed: int = 0) -> dict:
    key = jax.random.key(seed)
    k_x, k_ei, k_ea, k_w1, k_b1, k_w2, k_b2 = jax.random.split(key, 7)
    x = jax.random.normal(k_x, (N_NODES, D_IN), dtype=jnp.float32)
    edge_index = jax.random.randint(k_ei, (2, N_EDGES), 0, N_NODES, dtype=jnp.int64)
    edge_attr = jax.random.normal(k_ea, (N_EDGES, D_IN), dtype=jnp.float32)
    # MLP params (nn.Linear default init approximated with uniform bounds)
    lim1 = 1.0 / np.sqrt(D_IN)
    W1 = jax.random.uniform(k_w1, (D_IN, D_HID), minval=-lim1, maxval=lim1, dtype=jnp.float32)
    b1 = jax.random.uniform(k_b1, (D_HID,), minval=-lim1, maxval=lim1, dtype=jnp.float32)
    lim2 = 1.0 / np.sqrt(D_HID)
    W2 = jax.random.uniform(k_w2, (D_HID, D_OUT), minval=-lim2, maxval=lim2, dtype=jnp.float32)
    b2 = jax.random.uniform(k_b2, (D_OUT,), minval=-lim2, maxval=lim2, dtype=jnp.float32)
    return {"x": x, "edge_index": edge_index, "edge_attr": edge_attr,
            "W1": W1, "b1": b1, "W2": W2, "b2": b2}


def reference(x, edge_index, edge_attr, W1, b1, W2, b2):
    # GINEConv (eps=0, train_eps=False):
    #   m_ij = ReLU(x_j + e_ij); aggr_i = sum_j m_ij
    #   out = MLP((1 + eps) * x + aggr)
    src = edge_index[0]
    dst = edge_index[1]
    msg = jax.nn.relu(jnp.take(x, src, axis=0) + edge_attr)  # [E, D_IN] gather
    aggr = jax.ops.segment_sum(msg, dst, num_segments=x.shape[0])  # scatter-add
    h = x + aggr  # eps = 0
    h = jax.nn.relu(h @ W1 + b1)
    h = h @ W2 + b2
    # dropout p=0.0 -> identity (eval)
    return h

if __name__ == "__main__":
    import jax
    _d = setup_inputs()
    print(jax.jit(kernel)(*tuple(_d.values())))

</pallas_src>

<mosaic_0001>
#map = affine_map<(d0, d1) -> (0, 0)>
#map1 = affine_map<(d0, d1) -> (0, 0, 0)>
module attributes {stable_mosaic.version = 14 : i64} {
  func.func @kernel(%arg0: i32, %arg1: i32, %arg2: memref<10000x64xi32, #tpu.memory_space<hbm>>, %arg3: memref<2560x128xi32, #tpu.memory_space<hbm>>, %arg4: memref<320000x128xf32, #tpu.memory_space<hbm>>, %arg5: memref<640x128xf32, #tpu.memory_space<hbm>>, %arg6: memref<2x10240x128xf32, #tpu.memory_space<hbm>>, %arg7: memref<80x128xi32, #tpu.memory_space<vmem>>, %arg8: memref<32x64xi32, #tpu.memory_space<vmem>>, %arg9: memref<32x64xi32, #tpu.memory_space<vmem>>, %arg10: memref<32x128xf32, #tpu.memory_space<vmem>>, %arg11: memref<32x128xf32, #tpu.memory_space<vmem>>, %arg12: memref<32x128xf32, #tpu.memory_space<vmem>>, %arg13: memref<32x128xf32, #tpu.memory_space<vmem>>, %arg14: memref<32x128xf32, #tpu.memory_space<vmem>>, %arg15: memref<32x128xf32, #tpu.memory_space<vmem>>, %arg16: memref<32xi32, #tpu.memory_space<vmem>>, %arg17: memref<32xi32, #tpu.memory_space<vmem>>, %arg18: memref<32xi32, #tpu.memory_space<vmem>>, %arg19: memref<32xi32, #tpu.memory_space<vmem>>, %arg20: memref<32xi32, #tpu.memory_space<vmem>>, %arg21: memref<32xi32, #tpu.memory_space<vmem>>, %arg22: memref<32xi32, #tpu.memory_space<vmem>>, %arg23: memref<32xi32, #tpu.memory_space<vmem>>, %arg24: memref<10240x128xf32, #tpu.memory_space<vmem_shared>>, %arg25: memref<!tpu.dma_semaphore, #tpu.memory_space<semaphore_mem>>, %arg26: memref<!tpu.dma_semaphore, #tpu.memory_space<semaphore_mem>>, %arg27: memref<!tpu.dma_semaphore, #tpu.memory_space<semaphore_mem>>, %arg28: memref<!tpu.dma_semaphore, #tpu.memory_space<semaphore_mem>>, %arg29: memref<!tpu.dma_semaphore, #tpu.memory_space<semaphore_mem>>, %arg30: memref<!tpu.dma_semaphore, #tpu.memory_space<semaphore_mem>>, %arg31: memref<!tpu.dma_semaphore, #tpu.memory_space<semaphore_mem>>, %arg32: memref<!tpu.dma_semaphore, #tpu.memory_space<semaphore_mem>>) attributes {dimension_semantics = [#tpu.dimension_semantics<core_parallel>, #tpu.dimension_semantics<subcore_parallel>], iteration_bounds = array<i64: 2, 16>, scalar_prefetch = 0 : i64, scratch_operands = 26 : i64, tpu.core_type = #tpu.core_type<sc_vector_subcore>, window_params = [{transform_indices = #map}, {transform_indices = #map}, {transform_indices = #map}, {transform_indices = #map}, {transform_indices = #map1}]} {
    %mul3A = arith.constant 16 : i32
    %mul3A_0 = arith.muli %arg0, %mul3A : i32
    %add3A = arith.addi %mul3A_0, %arg1 : i32
    %mul3A_1 = arith.constant 320 : i32
    %mul3A_2 = arith.muli %add3A, %mul3A_1 : i32
    %sub3A = arith.constant 10000 : i32
    %sub3A_3 = arith.subi %sub3A, %mul3A_2 : i32
    %min3A = arith.constant 320 : i32
    %min3A_4 = arith.minsi %min3A, %sub3A_3 : i32
    %mul3A_5 = arith.constant 80 : i32
    %mul3A_6 = arith.muli %add3A, %mul3A_5 : i32
    "tpu.region"() ({
      %run_scoped3A = tpu.sem_alloc : memref<!tpu.dma_semaphore, #tpu.memory_space<semaphore_mem>>
      %dma_start3A_123 = arith.constant 0 : i32
      %dma_start3A_124 = tpu.memref_slice %arg3[%mul3A_6, %dma_start3A_123] : memref<2560x128xi32, #tpu.memory_space<hbm>> -> memref<80x128xi32, #tpu.memory_space<hbm>>
      %dma_start3A_125 = arith.constant 0 : i32
      %dma_start3A_126 = tpu.memref_slice %arg3[%mul3A_6, %dma_start3A_125] : memref<2560x128xi32, #tpu.memory_space<hbm>> -> memref<80x128xi32, #tpu.memory_space<hbm>>
      tpu.enqueue_dma source(%dma_start3A_126 : memref<80x128xi32, #tpu.memory_space<hbm>>) target(%arg7 : memref<80x128xi32, #tpu.memory_space<vmem>>) target_semaphore(%run_scoped3A : memref<!tpu.dma_semaphore, #tpu.memory_space<semaphore_mem>>)
      %dma_wait3A_127 = arith.constant 0 : i32
      %dma_wait3A_128 = tpu.memref_slice %arg3[%mul3A_6, %dma_wait3A_127] : memref<2560x128xi32, #tpu.memory_space<hbm>> -> memref<80x128xi32, #tpu.memory_space<hbm>>
      %dma_wait3A_129 = arith.constant 0 : i32
      %dma_wait3A_130 = tpu.memref_slice %arg3[%mul3A_6, %dma_wait3A_129] : memref<2560x128xi32, #tpu.memory_space<hbm>> -> memref<80x128xi32, #tpu.memory_space<hbm>>
      tpu.wait_dma2 semaphore(%run_scoped3A : memref<!tpu.dma_semaphore, #tpu.memory_space<semaphore_mem>>) src(%dma_wait3A_130 : memref<80x128xi32, #tpu.memory_space<hbm>>) dst(%arg7 : memref<80x128xi32, #tpu.memory_space<vmem>>)
      tpu.yield
    }) : () -> ()
    %get3A = arith.constant 0 : i32
    %get3A_7 = arith.index_cast %get3A : i32 to index
    %get3A_8 = arith.constant 0 : index
    %get3A_9 = tpu.vector_load %arg7[%get3A_7, %get3A_8] {strides = array<i32>} : memref<80x128xi32, #tpu.memory_space<vmem>>, vector<16xi32>,
    %and3A = arith.constant 65535 : i32
    %and3A_10 = vector.broadcast %and3A : i32 to vector<16xi32>
    %and3A_11 = arith.andi %get3A_9, %and3A_10 : vector<16xi32>
    %swap3A = arith.constant 0 : index
    %swap3A_12 = tpu.vector_load %arg16[%swap3A] {strides = array<i32>} : memref<32xi32, #tpu.memory_space<vmem>>, vector<16xi32>,
    tpu.vector_store %arg16[%swap3A], %and3A_11 {strides = array<i32>} : memref<32xi32, #tpu.memory_space<vmem>>, vector<16xi32>,
    %shift_right_logical3A = arith.constant 16 : i32
    %shift_right_logical3A_13 = vector.broadcast %shift_right_logical3A : i32 to vector<16xi32>
    %shift_right_logical3A_14 = arith.shrui %get3A_9, %shift_right_logical3A_13 : vector<16xi32>
    %swap3A_15 = arith.constant 0 : index
    %swap3A_16 = tpu.vector_load %arg20[%swap3A_15] {strides = array<i32>} : memref<32xi32, #tpu.memory_space<vmem>>, vector<16xi32>,
    tpu.vector_store %arg20[%swap3A_15], %shift_right_logical3A_14 {strides = array<i32>} : memref<32xi32, #tpu.memory_space<vmem>>, vector<16xi32>,
    %get3A_17 = arith.constant 0 : i32
    %get3A_18 = arith.index_cast %get3A_17 : i32 to index
    %get3A_19 = arith.constant 16 : index
    %get3A_20 = tpu.vector_load %arg7[%get3A_18, %get3A_19] {strides = array<i32>} : memref<80x128xi32, #tpu.memory_space<vmem>>, vector<16xi32>,
    %and3A_21 = arith.constant 65535 : i32
    %and3A_22 = vector.broadcast %and3A_21 : i32 to vector<16xi32>
    %and3A_23 = arith.andi %get3A_20, %and3A_22 : vector<16xi32>
    %swap3A_24 = arith.constant 16 : index
    %swap3A_25 = tpu.vector_load %arg16[%swap3A_24] {strides = array<i32>} : memref<32xi32, #tpu.memory_space<vmem>>, vector<16xi32>,
    tpu.vector_store %arg16[%swap3A_24], %and3A_23 {strides = array<i32>} : memref<32xi32, #tpu.memory_space<vmem>>, vector<16xi32>,
    %shift_right_logical3A_26 = arith.constant 16 : i32
    %shift_right_logical3A_27 = vector.broadcast %shift_right_logical3A_26 : i32 to vector<16xi32>
    %shift_right_logical3A_28 = arith.shrui %get3A_20, %shift_right_logical3A_27 : vector<16xi32>
    %swap3A_29 = arith.constant 16 : index
    %swap3A_30 = tpu.vector_load %arg20[%swap3A_29] {strides = array<i32>} : memref<32xi32, #tpu.memory_space<vmem>>, vector<16xi32>,
    tpu.vector_store %arg20[%swap3A_29], %shift_right_logical3A_28 {strides = array<i32>} : memref<32xi32, #tpu.memory_space<vmem>>, vector<16xi32>,
    %get3A_31 = arith.constant 0 : i32
    %get3A_32 = arith.index_cast %get3A_31 : i32 to index
    %get3A_33 = arith.constant 32 : index
    %get3A_34 = tpu.vector_load %arg7[%get3A_32, %get3A_33] {strides = array<i32>} : memref<80x128xi32, #tpu.memory_space<vmem>>, vector<16xi32>,
    %and3A_35 = arith.constant 65535 : i32
    %and3A_36 = vector.broadcast %and3A_35 : i32 to vector<16xi32>
    %and3A_37 = arith.andi %get3A_34, %and3A_36 : vector<16xi32>
    %swap3A_38 = arith.constant 0 : index
    %swap3A_39 = tpu.vector_load %arg17[%swap3A_38] {strides = array<i32>} : memref<32xi32, #tpu.memory_space<vmem>>, vector<16xi32>,
    tpu.vector_store %arg17[%swap3A_38], %and3A_37 {strides = array<i32>} : memref<32xi32, #tpu.memory_space<vmem>>, vector<16xi32>,
    %shift_right_logical3A_40 = arith.constant 16 : i32
    %shift_right_logical3A_41 = vector.broadcast %shift_right_logical3A_40 : i32 to vector<16xi32>
    %shift_right_logical3A_42 = arith.shrui %get3A_34, %shift_right_logical3A_41 : vector<16xi32>
    %swap3A_43 = arith.constant 0 : index
    %swap3A_44 = tpu.vector_load %arg21[%swap3A_43] {strides = array<i32>} : memref<32xi32, #tpu.memory_space<vmem>>, vector<16xi32>,
    tpu.vector_store %arg21[%swap3A_43], %shift_right_logical3A_42 {strides = array<i32>} : memref<32xi32, #tpu.memory_space<vmem>>, vector<16xi32>,
    %get3A_45 = arith.constant 0 : i32
    %get3A_46 = arith.index_cast %get3A_45 : i32 to index
    %get3A_47 = arith.constant 48 : index
    %get3A_48 = tpu.vector_load %arg7[%get3A_46, %get3A_47] {strides = array<i32>} : memref<80x128xi32, #tpu.memory_space<vmem>>, vector<16xi32>,
    %and3A_49 = arith.constant 65535 : i32
    %and3A_50 = vector.broadcast %and3A_49 : i32 to vector<16xi32>
    %and3A_51 = arith.andi %get3A_48, %and3A_50 : vector<16xi32>
    %swap3A_52 = arith.constant 16 : index
    %swap3A_53 = tpu.vector_load %arg17[%swap3A_52] {strides = array<i32>} : memref<32xi32, #tpu.memory_space<vmem>>, vector<16xi32>,
    tpu.vector_store %arg17[%swap3A_52], %and3A_51 {strides = array<i32>} : memref<32xi32, #tpu.memory_space<vmem>>, vector<16xi32>,
    %shift_right_logical3A_54 = arith.constant 16 : i32
    %shift_right_logical3A_55 = vector.broadcast %shift_right_logical3A_54 : i32 to vector<16xi32>
    %shift_right_logical3A_56 = arith.shrui %get3A_48, %shift_right_logical3A_55 : vector<16xi32>
    %swap3A_57 = arith.constant 16 : index
    %swap3A_58 = tpu.vector_load %arg21[%swap3A_57] {strides = array<i32>} : memref<32xi32, #tpu.memory_space<vmem>>, vector<16xi32>,
    tpu.vector_store %arg21[%swap3A_57], %shift_right_logical3A_56 {strides = array<i32>} : memref<32xi32, #tpu.memory_space<vmem>>, vector<16xi32>,
    %dma_start3A = arith.constant 0 : i32
    %dma_start3A_59 = arith.constant 0 : i32
    %dma_start3A_60 = tpu.memref_slice %arg2[%dma_start3A, %dma_start3A_59] : memref<10000x64xi32, #tpu.memory_space<hbm>> -> memref<10000x64xi32, #tpu.memory_space<hbm>>
    tpu.enqueue_indirect_dma source(%dma_start3A_60 : memref<10000x64xi32, #tpu.memory_space<hbm>>) target(%arg8 : memref<32x64xi32, #tpu.memory_space<vmem>>) offsets(%arg16 : memref<32xi32, #tpu.memory_space<vmem>>) semaphore(%arg25 : memref<!tpu.dma_semaphore, #tpu.memory_space<semaphore_mem>>)
    %dma_start3A_61 = arith.constant 0 : i32
    %dma_start3A_62 = arith.constant 0 : i32
    %dma_start3A_63 = tpu.memref_slice %arg2[%dma_start3A_61, %dma_start3A_62] : memref<10000x64xi32, #tpu.memory_space<hbm>> -> memref<10000x64xi32, #tpu.memory_space<hbm>>
    tpu.enqueue_indirect_dma source(%dma_start3A_63 : memref<10000x64xi32, #tpu.memory_space<hbm>>) target(%arg9 : memref<32x64xi32, #tpu.memory_space<vmem>>) offsets(%arg17 : memref<32xi32, #tpu.memory_space<vmem>>) semaphore(%arg26 : memref<!tpu.dma_semaphore, #tpu.memory_space<semaphore_mem>>)
    %add3A_64 = arith.constant 0 : i32
    %add3A_65 = arith.addi %mul3A_2, %add3A_64 : i32
    %mul3A_66 = arith.constant 32 : i32
    %mul3A_67 = arith.muli %add3A_65, %mul3A_66 : i32
    %dma_start3A_68 = arith.constant 0 : i32
    %dma_start3A_69 = tpu.memref_slice %arg4[%mul3A_67, %dma_start3A_68] : memref<320000x128xf32, #tpu.memory_space<hbm>> -> memref<32x128xf32, #tpu.memory_space<hbm>>
    %dma_start3A_70 = arith.constant 0 : i32
    %dma_start3A_71 = tpu.memref_slice %arg4[%mul3A_67, %dma_start3A_70] : memref<320000x128xf32, #tpu.memory_space<hbm>> -> memref<32x128xf32, #tpu.memory_space<hbm>>
    tpu.enqueue_dma source(%dma_start3A_71 : memref<32x128xf32, #tpu.memory_space<hbm>>) target(%arg10 : memref<32x128xf32, #tpu.memory_space<vmem>>) target_semaphore(%arg27 : memref<!tpu.dma_semaphore, #tpu.memory_space<semaphore_mem>>)
    %add3A_72 = arith.constant 1 : i32
    %add3A_73 = arith.addi %mul3A_2, %add3A_72 : i32
    %mul3A_74 = arith.constant 32 : i32
    %mul3A_75 = arith.muli %add3A_73, %mul3A_74 : i32
    %dma_start3A_76 = arith.constant 0 : i32
    %dma_start3A_77 = tpu.memref_slice %arg4[%mul3A_75, %dma_start3A_76] : memref<320000x128xf32, #tpu.memory_space<hbm>> -> memref<32x128xf32, #tpu.memory_space<hbm>>
    %dma_start3A_78 = arith.constant 0 : i32
    %dma_start3A_79 = tpu.memref_slice %arg4[%mul3A_75, %dma_start3A_78] : memref<320000x128xf32, #tpu.memory_space<hbm>> -> memref<32x128xf32, #tpu.memory_space<hbm>>
    tpu.enqueue_dma source(%dma_start3A_79 : memref<32x128xf32, #tpu.memory_space<hbm>>) target(%arg11 : memref<32x128xf32, #tpu.memory_space<vmem>>) target_semaphore(%arg28 : memref<!tpu.dma_semaphore, #tpu.memory_space<semaphore_mem>>)
    %add3A_80 = arith.constant 2 : i32
    %add3A_81 = arith.addi %mul3A_2, %add3A_80 : i32
    %mul3A_82 = arith.constant 32 : i32
    %mul3A_83 = arith.muli %add3A_81, %mul3A_82 : i32
    %dma_start3A_84 = arith.constant 0 : i32
    %dma_start3A_85 = tpu.memref_slice %arg4[%mul3A_83, %dma_start3A_84] : memref<320000x128xf32, #tpu.memory_space<hbm>> -> memref<32x128xf32, #tpu.memory_space<hbm>>
    %dma_start3A_86 = arith.constant 0 : i32
    %dma_start3A_87 = tpu.memref_slice %arg4[%mul3A_83, %dma_start3A_86] : memref<320000x128xf32, #tpu.memory_space<hbm>> -> memref<32x128xf32, #tpu.memory_space<hbm>>
    tpu.enqueue_dma source(%dma_start3A_87 : memref<32x128xf32, #tpu.memory_space<hbm>>) target(%arg12 : memref<32x128xf32, #tpu.memory_space<vmem>>) target_semaphore(%arg29 : memref<!tpu.dma_semaphore, #tpu.memory_space<semaphore_mem>>)
    %add3A_88 = arith.constant 3 : i32
    %add3A_89 = arith.addi %mul3A_2, %add3A_88 : i32
    %mul3A_90 = arith.constant 32 : i32
    %mul3A_91 = arith.muli %add3A_89, %mul3A_90 : i32
    %dma_start3A_92 = arith.constant 0 : i32
    %dma_start3A_93 = tpu.memref_slice %arg4[%mul3A_91, %dma_start3A_92] : memref<320000x128xf32, #tpu.memory_space<hbm>> -> memref<32x128xf32, #tpu.memory_space<hbm>>
    %dma_start3A_94 = arith.constant 0 : i32
    %dma_start3A_95 = tpu.memref_slice %arg4[%mul3A_91, %dma_start3A_94] : memref<320000x128xf32, #tpu.memory_space<hbm>> -> memref<32x128xf32, #tpu.memory_space<hbm>>
    tpu.enqueue_dma source(%dma_start3A_95 : memref<32x128xf32, #tpu.memory_space<hbm>>) target(%arg13 : memref<32x128xf32, #tpu.memory_space<vmem>>) target_semaphore(%arg30 : memref<!tpu.dma_semaphore, #tpu.memory_space<semaphore_mem>>)
    %mul3A_96 = arith.constant 640 : i32
    %mul3A_97 = arith.muli %arg1, %mul3A_96 : i32
    "tpu.region"() ({
      %run_scoped3A = tpu.sem_alloc : memref<!tpu.dma_semaphore, #tpu.memory_space<semaphore_mem>>
      %dma_start3A_123 = arith.constant 0 : i32
      %dma_start3A_124 = tpu.memref_slice %arg24[%mul3A_97, %dma_start3A_123] : memref<10240x128xf32, #tpu.memory_space<vmem_shared>> -> memref<640x128xf32, #tpu.memory_space<vmem_shared>>
      tpu.enqueue_dma source(%arg5 : memref<640x128xf32, #tpu.memory_space<hbm>>) target(%dma_start3A_124 : memref<640x128xf32, #tpu.memory_space<vmem_shared>>) target_semaphore(%run_scoped3A : memref<!tpu.dma_semaphore, #tpu.memory_space<semaphore_mem>>)
      %dma_wait3A_125 = arith.constant 0 : i32
      %dma_wait3A_126 = tpu.memref_slice %arg24[%mul3A_97, %dma_wait3A_125] : memref<10240x128xf32, #tpu.memory_space<vmem_shared>> -> memref<640x128xf32, #tpu.memory_space<vmem_shared>>
      tpu.wait_dma2 semaphore(%run_scoped3A : memref<!tpu.dma_semaphore, #tpu.memory_space<semaphore_mem>>) src(%arg5 : memref<640x128xf32, #tpu.memory_space<hbm>>) dst(%dma_wait3A_126 : memref<640x128xf32, #tpu.memory_space<vmem_shared>>)
      tpu.yield
    }) : () -> ()
    %barrier3A = arith.constant 0 : index
    tpu.barrier barrier_id(%barrier3A)
    %sub3A_98 = arith.constant 0 : i32
    %sub3A_99 = arith.subi %min3A_4, %sub3A_98 : i32
    %sub3A_100 = arith.constant 4 : i32
    %sub3A_101 = arith.constant 1 : i32
    %sub3A_102 = arith.subi %sub3A_100, %sub3A_101 : i32
    %add3A_103 = arith.addi %sub3A_99, %sub3A_102 : i32
    %div3A = arith.constant 4 : i32
    %div3A_104 = arith.divsi %add3A_103, %div3A : i32
    %while3A = arith.constant 4 : i32
    %while3A_105 = arith.constant 0 : i32
    %while3A_106 = arith.constant 0 : i32
    %while3A_107 = arith.subi %div3A_104, %while3A_106 : i32
    %while3A_108 = arith.addi %while3A_106, %while3A_107 : i32
    %while3A_109 = arith.constant 1 : i32
    %while3A_110 = arith.divsi %while3A_107, %while3A_109 : i32
    %while3A_111 = arith.muli %while3A_110, %while3A_109 : i32
    %while3A_112 = arith.addi %while3A_106, %while3A_111 : i32
    %while3A_113 = arith.constant 1 : i32
    scf.for %while3A_123 = %while3A_106 to %while3A_112 step %while3A_113  : i32 {
      %mul3A_124 = arith.muli %while3A_123, %while3A : i32
      %add3A_125 = arith.addi %while3A_105, %mul3A_124 : i32
      %jit3A = arith.constant 4 : i32
      %div3A_126 = arith.divsi %add3A_125, %jit3A : i32
      %sign3A = arith.constant 0 : i32
      %sign3A_127 = arith.cmpi sgt, %add3A_125, %sign3A : i32
      %sign3A_128 = arith.extui %sign3A_127 : i1 to i32
      %sign3A_129 = arith.constant 0 : i32
      %sign3A_130 = arith.cmpi slt, %add3A_125, %sign3A_129 : i32
      %sign3A_131 = arith.extui %sign3A_130 : i1 to i32
      %sign3A_132 = arith.subi %sign3A_128, %sign3A_131 : i32
      %sign3A_133 = arith.constant 0 : i32
      %sign3A_134 = arith.cmpi sgt, %jit3A, %sign3A_133 : i32
      %sign3A_135 = arith.extui %sign3A_134 : i1 to i32
      %sign3A_136 = arith.constant 0 : i32
      %sign3A_137 = arith.cmpi slt, %jit3A, %sign3A_136 : i32
      %sign3A_138 = arith.extui %sign3A_137 : i1 to i32
      %sign3A_139 = arith.subi %sign3A_135, %sign3A_138 : i32
      %ne3A = arith.cmpi ne, %sign3A_132, %sign3A_139 : i32
      %rem3A = arith.remsi %add3A_125, %jit3A : i32
      %ne3A_140 = arith.constant 0 : i32
      %ne3A_141 = arith.cmpi ne, %rem3A, %ne3A_140 : i32
      %and3A_142 = arith.andi %ne3A, %ne3A_141 : i1
      %sub3A_143 = arith.constant 1 : i32
      %sub3A_144 = arith.subi %div3A_126, %sub3A_143 : i32
      %select_n3A = arith.select %and3A_142, %sub3A_144, %div3A_126 : i32
      %add3A_145 = arith.constant 0 : i32
      %add3A_146 = arith.addi %add3A_125, %add3A_145 : i32
      %ge3A = arith.constant 2 : i32
      %ge3A_147 = arith.cmpi sge, %add3A_146, %ge3A : i32
      %convert_element_type3A = arith.extui %ge3A_147 : i1 to i32
      %cond3A = arith.constant 0 : i32
      %cond3A_148 = arith.cmpi ne, %convert_element_type3A, %cond3A : i32
      scf.if %cond3A_148 {
        %dma_wait3A_276 = arith.constant 0 : i32
        %dma_wait3A_277 = arith.constant 0 : i32
        %dma_wait3A_278 = tpu.memref_slice %arg24[%dma_wait3A_276, %dma_wait3A_277] : memref<10240x128xf32, #tpu.memory_space<vmem_shared>> -> memref<10240x128xf32, #tpu.memory_space<vmem_shared>>
        tpu.wait_indirect_dma semaphore(%arg31 : memref<!tpu.dma_semaphore, #tpu.memory_space<semaphore_mem>>) src(%arg14 : memref<32x128xf32, #tpu.memory_space<vmem>>) dst(%dma_wait3A_278 : memref<10240x128xf32, #tpu.memory_space<vmem_shared>>)
      } else {
      }
      %dma_wait3A_149 = arith.constant 0 : i32
      %dma_wait3A_150 = arith.constant 0 : i32
      %dma_wait3A_151 = tpu.memref_slice %arg2[%dma_wait3A_149, %dma_wait3A_150] : memref<10000x64xi32, #tpu.memory_space<hbm>> -> memref<10000x64xi32, #tpu.memory_space<hbm>>
      tpu.wait_indirect_dma semaphore(%arg25 : memref<!tpu.dma_semaphore, #tpu.memory_space<semaphore_mem>>) src(%dma_wait3A_151 : memref<10000x64xi32, #tpu.memory_space<hbm>>) dst(%arg8 : memref<32x64xi32, #tpu.memory_space<vmem>>)
      %add3A_152 = arith.addi %mul3A_2, %add3A_146 : i32
      %mul3A_153 = arith.constant 32 : i32
      %mul3A_154 = arith.muli %add3A_152, %mul3A_153 : i32
      %dma_wait3A_155 = arith.constant 0 : i32
      %dma_wait3A_156 = tpu.memref_slice %arg4[%mul3A_154, %dma_wait3A_155] : memref<320000x128xf32, #tpu.memory_space<hbm>> -> memref<32x128xf32, #tpu.memory_space<hbm>>
      %dma_wait3A_157 = arith.constant 0 : i32
      %dma_wait3A_158 = tpu.memref_slice %arg4[%mul3A_154, %dma_wait3A_157] : memref<320000x128xf32, #tpu.memory_space<hbm>> -> memref<32x128xf32, #tpu.memory_space<hbm>>
      tpu.wait_dma2 semaphore(%arg27 : memref<!tpu.dma_semaphore, #tpu.memory_space<semaphore_mem>>) src(%dma_wait3A_158 : memref<32x128xf32, #tpu.memory_space<hbm>>) dst(%arg10 : memref<32x128xf32, #tpu.memory_space<vmem>>)
      %parallel_loop3A = arith.constant 0 : i32
      %parallel_loop3A_159 = arith.constant 32 : i32
      %parallel_loop3A_160 = arith.constant 1 : i32
      scf.for %parallel_loop3A_276 = %parallel_loop3A to %parallel_loop3A_159 step %parallel_loop3A_160  : i32 {
        %parallel_loop3A_277 = arith.index_cast %parallel_loop3A_276 : i32 to index
        %parallel_loop3A_278 = arith.constant 0 : index
        %parallel_loop3A_279 = tpu.vector_load %arg8[%parallel_loop3A_277, %parallel_loop3A_278] {strides = array<i32>} : memref<32x64xi32, #tpu.memory_space<vmem>>, vector<16xi32>,
        %parallel_loop3A_280 = vector.bitcast %parallel_loop3A_279 : vector<16xi32> to vector<32xbf16>
        %parallel_loop3A_281 = tpu.unpack_subelements %parallel_loop3A_280, 0 {pack_format = #tpu.pack_format<interleaved>} : vector<32xbf16> -> vector<16xf32>
        %parallel_loop3A_282 = tpu.unpack_subelements %parallel_loop3A_280, 1 {pack_format = #tpu.pack_format<interleaved>} : vector<32xbf16> -> vector<16xf32>
        %parallel_loop3A_283 = arith.index_cast %parallel_loop3A_276 : i32 to index
        %parallel_loop3A_284 = arith.constant 0 : index
        %parallel_loop3A_285 = tpu.vector_load %arg10[%parallel_loop3A_283, %parallel_loop3A_284] {strides = array<i32>} : memref<32x128xf32, #tpu.memory_space<vmem>>, vector<16xf32>,
        %parallel_loop3A_286 = arith.addf %parallel_loop3A_281, %parallel_loop3A_285 : vector<16xf32>
        %parallel_loop3A_287 = arith.constant 0.000000e+00 : f32
        %parallel_loop3A_288 = vector.broadcast %parallel_loop3A_287 : f32 to vector<16xf32>
        %parallel_loop3A_289 = arith.maximumf %parallel_loop3A_286, %parallel_loop3A_288 : vector<16xf32>
        %parallel_loop3A_290 = arith.index_cast %parallel_loop3A_276 : i32 to index
        %parallel_loop3A_291 = arith.constant 0 : index
        %parallel_loop3A_292 = tpu.vector_load %arg14[%parallel_loop3A_290, %parallel_loop3A_291] {strides = array<i32>} : memref<32x128xf32, #tpu.memory_space<vmem>>, vector<16xf32>,
        tpu.vector_store %arg14[%parallel_loop3A_290, %parallel_loop3A_291], %parallel_loop3A_289 {strides = array<i32>} : memref<32x128xf32, #tpu.memory_space<vmem>>, vector<16xf32>,
        %parallel_loop3A_293 = arith.index_cast %parallel_loop3A_276 : i32 to index
        %parallel_loop3A_294 = arith.constant 16 : index
        %parallel_loop3A_295 = tpu.vector_load %arg10[%parallel_loop3A_293, %parallel_loop3A_294] {strides = array<i32>} : memref<32x128xf32, #tpu.memory_space<vmem>>, vector<16xf32>,
        %parallel_loop3A_296 = arith.addf %parallel_loop3A_282, %parallel_loop3A_295 : vector<16xf32>
        %parallel_loop3A_297 = arith.constant 0.000000e+00 : f32
        %parallel_loop3A_298 = vector.broadcast %parallel_loop3A_297 : f32 to vector<16xf32>
        %parallel_loop3A_299 = arith.maximumf %parallel_loop3A_296, %parallel_loop3A_298 : vector<16xf32>
        %parallel_loop3A_300 = arith.index_cast %parallel_loop3A_276 : i32 to index
        %parallel_loop3A_301 = arith.constant 16 : index
        %parallel_loop3A_302 = tpu.vector_load %arg14[%parallel_loop3A_300, %parallel_loop3A_301] {strides = array<i32>} : memref<32x128xf32, #tpu.memory_space<vmem>>, vector<16xf32>,
        tpu.vector_store %arg14[%parallel_loop3A_300, %parallel_loop3A_301], %parallel_loop3A_299 {strides = array<i32>} : memref<32x128xf32, #tpu.memory_space<vmem>>, vector<16xf32>,
        %parallel_loop3A_303 = arith.index_cast %parallel_loop3A_276 : i32 to index
        %parallel_loop3A_304 = arith.constant 16 : index
        %parallel_loop3A_305 = tpu.vector_load %arg8[%parallel_loop3A_303, %parallel_loop3A_304] {strides = array<i32>} : memref<32x64xi32, #tpu.memory_space<vmem>>, vector<16xi32>,
        %parallel_loop3A_306 = vector.bitcast %parallel_loop3A_305 : vector<16xi32> to vector<32xbf16>
        %parallel_loop3A_307 = tpu.unpack_subelements %parallel_loop3A_306, 0 {pack_format = #tpu.pack_format<interleaved>} : vector<32xbf16> -> vector<16xf32>
        %parallel_loop3A_308 = tpu.unpack_subelements %parallel_loop3A_306, 1 {pack_format = #tpu.pack_format<interleaved>} : vector<32xbf16> -> vector<16xf32>
        %parallel_loop3A_309 = arith.index_cast %parallel_loop3A_276 : i32 to index
        %parallel_loop3A_310 = arith.constant 32 : index
        %parallel_loop3A_311 = tpu.vector_load %arg10[%parallel_loop3A_309, %parallel_loop3A_310] {strides = array<i32>} : memref<32x128xf32, #tpu.memory_space<vmem>>, vector<16xf32>,
        %parallel_loop3A_312 = arith.addf %parallel_loop3A_307, %parallel_loop3A_311 : vector<16xf32>
        %parallel_loop3A_313 = arith.constant 0.000000e+00 : f32
        %parallel_loop3A_314 = vector.broadcast %parallel_loop3A_313 : f32 to vector<16xf32>
        %parallel_loop3A_315 = arith.maximumf %parallel_loop3A_312, %parallel_loop3A_314 : vector<16xf32>
        %parallel_loop3A_316 = arith.index_cast %parallel_loop3A_276 : i32 to index
        %parallel_loop3A_317 = arith.constant 32 : index
        %parallel_loop3A_318 = tpu.vector_load %arg14[%parallel_loop3A_316, %parallel_loop3A_317] {strides = array<i32>} : memref<32x128xf32, #tpu.memory_space<vmem>>, vector<16xf32>,
        tpu.vector_store %arg14[%parallel_loop3A_316, %parallel_loop3A_317], %parallel_loop3A_315 {strides = array<i32>} : memref<32x128xf32, #tpu.memory_space<vmem>>, vector<16xf32>,
        %parallel_loop3A_319 = arith.index_cast %parallel_loop3A_276 : i32 to index
        %parallel_loop3A_320 = arith.constant 48 : index
        %parallel_loop3A_321 = tpu.vector_load %arg10[%parallel_loop3A_319, %parallel_loop3A_320] {strides = array<i32>} : memref<32x128xf32, #tpu.memory_space<vmem>>, vector<16xf32>,
        %parallel_loop3A_322 = arith.addf %parallel_loop3A_308, %parallel_loop3A_321 : vector<16xf32>
        %parallel_loop3A_323 = arith.constant 0.000000e+00 : f32
        %parallel_loop3A_324 = vector.broadcast %parallel_loop3A_323 : f32 to vector<16xf32>
        %parallel_loop3A_325 = arith.maximumf %parallel_loop3A_322, %parallel_loop3A_324 : vector<16xf32>
        %parallel_loop3A_326 = arith.index_cast %parallel_loop3A_276 : i32 to index
        %parallel_loop3A_327 = arith.constant 48 : index
        %parallel_loop3A_328 = tpu.vector_load %arg14[%parallel_loop3A_326, %parallel_loop3A_327] {strides = array<i32>} : memref<32x128xf32, #tpu.memory_space<vmem>>, vector<16xf32>,
        tpu.vector_store %arg14[%parallel_loop3A_326, %parallel_loop3A_327], %parallel_loop3A_325 {strides = array<i32>} : memref<32x128xf32, #tpu.memory_space<vmem>>, vector<16xf32>,
        %parallel_loop3A_329 = arith.index_cast %parallel_loop3A_276 : i32 to index
        %parallel_loop3A_330 = arith.constant 32 : index
        %parallel_loop3A_331 = tpu.vector_load %arg8[%parallel_loop3A_329, %parallel_loop3A_330] {strides = array<i32>} : memref<32x64xi32, #tpu.memory_space<vmem>>, vector<16xi32>,
        %parallel_loop3A_332 = vector.bitcast %parallel_loop3A_331 : vector<16xi32> to vector<32xbf16>
        %parallel_loop3A_333 = tpu.unpack_subelements %parallel_loop3A_332, 0 {pack_format = #tpu.pack_format<interleaved>} : vector<32xbf16> -> vector<16xf32>
        %parallel_loop3A_334 = tpu.unpack_subelements %parallel_loop3A_332, 1 {pack_format = #tpu.pack_format<interleaved>} : vector<32xbf16> -> vector<16xf32>
        %parallel_loop3A_335 = arith.index_cast %parallel_loop3A_276 : i32 to index
        %parallel_loop3A_336 = arith.constant 64 : index
        %parallel_loop3A_337 = tpu.vector_load %arg10[%parallel_loop3A_335, %parallel_loop3A_336] {strides = array<i32>} : memref<32x128xf32, #tpu.memory_space<vmem>>, vector<16xf32>,
        %parallel_loop3A_338 = arith.addf %parallel_loop3A_333, %parallel_loop3A_337 : vector<16xf32>
        %parallel_loop3A_339 = arith.constant 0.000000e+00 : f32
        %parallel_loop3A_340 = vector.broadcast %parallel_loop3A_339 : f32 to vector<16xf32>
        %parallel_loop3A_341 = arith.maximumf %parallel_loop3A_338, %parallel_loop3A_340 : vector<16xf32>
        %parallel_loop3A_342 = arith.index_cast %parallel_loop3A_276 : i32 to index
        %parallel_loop3A_343 = arith.constant 64 : index
        %parallel_loop3A_344 = tpu.vector_load %arg14[%parallel_loop3A_342, %parallel_loop3A_343] {strides = array<i32>} : memref<32x128xf32, #tpu.memory_space<vmem>>, vector<16xf32>,
        tpu.vector_store %arg14[%parallel_loop3A_342, %parallel_loop3A_343], %parallel_loop3A_341 {strides = array<i32>} : memref<32x128xf32, #tpu.memory_space<vmem>>, vector<16xf32>,
        %parallel_loop3A_345 = arith.index_cast %parallel_loop3A_276 : i32 to index
        %parallel_loop3A_346 = arith.constant 80 : index
        %parallel_loop3A_347 = tpu.vector_load %arg10[%parallel_loop3A_345, %parallel_loop3A_346] {strides = array<i32>} : memref<32x128xf32, #tpu.memory_space<vmem>>, vector<16xf32>,
        %parallel_loop3A_348 = arith.addf %parallel_loop3A_334, %parallel_loop3A_347 : vector<16xf32>
        %parallel_loop3A_349 = arith.constant 0.000000e+00 : f32
        %parallel_loop3A_350 = vector.broadcast %parallel_loop3A_349 : f32 to vector<16xf32>
        %parallel_loop3A_351 = arith.maximumf %parallel_loop3A_348, %parallel_loop3A_350 : vector<16xf32>
        %parallel_loop3A_352 = arith.index_cast %parallel_loop3A_276 : i32 to index
        %parallel_loop3A_353 = arith.constant 80 : index
        %parallel_loop3A_354 = tpu.vector_load %arg14[%parallel_loop3A_352, %parallel_loop3A_353] {strides = array<i32>} : memref<32x128xf32, #tpu.memory_space<vmem>>, vector<16xf32>,
        tpu.vector_store %arg14[%parallel_loop3A_352, %parallel_loop3A_353], %parallel_loop3A_351 {strides = array<i32>} : memref<32x128xf32, #tpu.memory_space<vmem>>, vector<16xf32>,
        %parallel_loop3A_355 = arith.index_cast %parallel_loop3A_276 : i32 to index
        %parallel_loop3A_356 = arith.constant 48 : index
        %parallel_loop3A_357 = tpu.vector_load %arg8[%parallel_loop3A_355, %parallel_loop3A_356] {strides = array<i32>} : memref<32x64xi32, #tpu.memory_space<vmem>>, vector<16xi32>,
        %parallel_loop3A_358 = vector.bitcast %parallel_loop3A_357 : vector<16xi32> to vector<32xbf16>
        %parallel_loop3A_359 = tpu.unpack_subelements %parallel_loop3A_358, 0 {pack_format = #tpu.pack_format<interleaved>} : vector<32xbf16> -> vector<16xf32>
        %parallel_loop3A_360 = tpu.unpack_subelements %parallel_loop3A_358, 1 {pack_format = #tpu.pack_format<interleaved>} : vector<32xbf16> -> vector<16xf32>
        %parallel_loop3A_361 = arith.index_cast %parallel_loop3A_276 : i32 to index
        %parallel_loop3A_362 = arith.constant 96 : index
        %parallel_loop3A_363 = tpu.vector_load %arg10[%parallel_loop3A_361, %parallel_loop3A_362] {strides = array<i32>} : memref<32x128xf32, #tpu.memory_space<vmem>>, vector<16xf32>,
        %parallel_loop3A_364 = arith.addf %parallel_loop3A_359, %parallel_loop3A_363 : vector<16xf32>
        %parallel_loop3A_365 = arith.constant 0.000000e+00 : f32
        %parallel_loop3A_366 = vector.broadcast %parallel_loop3A_365 : f32 to vector<16xf32>
        %parallel_loop3A_367 = arith.maximumf %parallel_loop3A_364, %parallel_loop3A_366 : vector<16xf32>
        %parallel_loop3A_368 = arith.index_cast %parallel_loop3A_276 : i32 to index
        %parallel_loop3A_369 = arith.constant 96 : index
        %parallel_loop3A_370 = tpu.vector_load %arg14[%parallel_loop3A_368, %parallel_loop3A_369] {strides = array<i32>} : memref<32x128xf32, #tpu.memory_space<vmem>>, vector<16xf32>,
        tpu.vector_store %arg14[%parallel_loop3A_368, %parallel_loop3A_369], %parallel_loop3A_367 {strides = array<i32>} : memref<32x128xf32, #tpu.memory_space<vmem>>, vector<16xf32>,
        %parallel_loop3A_371 = arith.index_cast %parallel_loop3A_276 : i32 to index
        %parallel_loop3A_372 = arith.constant 112 : index
        %parallel_loop3A_373 = tpu.vector_load %arg10[%parallel_loop3A_371, %parallel_loop3A_372] {strides = array<i32>} : memref<32x128xf32, #tpu.memory_space<vmem>>, vector<16xf32>,
        %parallel_loop3A_374 = arith.addf %parallel_loop3A_360, %parallel_loop3A_373 : vector<16xf32>
        %parallel_loop3A_375 = arith.constant 0.000000e+00 : f32
        %parallel_loop3A_376 = vector.broadcast %parallel_loop3A_375 : f32 to vector<16xf32>
        %parallel_loop3A_377 = arith.maximumf %parallel_loop3A_374, %parallel_loop3A_376 : vector<16xf32>
        %parallel_loop3A_378 = arith.index_cast %parallel_loop3A_276 : i32 to index
        %parallel_loop3A_379 = arith.constant 112 : index
        %parallel_loop3A_380 = tpu.vector_load %arg14[%parallel_loop3A_378, %parallel_loop3A_379] {strides = array<i32>} : memref<32x128xf32, #tpu.memory_space<vmem>>, vector<16xf32>,
        tpu.vector_store %arg14[%parallel_loop3A_378, %parallel_loop3A_379], %parallel_loop3A_377 {strides = array<i32>} : memref<32x128xf32, #tpu.memory_space<vmem>>, vector<16xf32>,
      } {sc.loop_unroll_factor = 4 : i64, sc.parallel_access}
      %dma_start3A_161 = arith.constant 0 : i32
      %dma_start3A_162 = arith.constant 0 : i32
      %dma_start3A_163 = tpu.memref_slice %arg24[%dma_start3A_161, %dma_start3A_162] : memref<10240x128xf32, #tpu.memory_space<vmem_shared>> -> memref<10240x128xf32, #tpu.memory_space<vmem_shared>>
      tpu.enqueue_indirect_dma source(%arg14 : memref<32x128xf32, #tpu.memory_space<vmem>>) target(%dma_start3A_163 : memref<10240x128xf32, #tpu.memory_space<vmem_shared>>) offsets(%arg20 : memref<32xi32, #tpu.memory_space<vmem>>) semaphore(%arg31 : memref<!tpu.dma_semaphore, #tpu.memory_space<semaphore_mem>>) {add = true}
      %add3A_164 = arith.constant 2 : i32
      %add3A_165 = arith.addi %add3A_146, %add3A_164 : i32
      %lt3A = arith.cmpi slt, %add3A_165, %min3A_4 : i32
      %convert_element_type3A_166 = arith.extui %lt3A : i1 to i32
      %cond3A_167 = arith.constant 0 : i32
      %cond3A_168 = arith.cmpi ne, %convert_element_type3A_166, %cond3A_167 : i32
      scf.if %cond3A_168 {
        %add3A_276 = arith.constant 0 : i32
        %add3A_277 = arith.addi %select_n3A, %add3A_276 : i32
        %get3A_278 = arith.index_cast %add3A_277 : i32 to index
        %get3A_279 = arith.constant 64 : index
        %get3A_280 = tpu.vector_load %arg7[%get3A_278, %get3A_279] {strides = array<i32>} : memref<80x128xi32, #tpu.memory_space<vmem>>, vector<16xi32>,
        %and3A_281 = arith.constant 65535 : i32
        %and3A_282 = vector.broadcast %and3A_281 : i32 to vector<16xi32>
        %and3A_283 = arith.andi %get3A_280, %and3A_282 : vector<16xi32>
        %swap3A_284 = arith.constant 0 : index
        %swap3A_285 = tpu.vector_load %arg18[%swap3A_284] {strides = array<i32>} : memref<32xi32, #tpu.memory_space<vmem>>, vector<16xi32>,
        tpu.vector_store %arg18[%swap3A_284], %and3A_283 {strides = array<i32>} : memref<32xi32, #tpu.memory_space<vmem>>, vector<16xi32>,
        %shift_right_logical3A_286 = arith.constant 16 : i32
        %shift_right_logical3A_287 = vector.broadcast %shift_right_logical3A_286 : i32 to vector<16xi32>
        %shift_right_logical3A_288 = arith.shrui %get3A_280, %shift_right_logical3A_287 : vector<16xi32>
        %swap3A_289 = arith.constant 0 : index
        %swap3A_290 = tpu.vector_load %arg22[%swap3A_289] {strides = array<i32>} : memref<32xi32, #tpu.memory_space<vmem>>, vector<16xi32>,
        tpu.vector_store %arg22[%swap3A_289], %shift_right_logical3A_288 {strides = array<i32>} : memref<32xi32, #tpu.memory_space<vmem>>, vector<16xi32>,
        %get3A_291 = arith.index_cast %add3A_277 : i32 to index
        %get3A_292 = arith.constant 80 : index
        %get3A_293 = tpu.vector_load %arg7[%get3A_291, %get3A_292] {strides = array<i32>} : memref<80x128xi32, #tpu.memory_space<vmem>>, vector<16xi32>,
        %and3A_294 = arith.constant 65535 : i32
        %and3A_295 = vector.broadcast %and3A_294 : i32 to vector<16xi32>
        %and3A_296 = arith.andi %get3A_293, %and3A_295 : vector<16xi32>
        %swap3A_297 = arith.constant 16 : index
        %swap3A_298 = tpu.vector_load %arg18[%swap3A_297] {strides = array<i32>} : memref<32xi32, #tpu.memory_space<vmem>>, vector<16xi32>,
        tpu.vector_store %arg18[%swap3A_297], %and3A_296 {strides = array<i32>} : memref<32xi32, #tpu.memory_space<vmem>>, vector<16xi32>,
        %shift_right_logical3A_299 = arith.constant 16 : i32
        %shift_right_logical3A_300 = vector.broadcast %shift_right_logical3A_299 : i32 to vector<16xi32>
        %shift_right_logical3A_301 = arith.shrui %get3A_293, %shift_right_logical3A_300 : vector<16xi32>
        %swap3A_302 = arith.constant 16 : index
        %swap3A_303 = tpu.vector_load %arg22[%swap3A_302] {strides = array<i32>} : memref<32xi32, #tpu.memory_space<vmem>>, vector<16xi32>,
        tpu.vector_store %arg22[%swap3A_302], %shift_right_logical3A_301 {strides = array<i32>} : memref<32xi32, #tpu.memory_space<vmem>>, vector<16xi32>,
        %dma_start3A_304 = arith.constant 0 : i32
        %dma_start3A_305 = arith.constant 0 : i32
        %dma_start3A_306 = tpu.memref_slice %arg2[%dma_start3A_304, %dma_start3A_305] : memref<10000x64xi32, #tpu.memory_space<hbm>> -> memref<10000x64xi32, #tpu.memory_space<hbm>>
        tpu.enqueue_indirect_dma source(%dma_start3A_306 : memref<10000x64xi32, #tpu.memory_space<hbm>>) target(%arg8 : memref<32x64xi32, #tpu.memory_space<vmem>>) offsets(%arg18 : memref<32xi32, #tpu.memory_space<vmem>>) semaphore(%arg25 : memref<!tpu.dma_semaphore, #tpu.memory_space<semaphore_mem>>)
      } else {
      }
      %add3A_169 = arith.constant 4 : i32
      %add3A_170 = arith.addi %add3A_146, %add3A_169 : i32
      %lt3A_171 = arith.cmpi slt, %add3A_170, %min3A_4 : i32
      %convert_element_type3A_172 = arith.extui %lt3A_171 : i1 to i32
      %cond3A_173 = arith.constant 0 : i32
      %cond3A_174 = arith.cmpi ne, %convert_element_type3A_172, %cond3A_173 : i32
      scf.if %cond3A_174 {
        %add3A_276 = arith.constant 4 : i32
        %add3A_277 = arith.addi %add3A_146, %add3A_276 : i32
        %add3A_278 = arith.addi %mul3A_2, %add3A_277 : i32
        %mul3A_279 = arith.constant 32 : i32
        %mul3A_280 = arith.muli %add3A_278, %mul3A_279 : i32
        %dma_start3A_281 = arith.constant 0 : i32
        %dma_start3A_282 = tpu.memref_slice %arg4[%mul3A_280, %dma_start3A_281] : memref<320000x128xf32, #tpu.memory_space<hbm>> -> memref<32x128xf32, #tpu.memory_space<hbm>>
        %dma_start3A_283 = arith.constant 0 : i32
        %dma_start3A_284 = tpu.memref_slice %arg4[%mul3A_280, %dma_start3A_283] : memref<320000x128xf32, #tpu.memory_space<hbm>> -> memref<32x128xf32, #tpu.memory_space<hbm>>
        tpu.enqueue_dma source(%dma_start3A_284 : memref<32x128xf32, #tpu.memory_space<hbm>>) target(%arg10 : memref<32x128xf32, #tpu.memory_space<vmem>>) target_semaphore(%arg27 : memref<!tpu.dma_semaphore, #tpu.memory_space<semaphore_mem>>)
      } else {
      }
      %add3A_175 = arith.constant 1 : i32
      %add3A_176 = arith.addi %add3A_125, %add3A_175 : i32
      %ge3A_177 = arith.constant 2 : i32
      %ge3A_178 = arith.cmpi sge, %add3A_176, %ge3A_177 : i32
      %convert_element_type3A_179 = arith.extui %ge3A_178 : i1 to i32
      %cond3A_180 = arith.constant 0 : i32
      %cond3A_181 = arith.cmpi ne, %convert_element_type3A_179, %cond3A_180 : i32
      scf.if %cond3A_181 {
        %dma_wait3A_276 = arith.constant 0 : i32
        %dma_wait3A_277 = arith.constant 0 : i32
        %dma_wait3A_278 = tpu.memref_slice %arg24[%dma_wait3A_276, %dma_wait3A_277] : memref<10240x128xf32, #tpu.memory_space<vmem_shared>> -> memref<10240x128xf32, #tpu.memory_space<vmem_shared>>
        tpu.wait_indirect_dma semaphore(%arg32 : memref<!tpu.dma_semaphore, #tpu.memory_space<semaphore_mem>>) src(%arg15 : memref<32x128xf32, #tpu.memory_space<vmem>>) dst(%dma_wait3A_278 : memref<10240x128xf32, #tpu.memory_space<vmem_shared>>)
      } else {
      }
      %dma_wait3A_182 = arith.constant 0 : i32
      %dma_wait3A_183 = arith.constant 0 : i32
      %dma_wait3A_184 = tpu.memref_slice %arg2[%dma_wait3A_182, %dma_wait3A_183] : memref<10000x64xi32, #tpu.memory_space<hbm>> -> memref<10000x64xi32, #tpu.memory_space<hbm>>
      tpu.wait_indirect_dma semaphore(%arg26 : memref<!tpu.dma_semaphore, #tpu.memory_space<semaphore_mem>>) src(%dma_wait3A_184 : memref<10000x64xi32, #tpu.memory_space<hbm>>) dst(%arg9 : memref<32x64xi32, #tpu.memory_space<vmem>>)
      %add3A_185 = arith.addi %mul3A_2, %add3A_176 : i32
      %mul3A_186 = arith.constant 32 : i32
      %mul3A_187 = arith.muli %add3A_185, %mul3A_186 : i32
      %dma_wait3A_188 = arith.constant 0 : i32
      %dma_wait3A_189 = tpu.memref_slice %arg4[%mul3A_187, %dma_wait3A_188] : memref<320000x128xf32, #tpu.memory_space<hbm>> -> memref<32x128xf32, #tpu.memory_space<hbm>>
      %dma_wait3A_190 = arith.constant 0 : i32
      %dma_wait3A_191 = tpu.memref_slice %arg4[%mul3A_187, %dma_wait3A_190] : memref<320000x128xf32, #tpu.memory_space<hbm>> -> memref<32x128xf32, #tpu.memory_space<hbm>>
      tpu.wait_dma2 semaphore(%arg28 : memref<!tpu.dma_semaphore, #tpu.memory_space<semaphore_mem>>) src(%dma_wait3A_191 : memref<32x128xf32, #tpu.memory_space<hbm>>) dst(%arg11 : memref<32x128xf32, #tpu.memory_space<vmem>>)
      %parallel_loop3A_192 = arith.constant 0 : i32
      %parallel_loop3A_193 = arith.constant 32 : i32
      %parallel_loop3A_194 = arith.constant 1 : i32
      scf.for %parallel_loop3A_276 = %parallel_loop3A_192 to %parallel_loop3A_193 step %parallel_loop3A_194  : i32 {
        %parallel_loop3A_277 = arith.index_cast %parallel_loop3A_276 : i32 to index
        %parallel_loop3A_278 = arith.constant 0 : index
        %parallel_loop3A_279 = tpu.vector_load %arg9[%parallel_loop3A_277, %parallel_loop3A_278] {strides = array<i32>} : memref<32x64xi32, #tpu.memory_space<vmem>>, vector<16xi32>,
        %parallel_loop3A_280 = vector.bitcast %parallel_loop3A_279 : vector<16xi32> to vector<32xbf16>
        %parallel_loop3A_281 = tpu.unpack_subelements %parallel_loop3A_280, 0 {pack_format = #tpu.pack_format<interleaved>} : vector<32xbf16> -> vector<16xf32>
        %parallel_loop3A_282 = tpu.unpack_subelements %parallel_loop3A_280, 1 {pack_format = #tpu.pack_format<interleaved>} : vector<32xbf16> -> vector<16xf32>
        %parallel_loop3A_283 = arith.index_cast %parallel_loop3A_276 : i32 to index
        %parallel_loop3A_284 = arith.constant 0 : index
        %parallel_loop3A_285 = tpu.vector_load %arg11[%parallel_loop3A_283, %parallel_loop3A_284] {strides = array<i32>} : memref<32x128xf32, #tpu.memory_space<vmem>>, vector<16xf32>,
        %parallel_loop3A_286 = arith.addf %parallel_loop3A_281, %parallel_loop3A_285 : vector<16xf32>
        %parallel_loop3A_287 = arith.constant 0.000000e+00 : f32
        %parallel_loop3A_288 = vector.broadcast %parallel_loop3A_287 : f32 to vector<16xf32>
        %parallel_loop3A_289 = arith.maximumf %parallel_loop3A_286, %parallel_loop3A_288 : vector<16xf32>
        %parallel_loop3A_290 = arith.index_cast %parallel_loop3A_276 : i32 to index
        %parallel_loop3A_291 = arith.constant 0 : index
        %parallel_loop3A_292 = tpu.vector_load %arg15[%parallel_loop3A_290, %parallel_loop3A_291] {strides = array<i32>} : memref<32x128xf32, #tpu.memory_space<vmem>>, vector<16xf32>,
        tpu.vector_store %arg15[%parallel_loop3A_290, %parallel_loop3A_291], %parallel_loop3A_289 {strides = array<i32>} : memref<32x128xf32, #tpu.memory_space<vmem>>, vector<16xf32>,
        %parallel_loop3A_293 = arith.index_cast %parallel_loop3A_276 : i32 to index
        %parallel_loop3A_294 = arith.constant 16 : index
        %parallel_loop3A_295 = tpu.vector_load %arg11[%parallel_loop3A_293, %parallel_loop3A_294] {strides = array<i32>} : memref<32x128xf32, #tpu.memory_space<vmem>>, vector<16xf32>,
        %parallel_loop3A_296 = arith.addf %parallel_loop3A_282, %parallel_loop3A_295 : vector<16xf32>
        %parallel_loop3A_297 = arith.constant 0.000000e+00 : f32
        %parallel_loop3A_298 = vector.broadcast %parallel_loop3A_297 : f32 to vector<16xf32>
        %parallel_loop3A_299 = arith.maximumf %parallel_loop3A_296, %parallel_loop3A_298 : vector<16xf32>
        %parallel_loop3A_300 = arith.index_cast %parallel_loop3A_276 : i32 to index
        %parallel_loop3A_301 = arith.constant 16 : index
        %parallel_loop3A_302 = tpu.vector_load %arg15[%parallel_loop3A_300, %parallel_loop3A_301] {strides = array<i32>} : memref<32x128xf32, #tpu.memory_space<vmem>>, vector<16xf32>,
        tpu.vector_store %arg15[%parallel_loop3A_300, %parallel_loop3A_301], %parallel_loop3A_299 {strides = array<i32>} : memref<32x128xf32, #tpu.memory_space<vmem>>, vector<16xf32>,
        %parallel_loop3A_303 = arith.index_cast %parallel_loop3A_276 : i32 to index
        %parallel_loop3A_304 = arith.constant 16 : index
        %parallel_loop3A_305 = tpu.vector_load %arg9[%parallel_loop3A_303, %parallel_loop3A_304] {strides = array<i32>} : memref<32x64xi32, #tpu.memory_space<vmem>>, vector<16xi32>,
        %parallel_loop3A_306 = vector.bitcast %parallel_loop3A_305 : vector<16xi32> to vector<32xbf16>
        %parallel_loop3A_307 = tpu.unpack_subelements %parallel_loop3A_306, 0 {pack_format = #tpu.pack_format<interleaved>} : vector<32xbf16> -> vector<16xf32>
        %parallel_loop3A_308 = tpu.unpack_subelements %parallel_loop3A_306, 1 {pack_format = #tpu.pack_format<interleaved>} : vector<32xbf16> -> vector<16xf32>
        %parallel_loop3A_309 = arith.index_cast %parallel_loop3A_276 : i32 to index
        %parallel_loop3A_310 = arith.constant 32 : index
        %parallel_loop3A_311 = tpu.vector_load %arg11[%parallel_loop3A_309, %parallel_loop3A_310] {strides = array<i32>} : memref<32x128xf32, #tpu.memory_space<vmem>>, vector<16xf32>,
        %parallel_loop3A_312 = arith.addf %parallel_loop3A_307, %parallel_loop3A_311 : vector<16xf32>
        %parallel_loop3A_313 = arith.constant 0.000000e+00 : f32
        %parallel_loop3A_314 = vector.broadcast %parallel_loop3A_313 : f32 to vector<16xf32>
        %parallel_loop3A_315 = arith.maximumf %parallel_loop3A_312, %parallel_loop3A_314 : vector<16xf32>
        %parallel_loop3A_316 = arith.index_cast %parallel_loop3A_276 : i32 to index
        %parallel_loop3A_317 = arith.constant 32 : index
        %parallel_loop3A_318 = tpu.vector_load %arg15[%parallel_loop3A_316, %parallel_loop3A_317] {strides = array<i32>} : memref<32x128xf32, #tpu.memory_space<vmem>>, vector<16xf32>,
        tpu.vector_store %arg15[%parallel_loop3A_316, %parallel_loop3A_317], %parallel_loop3A_315 {strides = array<i32>} : memref<32x128xf32, #tpu.memory_space<vmem>>, vector<16xf32>,
        %parallel_loop3A_319 = arith.index_cast %parallel_loop3A_276 : i32 to index
        %parallel_loop3A_320 = arith.constant 48 : index
        %parallel_loop3A_321 = tpu.vector_load %arg11[%parallel_loop3A_319, %parallel_loop3A_320] {strides = array<i32>} : memref<32x128xf32, #tpu.memory_space<vmem>>, vector<16xf32>,
        %parallel_loop3A_322 = arith.addf %parallel_loop3A_308, %parallel_loop3A_321 : vector<16xf32>
        %parallel_loop3A_323 = arith.constant 0.000000e+00 : f32
        %parallel_loop3A_324 = vector.broadcast %parallel_loop3A_323 : f32 to vector<16xf32>
        %parallel_loop3A_325 = arith.maximumf %parallel_loop3A_322, %parallel_loop3A_324 : vector<16xf32>
        %parallel_loop3A_326 = arith.index_cast %parallel_loop3A_276 : i32 to index
        %parallel_loop3A_327 = arith.constant 48 : index
        %parallel_loop3A_328 = tpu.vector_load %arg15[%parallel_loop3A_326, %parallel_loop3A_327] {strides = array<i32>} : memref<32x128xf32, #tpu.memory_space<vmem>>, vector<16xf32>,
        tpu.vector_store %arg15[%parallel_loop3A_326, %parallel_loop3A_327], %parallel_loop3A_325 {strides = array<i32>} : memref<32x128xf32, #tpu.memory_space<vmem>>, vector<16xf32>,
        %parallel_loop3A_329 = arith.index_cast %parallel_loop3A_276 : i32 to index
        %parallel_loop3A_330 = arith.constant 32 : index
        %parallel_loop3A_331 = tpu.vector_load %arg9[%parallel_loop3A_329, %parallel_loop3A_330] {strides = array<i32>} : memref<32x64xi32, #tpu.memory_space<vmem>>, vector<16xi32>,
        %parallel_loop3A_332 = vector.bitcast %parallel_loop3A_331 : vector<16xi32> to vector<32xbf16>
        %parallel_loop3A_333 = tpu.unpack_subelements %parallel_loop3A_332, 0 {pack_format = #tpu.pack_format<interleaved>} : vector<32xbf16> -> vector<16xf32>
        %parallel_loop3A_334 = tpu.unpack_subelements %parallel_loop3A_332, 1 {pack_format = #tpu.pack_format<interleaved>} : vector<32xbf16> -> vector<16xf32>
        %parallel_loop3A_335 = arith.index_cast %parallel_loop3A_276 : i32 to index
        %parallel_loop3A_336 = arith.constant 64 : index
        %parallel_loop3A_337 = tpu.vector_load %arg11[%parallel_loop3A_335, %parallel_loop3A_336] {strides = array<i32>} : memref<32x128xf32, #tpu.memory_space<vmem>>, vector<16xf32>,
        %parallel_loop3A_338 = arith.addf %parallel_loop3A_333, %parallel_loop3A_337 : vector<16xf32>
        %parallel_loop3A_339 = arith.constant 0.000000e+00 : f32
        %parallel_loop3A_340 = vector.broadcast %parallel_loop3A_339 : f32 to vector<16xf32>
        %parallel_loop3A_341 = arith.maximumf %parallel_loop3A_338, %parallel_loop3A_340 : vector<16xf32>
        %parallel_loop3A_342 = arith.index_cast %parallel_loop3A_276 : i32 to index
        %parallel_loop3A_343 = arith.constant 64 : index
        %parallel_loop3A_344 = tpu.vector_load %arg15[%parallel_loop3A_342, %parallel_loop3A_343] {strides = array<i32>} : memref<32x128xf32, #tpu.memory_space<vmem>>, vector<16xf32>,
        tpu.vector_store %arg15[%parallel_loop3A_342, %parallel_loop3A_343], %parallel_loop3A_341 {strides = array<i32>} : memref<32x128xf32, #tpu.memory_space<vmem>>, vector<16xf32>,
        %parallel_loop3A_345 = arith.index_cast %parallel_loop3A_276 : i32 to index
        %parallel_loop3A_346 = arith.constant 80 : index
        %parallel_loop3A_347 = tpu.vector_load %arg11[%parallel_loop3A_345, %parallel_loop3A_346] {strides = array<i32>} : memref<32x128xf32, #tpu.memory_space<vmem>>, vector<16xf32>,
        %parallel_loop3A_348 = arith.addf %parallel_loop3A_334, %parallel_loop3A_347 : vector<16xf32>
        %parallel_loop3A_349 = arith.constant 0.000000e+00 : f32
        %parallel_loop3A_350 = vector.broadcast %parallel_loop3A_349 : f32 to vector<16xf32>
        %parallel_loop3A_351 = arith.maximumf %parallel_loop3A_348, %parallel_loop3A_350 : vector<16xf32>
        %parallel_loop3A_352 = arith.index_cast %parallel_loop3A_276 : i32 to index
        %parallel_loop3A_353 = arith.constant 80 : index
        %parallel_loop3A_354 = tpu.vector_load %arg15[%parallel_loop3A_352, %parallel_loop3A_353] {strides = array<i32>} : memref<32x128xf32, #tpu.memory_space<vmem>>, vector<16xf32>,
        tpu.vector_store %arg15[%parallel_loop3A_352, %parallel_loop3A_353], %parallel_loop3A_351 {strides = array<i32>} : memref<32x128xf32, #tpu.memory_space<vmem>>, vector<16xf32>,
        %parallel_loop3A_355 = arith.index_cast %parallel_loop3A_276 : i32 to index
        %parallel_loop3A_356 = arith.constant 48 : index
        %parallel_loop3A_357 = tpu.vector_load %arg9[%parallel_loop3A_355, %parallel_loop3A_356] {strides = array<i32>} : memref<32x64xi32, #tpu.memory_space<vmem>>, vector<16xi32>,
        %parallel_loop3A_358 = vector.bitcast %parallel_loop3A_357 : vector<16xi32> to vector<32xbf16>
        %parallel_loop3A_359 = tpu.unpack_subelements %parallel_loop3A_358, 0 {pack_format = #tpu.pack_format<interleaved>} : vector<32xbf16> -> vector<16xf32>
        %parallel_loop3A_360 = tpu.unpack_subelements %parallel_loop3A_358, 1 {pack_format = #tpu.pack_format<interleaved>} : vector<32xbf16> -> vector<16xf32>
        %parallel_loop3A_361 = arith.index_cast %parallel_loop3A_276 : i32 to index
        %parallel_loop3A_362 = arith.constant 96 : index
        %parallel_loop3A_363 = tpu.vector_load %arg11[%parallel_loop3A_361, %parallel_loop3A_362] {strides = array<i32>} : memref<32x128xf32, #tpu.memory_space<vmem>>, vector<16xf32>,
        %parallel_loop3A_364 = arith.addf %parallel_loop3A_359, %parallel_loop3A_363 : vector<16xf32>
        %parallel_loop3A_365 = arith.constant 0.000000e+00 : f32
        %parallel_loop3A_366 = vector.broadcast %parallel_loop3A_365 : f32 to vector<16xf32>
        %parallel_loop3A_367 = arith.maximumf %parallel_loop3A_364, %parallel_loop3A_366 : vector<16xf32>
        %parallel_loop3A_368 = arith.index_cast %parallel_loop3A_276 : i32 to index
        %parallel_loop3A_369 = arith.constant 96 : index
        %parallel_loop3A_370 = tpu.vector_load %arg15[%parallel_loop3A_368, %parallel_loop3A_369] {strides = array<i32>} : memref<32x128xf32, #tpu.memory_space<vmem>>, vector<16xf32>,
        tpu.vector_store %arg15[%parallel_loop3A_368, %parallel_loop3A_369], %parallel_loop3A_367 {strides = array<i32>} : memref<32x128xf32, #tpu.memory_space<vmem>>, vector<16xf32>,
        %parallel_loop3A_371 = arith.index_cast %parallel_loop3A_276 : i32 to index
        %parallel_loop3A_372 = arith.constant 112 : index
        %parallel_loop3A_373 = tpu.vector_load %arg11[%parallel_loop3A_371, %parallel_loop3A_372] {strides = array<i32>} : memref<32x128xf32, #tpu.memory_space<vmem>>, vector<16xf32>,
        %parallel_loop3A_374 = arith.addf %parallel_loop3A_360, %parallel_loop3A_373 : vector<16xf32>
        %parallel_loop3A_375 = arith.constant 0.000000e+00 : f32
        %parallel_loop3A_376 = vector.broadcast %parallel_loop3A_375 : f32 to vector<16xf32>
        %parallel_loop3A_377 = arith.maximumf %parallel_loop3A_374, %parallel_loop3A_376 : vector<16xf32>
        %parallel_loop3A_378 = arith.index_cast %parallel_loop3A_276 : i32 to index
        %parallel_loop3A_379 = arith.constant 112 : index
        %parallel_loop3A_380 = tpu.vector_load %arg15[%parallel_loop3A_378, %parallel_loop3A_379] {strides = array<i32>} : memref<32x128xf32, #tpu.memory_space<vmem>>, vector<16xf32>,
        tpu.vector_store %arg15[%parallel_loop3A_378, %parallel_loop3A_379], %parallel_loop3A_377 {strides = array<i32>} : memref<32x128xf32, #tpu.memory_space<vmem>>, vector<16xf32>,
      } {sc.loop_unroll_factor = 4 : i64, sc.parallel_access}
      %dma_start3A_195 = arith.constant 0 : i32
      %dma_start3A_196 = arith.constant 0 : i32
      %dma_start3A_197 = tpu.memref_slice %arg24[%dma_start3A_195, %dma_start3A_196] : memref<10240x128xf32, #tpu.memory_space<vmem_shared>> -> memref<10240x128xf32, #tpu.memory_space<vmem_shared>>
      tpu.enqueue_indirect_dma source(%arg15 : memref<32x128xf32, #tpu.memory_space<vmem>>) target(%dma_start3A_197 : memref<10240x128xf32, #tpu.memory_space<vmem_shared>>) offsets(%arg21 : memref<32xi32, #tpu.memory_space<vmem>>) semaphore(%arg32 : memref<!tpu.dma_semaphore, #tpu.memory_space<semaphore_mem>>) {add = true}
      %add3A_198 = arith.constant 2 : i32
      %add3A_199 = arith.addi %add3A_176, %add3A_198 : i32
      %lt3A_200 = arith.cmpi slt, %add3A_199, %min3A_4 : i32
      %convert_element_type3A_201 = arith.extui %lt3A_200 : i1 to i32
      %cond3A_202 = arith.constant 0 : i32
      %cond3A_203 = arith.cmpi ne, %convert_element_type3A_201, %cond3A_202 : i32
      scf.if %cond3A_203 {
        %add3A_276 = arith.constant 0 : i32
        %add3A_277 = arith.addi %select_n3A, %add3A_276 : i32
        %get3A_278 = arith.index_cast %add3A_277 : i32 to index
        %get3A_279 = arith.constant 96 : index
        %get3A_280 = tpu.vector_load %arg7[%get3A_278, %get3A_279] {strides = array<i32>} : memref<80x128xi32, #tpu.memory_space<vmem>>, vector<16xi32>,
        %and3A_281 = arith.constant 65535 : i32
        %and3A_282 = vector.broadcast %and3A_281 : i32 to vector<16xi32>
        %and3A_283 = arith.andi %get3A_280, %and3A_282 : vector<16xi32>
        %swap3A_284 = arith.constant 0 : index
        %swap3A_285 = tpu.vector_load %arg19[%swap3A_284] {strides = array<i32>} : memref<32xi32, #tpu.memory_space<vmem>>, vector<16xi32>,
        tpu.vector_store %arg19[%swap3A_284], %and3A_283 {strides = array<i32>} : memref<32xi32, #tpu.memory_space<vmem>>, vector<16xi32>,
        %shift_right_logical3A_286 = arith.constant 16 : i32
        %shift_right_logical3A_287 = vector.broadcast %shift_right_logical3A_286 : i32 to vector<16xi32>
        %shift_right_logical3A_288 = arith.shrui %get3A_280, %shift_right_logical3A_287 : vector<16xi32>
        %swap3A_289 = arith.constant 0 : index
        %swap3A_290 = tpu.vector_load %arg23[%swap3A_289] {strides = array<i32>} : memref<32xi32, #tpu.memory_space<vmem>>, vector<16xi32>,
        tpu.vector_store %arg23[%swap3A_289], %shift_right_logical3A_288 {strides = array<i32>} : memref<32xi32, #tpu.memory_space<vmem>>, vector<16xi32>,
        %get3A_291 = arith.index_cast %add3A_277 : i32 to index
        %get3A_292 = arith.constant 112 : index
        %get3A_293 = tpu.vector_load %arg7[%get3A_291, %get3A_292] {strides = array<i32>} : memref<80x128xi32, #tpu.memory_space<vmem>>, vector<16xi32>,
        %and3A_294 = arith.constant 65535 : i32
        %and3A_295 = vector.broadcast %and3A_294 : i32 to vector<16xi32>
        %and3A_296 = arith.andi %get3A_293, %and3A_295 : vector<16xi32>
        %swap3A_297 = arith.constant 16 : index
        %swap3A_298 = tpu.vector_load %arg19[%swap3A_297] {strides = array<i32>} : memref<32xi32, #tpu.memory_space<vmem>>, vector<16xi32>,
        tpu.vector_store %arg19[%swap3A_297], %and3A_296 {strides = array<i32>} : memref<32xi32, #tpu.memory_space<vmem>>, vector<16xi32>,
        %shift_right_logical3A_299 = arith.constant 16 : i32
        %shift_right_logical3A_300 = vector.broadcast %shift_right_logical3A_299 : i32 to vector<16xi32>
        %shift_right_logical3A_301 = arith.shrui %get3A_293, %shift_right_logical3A_300 : vector<16xi32>
        %swap3A_302 = arith.constant 16 : index
        %swap3A_303 = tpu.vector_load %arg23[%swap3A_302] {strides = array<i32>} : memref<32xi32, #tpu.memory_space<vmem>>, vector<16xi32>,
        tpu.vector_store %arg23[%swap3A_302], %shift_right_logical3A_301 {strides = array<i32>} : memref<32xi32, #tpu.memory_space<vmem>>, vector<16xi32>,
        %dma_start3A_304 = arith.constant 0 : i32
        %dma_start3A_305 = arith.constant 0 : i32
        %dma_start3A_306 = tpu.memref_slice %arg2[%dma_start3A_304, %dma_start3A_305] : memref<10000x64xi32, #tpu.memory_space<hbm>> -> memref<10000x64xi32, #tpu.memory_space<hbm>>
        tpu.enqueue_indirect_dma source(%dma_start3A_306 : memref<10000x64xi32, #tpu.memory_space<hbm>>) target(%arg9 : memref<32x64xi32, #tpu.memory_space<vmem>>) offsets(%arg19 : memref<32xi32, #tpu.memory_space<vmem>>) semaphore(%arg26 : memref<!tpu.dma_semaphore, #tpu.memory_space<semaphore_mem>>)
      } else {
      }
      %add3A_204 = arith.constant 4 : i32
      %add3A_205 = arith.addi %add3A_176, %add3A_204 : i32
      %lt3A_206 = arith.cmpi slt, %add3A_205, %min3A_4 : i32
      %convert_element_type3A_207 = arith.extui %lt3A_206 : i1 to i32
      %cond3A_208 = arith.constant 0 : i32
      %cond3A_209 = arith.cmpi ne, %convert_element_type3A_207, %cond3A_208 : i32
      scf.if %cond3A_209 {
        %add3A_276 = arith.constant 4 : i32
        %add3A_277 = arith.addi %add3A_176, %add3A_276 : i32
        %add3A_278 = arith.addi %mul3A_2, %add3A_277 : i32
        %mul3A_279 = arith.constant 32 : i32
        %mul3A_280 = arith.muli %add3A_278, %mul3A_279 : i32
        %dma_start3A_281 = arith.constant 0 : i32
        %dma_start3A_282 = tpu.memref_slice %arg4[%mul3A_280, %dma_start3A_281] : memref<320000x128xf32, #tpu.memory_space<hbm>> -> memref<32x128xf32, #tpu.memory_space<hbm>>
        %dma_start3A_283 = arith.constant 0 : i32
        %dma_start3A_284 = tpu.memref_slice %arg4[%mul3A_280, %dma_start3A_283] : memref<320000x128xf32, #tpu.memory_space<hbm>> -> memref<32x128xf32, #tpu.memory_space<hbm>>
        tpu.enqueue_dma source(%dma_start3A_284 : memref<32x128xf32, #tpu.memory_space<hbm>>) target(%arg11 : memref<32x128xf32, #tpu.memory_space<vmem>>) target_semaphore(%arg28 : memref<!tpu.dma_semaphore, #tpu.memory_space<semaphore_mem>>)
      } else {
      }
      %add3A_210 = arith.constant 2 : i32
      %add3A_211 = arith.addi %add3A_125, %add3A_210 : i32
      %dma_wait3A_212 = arith.constant 0 : i32
      %dma_wait3A_213 = arith.constant 0 : i32
      %dma_wait3A_214 = tpu.memref_slice %arg24[%dma_wait3A_212, %dma_wait3A_213] : memref<10240x128xf32, #tpu.memory_space<vmem_shared>> -> memref<10240x128xf32, #tpu.memory_space<vmem_shared>>
      tpu.wait_indirect_dma semaphore(%arg31 : memref<!tpu.dma_semaphore, #tpu.memory_space<semaphore_mem>>) src(%arg14 : memref<32x128xf32, #tpu.memory_space<vmem>>) dst(%dma_wait3A_214 : memref<10240x128xf32, #tpu.memory_space<vmem_shared>>)
      %dma_wait3A_215 = arith.constant 0 : i32
      %dma_wait3A_216 = arith.constant 0 : i32
      %dma_wait3A_217 = tpu.memref_slice %arg2[%dma_wait3A_215, %dma_wait3A_216] : memref<10000x64xi32, #tpu.memory_space<hbm>> -> memref<10000x64xi32, #tpu.memory_space<hbm>>
      tpu.wait_indirect_dma semaphore(%arg25 : memref<!tpu.dma_semaphore, #tpu.memory_space<semaphore_mem>>) src(%dma_wait3A_217 : memref<10000x64xi32, #tpu.memory_space<hbm>>) dst(%arg8 : memref<32x64xi32, #tpu.memory_space<vmem>>)
      %add3A_218 = arith.addi %mul3A_2, %add3A_211 : i32
      %mul3A_219 = arith.constant 32 : i32
      %mul3A_220 = arith.muli %add3A_218, %mul3A_219 : i32
      %dma_wait3A_221 = arith.constant 0 : i32
      %dma_wait3A_222 = tpu.memref_slice %arg4[%mul3A_220, %dma_wait3A_221] : memref<320000x128xf32, #tpu.memory_space<hbm>> -> memref<32x128xf32, #tpu.memory_space<hbm>>
      %dma_wait3A_223 = arith.constant 0 : i32
      %dma_wait3A_224 = tpu.memref_slice %arg4[%mul3A_220, %dma_wait3A_223] : memref<320000x128xf32, #tpu.memory_space<hbm>> -> memref<32x128xf32, #tpu.memory_space<hbm>>
      tpu.wait_dma2 semaphore(%arg29 : memref<!tpu.dma_semaphore, #tpu.memory_space<semaphore_mem>>) src(%dma_wait3A_224 : memref<32x128xf32, #tpu.memory_space<hbm>>) dst(%arg12 : memref<32x128xf32, #tpu.memory_space<vmem>>)
      %parallel_loop3A_225 = arith.constant 0 : i32
      %parallel_loop3A_226 = arith.constant 32 : i32
      %parallel_loop3A_227 = arith.constant 1 : i32
      scf.for %parallel_loop3A_276 = %parallel_loop3A_225 to %parallel_loop3A_226 step %parallel_loop3A_227  : i32 {
        %parallel_loop3A_277 = arith.index_cast %parallel_loop3A_276 : i32 to index
        %parallel_loop3A_278 = arith.constant 0 : index
        %parallel_loop3A_279 = tpu.vector_load %arg8[%parallel_loop3A_277, %parallel_loop3A_278] {strides = array<i32>} : memref<32x64xi32, #tpu.memory_space<vmem>>, vector<16xi32>,
        %parallel_loop3A_280 = vector.bitcast %parallel_loop3A_279 : vector<16xi32> to vector<32xbf16>
        %parallel_loop3A_281 = tpu.unpack_subelements %parallel_loop3A_280, 0 {pack_format = #tpu.pack_format<interleaved>} : vector<32xbf16> -> vector<16xf32>
        %parallel_loop3A_282 = tpu.unpack_subelements %parallel_loop3A_280, 1 {pack_format = #tpu.pack_format<interleaved>} : vector<32xbf16> -> vector<16xf32>
        %parallel_loop3A_283 = arith.index_cast %parallel_loop3A_276 : i32 to index
        %parallel_loop3A_284 = arith.constant 0 : index
        %parallel_loop3A_285 = tpu.vector_load %arg12[%parallel_loop3A_283, %parallel_loop3A_284] {strides = array<i32>} : memref<32x128xf32, #tpu.memory_space<vmem>>, vector<16xf32>,
        %parallel_loop3A_286 = arith.addf %parallel_loop3A_281, %parallel_loop3A_285 : vector<16xf32>
        %parallel_loop3A_287 = arith.constant 0.000000e+00 : f32
        %parallel_loop3A_288 = vector.broadcast %parallel_loop3A_287 : f32 to vector<16xf32>
        %parallel_loop3A_289 = arith.maximumf %parallel_loop3A_286, %parallel_loop3A_288 : vector<16xf32>
        %parallel_loop3A_290 = arith.index_cast %parallel_loop3A_276 : i32 to index
        %parallel_loop3A_291 = arith.constant 0 : index
        %parallel_loop3A_292 = tpu.vector_load %arg14[%parallel_loop3A_290, %parallel_loop3A_291] {strides = array<i32>} : memref<32x128xf32, #tpu.memory_space<vmem>>, vector<16xf32>,
        tpu.vector_store %arg14[%parallel_loop3A_290, %parallel_loop3A_291], %parallel_loop3A_289 {strides = array<i32>} : memref<32x128xf32, #tpu.memory_space<vmem>>, vector<16xf32>,
        %parallel_loop3A_293 = arith.index_cast %parallel_loop3A_276 : i32 to index
        %parallel_loop3A_294 = arith.constant 16 : index
        %parallel_loop3A_295 = tpu.vector_load %arg12[%parallel_loop3A_293, %parallel_loop3A_294] {strides = array<i32>} : memref<32x128xf32, #tpu.memory_space<vmem>>, vector<16xf32>,
        %parallel_loop3A_296 = arith.addf %parallel_loop3A_282, %parallel_loop3A_295 : vector<16xf32>
        %parallel_loop3A_297 = arith.constant 0.000000e+00 : f32
        %parallel_loop3A_298 = vector.broadcast %parallel_loop3A_297 : f32 to vector<16xf32>
        %parallel_loop3A_299 = arith.maximumf %parallel_loop3A_296, %parallel_loop3A_298 : vector<16xf32>
        %parallel_loop3A_300 = arith.index_cast %parallel_loop3A_276 : i32 to index
        %parallel_loop3A_301 = arith.constant 16 : index
        %parallel_loop3A_302 = tpu.vector_load %arg14[%parallel_loop3A_300, %parallel_loop3A_301] {strides = array<i32>} : memref<32x128xf32, #tpu.memory_space<vmem>>, vector<16xf32>,
        tpu.vector_store %arg14[%parallel_loop3A_300, %parallel_loop3A_301], %parallel_loop3A_299 {strides = array<i32>} : memref<32x128xf32, #tpu.memory_space<vmem>>, vector<16xf32>,
        %parallel_loop3A_303 = arith.index_cast %parallel_loop3A_276 : i32 to index
        %parallel_loop3A_304 = arith.constant 16 : index
        %parallel_loop3A_305 = tpu.vector_load %arg8[%parallel_loop3A_303, %parallel_loop3A_304] {strides = array<i32>} : memref<32x64xi32, #tpu.memory_space<vmem>>, vector<16xi32>,
        %parallel_loop3A_306 = vector.bitcast %parallel_loop3A_305 : vector<16xi32> to vector<32xbf16>
        %parallel_loop3A_307 = tpu.unpack_subelements %parallel_loop3A_306, 0 {pack_format = #tpu.pack_format<interleaved>} : vector<32xbf16> -> vector<16xf32>
        %parallel_loop3A_308 = tpu.unpack_subelements %parallel_loop3A_306, 1 {pack_format = #tpu.pack_format<interleaved>} : vector<32xbf16> -> vector<16xf32>
        %parallel_loop3A_309 = arith.index_cast %parallel_loop3A_276 : i32 to index
        %parallel_loop3A_310 = arith.constant 32 : index
        %parallel_loop3A_311 = tpu.vector_load %arg12[%parallel_loop3A_309, %parallel_loop3A_310] {strides = array<i32>} : memref<32x128xf32, #tpu.memory_space<vmem>>, vector<16xf32>,
        %parallel_loop3A_312 = arith.addf %parallel_loop3A_307, %parallel_loop3A_311 : vector<16xf32>
        %parallel_loop3A_313 = arith.constant 0.000000e+00 : f32
        %parallel_loop3A_314 = vector.broadcast %parallel_loop3A_313 : f32 to vector<16xf32>
        %parallel_loop3A_315 = arith.maximumf %parallel_loop3A_312, %parallel_loop3A_314 : vector<16xf32>
        %parallel_loop3A_316 = arith.index_cast %parallel_loop3A_276 : i32 to index
        %parallel_loop3A_317 = arith.constant 32 : index
        %parallel_loop3A_318 = tpu.vector_load %arg14[%parallel_loop3A_316, %parallel_loop3A_317] {strides = array<i32>} : memref<32x128xf32, #tpu.memory_space<vmem>>, vector<16xf32>,
        tpu.vector_store %arg14[%parallel_loop3A_316, %parallel_loop3A_317], %parallel_loop3A_315 {strides = array<i32>} : memref<32x128xf32, #tpu.memory_space<vmem>>, vector<16xf32>,
        %parallel_loop3A_319 = arith.index_cast %parallel_loop3A_276 : i32 to index
        %parallel_loop3A_320 = arith.constant 48 : index
        %parallel_loop3A_321 = tpu.vector_load %arg12[%parallel_loop3A_319, %parallel_loop3A_320] {strides = array<i32>} : memref<32x128xf32, #tpu.memory_space<vmem>>, vector<16xf32>,
        %parallel_loop3A_322 = arith.addf %parallel_loop3A_308, %parallel_loop3A_321 : vector<16xf32>
        %parallel_loop3A_323 = arith.constant 0.000000e+00 : f32
        %parallel_loop3A_324 = vector.broadcast %parallel_loop3A_323 : f32 to vector<16xf32>
        %parallel_loop3A_325 = arith.maximumf %parallel_loop3A_322, %parallel_loop3A_324 : vector<16xf32>
        %parallel_loop3A_326 = arith.index_cast %parallel_loop3A_276 : i32 to index
        %parallel_loop3A_327 = arith.constant 48 : index
        %parallel_loop3A_328 = tpu.vector_load %arg14[%parallel_loop3A_326, %parallel_loop3A_327] {strides = array<i32>} : memref<32x128xf32, #tpu.memory_space<vmem>>, vector<16xf32>,
        tpu.vector_store %arg14[%parallel_loop3A_326, %parallel_loop3A_327], %parallel_loop3A_325 {strides = array<i32>} : memref<32x128xf32, #tpu.memory_space<vmem>>, vector<16xf32>,
        %parallel_loop3A_329 = arith.index_cast %parallel_loop3A_276 : i32 to index
        %parallel_loop3A_330 = arith.constant 32 : index
        %parallel_loop3A_331 = tpu.vector_load %arg8[%parallel_loop3A_329, %parallel_loop3A_330] {strides = array<i32>} : memref<32x64xi32, #tpu.memory_space<vmem>>, vector<16xi32>,
        %parallel_loop3A_332 = vector.bitcast %parallel_loop3A_331 : vector<16xi32> to vector<32xbf16>
        %parallel_loop3A_333 = tpu.unpack_subelements %parallel_loop3A_332, 0 {pack_format = #tpu.pack_format<interleaved>} : vector<32xbf16> -> vector<16xf32>
        %parallel_loop3A_334 = tpu.unpack_subelements %parallel_loop3A_332, 1 {pack_format = #tpu.pack_format<interleaved>} : vector<32xbf16> -> vector<16xf32>
        %parallel_loop3A_335 = arith.index_cast %parallel_loop3A_276 : i32 to index
        %parallel_loop3A_336 = arith.constant 64 : index
        %parallel_loop3A_337 = tpu.vector_load %arg12[%parallel_loop3A_335, %parallel_loop3A_336] {strides = array<i32>} : memref<32x128xf32, #tpu.memory_space<vmem>>, vector<16xf32>,
        %parallel_loop3A_338 = arith.addf %parallel_loop3A_333, %parallel_loop3A_337 : vector<16xf32>
        %parallel_loop3A_339 = arith.constant 0.000000e+00 : f32
        %parallel_loop3A_340 = vector.broadcast %parallel_loop3A_339 : f32 to vector<16xf32>
        %parallel_loop3A_341 = arith.maximumf %parallel_loop3A_338, %parallel_loop3A_340 : vector<16xf32>
        %parallel_loop3A_342 = arith.index_cast %parallel_loop3A_276 : i32 to index
        %parallel_loop3A_343 = arith.constant 64 : index
        %parallel_loop3A_344 = tpu.vector_load %arg14[%parallel_loop3A_342, %parallel_loop3A_343] {strides = array<i32>} : memref<32x128xf32, #tpu.memory_space<vmem>>, vector<16xf32>,
        tpu.vector_store %arg14[%parallel_loop3A_342, %parallel_loop3A_343], %parallel_loop3A_341 {strides = array<i32>} : memref<32x128xf32, #tpu.memory_space<vmem>>, vector<16xf32>,
        %parallel_loop3A_345 = arith.index_cast %parallel_loop3A_276 : i32 to index
        %parallel_loop3A_346 = arith.constant 80 : index
        %parallel_loop3A_347 = tpu.vector_load %arg12[%parallel_loop3A_345, %parallel_loop3A_346] {strides = array<i32>} : memref<32x128xf32, #tpu.memory_space<vmem>>, vector<16xf32>,
        %parallel_loop3A_348 = arith.addf %parallel_loop3A_334, %parallel_loop3A_347 : vector<16xf32>
        %parallel_loop3A_349 = arith.constant 0.000000e+00 : f32
        %parallel_loop3A_350 = vector.broadcast %parallel_loop3A_349 : f32 to vector<16xf32>
        %parallel_loop3A_351 = arith.maximumf %parallel_loop3A_348, %parallel_loop3A_350 : vector<16xf32>
        %parallel_loop3A_352 = arith.index_cast %parallel_loop3A_276 : i32 to index
        %parallel_loop3A_353 = arith.constant 80 : index
        %parallel_loop3A_354 = tpu.vector_load %arg14[%parallel_loop3A_352, %parallel_loop3A_353] {strides = array<i32>} : memref<32x128xf32, #tpu.memory_space<vmem>>, vector<16xf32>,
        tpu.vector_store %arg14[%parallel_loop3A_352, %parallel_loop3A_353], %parallel_loop3A_351 {strides = array<i32>} : memref<32x128xf32, #tpu.memory_space<vmem>>, vector<16xf32>,
        %parallel_loop3A_355 = arith.index_cast %parallel_loop3A_276 : i32 to index
        %parallel_loop3A_356 = arith.constant 48 : index
        %parallel_loop3A_357 = tpu.vector_load %arg8[%parallel_loop3A_355, %parallel_loop3A_356] {strides = array<i32>} : memref<32x64xi32, #tpu.memory_space<vmem>>, vector<16xi32>,
        %parallel_loop3A_358 = vector.bitcast %parallel_loop3A_357 : vector<16xi32> to vector<32xbf16>
        %parallel_loop3A_359 = tpu.unpack_subelements %parallel_loop3A_358, 0 {pack_format = #tpu.pack_format<interleaved>} : vector<32xbf16> -> vector<16xf32>
        %parallel_loop3A_360 = tpu.unpack_subelements %parallel_loop3A_358, 1 {pack_format = #tpu.pack_format<interleaved>} : vector<32xbf16> -> vector<16xf32>
        %parallel_loop3A_361 = arith.index_cast %parallel_loop3A_276 : i32 to index
        %parallel_loop3A_362 = arith.constant 96 : index
        %parallel_loop3A_363 = tpu.vector_load %arg12[%parallel_loop3A_361, %parallel_loop3A_362] {strides = array<i32>} : memref<32x128xf32, #tpu.memory_space<vmem>>, vector<16xf32>,
        %parallel_loop3A_364 = arith.addf %parallel_loop3A_359, %parallel_loop3A_363 : vector<16xf32>
        %parallel_loop3A_365 = arith.constant 0.000000e+00 : f32
        %parallel_loop3A_366 = vector.broadcast %parallel_loop3A_365 : f32 to vector<16xf32>
        %parallel_loop3A_367 = arith.maximumf %parallel_loop3A_364, %parallel_loop3A_366 : vector<16xf32>
        %parallel_loop3A_368 = arith.index_cast %parallel_loop3A_276 : i32 to index
        %parallel_loop3A_369 = arith.constant 96 : index
        %parallel_loop3A_370 = tpu.vector_load %arg14[%parallel_loop3A_368, %parallel_loop3A_369] {strides = array<i32>} : memref<32x128xf32, #tpu.memory_space<vmem>>, vector<16xf32>,
        tpu.vector_store %arg14[%parallel_loop3A_368, %parallel_loop3A_369], %parallel_loop3A_367 {strides = array<i32>} : memref<32x128xf32, #tpu.memory_space<vmem>>, vector<16xf32>,
        %parallel_loop3A_371 = arith.index_cast %parallel_loop3A_276 : i32 to index
        %parallel_loop3A_372 = arith.constant 112 : index
        %parallel_loop3A_373 = tpu.vector_load %arg12[%parallel_loop3A_371, %parallel_loop3A_372] {strides = array<i32>} : memref<32x128xf32, #tpu.memory_space<vmem>>, vector<16xf32>,
        %parallel_loop3A_374 = arith.addf %parallel_loop3A_360, %parallel_loop3A_373 : vector<16xf32>
        %parallel_loop3A_375 = arith.constant 0.000000e+00 : f32
        %parallel_loop3A_376 = vector.broadcast %parallel_loop3A_375 : f32 to vector<16xf32>
        %parallel_loop3A_377 = arith.maximumf %parallel_loop3A_374, %parallel_loop3A_376 : vector<16xf32>
        %parallel_loop3A_378 = arith.index_cast %parallel_loop3A_276 : i32 to index
        %parallel_loop3A_379 = arith.constant 112 : index
        %parallel_loop3A_380 = tpu.vector_load %arg14[%parallel_loop3A_378, %parallel_loop3A_379] {strides = array<i32>} : memref<32x128xf32, #tpu.memory_space<vmem>>, vector<16xf32>,
        tpu.vector_store %arg14[%parallel_loop3A_378, %parallel_loop3A_379], %parallel_loop3A_377 {strides = array<i32>} : memref<32x128xf32, #tpu.memory_space<vmem>>, vector<16xf32>,
      } {sc.loop_unroll_factor = 4 : i64, sc.parallel_access}
      %dma_start3A_228 = arith.constant 0 : i32
      %dma_start3A_229 = arith.constant 0 : i32
      %dma_start3A_230 = tpu.memref_slice %arg24[%dma_start3A_228, %dma_start3A_229] : memref<10240x128xf32, #tpu.memory_space<vmem_shared>> -> memref<10240x128xf32, #tpu.memory_space<vmem_shared>>
      tpu.enqueue_indirect_dma source(%arg14 : memref<32x128xf32, #tpu.memory_space<vmem>>) target(%dma_start3A_230 : memref<10240x128xf32, #tpu.memory_space<vmem_shared>>) offsets(%arg22 : memref<32xi32, #tpu.memory_space<vmem>>) semaphore(%arg31 : memref<!tpu.dma_semaphore, #tpu.memory_space<semaphore_mem>>) {add = true}
      %add3A_231 = arith.constant 2 : i32
      %add3A_232 = arith.addi %add3A_211, %add3A_231 : i32
      %lt3A_233 = arith.cmpi slt, %add3A_232, %min3A_4 : i32
      %convert_element_type3A_234 = arith.extui %lt3A_233 : i1 to i32
      %cond3A_235 = arith.constant 0 : i32
      %cond3A_236 = arith.cmpi ne, %convert_element_type3A_234, %cond3A_235 : i32
      scf.if %cond3A_236 {
        %add3A_276 = arith.constant 1 : i32
        %add3A_277 = arith.addi %select_n3A, %add3A_276 : i32
        %get3A_278 = arith.index_cast %add3A_277 : i32 to index
        %get3A_279 = arith.constant 0 : index
        %get3A_280 = tpu.vector_load %arg7[%get3A_278, %get3A_279] {strides = array<i32>} : memref<80x128xi32, #tpu.memory_space<vmem>>, vector<16xi32>,
        %and3A_281 = arith.constant 65535 : i32
        %and3A_282 = vector.broadcast %and3A_281 : i32 to vector<16xi32>
        %and3A_283 = arith.andi %get3A_280, %and3A_282 : vector<16xi32>
        %swap3A_284 = arith.constant 0 : index
        %swap3A_285 = tpu.vector_load %arg16[%swap3A_284] {strides = array<i32>} : memref<32xi32, #tpu.memory_space<vmem>>, vector<16xi32>,
        tpu.vector_store %arg16[%swap3A_284], %and3A_283 {strides = array<i32>} : memref<32xi32, #tpu.memory_space<vmem>>, vector<16xi32>,
        %shift_right_logical3A_286 = arith.constant 16 : i32
        %shift_right_logical3A_287 = vector.broadcast %shift_right_logical3A_286 : i32 to vector<16xi32>
        %shift_right_logical3A_288 = arith.shrui %get3A_280, %shift_right_logical3A_287 : vector<16xi32>
        %swap3A_289 = arith.constant 0 : index
        %swap3A_290 = tpu.vector_load %arg20[%swap3A_289] {strides = array<i32>} : memref<32xi32, #tpu.memory_space<vmem>>, vector<16xi32>,
        tpu.vector_store %arg20[%swap3A_289], %shift_right_logical3A_288 {strides = array<i32>} : memref<32xi32, #tpu.memory_space<vmem>>, vector<16xi32>,
        %get3A_291 = arith.index_cast %add3A_277 : i32 to index
        %get3A_292 = arith.constant 16 : index
        %get3A_293 = tpu.vector_load %arg7[%get3A_291, %get3A_292] {strides = array<i32>} : memref<80x128xi32, #tpu.memory_space<vmem>>, vector<16xi32>,
        %and3A_294 = arith.constant 65535 : i32
        %and3A_295 = vector.broadcast %and3A_294 : i32 to vector<16xi32>
        %and3A_296 = arith.andi %get3A_293, %and3A_295 : vector<16xi32>
        %swap3A_297 = arith.constant 16 : index
        %swap3A_298 = tpu.vector_load %arg16[%swap3A_297] {strides = array<i32>} : memref<32xi32, #tpu.memory_space<vmem>>, vector<16xi32>,
        tpu.vector_store %arg16[%swap3A_297], %and3A_296 {strides = array<i32>} : memref<32xi32, #tpu.memory_space<vmem>>, vector<16xi32>,
        %shift_right_logical3A_299 = arith.constant 16 : i32
        %shift_right_logical3A_300 = vector.broadcast %shift_right_logical3A_299 : i32 to vector<16xi32>
        %shift_right_logical3A_301 = arith.shrui %get3A_293, %shift_right_logical3A_300 : vector<16xi32>
        %swap3A_302 = arith.constant 16 : index
        %swap3A_303 = tpu.vector_load %arg20[%swap3A_302] {strides = array<i32>} : memref<32xi32, #tpu.memory_space<vmem>>, vector<16xi32>,
        tpu.vector_store %arg20[%swap3A_302], %shift_right_logical3A_301 {strides = array<i32>} : memref<32xi32, #tpu.memory_space<vmem>>, vector<16xi32>,
        %dma_start3A_304 = arith.constant 0 : i32
        %dma_start3A_305 = arith.constant 0 : i32
        %dma_start3A_306 = tpu.memref_slice %arg2[%dma_start3A_304, %dma_start3A_305] : memref<10000x64xi32, #tpu.memory_space<hbm>> -> memref<10000x64xi32, #tpu.memory_space<hbm>>
        tpu.enqueue_indirect_dma source(%dma_start3A_306 : memref<10000x64xi32, #tpu.memory_space<hbm>>) target(%arg8 : memref<32x64xi32, #tpu.memory_space<vmem>>) offsets(%arg16 : memref<32xi32, #tpu.memory_space<vmem>>) semaphore(%arg25 : memref<!tpu.dma_semaphore, #tpu.memory_space<semaphore_mem>>)
      } else {
      }
      %add3A_237 = arith.constant 4 : i32
      %add3A_238 = arith.addi %add3A_211, %add3A_237 : i32
      %lt3A_239 = arith.cmpi slt, %add3A_238, %min3A_4 : i32
      %convert_element_type3A_240 = arith.extui %lt3A_239 : i1 to i32
      %cond3A_241 = arith.constant 0 : i32
      %cond3A_242 = arith.cmpi ne, %convert_element_type3A_240, %cond3A_241 : i32
      scf.if %cond3A_242 {
        %add3A_276 = arith.constant 4 : i32
        %add3A_277 = arith.addi %add3A_211, %add3A_276 : i32
        %add3A_278 = arith.addi %mul3A_2, %add3A_277 : i32
        %mul3A_279 = arith.constant 32 : i32
        %mul3A_280 = arith.muli %add3A_278, %mul3A_279 : i32
        %dma_start3A_281 = arith.constant 0 : i32
        %dma_start3A_282 = tpu.memref_slice %arg4[%mul3A_280, %dma_start3A_281] : memref<320000x128xf32, #tpu.memory_space<hbm>> -> memref<32x128xf32, #tpu.memory_space<hbm>>
        %dma_start3A_283 = arith.constant 0 : i32
        %dma_start3A_284 = tpu.memref_slice %arg4[%mul3A_280, %dma_start3A_283] : memref<320000x128xf32, #tpu.memory_space<hbm>> -> memref<32x128xf32, #tpu.memory_space<hbm>>
        tpu.enqueue_dma source(%dma_start3A_284 : memref<32x128xf32, #tpu.memory_space<hbm>>) target(%arg12 : memref<32x128xf32, #tpu.memory_space<vmem>>) target_semaphore(%arg29 : memref<!tpu.dma_semaphore, #tpu.memory_space<semaphore_mem>>)
      } else {
      }
      %add3A_243 = arith.constant 3 : i32
      %add3A_244 = arith.addi %add3A_125, %add3A_243 : i32
      %dma_wait3A_245 = arith.constant 0 : i32
      %dma_wait3A_246 = arith.constant 0 : i32
      %dma_wait3A_247 = tpu.memref_slice %arg24[%dma_wait3A_245, %dma_wait3A_246] : memref<10240x128xf32, #tpu.memory_space<vmem_shared>> -> memref<10240x128xf32, #tpu.memory_space<vmem_shared>>
      tpu.wait_indirect_dma semaphore(%arg32 : memref<!tpu.dma_semaphore, #tpu.memory_space<semaphore_mem>>) src(%arg15 : memref<32x128xf32, #tpu.memory_space<vmem>>) dst(%dma_wait3A_247 : memref<10240x128xf32, #tpu.memory_space<vmem_shared>>)
      %dma_wait3A_248 = arith.constant 0 : i32
      %dma_wait3A_249 = arith.constant 0 : i32
      %dma_wait3A_250 = tpu.memref_slice %arg2[%dma_wait3A_248, %dma_wait3A_249] : memref<10000x64xi32, #tpu.memory_space<hbm>> -> memref<10000x64xi32, #tpu.memory_space<hbm>>
      tpu.wait_indirect_dma semaphore(%arg26 : memref<!tpu.dma_semaphore, #tpu.memory_space<semaphore_mem>>) src(%dma_wait3A_250 : memref<10000x64xi32, #tpu.memory_space<hbm>>) dst(%arg9 : memref<32x64xi32, #tpu.memory_space<vmem>>)
      %add3A_251 = arith.addi %mul3A_2, %add3A_244 : i32
      %mul3A_252 = arith.constant 32 : i32
      %mul3A_253 = arith.muli %add3A_251, %mul3A_252 : i32
      %dma_wait3A_254 = arith.constant 0 : i32
      %dma_wait3A_255 = tpu.memref_slice %arg4[%mul3A_253, %dma_wait3A_254] : memref<320000x128xf32, #tpu.memory_space<hbm>> -> memref<32x128xf32, #tpu.memory_space<hbm>>
      %dma_wait3A_256 = arith.constant 0 : i32
      %dma_wait3A_257 = tpu.memref_slice %arg4[%mul3A_253, %dma_wait3A_256] : memref<320000x128xf32, #tpu.memory_space<hbm>> -> memref<32x128xf32, #tpu.memory_space<hbm>>
      tpu.wait_dma2 semaphore(%arg30 : memref<!tpu.dma_semaphore, #tpu.memory_space<semaphore_mem>>) src(%dma_wait3A_257 : memref<32x128xf32, #tpu.memory_space<hbm>>) dst(%arg13 : memref<32x128xf32, #tpu.memory_space<vmem>>)
      %parallel_loop3A_258 = arith.constant 0 : i32
      %parallel_loop3A_259 = arith.constant 32 : i32
      %parallel_loop3A_260 = arith.constant 1 : i32
      scf.for %parallel_loop3A_276 = %parallel_loop3A_258 to %parallel_loop3A_259 step %parallel_loop3A_260  : i32 {
        %parallel_loop3A_277 = arith.index_cast %parallel_loop3A_276 : i32 to index
        %parallel_loop3A_278 = arith.constant 0 : index
        %parallel_loop3A_279 = tpu.vector_load %arg9[%parallel_loop3A_277, %parallel_loop3A_278] {strides = array<i32>} : memref<32x64xi32, #tpu.memory_space<vmem>>, vector<16xi32>,
        %parallel_loop3A_280 = vector.bitcast %parallel_loop3A_279 : vector<16xi32> to vector<32xbf16>
        %parallel_loop3A_281 = tpu.unpack_subelements %parallel_loop3A_280, 0 {pack_format = #tpu.pack_format<interleaved>} : vector<32xbf16> -> vector<16xf32>
        %parallel_loop3A_282 = tpu.unpack_subelements %parallel_loop3A_280, 1 {pack_format = #tpu.pack_format<interleaved>} : vector<32xbf16> -> vector<16xf32>
        %parallel_loop3A_283 = arith.index_cast %parallel_loop3A_276 : i32 to index
        %parallel_loop3A_284 = arith.constant 0 : index
        %parallel_loop3A_285 = tpu.vector_load %arg13[%parallel_loop3A_283, %parallel_loop3A_284] {strides = array<i32>} : memref<32x128xf32, #tpu.memory_space<vmem>>, vector<16xf32>,
        %parallel_loop3A_286 = arith.addf %parallel_loop3A_281, %parallel_loop3A_285 : vector<16xf32>
        %parallel_loop3A_287 = arith.constant 0.000000e+00 : f32
        %parallel_loop3A_288 = vector.broadcast %parallel_loop3A_287 : f32 to vector<16xf32>
        %parallel_loop3A_289 = arith.maximumf %parallel_loop3A_286, %parallel_loop3A_288 : vector<16xf32>
        %parallel_loop3A_290 = arith.index_cast %parallel_loop3A_276 : i32 to index
        %parallel_loop3A_291 = arith.constant 0 : index
        %parallel_loop3A_292 = tpu.vector_load %arg15[%parallel_loop3A_290, %parallel_loop3A_291] {strides = array<i32>} : memref<32x128xf32, #tpu.memory_space<vmem>>, vector<16xf32>,
        tpu.vector_store %arg15[%parallel_loop3A_290, %parallel_loop3A_291], %parallel_loop3A_289 {strides = array<i32>} : memref<32x128xf32, #tpu.memory_space<vmem>>, vector<16xf32>,
        %parallel_loop3A_293 = arith.index_cast %parallel_loop3A_276 : i32 to index
        %parallel_loop3A_294 = arith.constant 16 : index
        %parallel_loop3A_295 = tpu.vector_load %arg13[%parallel_loop3A_293, %parallel_loop3A_294] {strides = array<i32>} : memref<32x128xf32, #tpu.memory_space<vmem>>, vector<16xf32>,
        %parallel_loop3A_296 = arith.addf %parallel_loop3A_282, %parallel_loop3A_295 : vector<16xf32>
        %parallel_loop3A_297 = arith.constant 0.000000e+00 : f32
        %parallel_loop3A_298 = vector.broadcast %parallel_loop3A_297 : f32 to vector<16xf32>
        %parallel_loop3A_299 = arith.maximumf %parallel_loop3A_296, %parallel_loop3A_298 : vector<16xf32>
        %parallel_loop3A_300 = arith.index_cast %parallel_loop3A_276 : i32 to index
        %parallel_loop3A_301 = arith.constant 16 : index
        %parallel_loop3A_302 = tpu.vector_load %arg15[%parallel_loop3A_300, %parallel_loop3A_301] {strides = array<i32>} : memref<32x128xf32, #tpu.memory_space<vmem>>, vector<16xf32>,
        tpu.vector_store %arg15[%parallel_loop3A_300, %parallel_loop3A_301], %parallel_loop3A_299 {strides = array<i32>} : memref<32x128xf32, #tpu.memory_space<vmem>>, vector<16xf32>,
        %parallel_loop3A_303 = arith.index_cast %parallel_loop3A_276 : i32 to index
        %parallel_loop3A_304 = arith.constant 16 : index
        %parallel_loop3A_305 = tpu.vector_load %arg9[%parallel_loop3A_303, %parallel_loop3A_304] {strides = array<i32>} : memref<32x64xi32, #tpu.memory_space<vmem>>, vector<16xi32>,
        %parallel_loop3A_306 = vector.bitcast %parallel_loop3A_305 : vector<16xi32> to vector<32xbf16>
        %parallel_loop3A_307 = tpu.unpack_subelements %parallel_loop3A_306, 0 {pack_format = #tpu.pack_format<interleaved>} : vector<32xbf16> -> vector<16xf32>
        %parallel_loop3A_308 = tpu.unpack_subelements %parallel_loop3A_306, 1 {pack_format = #tpu.pack_format<interleaved>} : vector<32xbf16> -> vector<16xf32>
        %parallel_loop3A_309 = arith.index_cast %parallel_loop3A_276 : i32 to index
        %parallel_loop3A_310 = arith.constant 32 : index
        %parallel_loop3A_311 = tpu.vector_load %arg13[%parallel_loop3A_309, %parallel_loop3A_310] {strides = array<i32>} : memref<32x128xf32, #tpu.memory_space<vmem>>, vector<16xf32>,
        %parallel_loop3A_312 = arith.addf %parallel_loop3A_307, %parallel_loop3A_311 : vector<16xf32>
        %parallel_loop3A_313 = arith.constant 0.000000e+00 : f32
        %parallel_loop3A_314 = vector.broadcast %parallel_loop3A_313 : f32 to vector<16xf32>
        %parallel_loop3A_315 = arith.maximumf %parallel_loop3A_312, %parallel_loop3A_314 : vector<16xf32>
        %parallel_loop3A_316 = arith.index_cast %parallel_loop3A_276 : i32 to index
        %parallel_loop3A_317 = arith.constant 32 : index
        %parallel_loop3A_318 = tpu.vector_load %arg15[%parallel_loop3A_316, %parallel_loop3A_317] {strides = array<i32>} : memref<32x128xf32, #tpu.memory_space<vmem>>, vector<16xf32>,
        tpu.vector_store %arg15[%parallel_loop3A_316, %parallel_loop3A_317], %parallel_loop3A_315 {strides = array<i32>} : memref<32x128xf32, #tpu.memory_space<vmem>>, vector<16xf32>,
        %parallel_loop3A_319 = arith.index_cast %parallel_loop3A_276 : i32 to index
        %parallel_loop3A_320 = arith.constant 48 : index
        %parallel_loop3A_321 = tpu.vector_load %arg13[%parallel_loop3A_319, %parallel_loop3A_320] {strides = array<i32>} : memref<32x128xf32, #tpu.memory_space<vmem>>, vector<16xf32>,
        %parallel_loop3A_322 = arith.addf %parallel_loop3A_308, %parallel_loop3A_321 : vector<16xf32>
        %parallel_loop3A_323 = arith.constant 0.000000e+00 : f32
        %parallel_loop3A_324 = vector.broadcast %parallel_loop3A_323 : f32 to vector<16xf32>
        %parallel_loop3A_325 = arith.maximumf %parallel_loop3A_322, %parallel_loop3A_324 : vector<16xf32>
        %parallel_loop3A_326 = arith.index_cast %parallel_loop3A_276 : i32 to index
        %parallel_loop3A_327 = arith.constant 48 : index
        %parallel_loop3A_328 = tpu.vector_load %arg15[%parallel_loop3A_326, %parallel_loop3A_327] {strides = array<i32>} : memref<32x128xf32, #tpu.memory_space<vmem>>, vector<16xf32>,
        tpu.vector_store %arg15[%parallel_loop3A_326, %parallel_loop3A_327], %parallel_loop3A_325 {strides = array<i32>} : memref<32x128xf32, #tpu.memory_space<vmem>>, vector<16xf32>,
        %parallel_loop3A_329 = arith.index_cast %parallel_loop3A_276 : i32 to index
        %parallel_loop3A_330 = arith.constant 32 : index
        %parallel_loop3A_331 = tpu.vector_load %arg9[%parallel_loop3A_329, %parallel_loop3A_330] {strides = array<i32>} : memref<32x64xi32, #tpu.memory_space<vmem>>, vector<16xi32>,
        %parallel_loop3A_332 = vector.bitcast %parallel_loop3A_331 : vector<16xi32> to vector<32xbf16>
        %parallel_loop3A_333 = tpu.unpack_subelements %parallel_loop3A_332, 0 {pack_format = #tpu.pack_format<interleaved>} : vector<32xbf16> -> vector<16xf32>
        %parallel_loop3A_334 = tpu.unpack_subelements %parallel_loop3A_332, 1 {pack_format = #tpu.pack_format<interleaved>} : vector<32xbf16> -> vector<16xf32>
        %parallel_loop3A_335 = arith.index_cast %parallel_loop3A_276 : i32 to index
        %parallel_loop3A_336 = arith.constant 64 : index
        %parallel_loop3A_337 = tpu.vector_load %arg13[%parallel_loop3A_335, %parallel_loop3A_336] {strides = array<i32>} : memref<32x128xf32, #tpu.memory_space<vmem>>, vector<16xf32>,
        %parallel_loop3A_338 = arith.addf %parallel_loop3A_333, %parallel_loop3A_337 : vector<16xf32>
        %parallel_loop3A_339 = arith.constant 0.000000e+00 : f32
        %parallel_loop3A_340 = vector.broadcast %parallel_loop3A_339 : f32 to vector<16xf32>
        %parallel_loop3A_341 = arith.maximumf %parallel_loop3A_338, %parallel_loop3A_340 : vector<16xf32>
        %parallel_loop3A_342 = arith.index_cast %parallel_loop3A_276 : i32 to index
        %parallel_loop3A_343 = arith.constant 64 : index
        %parallel_loop3A_344 = tpu.vector_load %arg15[%parallel_loop3A_342, %parallel_loop3A_343] {strides = array<i32>} : memref<32x128xf32, #tpu.memory_space<vmem>>, vector<16xf32>,
        tpu.vector_store %arg15[%parallel_loop3A_342, %parallel_loop3A_343], %parallel_loop3A_341 {strides = array<i32>} : memref<32x128xf32, #tpu.memory_space<vmem>>, vector<16xf32>,
        %parallel_loop3A_345 = arith.index_cast %parallel_loop3A_276 : i32 to index
        %parallel_loop3A_346 = arith.constant 80 : index
        %parallel_loop3A_347 = tpu.vector_load %arg13[%parallel_loop3A_345, %parallel_loop3A_346] {strides = array<i32>} : memref<32x128xf32, #tpu.memory_space<vmem>>, vector<16xf32>,
        %parallel_loop3A_348 = arith.addf %parallel_loop3A_334, %parallel_loop3A_347 : vector<16xf32>
        %parallel_loop3A_349 = arith.constant 0.000000e+00 : f32
        %parallel_loop3A_350 = vector.broadcast %parallel_loop3A_349 : f32 to vector<16xf32>
        %parallel_loop3A_351 = arith.maximumf %parallel_loop3A_348, %parallel_loop3A_350 : vector<16xf32>
        %parallel_loop3A_352 = arith.index_cast %parallel_loop3A_276 : i32 to index
        %parallel_loop3A_353 = arith.constant 80 : index
        %parallel_loop3A_354 = tpu.vector_load %arg15[%parallel_loop3A_352, %parallel_loop3A_353] {strides = array<i32>} : memref<32x128xf32, #tpu.memory_space<vmem>>, vector<16xf32>,
        tpu.vector_store %arg15[%parallel_loop3A_352, %parallel_loop3A_353], %parallel_loop3A_351 {strides = array<i32>} : memref<32x128xf32, #tpu.memory_space<vmem>>, vector<16xf32>,
        %parallel_loop3A_355 = arith.index_cast %parallel_loop3A_276 : i32 to index
        %parallel_loop3A_356 = arith.constant 48 : index
        %parallel_loop3A_357 = tpu.vector_load %arg9[%parallel_loop3A_355, %parallel_loop3A_356] {strides = array<i32>} : memref<32x64xi32, #tpu.memory_space<vmem>>, vector<16xi32>,
        %parallel_loop3A_358 = vector.bitcast %parallel_loop3A_357 : vector<16xi32> to vector<32xbf16>
        %parallel_loop3A_359 = tpu.unpack_subelements %parallel_loop3A_358, 0 {pack_format = #tpu.pack_format<interleaved>} : vector<32xbf16> -> vector<16xf32>
        %parallel_loop3A_360 = tpu.unpack_subelements %parallel_loop3A_358, 1 {pack_format = #tpu.pack_format<interleaved>} : vector<32xbf16> -> vector<16xf32>
        %parallel_loop3A_361 = arith.index_cast %parallel_loop3A_276 : i32 to index
        %parallel_loop3A_362 = arith.constant 96 : index
        %parallel_loop3A_363 = tpu.vector_load %arg13[%parallel_loop3A_361, %parallel_loop3A_362] {strides = array<i32>} : memref<32x128xf32, #tpu.memory_space<vmem>>, vector<16xf32>,
        %parallel_loop3A_364 = arith.addf %parallel_loop3A_359, %parallel_loop3A_363 : vector<16xf32>
        %parallel_loop3A_365 = arith.constant 0.000000e+00 : f32
        %parallel_loop3A_366 = vector.broadcast %parallel_loop3A_365 : f32 to vector<16xf32>
        %parallel_loop3A_367 = arith.maximumf %parallel_loop3A_364, %parallel_loop3A_366 : vector<16xf32>
        %parallel_loop3A_368 = arith.index_cast %parallel_loop3A_276 : i32 to index
        %parallel_loop3A_369 = arith.constant 96 : index
        %parallel_loop3A_370 = tpu.vector_load %arg15[%parallel_loop3A_368, %parallel_loop3A_369] {strides = array<i32>} : memref<32x128xf32, #tpu.memory_space<vmem>>, vector<16xf32>,
        tpu.vector_store %arg15[%parallel_loop3A_368, %parallel_loop3A_369], %parallel_loop3A_367 {strides = array<i32>} : memref<32x128xf32, #tpu.memory_space<vmem>>, vector<16xf32>,
        %parallel_loop3A_371 = arith.index_cast %parallel_loop3A_276 : i32 to index
        %parallel_loop3A_372 = arith.constant 112 : index
        %parallel_loop3A_373 = tpu.vector_load %arg13[%parallel_loop3A_371, %parallel_loop3A_372] {strides = array<i32>} : memref<32x128xf32, #tpu.memory_space<vmem>>, vector<16xf32>,
        %parallel_loop3A_374 = arith.addf %parallel_loop3A_360, %parallel_loop3A_373 : vector<16xf32>
        %parallel_loop3A_375 = arith.constant 0.000000e+00 : f32
        %parallel_loop3A_376 = vector.broadcast %parallel_loop3A_375 : f32 to vector<16xf32>
        %parallel_loop3A_377 = arith.maximumf %parallel_loop3A_374, %parallel_loop3A_376 : vector<16xf32>
        %parallel_loop3A_378 = arith.index_cast %parallel_loop3A_276 : i32 to index
        %parallel_loop3A_379 = arith.constant 112 : index
        %parallel_loop3A_380 = tpu.vector_load %arg15[%parallel_loop3A_378, %parallel_loop3A_379] {strides = array<i32>} : memref<32x128xf32, #tpu.memory_space<vmem>>, vector<16xf32>,
        tpu.vector_store %arg15[%parallel_loop3A_378, %parallel_loop3A_379], %parallel_loop3A_377 {strides = array<i32>} : memref<32x128xf32, #tpu.memory_space<vmem>>, vector<16xf32>,
      } {sc.loop_unroll_factor = 4 : i64, sc.parallel_access}
      %dma_start3A_261 = arith.constant 0 : i32
      %dma_start3A_262 = arith.constant 0 : i32
      %dma_start3A_263 = tpu.memref_slice %arg24[%dma_start3A_261, %dma_start3A_262] : memref<10240x128xf32, #tpu.memory_space<vmem_shared>> -> memref<10240x128xf32, #tpu.memory_space<vmem_shared>>
      tpu.enqueue_indirect_dma source(%arg15 : memref<32x128xf32, #tpu.memory_space<vmem>>) target(%dma_start3A_263 : memref<10240x128xf32, #tpu.memory_space<vmem_shared>>) offsets(%arg23 : memref<32xi32, #tpu.memory_space<vmem>>) semaphore(%arg32 : memref<!tpu.dma_semaphore, #tpu.memory_space<semaphore_mem>>) {add = true}
      %add3A_264 = arith.constant 2 : i32
      %add3A_265 = arith.addi %add3A_244, %add3A_264 : i32
      %lt3A_266 = arith.cmpi slt, %add3A_265, %min3A_4 : i32
      %convert_element_type3A_267 = arith.extui %lt3A_266 : i1 to i32
      %cond3A_268 = arith.constant 0 : i32
      %cond3A_269 = arith.cmpi ne, %convert_element_type3A_267, %cond3A_268 : i32
      scf.if %cond3A_269 {
        %add3A_276 = arith.constant 1 : i32
        %add3A_277 = arith.addi %select_n3A, %add3A_276 : i32
        %get3A_278 = arith.index_cast %add3A_277 : i32 to index
        %get3A_279 = arith.constant 32 : index
        %get3A_280 = tpu.vector_load %arg7[%get3A_278, %get3A_279] {strides = array<i32>} : memref<80x128xi32, #tpu.memory_space<vmem>>, vector<16xi32>,
        %and3A_281 = arith.constant 65535 : i32
        %and3A_282 = vector.broadcast %and3A_281 : i32 to vector<16xi32>
        %and3A_283 = arith.andi %get3A_280, %and3A_282 : vector<16xi32>
        %swap3A_284 = arith.constant 0 : index
        %swap3A_285 = tpu.vector_load %arg17[%swap3A_284] {strides = array<i32>} : memref<32xi32, #tpu.memory_space<vmem>>, vector<16xi32>,
        tpu.vector_store %arg17[%swap3A_284], %and3A_283 {strides = array<i32>} : memref<32xi32, #tpu.memory_space<vmem>>, vector<16xi32>,
        %shift_right_logical3A_286 = arith.constant 16 : i32
        %shift_right_logical3A_287 = vector.broadcast %shift_right_logical3A_286 : i32 to vector<16xi32>
        %shift_right_logical3A_288 = arith.shrui %get3A_280, %shift_right_logical3A_287 : vector<16xi32>
        %swap3A_289 = arith.constant 0 : index
        %swap3A_290 = tpu.vector_load %arg21[%swap3A_289] {strides = array<i32>} : memref<32xi32, #tpu.memory_space<vmem>>, vector<16xi32>,
        tpu.vector_store %arg21[%swap3A_289], %shift_right_logical3A_288 {strides = array<i32>} : memref<32xi32, #tpu.memory_space<vmem>>, vector<16xi32>,
        %get3A_291 = arith.index_cast %add3A_277 : i32 to index
        %get3A_292 = arith.constant 48 : index
        %get3A_293 = tpu.vector_load %arg7[%get3A_291, %get3A_292] {strides = array<i32>} : memref<80x128xi32, #tpu.memory_space<vmem>>, vector<16xi32>,
        %and3A_294 = arith.constant 65535 : i32
        %and3A_295 = vector.broadcast %and3A_294 : i32 to vector<16xi32>
        %and3A_296 = arith.andi %get3A_293, %and3A_295 : vector<16xi32>
        %swap3A_297 = arith.constant 16 : index
        %swap3A_298 = tpu.vector_load %arg17[%swap3A_297] {strides = array<i32>} : memref<32xi32, #tpu.memory_space<vmem>>, vector<16xi32>,
        tpu.vector_store %arg17[%swap3A_297], %and3A_296 {strides = array<i32>} : memref<32xi32, #tpu.memory_space<vmem>>, vector<16xi32>,
        %shift_right_logical3A_299 = arith.constant 16 : i32
        %shift_right_logical3A_300 = vector.broadcast %shift_right_logical3A_299 : i32 to vector<16xi32>
        %shift_right_logical3A_301 = arith.shrui %get3A_293, %shift_right_logical3A_300 : vector<16xi32>
        %swap3A_302 = arith.constant 16 : index
        %swap3A_303 = tpu.vector_load %arg21[%swap3A_302] {strides = array<i32>} : memref<32xi32, #tpu.memory_space<vmem>>, vector<16xi32>,
        tpu.vector_store %arg21[%swap3A_302], %shift_right_logical3A_301 {strides = array<i32>} : memref<32xi32, #tpu.memory_space<vmem>>, vector<16xi32>,
        %dma_start3A_304 = arith.constant 0 : i32
        %dma_start3A_305 = arith.constant 0 : i32
        %dma_start3A_306 = tpu.memref_slice %arg2[%dma_start3A_304, %dma_start3A_305] : memref<10000x64xi32, #tpu.memory_space<hbm>> -> memref<10000x64xi32, #tpu.memory_space<hbm>>
        tpu.enqueue_indirect_dma source(%dma_start3A_306 : memref<10000x64xi32, #tpu.memory_space<hbm>>) target(%arg9 : memref<32x64xi32, #tpu.memory_space<vmem>>) offsets(%arg17 : memref<32xi32, #tpu.memory_space<vmem>>) semaphore(%arg26 : memref<!tpu.dma_semaphore, #tpu.memory_space<semaphore_mem>>)
      } else {
      }
      %add3A_270 = arith.constant 4 : i32
      %add3A_271 = arith.addi %add3A_244, %add3A_270 : i32
      %lt3A_272 = arith.cmpi slt, %add3A_271, %min3A_4 : i32
      %convert_element_type3A_273 = arith.extui %lt3A_272 : i1 to i32
      %cond3A_274 = arith.constant 0 : i32
      %cond3A_275 = arith.cmpi ne, %convert_element_type3A_273, %cond3A_274 : i32
      scf.if %cond3A_275 {
        %add3A_276 = arith.constant 4 : i32
        %add3A_277 = arith.addi %add3A_244, %add3A_276 : i32
        %add3A_278 = arith.addi %mul3A_2, %add3A_277 : i32
        %mul3A_279 = arith.constant 32 : i32
        %mul3A_280 = arith.muli %add3A_278, %mul3A_279 : i32
        %dma_start3A_281 = arith.constant 0 : i32
        %dma_start3A_282 = tpu.memref_slice %arg4[%mul3A_280, %dma_start3A_281] : memref<320000x128xf32, #tpu.memory_space<hbm>> -> memref<32x128xf32, #tpu.memory_space<hbm>>
        %dma_start3A_283 = arith.constant 0 : i32
        %dma_start3A_284 = tpu.memref_slice %arg4[%mul3A_280, %dma_start3A_283] : memref<320000x128xf32, #tpu.memory_space<hbm>> -> memref<32x128xf32, #tpu.memory_space<hbm>>
        tpu.enqueue_dma source(%dma_start3A_284 : memref<32x128xf32, #tpu.memory_space<hbm>>) target(%arg13 : memref<32x128xf32, #tpu.memory_space<vmem>>) target_semaphore(%arg30 : memref<!tpu.dma_semaphore, #tpu.memory_space<semaphore_mem>>)
      } else {
      }
    }
    %while3A_114 = arith.constant 1 : i32
    scf.for %while3A_123 = %while3A_112 to %while3A_108 step %while3A_114  : i32 {
      %mul3A_124 = arith.muli %while3A_123, %while3A : i32
      %add3A_125 = arith.addi %while3A_105, %mul3A_124 : i32
      %jit3A = arith.constant 4 : i32
      %div3A_126 = arith.divsi %add3A_125, %jit3A : i32
      %sign3A = arith.constant 0 : i32
      %sign3A_127 = arith.cmpi sgt, %add3A_125, %sign3A : i32
      %sign3A_128 = arith.extui %sign3A_127 : i1 to i32
      %sign3A_129 = arith.constant 0 : i32
      %sign3A_130 = arith.cmpi slt, %add3A_125, %sign3A_129 : i32
      %sign3A_131 = arith.extui %sign3A_130 : i1 to i32
      %sign3A_132 = arith.subi %sign3A_128, %sign3A_131 : i32
      %sign3A_133 = arith.constant 0 : i32
      %sign3A_134 = arith.cmpi sgt, %jit3A, %sign3A_133 : i32
      %sign3A_135 = arith.extui %sign3A_134 : i1 to i32
      %sign3A_136 = arith.constant 0 : i32
      %sign3A_137 = arith.cmpi slt, %jit3A, %sign3A_136 : i32
      %sign3A_138 = arith.extui %sign3A_137 : i1 to i32
      %sign3A_139 = arith.subi %sign3A_135, %sign3A_138 : i32
      %ne3A = arith.cmpi ne, %sign3A_132, %sign3A_139 : i32
      %rem3A = arith.remsi %add3A_125, %jit3A : i32
      %ne3A_140 = arith.constant 0 : i32
      %ne3A_141 = arith.cmpi ne, %rem3A, %ne3A_140 : i32
      %and3A_142 = arith.andi %ne3A, %ne3A_141 : i1
      %sub3A_143 = arith.constant 1 : i32
      %sub3A_144 = arith.subi %div3A_126, %sub3A_143 : i32
      %select_n3A = arith.select %and3A_142, %sub3A_144, %div3A_126 : i32
      %add3A_145 = arith.constant 0 : i32
      %add3A_146 = arith.addi %add3A_125, %add3A_145 : i32
      %ge3A = arith.constant 2 : i32
      %ge3A_147 = arith.cmpi sge, %add3A_146, %ge3A : i32
      %convert_element_type3A = arith.extui %ge3A_147 : i1 to i32
      %cond3A = arith.constant 0 : i32
      %cond3A_148 = arith.cmpi ne, %convert_element_type3A, %cond3A : i32
      scf.if %cond3A_148 {
        %dma_wait3A_276 = arith.constant 0 : i32
        %dma_wait3A_277 = arith.constant 0 : i32
        %dma_wait3A_278 = tpu.memref_slice %arg24[%dma_wait3A_276, %dma_wait3A_277] : memref<10240x128xf32, #tpu.memory_space<vmem_shared>> -> memref<10240x128xf32, #tpu.memory_space<vmem_shared>>
        tpu.wait_indirect_dma semaphore(%arg31 : memref<!tpu.dma_semaphore, #tpu.memory_space<semaphore_mem>>) src(%arg14 : memref<32x128xf32, #tpu.memory_space<vmem>>) dst(%dma_wait3A_278 : memref<10240x128xf32, #tpu.memory_space<vmem_shared>>)
      } else {
      }
      %dma_wait3A_149 = arith.constant 0 : i32
      %dma_wait3A_150 = arith.constant 0 : i32
      %dma_wait3A_151 = tpu.memref_slice %arg2[%dma_wait3A_149, %dma_wait3A_150] : memref<10000x64xi32, #tpu.memory_space<hbm>> -> memref<10000x64xi32, #tpu.memory_space<hbm>>
      tpu.wait_indirect_dma semaphore(%arg25 : memref<!tpu.dma_semaphore, #tpu.memory_space<semaphore_mem>>) src(%dma_wait3A_151 : memref<10000x64xi32, #tpu.memory_space<hbm>>) dst(%arg8 : memref<32x64xi32, #tpu.memory_space<vmem>>)
      %add3A_152 = arith.addi %mul3A_2, %add3A_146 : i32
      %mul3A_153 = arith.constant 32 : i32
      %mul3A_154 = arith.muli %add3A_152, %mul3A_153 : i32
      %dma_wait3A_155 = arith.constant 0 : i32
      %dma_wait3A_156 = tpu.memref_slice %arg4[%mul3A_154, %dma_wait3A_155] : memref<320000x128xf32, #tpu.memory_space<hbm>> -> memref<32x128xf32, #tpu.memory_space<hbm>>
      %dma_wait3A_157 = arith.constant 0 : i32
      %dma_wait3A_158 = tpu.memref_slice %arg4[%mul3A_154, %dma_wait3A_157] : memref<320000x128xf32, #tpu.memory_space<hbm>> -> memref<32x128xf32, #tpu.memory_space<hbm>>
      tpu.wait_dma2 semaphore(%arg27 : memref<!tpu.dma_semaphore, #tpu.memory_space<semaphore_mem>>) src(%dma_wait3A_158 : memref<32x128xf32, #tpu.memory_space<hbm>>) dst(%arg10 : memref<32x128xf32, #tpu.memory_space<vmem>>)
      %parallel_loop3A = arith.constant 0 : i32
      %parallel_loop3A_159 = arith.constant 32 : i32
      %parallel_loop3A_160 = arith.constant 1 : i32
      scf.for %parallel_loop3A_276 = %parallel_loop3A to %parallel_loop3A_159 step %parallel_loop3A_160  : i32 {
        %parallel_loop3A_277 = arith.index_cast %parallel_loop3A_276 : i32 to index
        %parallel_loop3A_278 = arith.constant 0 : index
        %parallel_loop3A_279 = tpu.vector_load %arg8[%parallel_loop3A_277, %parallel_loop3A_278] {strides = array<i32>} : memref<32x64xi32, #tpu.memory_space<vmem>>, vector<16xi32>,
        %parallel_loop3A_280 = vector.bitcast %parallel_loop3A_279 : vector<16xi32> to vector<32xbf16>
        %parallel_loop3A_281 = tpu.unpack_subelements %parallel_loop3A_280, 0 {pack_format = #tpu.pack_format<interleaved>} : vector<32xbf16> -> vector<16xf32>
        %parallel_loop3A_282 = tpu.unpack_subelements %parallel_loop3A_280, 1 {pack_format = #tpu.pack_format<interleaved>} : vector<32xbf16> -> vector<16xf32>
        %parallel_loop3A_283 = arith.index_cast %parallel_loop3A_276 : i32 to index
        %parallel_loop3A_284 = arith.constant 0 : index
        %parallel_loop3A_285 = tpu.vector_load %arg10[%parallel_loop3A_283, %parallel_loop3A_284] {strides = array<i32>} : memref<32x128xf32, #tpu.memory_space<vmem>>, vector<16xf32>,
        %parallel_loop3A_286 = arith.addf %parallel_loop3A_281, %parallel_loop3A_285 : vector<16xf32>
        %parallel_loop3A_287 = arith.constant 0.000000e+00 : f32
        %parallel_loop3A_288 = vector.broadcast %parallel_loop3A_287 : f32 to vector<16xf32>
        %parallel_loop3A_289 = arith.maximumf %parallel_loop3A_286, %parallel_loop3A_288 : vector<16xf32>
        %parallel_loop3A_290 = arith.index_cast %parallel_loop3A_276 : i32 to index
        %parallel_loop3A_291 = arith.constant 0 : index
        %parallel_loop3A_292 = tpu.vector_load %arg14[%parallel_loop3A_290, %parallel_loop3A_291] {strides = array<i32>} : memref<32x128xf32, #tpu.memory_space<vmem>>, vector<16xf32>,
        tpu.vector_store %arg14[%parallel_loop3A_290, %parallel_loop3A_291], %parallel_loop3A_289 {strides = array<i32>} : memref<32x128xf32, #tpu.memory_space<vmem>>, vector<16xf32>,
        %parallel_loop3A_293 = arith.index_cast %parallel_loop3A_276 : i32 to index
        %parallel_loop3A_294 = arith.constant 16 : index
        %parallel_loop3A_295 = tpu.vector_load %arg10[%parallel_loop3A_293, %parallel_loop3A_294] {strides = array<i32>} : memref<32x128xf32, #tpu.memory_space<vmem>>, vector<16xf32>,
        %parallel_loop3A_296 = arith.addf %parallel_loop3A_282, %parallel_loop3A_295 : vector<16xf32>
        %parallel_loop3A_297 = arith.constant 0.000000e+00 : f32
        %parallel_loop3A_298 = vector.broadcast %parallel_loop3A_297 : f32 to vector<16xf32>
        %parallel_loop3A_299 = arith.maximumf %parallel_loop3A_296, %parallel_loop3A_298 : vector<16xf32>
        %parallel_loop3A_300 = arith.index_cast %parallel_loop3A_276 : i32 to index
        %parallel_loop3A_301 = arith.constant 16 : index
        %parallel_loop3A_302 = tpu.vector_load %arg14[%parallel_loop3A_300, %parallel_loop3A_301] {strides = array<i32>} : memref<32x128xf32, #tpu.memory_space<vmem>>, vector<16xf32>,
        tpu.vector_store %arg14[%parallel_loop3A_300, %parallel_loop3A_301], %parallel_loop3A_299 {strides = array<i32>} : memref<32x128xf32, #tpu.memory_space<vmem>>, vector<16xf32>,
        %parallel_loop3A_303 = arith.index_cast %parallel_loop3A_276 : i32 to index
        %parallel_loop3A_304 = arith.constant 16 : index
        %parallel_loop3A_305 = tpu.vector_load %arg8[%parallel_loop3A_303, %parallel_loop3A_304] {strides = array<i32>} : memref<32x64xi32, #tpu.memory_space<vmem>>, vector<16xi32>,
        %parallel_loop3A_306 = vector.bitcast %parallel_loop3A_305 : vector<16xi32> to vector<32xbf16>
        %parallel_loop3A_307 = tpu.unpack_subelements %parallel_loop3A_306, 0 {pack_format = #tpu.pack_format<interleaved>} : vector<32xbf16> -> vector<16xf32>
        %parallel_loop3A_308 = tpu.unpack_subelements %parallel_loop3A_306, 1 {pack_format = #tpu.pack_format<interleaved>} : vector<32xbf16> -> vector<16xf32>
        %parallel_loop3A_309 = arith.index_cast %parallel_loop3A_276 : i32 to index
        %parallel_loop3A_310 = arith.constant 32 : index
        %parallel_loop3A_311 = tpu.vector_load %arg10[%parallel_loop3A_309, %parallel_loop3A_310] {strides = array<i32>} : memref<32x128xf32, #tpu.memory_space<vmem>>, vector<16xf32>,
        %parallel_loop3A_312 = arith.addf %parallel_loop3A_307, %parallel_loop3A_311 : vector<16xf32>
        %parallel_loop3A_313 = arith.constant 0.000000e+00 : f32
        %parallel_loop3A_314 = vector.broadcast %parallel_loop3A_313 : f32 to vector<16xf32>
        %parallel_loop3A_315 = arith.maximumf %parallel_loop3A_312, %parallel_loop3A_314 : vector<16xf32>
        %parallel_loop3A_316 = arith.index_cast %parallel_loop3A_276 : i32 to index
        %parallel_loop3A_317 = arith.constant 32 : index
        %parallel_loop3A_318 = tpu.vector_load %arg14[%parallel_loop3A_316, %parallel_loop3A_317] {strides = array<i32>} : memref<32x128xf32, #tpu.memory_space<vmem>>, vector<16xf32>,
        tpu.vector_store %arg14[%parallel_loop3A_316, %parallel_loop3A_317], %parallel_loop3A_315 {strides = array<i32>} : memref<32x128xf32, #tpu.memory_space<vmem>>, vector<16xf32>,
        %parallel_loop3A_319 = arith.index_cast %parallel_loop3A_276 : i32 to index
        %parallel_loop3A_320 = arith.constant 48 : index
        %parallel_loop3A_321 = tpu.vector_load %arg10[%parallel_loop3A_319, %parallel_loop3A_320] {strides = array<i32>} : memref<32x128xf32, #tpu.memory_space<vmem>>, vector<16xf32>,
        %parallel_loop3A_322 = arith.addf %parallel_loop3A_308, %parallel_loop3A_321 : vector<16xf32>
        %parallel_loop3A_323 = arith.constant 0.000000e+00 : f32
        %parallel_loop3A_324 = vector.broadcast %parallel_loop3A_323 : f32 to vector<16xf32>
        %parallel_loop3A_325 = arith.maximumf %parallel_loop3A_322, %parallel_loop3A_324 : vector<16xf32>
        %parallel_loop3A_326 = arith.index_cast %parallel_loop3A_276 : i32 to index
        %parallel_loop3A_327 = arith.constant 48 : index
        %parallel_loop3A_328 = tpu.vector_load %arg14[%parallel_loop3A_326, %parallel_loop3A_327] {strides = array<i32>} : memref<32x128xf32, #tpu.memory_space<vmem>>, vector<16xf32>,
        tpu.vector_store %arg14[%parallel_loop3A_326, %parallel_loop3A_327], %parallel_loop3A_325 {strides = array<i32>} : memref<32x128xf32, #tpu.memory_space<vmem>>, vector<16xf32>,
        %parallel_loop3A_329 = arith.index_cast %parallel_loop3A_276 : i32 to index
        %parallel_loop3A_330 = arith.constant 32 : index
        %parallel_loop3A_331 = tpu.vector_load %arg8[%parallel_loop3A_329, %parallel_loop3A_330] {strides = array<i32>} : memref<32x64xi32, #tpu.memory_space<vmem>>, vector<16xi32>,
        %parallel_loop3A_332 = vector.bitcast %parallel_loop3A_331 : vector<16xi32> to vector<32xbf16>
        %parallel_loop3A_333 = tpu.unpack_subelements %parallel_loop3A_332, 0 {pack_format = #tpu.pack_format<interleaved>} : vector<32xbf16> -> vector<16xf32>
        %parallel_loop3A_334 = tpu.unpack_subelements %parallel_loop3A_332, 1 {pack_format = #tpu.pack_format<interleaved>} : vector<32xbf16> -> vector<16xf32>
        %parallel_loop3A_335 = arith.index_cast %parallel_loop3A_276 : i32 to index
        %parallel_loop3A_336 = arith.constant 64 : index
        %parallel_loop3A_337 = tpu.vector_load %arg10[%parallel_loop3A_335, %parallel_loop3A_336] {strides = array<i32>} : memref<32x128xf32, #tpu.memory_space<vmem>>, vector<16xf32>,
        %parallel_loop3A_338 = arith.addf %parallel_loop3A_333, %parallel_loop3A_337 : vector<16xf32>
        %parallel_loop3A_339 = arith.constant 0.000000e+00 : f32
        %parallel_loop3A_340 = vector.broadcast %parallel_loop3A_339 : f32 to vector<16xf32>
        %parallel_loop3A_341 = arith.maximumf %parallel_loop3A_338, %parallel_loop3A_340 : vector<16xf32>
        %parallel_loop3A_342 = arith.index_cast %parallel_loop3A_276 : i32 to index
        %parallel_loop3A_343 = arith.constant 64 : index
        %parallel_loop3A_344 = tpu.vector_load %arg14[%parallel_loop3A_342, %parallel_loop3A_343] {strides = array<i32>} : memref<32x128xf32, #tpu.memory_space<vmem>>, vector<16xf32>,
        tpu.vector_store %arg14[%parallel_loop3A_342, %parallel_loop3A_343], %parallel_loop3A_341 {strides = array<i32>} : memref<32x128xf32, #tpu.memory_space<vmem>>, vector<16xf32>,
        %parallel_loop3A_345 = arith.index_cast %parallel_loop3A_276 : i32 to index
        %parallel_loop3A_346 = arith.constant 80 : index
        %parallel_loop3A_347 = tpu.vector_load %arg10[%parallel_loop3A_345, %parallel_loop3A_346] {strides = array<i32>} : memref<32x128xf32, #tpu.memory_space<vmem>>, vector<16xf32>,
        %parallel_loop3A_348 = arith.addf %parallel_loop3A_334, %parallel_loop3A_347 : vector<16xf32>
        %parallel_loop3A_349 = arith.constant 0.000000e+00 : f32
        %parallel_loop3A_350 = vector.broadcast %parallel_loop3A_349 : f32 to vector<16xf32>
        %parallel_loop3A_351 = arith.maximumf %parallel_loop3A_348, %parallel_loop3A_350 : vector<16xf32>
        %parallel_loop3A_352 = arith.index_cast %parallel_loop3A_276 : i32 to index
        %parallel_loop3A_353 = arith.constant 80 : index
        %parallel_loop3A_354 = tpu.vector_load %arg14[%parallel_loop3A_352, %parallel_loop3A_353] {strides = array<i32>} : memref<32x128xf32, #tpu.memory_space<vmem>>, vector<16xf32>,
        tpu.vector_store %arg14[%parallel_loop3A_352, %parallel_loop3A_353], %parallel_loop3A_351 {strides = array<i32>} : memref<32x128xf32, #tpu.memory_space<vmem>>, vector<16xf32>,
        %parallel_loop3A_355 = arith.index_cast %parallel_loop3A_276 : i32 to index
        %parallel_loop3A_356 = arith.constant 48 : index
        %parallel_loop3A_357 = tpu.vector_load %arg8[%parallel_loop3A_355, %parallel_loop3A_356] {strides = array<i32>} : memref<32x64xi32, #tpu.memory_space<vmem>>, vector<16xi32>,
        %parallel_loop3A_358 = vector.bitcast %parallel_loop3A_357 : vector<16xi32> to vector<32xbf16>
        %parallel_loop3A_359 = tpu.unpack_subelements %parallel_loop3A_358, 0 {pack_format = #tpu.pack_format<interleaved>} : vector<32xbf16> -> vector<16xf32>
        %parallel_loop3A_360 = tpu.unpack_subelements %parallel_loop3A_358, 1 {pack_format = #tpu.pack_format<interleaved>} : vector<32xbf16> -> vector<16xf32>
        %parallel_loop3A_361 = arith.index_cast %parallel_loop3A_276 : i32 to index
        %parallel_loop3A_362 = arith.constant 96 : index
        %parallel_loop3A_363 = tpu.vector_load %arg10[%parallel_loop3A_361, %parallel_loop3A_362] {strides = array<i32>} : memref<32x128xf32, #tpu.memory_space<vmem>>, vector<16xf32>,
        %parallel_loop3A_364 = arith.addf %parallel_loop3A_359, %parallel_loop3A_363 : vector<16xf32>
        %parallel_loop3A_365 = arith.constant 0.000000e+00 : f32
        %parallel_loop3A_366 = vector.broadcast %parallel_loop3A_365 : f32 to vector<16xf32>
        %parallel_loop3A_367 = arith.maximumf %parallel_loop3A_364, %parallel_loop3A_366 : vector<16xf32>
        %parallel_loop3A_368 = arith.index_cast %parallel_loop3A_276 : i32 to index
        %parallel_loop3A_369 = arith.constant 96 : index
        %parallel_loop3A_370 = tpu.vector_load %arg14[%parallel_loop3A_368, %parallel_loop3A_369] {strides = array<i32>} : memref<32x128xf32, #tpu.memory_space<vmem>>, vector<16xf32>,
        tpu.vector_store %arg14[%parallel_loop3A_368, %parallel_loop3A_369], %parallel_loop3A_367 {strides = array<i32>} : memref<32x128xf32, #tpu.memory_space<vmem>>, vector<16xf32>,
        %parallel_loop3A_371 = arith.index_cast %parallel_loop3A_276 : i32 to index
        %parallel_loop3A_372 = arith.constant 112 : index
        %parallel_loop3A_373 = tpu.vector_load %arg10[%parallel_loop3A_371, %parallel_loop3A_372] {strides = array<i32>} : memref<32x128xf32, #tpu.memory_space<vmem>>, vector<16xf32>,
        %parallel_loop3A_374 = arith.addf %parallel_loop3A_360, %parallel_loop3A_373 : vector<16xf32>
        %parallel_loop3A_375 = arith.constant 0.000000e+00 : f32
        %parallel_loop3A_376 = vector.broadcast %parallel_loop3A_375 : f32 to vector<16xf32>
        %parallel_loop3A_377 = arith.maximumf %parallel_loop3A_374, %parallel_loop3A_376 : vector<16xf32>
        %parallel_loop3A_378 = arith.index_cast %parallel_loop3A_276 : i32 to index
        %parallel_loop3A_379 = arith.constant 112 : index
        %parallel_loop3A_380 = tpu.vector_load %arg14[%parallel_loop3A_378, %parallel_loop3A_379] {strides = array<i32>} : memref<32x128xf32, #tpu.memory_space<vmem>>, vector<16xf32>,
        tpu.vector_store %arg14[%parallel_loop3A_378, %parallel_loop3A_379], %parallel_loop3A_377 {strides = array<i32>} : memref<32x128xf32, #tpu.memory_space<vmem>>, vector<16xf32>,
      } {sc.loop_unroll_factor = 4 : i64, sc.parallel_access}
      %dma_start3A_161 = arith.constant 0 : i32
      %dma_start3A_162 = arith.constant 0 : i32
      %dma_start3A_163 = tpu.memref_slice %arg24[%dma_start3A_161, %dma_start3A_162] : memref<10240x128xf32, #tpu.memory_space<vmem_shared>> -> memref<10240x128xf32, #tpu.memory_space<vmem_shared>>
      tpu.enqueue_indirect_dma source(%arg14 : memref<32x128xf32, #tpu.memory_space<vmem>>) target(%dma_start3A_163 : memref<10240x128xf32, #tpu.memory_space<vmem_shared>>) offsets(%arg20 : memref<32xi32, #tpu.memory_space<vmem>>) semaphore(%arg31 : memref<!tpu.dma_semaphore, #tpu.memory_space<semaphore_mem>>) {add = true}
      %add3A_164 = arith.constant 2 : i32
      %add3A_165 = arith.addi %add3A_146, %add3A_164 : i32
      %lt3A = arith.cmpi slt, %add3A_165, %min3A_4 : i32
      %convert_element_type3A_166 = arith.extui %lt3A : i1 to i32
      %cond3A_167 = arith.constant 0 : i32
      %cond3A_168 = arith.cmpi ne, %convert_element_type3A_166, %cond3A_167 : i32
      scf.if %cond3A_168 {
        %add3A_276 = arith.constant 0 : i32
        %add3A_277 = arith.addi %select_n3A, %add3A_276 : i32
        %get3A_278 = arith.index_cast %add3A_277 : i32 to index
        %get3A_279 = arith.constant 64 : index
        %get3A_280 = tpu.vector_load %arg7[%get3A_278, %get3A_279] {strides = array<i32>} : memref<80x128xi32, #tpu.memory_space<vmem>>, vector<16xi32>,
        %and3A_281 = arith.constant 65535 : i32
        %and3A_282 = vector.broadcast %and3A_281 : i32 to vector<16xi32>
        %and3A_283 = arith.andi %get3A_280, %and3A_282 : vector<16xi32>
        %swap3A_284 = arith.constant 0 : index
        %swap3A_285 = tpu.vector_load %arg18[%swap3A_284] {strides = array<i32>} : memref<32xi32, #tpu.memory_space<vmem>>, vector<16xi32>,
        tpu.vector_store %arg18[%swap3A_284], %and3A_283 {strides = array<i32>} : memref<32xi32, #tpu.memory_space<vmem>>, vector<16xi32>,
        %shift_right_logical3A_286 = arith.constant 16 : i32
        %shift_right_logical3A_287 = vector.broadcast %shift_right_logical3A_286 : i32 to vector<16xi32>
        %shift_right_logical3A_288 = arith.shrui %get3A_280, %shift_right_logical3A_287 : vector<16xi32>
        %swap3A_289 = arith.constant 0 : index
        %swap3A_290 = tpu.vector_load %arg22[%swap3A_289] {strides = array<i32>} : memref<32xi32, #tpu.memory_space<vmem>>, vector<16xi32>,
        tpu.vector_store %arg22[%swap3A_289], %shift_right_logical3A_288 {strides = array<i32>} : memref<32xi32, #tpu.memory_space<vmem>>, vector<16xi32>,
        %get3A_291 = arith.index_cast %add3A_277 : i32 to index
        %get3A_292 = arith.constant 80 : index
        %get3A_293 = tpu.vector_load %arg7[%get3A_291, %get3A_292] {strides = array<i32>} : memref<80x128xi32, #tpu.memory_space<vmem>>, vector<16xi32>,
        %and3A_294 = arith.constant 65535 : i32
        %and3A_295 = vector.broadcast %and3A_294 : i32 to vector<16xi32>
        %and3A_296 = arith.andi %get3A_293, %and3A_295 : vector<16xi32>
        %swap3A_297 = arith.constant 16 : index
        %swap3A_298 = tpu.vector_load %arg18[%swap3A_297] {strides = array<i32>} : memref<32xi32, #tpu.memory_space<vmem>>, vector<16xi32>,
        tpu.vector_store %arg18[%swap3A_297], %and3A_296 {strides = array<i32>} : memref<32xi32, #tpu.memory_space<vmem>>, vector<16xi32>,
        %shift_right_logical3A_299 = arith.constant 16 : i32
        %shift_right_logical3A_300 = vector.broadcast %shift_right_logical3A_299 : i32 to vector<16xi32>
        %shift_right_logical3A_301 = arith.shrui %get3A_293, %shift_right_logical3A_300 : vector<16xi32>
        %swap3A_302 = arith.constant 16 : index
        %swap3A_303 = tpu.vector_load %arg22[%swap3A_302] {strides = array<i32>} : memref<32xi32, #tpu.memory_space<vmem>>, vector<16xi32>,
        tpu.vector_store %arg22[%swap3A_302], %shift_right_logical3A_301 {strides = array<i32>} : memref<32xi32, #tpu.memory_space<vmem>>, vector<16xi32>,
        %dma_start3A_304 = arith.constant 0 : i32
        %dma_start3A_305 = arith.constant 0 : i32
        %dma_start3A_306 = tpu.memref_slice %arg2[%dma_start3A_304, %dma_start3A_305] : memref<10000x64xi32, #tpu.memory_space<hbm>> -> memref<10000x64xi32, #tpu.memory_space<hbm>>
        tpu.enqueue_indirect_dma source(%dma_start3A_306 : memref<10000x64xi32, #tpu.memory_space<hbm>>) target(%arg8 : memref<32x64xi32, #tpu.memory_space<vmem>>) offsets(%arg18 : memref<32xi32, #tpu.memory_space<vmem>>) semaphore(%arg25 : memref<!tpu.dma_semaphore, #tpu.memory_space<semaphore_mem>>)
      } else {
      }
      %add3A_169 = arith.constant 4 : i32
      %add3A_170 = arith.addi %add3A_146, %add3A_169 : i32
      %lt3A_171 = arith.cmpi slt, %add3A_170, %min3A_4 : i32
      %convert_element_type3A_172 = arith.extui %lt3A_171 : i1 to i32
      %cond3A_173 = arith.constant 0 : i32
      %cond3A_174 = arith.cmpi ne, %convert_element_type3A_172, %cond3A_173 : i32
      scf.if %cond3A_174 {
        %add3A_276 = arith.constant 4 : i32
        %add3A_277 = arith.addi %add3A_146, %add3A_276 : i32
        %add3A_278 = arith.addi %mul3A_2, %add3A_277 : i32
        %mul3A_279 = arith.constant 32 : i32
        %mul3A_280 = arith.muli %add3A_278, %mul3A_279 : i32
        %dma_start3A_281 = arith.constant 0 : i32
        %dma_start3A_282 = tpu.memref_slice %arg4[%mul3A_280, %dma_start3A_281] : memref<320000x128xf32, #tpu.memory_space<hbm>> -> memref<32x128xf32, #tpu.memory_space<hbm>>
        %dma_start3A_283 = arith.constant 0 : i32
        %dma_start3A_284 = tpu.memref_slice %arg4[%mul3A_280, %dma_start3A_283] : memref<320000x128xf32, #tpu.memory_space<hbm>> -> memref<32x128xf32, #tpu.memory_space<hbm>>
        tpu.enqueue_dma source(%dma_start3A_284 : memref<32x128xf32, #tpu.memory_space<hbm>>) target(%arg10 : memref<32x128xf32, #tpu.memory_space<vmem>>) target_semaphore(%arg27 : memref<!tpu.dma_semaphore, #tpu.memory_space<semaphore_mem>>)
      } else {
      }
      %add3A_175 = arith.constant 1 : i32
      %add3A_176 = arith.addi %add3A_125, %add3A_175 : i32
      %ge3A_177 = arith.constant 2 : i32
      %ge3A_178 = arith.cmpi sge, %add3A_176, %ge3A_177 : i32
      %convert_element_type3A_179 = arith.extui %ge3A_178 : i1 to i32
      %cond3A_180 = arith.constant 0 : i32
      %cond3A_181 = arith.cmpi ne, %convert_element_type3A_179, %cond3A_180 : i32
      scf.if %cond3A_181 {
        %dma_wait3A_276 = arith.constant 0 : i32
        %dma_wait3A_277 = arith.constant 0 : i32
        %dma_wait3A_278 = tpu.memref_slice %arg24[%dma_wait3A_276, %dma_wait3A_277] : memref<10240x128xf32, #tpu.memory_space<vmem_shared>> -> memref<10240x128xf32, #tpu.memory_space<vmem_shared>>
        tpu.wait_indirect_dma semaphore(%arg32 : memref<!tpu.dma_semaphore, #tpu.memory_space<semaphore_mem>>) src(%arg15 : memref<32x128xf32, #tpu.memory_space<vmem>>) dst(%dma_wait3A_278 : memref<10240x128xf32, #tpu.memory_space<vmem_shared>>)
      } else {
      }
      %dma_wait3A_182 = arith.constant 0 : i32
      %dma_wait3A_183 = arith.constant 0 : i32
      %dma_wait3A_184 = tpu.memref_slice %arg2[%dma_wait3A_182, %dma_wait3A_183] : memref<10000x64xi32, #tpu.memory_space<hbm>> -> memref<10000x64xi32, #tpu.memory_space<hbm>>
      tpu.wait_indirect_dma semaphore(%arg26 : memref<!tpu.dma_semaphore, #tpu.memory_space<semaphore_mem>>) src(%dma_wait3A_184 : memref<10000x64xi32, #tpu.memory_space<hbm>>) dst(%arg9 : memref<32x64xi32, #tpu.memory_space<vmem>>)
      %add3A_185 = arith.addi %mul3A_2, %add3A_176 : i32
      %mul3A_186 = arith.constant 32 : i32
      %mul3A_187 = arith.muli %add3A_185, %mul3A_186 : i32
      %dma_wait3A_188 = arith.constant 0 : i32
      %dma_wait3A_189 = tpu.memref_slice %arg4[%mul3A_187, %dma_wait3A_188] : memref<320000x128xf32, #tpu.memory_space<hbm>> -> memref<32x128xf32, #tpu.memory_space<hbm>>
      %dma_wait3A_190 = arith.constant 0 : i32
      %dma_wait3A_191 = tpu.memref_slice %arg4[%mul3A_187, %dma_wait3A_190] : memref<320000x128xf32, #tpu.memory_space<hbm>> -> memref<32x128xf32, #tpu.memory_space<hbm>>
      tpu.wait_dma2 semaphore(%arg28 : memref<!tpu.dma_semaphore, #tpu.memory_space<semaphore_mem>>) src(%dma_wait3A_191 : memref<32x128xf32, #tpu.memory_space<hbm>>) dst(%arg11 : memref<32x128xf32, #tpu.memory_space<vmem>>)
      %parallel_loop3A_192 = arith.constant 0 : i32
      %parallel_loop3A_193 = arith.constant 32 : i32
      %parallel_loop3A_194 = arith.constant 1 : i32
      scf.for %parallel_loop3A_276 = %parallel_loop3A_192 to %parallel_loop3A_193 step %parallel_loop3A_194  : i32 {
        %parallel_loop3A_277 = arith.index_cast %parallel_loop3A_276 : i32 to index
        %parallel_loop3A_278 = arith.constant 0 : index
        %parallel_loop3A_279 = tpu.vector_load %arg9[%parallel_loop3A_277, %parallel_loop3A_278] {strides = array<i32>} : memref<32x64xi32, #tpu.memory_space<vmem>>, vector<16xi32>,
        %parallel_loop3A_280 = vector.bitcast %parallel_loop3A_279 : vector<16xi32> to vector<32xbf16>
        %parallel_loop3A_281 = tpu.unpack_subelements %parallel_loop3A_280, 0 {pack_format = #tpu.pack_format<interleaved>} : vector<32xbf16> -> vector<16xf32>
        %parallel_loop3A_282 = tpu.unpack_subelements %parallel_loop3A_280, 1 {pack_format = #tpu.pack_format<interleaved>} : vector<32xbf16> -> vector<16xf32>
        %parallel_loop3A_283 = arith.index_cast %parallel_loop3A_276 : i32 to index
        %parallel_loop3A_284 = arith.constant 0 : index
        %parallel_loop3A_285 = tpu.vector_load %arg11[%parallel_loop3A_283, %parallel_loop3A_284] {strides = array<i32>} : memref<32x128xf32, #tpu.memory_space<vmem>>, vector<16xf32>,
        %parallel_loop3A_286 = arith.addf %parallel_loop3A_281, %parallel_loop3A_285 : vector<16xf32>
        %parallel_loop3A_287 = arith.constant 0.000000e+00 : f32
        %parallel_loop3A_288 = vector.broadcast %parallel_loop3A_287 : f32 to vector<16xf32>
        %parallel_loop3A_289 = arith.maximumf %parallel_loop3A_286, %parallel_loop3A_288 : vector<16xf32>
        %parallel_loop3A_290 = arith.index_cast %parallel_loop3A_276 : i32 to index
        %parallel_loop3A_291 = arith.constant 0 : index
        %parallel_loop3A_292 = tpu.vector_load %arg15[%parallel_loop3A_290, %parallel_loop3A_291] {strides = array<i32>} : memref<32x128xf32, #tpu.memory_space<vmem>>, vector<16xf32>,
        tpu.vector_store %arg15[%parallel_loop3A_290, %parallel_loop3A_291], %parallel_loop3A_289 {strides = array<i32>} : memref<32x128xf32, #tpu.memory_space<vmem>>, vector<16xf32>,
        %parallel_loop3A_293 = arith.index_cast %parallel_loop3A_276 : i32 to index
        %parallel_loop3A_294 = arith.constant 16 : index
        %parallel_loop3A_295 = tpu.vector_load %arg11[%parallel_loop3A_293, %parallel_loop3A_294] {strides = array<i32>} : memref<32x128xf32, #tpu.memory_space<vmem>>, vector<16xf32>,
        %parallel_loop3A_296 = arith.addf %parallel_loop3A_282, %parallel_loop3A_295 : vector<16xf32>
        %parallel_loop3A_297 = arith.constant 0.000000e+00 : f32
        %parallel_loop3A_298 = vector.broadcast %parallel_loop3A_297 : f32 to vector<16xf32>
        %parallel_loop3A_299 = arith.maximumf %parallel_loop3A_296, %parallel_loop3A_298 : vector<16xf32>
        %parallel_loop3A_300 = arith.index_cast %parallel_loop3A_276 : i32 to index
        %parallel_loop3A_301 = arith.constant 16 : index
        %parallel_loop3A_302 = tpu.vector_load %arg15[%parallel_loop3A_300, %parallel_loop3A_301] {strides = array<i32>} : memref<32x128xf32, #tpu.memory_space<vmem>>, vector<16xf32>,
        tpu.vector_store %arg15[%parallel_loop3A_300, %parallel_loop3A_301], %parallel_loop3A_299 {strides = array<i32>} : memref<32x128xf32, #tpu.memory_space<vmem>>, vector<16xf32>,
        %parallel_loop3A_303 = arith.index_cast %parallel_loop3A_276 : i32 to index
        %parallel_loop3A_304 = arith.constant 16 : index
        %parallel_loop3A_305 = tpu.vector_load %arg9[%parallel_loop3A_303, %parallel_loop3A_304] {strides = array<i32>} : memref<32x64xi32, #tpu.memory_space<vmem>>, vector<16xi32>,
        %parallel_loop3A_306 = vector.bitcast %parallel_loop3A_305 : vector<16xi32> to vector<32xbf16>
        %parallel_loop3A_307 = tpu.unpack_subelements %parallel_loop3A_306, 0 {pack_format = #tpu.pack_format<interleaved>} : vector<32xbf16> -> vector<16xf32>
        %parallel_loop3A_308 = tpu.unpack_subelements %parallel_loop3A_306, 1 {pack_format = #tpu.pack_format<interleaved>} : vector<32xbf16> -> vector<16xf32>
        %parallel_loop3A_309 = arith.index_cast %parallel_loop3A_276 : i32 to index
        %parallel_loop3A_310 = arith.constant 32 : index
        %parallel_loop3A_311 = tpu.vector_load %arg11[%parallel_loop3A_309, %parallel_loop3A_310] {strides = array<i32>} : memref<32x128xf32, #tpu.memory_space<vmem>>, vector<16xf32>,
        %parallel_loop3A_312 = arith.addf %parallel_loop3A_307, %parallel_loop3A_311 : vector<16xf32>
        %parallel_loop3A_313 = arith.constant 0.000000e+00 : f32
        %parallel_loop3A_314 = vector.broadcast %parallel_loop3A_313 : f32 to vector<16xf32>
        %parallel_loop3A_315 = arith.maximumf %parallel_loop3A_312, %parallel_loop3A_314 : vector<16xf32>
        %parallel_loop3A_316 = arith.index_cast %parallel_loop3A_276 : i32 to index
        %parallel_loop3A_317 = arith.constant 32 : index
        %parallel_loop3A_318 = tpu.vector_load %arg15[%parallel_loop3A_316, %parallel_loop3A_317] {strides = array<i32>} : memref<32x128xf32, #tpu.memory_space<vmem>>, vector<16xf32>,
        tpu.vector_store %arg15[%parallel_loop3A_316, %parallel_loop3A_317], %parallel_loop3A_315 {strides = array<i32>} : memref<32x128xf32, #tpu.memory_space<vmem>>, vector<16xf32>,
        %parallel_loop3A_319 = arith.index_cast %parallel_loop3A_276 : i32 to index
        %parallel_loop3A_320 = arith.constant 48 : index
        %parallel_loop3A_321 = tpu.vector_load %arg11[%parallel_loop3A_319, %parallel_loop3A_320] {strides = array<i32>} : memref<32x128xf32, #tpu.memory_space<vmem>>, vector<16xf32>,
        %parallel_loop3A_322 = arith.addf %parallel_loop3A_308, %parallel_loop3A_321 : vector<16xf32>
        %parallel_loop3A_323 = arith.constant 0.000000e+00 : f32
        %parallel_loop3A_324 = vector.broadcast %parallel_loop3A_323 : f32 to vector<16xf32>
        %parallel_loop3A_325 = arith.maximumf %parallel_loop3A_322, %parallel_loop3A_324 : vector<16xf32>
        %parallel_loop3A_326 = arith.index_cast %parallel_loop3A_276 : i32 to index
        %parallel_loop3A_327 = arith.constant 48 : index
        %parallel_loop3A_328 = tpu.vector_load %arg15[%parallel_loop3A_326, %parallel_loop3A_327] {strides = array<i32>} : memref<32x128xf32, #tpu.memory_space<vmem>>, vector<16xf32>,
        tpu.vector_store %arg15[%parallel_loop3A_326, %parallel_loop3A_327], %parallel_loop3A_325 {strides = array<i32>} : memref<32x128xf32, #tpu.memory_space<vmem>>, vector<16xf32>,
        %parallel_loop3A_329 = arith.index_cast %parallel_loop3A_276 : i32 to index
        %parallel_loop3A_330 = arith.constant 32 : index
        %parallel_loop3A_331 = tpu.vector_load %arg9[%parallel_loop3A_329, %parallel_loop3A_330] {strides = array<i32>} : memref<32x64xi32, #tpu.memory_space<vmem>>, vector<16xi32>,
        %parallel_loop3A_332 = vector.bitcast %parallel_loop3A_331 : vector<16xi32> to vector<32xbf16>
        %parallel_loop3A_333 = tpu.unpack_subelements %parallel_loop3A_332, 0 {pack_format = #tpu.pack_format<interleaved>} : vector<32xbf16> -> vector<16xf32>
        %parallel_loop3A_334 = tpu.unpack_subelements %parallel_loop3A_332, 1 {pack_format = #tpu.pack_format<interleaved>} : vector<32xbf16> -> vector<16xf32>
        %parallel_loop3A_335 = arith.index_cast %parallel_loop3A_276 : i32 to index
        %parallel_loop3A_336 = arith.constant 64 : index
        %parallel_loop3A_337 = tpu.vector_load %arg11[%parallel_loop3A_335, %parallel_loop3A_336] {strides = array<i32>} : memref<32x128xf32, #tpu.memory_space<vmem>>, vector<16xf32>,
        %parallel_loop3A_338 = arith.addf %parallel_loop3A_333, %parallel_loop3A_337 : vector<16xf32>
        %parallel_loop3A_339 = arith.constant 0.000000e+00 : f32
        %parallel_loop3A_340 = vector.broadcast %parallel_loop3A_339 : f32 to vector<16xf32>
        %parallel_loop3A_341 = arith.maximumf %parallel_loop3A_338, %parallel_loop3A_340 : vector<16xf32>
        %parallel_loop3A_342 = arith.index_cast %parallel_loop3A_276 : i32 to index
        %parallel_loop3A_343 = arith.constant 64 : index
        %parallel_loop3A_344 = tpu.vector_load %arg15[%parallel_loop3A_342, %parallel_loop3A_343] {strides = array<i32>} : memref<32x128xf32, #tpu.memory_space<vmem>>, vector<16xf32>,
        tpu.vector_store %arg15[%parallel_loop3A_342, %parallel_loop3A_343], %parallel_loop3A_341 {strides = array<i32>} : memref<32x128xf32, #tpu.memory_space<vmem>>, vector<16xf32>,
        %parallel_loop3A_345 = arith.index_cast %parallel_loop3A_276 : i32 to index
        %parallel_loop3A_346 = arith.constant 80 : index
        %parallel_loop3A_347 = tpu.vector_load %arg11[%parallel_loop3A_345, %parallel_loop3A_346] {strides = array<i32>} : memref<32x128xf32, #tpu.memory_space<vmem>>, vector<16xf32>,
        %parallel_loop3A_348 = arith.addf %parallel_loop3A_334, %parallel_loop3A_347 : vector<16xf32>
        %parallel_loop3A_349 = arith.constant 0.000000e+00 : f32
        %parallel_loop3A_350 = vector.broadcast %parallel_loop3A_349 : f32 to vector<16xf32>
        %parallel_loop3A_351 = arith.maximumf %parallel_loop3A_348, %parallel_loop3A_350 : vector<16xf32>
        %parallel_loop3A_352 = arith.index_cast %parallel_loop3A_276 : i32 to index
        %parallel_loop3A_353 = arith.constant 80 : index
        %parallel_loop3A_354 = tpu.vector_load %arg15[%parallel_loop3A_352, %parallel_loop3A_353] {strides = array<i32>} : memref<32x128xf32, #tpu.memory_space<vmem>>, vector<16xf32>,
        tpu.vector_store %arg15[%parallel_loop3A_352, %parallel_loop3A_353], %parallel_loop3A_351 {strides = array<i32>} : memref<32x128xf32, #tpu.memory_space<vmem>>, vector<16xf32>,
        %parallel_loop3A_355 = arith.index_cast %parallel_loop3A_276 : i32 to index
        %parallel_loop3A_356 = arith.constant 48 : index
        %parallel_loop3A_357 = tpu.vector_load %arg9[%parallel_loop3A_355, %parallel_loop3A_356] {strides = array<i32>} : memref<32x64xi32, #tpu.memory_space<vmem>>, vector<16xi32>,
        %parallel_loop3A_358 = vector.bitcast %parallel_loop3A_357 : vector<16xi32> to vector<32xbf16>
        %parallel_loop3A_359 = tpu.unpack_subelements %parallel_loop3A_358, 0 {pack_format = #tpu.pack_format<interleaved>} : vector<32xbf16> -> vector<16xf32>
        %parallel_loop3A_360 = tpu.unpack_subelements %parallel_loop3A_358, 1 {pack_format = #tpu.pack_format<interleaved>} : vector<32xbf16> -> vector<16xf32>
        %parallel_loop3A_361 = arith.index_cast %parallel_loop3A_276 : i32 to index
        %parallel_loop3A_362 = arith.constant 96 : index
        %parallel_loop3A_363 = tpu.vector_load %arg11[%parallel_loop3A_361, %parallel_loop3A_362] {strides = array<i32>} : memref<32x128xf32, #tpu.memory_space<vmem>>, vector<16xf32>,
        %parallel_loop3A_364 = arith.addf %parallel_loop3A_359, %parallel_loop3A_363 : vector<16xf32>
        %parallel_loop3A_365 = arith.constant 0.000000e+00 : f32
        %parallel_loop3A_366 = vector.broadcast %parallel_loop3A_365 : f32 to vector<16xf32>
        %parallel_loop3A_367 = arith.maximumf %parallel_loop3A_364, %parallel_loop3A_366 : vector<16xf32>
        %parallel_loop3A_368 = arith.index_cast %parallel_loop3A_276 : i32 to index
        %parallel_loop3A_369 = arith.constant 96 : index
        %parallel_loop3A_370 = tpu.vector_load %arg15[%parallel_loop3A_368, %parallel_loop3A_369] {strides = array<i32>} : memref<32x128xf32, #tpu.memory_space<vmem>>, vector<16xf32>,
        tpu.vector_store %arg15[%parallel_loop3A_368, %parallel_loop3A_369], %parallel_loop3A_367 {strides = array<i32>} : memref<32x128xf32, #tpu.memory_space<vmem>>, vector<16xf32>,
        %parallel_loop3A_371 = arith.index_cast %parallel_loop3A_276 : i32 to index
        %parallel_loop3A_372 = arith.constant 112 : index
        %parallel_loop3A_373 = tpu.vector_load %arg11[%parallel_loop3A_371, %parallel_loop3A_372] {strides = array<i32>} : memref<32x128xf32, #tpu.memory_space<vmem>>, vector<16xf32>,
        %parallel_loop3A_374 = arith.addf %parallel_loop3A_360, %parallel_loop3A_373 : vector<16xf32>
        %parallel_loop3A_375 = arith.constant 0.000000e+00 : f32
        %parallel_loop3A_376 = vector.broadcast %parallel_loop3A_375 : f32 to vector<16xf32>
        %parallel_loop3A_377 = arith.maximumf %parallel_loop3A_374, %parallel_loop3A_376 : vector<16xf32>
        %parallel_loop3A_378 = arith.index_cast %parallel_loop3A_276 : i32 to index
        %parallel_loop3A_379 = arith.constant 112 : index
        %parallel_loop3A_380 = tpu.vector_load %arg15[%parallel_loop3A_378, %parallel_loop3A_379] {strides = array<i32>} : memref<32x128xf32, #tpu.memory_space<vmem>>, vector<16xf32>,
        tpu.vector_store %arg15[%parallel_loop3A_378, %parallel_loop3A_379], %parallel_loop3A_377 {strides = array<i32>} : memref<32x128xf32, #tpu.memory_space<vmem>>, vector<16xf32>,
      } {sc.loop_unroll_factor = 4 : i64, sc.parallel_access}
      %dma_start3A_195 = arith.constant 0 : i32
      %dma_start3A_196 = arith.constant 0 : i32
      %dma_start3A_197 = tpu.memref_slice %arg24[%dma_start3A_195, %dma_start3A_196] : memref<10240x128xf32, #tpu.memory_space<vmem_shared>> -> memref<10240x128xf32, #tpu.memory_space<vmem_shared>>
      tpu.enqueue_indirect_dma source(%arg15 : memref<32x128xf32, #tpu.memory_space<vmem>>) target(%dma_start3A_197 : memref<10240x128xf32, #tpu.memory_space<vmem_shared>>) offsets(%arg21 : memref<32xi32, #tpu.memory_space<vmem>>) semaphore(%arg32 : memref<!tpu.dma_semaphore, #tpu.memory_space<semaphore_mem>>) {add = true}
      %add3A_198 = arith.constant 2 : i32
      %add3A_199 = arith.addi %add3A_176, %add3A_198 : i32
      %lt3A_200 = arith.cmpi slt, %add3A_199, %min3A_4 : i32
      %convert_element_type3A_201 = arith.extui %lt3A_200 : i1 to i32
      %cond3A_202 = arith.constant 0 : i32
      %cond3A_203 = arith.cmpi ne, %convert_element_type3A_201, %cond3A_202 : i32
      scf.if %cond3A_203 {
        %add3A_276 = arith.constant 0 : i32
        %add3A_277 = arith.addi %select_n3A, %add3A_276 : i32
        %get3A_278 = arith.index_cast %add3A_277 : i32 to index
        %get3A_279 = arith.constant 96 : index
        %get3A_280 = tpu.vector_load %arg7[%get3A_278, %get3A_279] {strides = array<i32>} : memref<80x128xi32, #tpu.memory_space<vmem>>, vector<16xi32>,
        %and3A_281 = arith.constant 65535 : i32
        %and3A_282 = vector.broadcast %and3A_281 : i32 to vector<16xi32>
        %and3A_283 = arith.andi %get3A_280, %and3A_282 : vector<16xi32>
        %swap3A_284 = arith.constant 0 : index
        %swap3A_285 = tpu.vector_load %arg19[%swap3A_284] {strides = array<i32>} : memref<32xi32, #tpu.memory_space<vmem>>, vector<16xi32>,
        tpu.vector_store %arg19[%swap3A_284], %and3A_283 {strides = array<i32>} : memref<32xi32, #tpu.memory_space<vmem>>, vector<16xi32>,
        %shift_right_logical3A_286 = arith.constant 16 : i32
        %shift_right_logical3A_287 = vector.broadcast %shift_right_logical3A_286 : i32 to vector<16xi32>
        %shift_right_logical3A_288 = arith.shrui %get3A_280, %shift_right_logical3A_287 : vector<16xi32>
        %swap3A_289 = arith.constant 0 : index
        %swap3A_290 = tpu.vector_load %arg23[%swap3A_289] {strides = array<i32>} : memref<32xi32, #tpu.memory_space<vmem>>, vector<16xi32>,
        tpu.vector_store %arg23[%swap3A_289], %shift_right_logical3A_288 {strides = array<i32>} : memref<32xi32, #tpu.memory_space<vmem>>, vector<16xi32>,
        %get3A_291 = arith.index_cast %add3A_277 : i32 to index
        %get3A_292 = arith.constant 112 : index
        %get3A_293 = tpu.vector_load %arg7[%get3A_291, %get3A_292] {strides = array<i32>} : memref<80x128xi32, #tpu.memory_space<vmem>>, vector<16xi32>,
        %and3A_294 = arith.constant 65535 : i32
        %and3A_295 = vector.broadcast %and3A_294 : i32 to vector<16xi32>
        %and3A_296 = arith.andi %get3A_293, %and3A_295 : vector<16xi32>
        %swap3A_297 = arith.constant 16 : index
        %swap3A_298 = tpu.vector_load %arg19[%swap3A_297] {strides = array<i32>} : memref<32xi32, #tpu.memory_space<vmem>>, vector<16xi32>,
        tpu.vector_store %arg19[%swap3A_297], %and3A_296 {strides = array<i32>} : memref<32xi32, #tpu.memory_space<vmem>>, vector<16xi32>,
        %shift_right_logical3A_299 = arith.constant 16 : i32
        %shift_right_logical3A_300 = vector.broadcast %shift_right_logical3A_299 : i32 to vector<16xi32>
        %shift_right_logical3A_301 = arith.shrui %get3A_293, %shift_right_logical3A_300 : vector<16xi32>
        %swap3A_302 = arith.constant 16 : index
        %swap3A_303 = tpu.vector_load %arg23[%swap3A_302] {strides = array<i32>} : memref<32xi32, #tpu.memory_space<vmem>>, vector<16xi32>,
        tpu.vector_store %arg23[%swap3A_302], %shift_right_logical3A_301 {strides = array<i32>} : memref<32xi32, #tpu.memory_space<vmem>>, vector<16xi32>,
        %dma_start3A_304 = arith.constant 0 : i32
        %dma_start3A_305 = arith.constant 0 : i32
        %dma_start3A_306 = tpu.memref_slice %arg2[%dma_start3A_304, %dma_start3A_305] : memref<10000x64xi32, #tpu.memory_space<hbm>> -> memref<10000x64xi32, #tpu.memory_space<hbm>>
        tpu.enqueue_indirect_dma source(%dma_start3A_306 : memref<10000x64xi32, #tpu.memory_space<hbm>>) target(%arg9 : memref<32x64xi32, #tpu.memory_space<vmem>>) offsets(%arg19 : memref<32xi32, #tpu.memory_space<vmem>>) semaphore(%arg26 : memref<!tpu.dma_semaphore, #tpu.memory_space<semaphore_mem>>)
      } else {
      }
      %add3A_204 = arith.constant 4 : i32
      %add3A_205 = arith.addi %add3A_176, %add3A_204 : i32
      %lt3A_206 = arith.cmpi slt, %add3A_205, %min3A_4 : i32
      %convert_element_type3A_207 = arith.extui %lt3A_206 : i1 to i32
      %cond3A_208 = arith.constant 0 : i32
      %cond3A_209 = arith.cmpi ne, %convert_element_type3A_207, %cond3A_208 : i32
      scf.if %cond3A_209 {
        %add3A_276 = arith.constant 4 : i32
        %add3A_277 = arith.addi %add3A_176, %add3A_276 : i32
        %add3A_278 = arith.addi %mul3A_2, %add3A_277 : i32
        %mul3A_279 = arith.constant 32 : i32
        %mul3A_280 = arith.muli %add3A_278, %mul3A_279 : i32
        %dma_start3A_281 = arith.constant 0 : i32
        %dma_start3A_282 = tpu.memref_slice %arg4[%mul3A_280, %dma_start3A_281] : memref<320000x128xf32, #tpu.memory_space<hbm>> -> memref<32x128xf32, #tpu.memory_space<hbm>>
        %dma_start3A_283 = arith.constant 0 : i32
        %dma_start3A_284 = tpu.memref_slice %arg4[%mul3A_280, %dma_start3A_283] : memref<320000x128xf32, #tpu.memory_space<hbm>> -> memref<32x128xf32, #tpu.memory_space<hbm>>
        tpu.enqueue_dma source(%dma_start3A_284 : memref<32x128xf32, #tpu.memory_space<hbm>>) target(%arg11 : memref<32x128xf32, #tpu.memory_space<vmem>>) target_semaphore(%arg28 : memref<!tpu.dma_semaphore, #tpu.memory_space<semaphore_mem>>)
      } else {
      }
      %add3A_210 = arith.constant 2 : i32
      %add3A_211 = arith.addi %add3A_125, %add3A_210 : i32
      %dma_wait3A_212 = arith.constant 0 : i32
      %dma_wait3A_213 = arith.constant 0 : i32
      %dma_wait3A_214 = tpu.memref_slice %arg24[%dma_wait3A_212, %dma_wait3A_213] : memref<10240x128xf32, #tpu.memory_space<vmem_shared>> -> memref<10240x128xf32, #tpu.memory_space<vmem_shared>>
      tpu.wait_indirect_dma semaphore(%arg31 : memref<!tpu.dma_semaphore, #tpu.memory_space<semaphore_mem>>) src(%arg14 : memref<32x128xf32, #tpu.memory_space<vmem>>) dst(%dma_wait3A_214 : memref<10240x128xf32, #tpu.memory_space<vmem_shared>>)
      %dma_wait3A_215 = arith.constant 0 : i32
      %dma_wait3A_216 = arith.constant 0 : i32
      %dma_wait3A_217 = tpu.memref_slice %arg2[%dma_wait3A_215, %dma_wait3A_216] : memref<10000x64xi32, #tpu.memory_space<hbm>> -> memref<10000x64xi32, #tpu.memory_space<hbm>>
      tpu.wait_indirect_dma semaphore(%arg25 : memref<!tpu.dma_semaphore, #tpu.memory_space<semaphore_mem>>) src(%dma_wait3A_217 : memref<10000x64xi32, #tpu.memory_space<hbm>>) dst(%arg8 : memref<32x64xi32, #tpu.memory_space<vmem>>)
      %add3A_218 = arith.addi %mul3A_2, %add3A_211 : i32
      %mul3A_219 = arith.constant 32 : i32
      %mul3A_220 = arith.muli %add3A_218, %mul3A_219 : i32
      %dma_wait3A_221 = arith.constant 0 : i32
      %dma_wait3A_222 = tpu.memref_slice %arg4[%mul3A_220, %dma_wait3A_221] : memref<320000x128xf32, #tpu.memory_space<hbm>> -> memref<32x128xf32, #tpu.memory_space<hbm>>
      %dma_wait3A_223 = arith.constant 0 : i32
      %dma_wait3A_224 = tpu.memref_slice %arg4[%mul3A_220, %dma_wait3A_223] : memref<320000x128xf32, #tpu.memory_space<hbm>> -> memref<32x128xf32, #tpu.memory_space<hbm>>
      tpu.wait_dma2 semaphore(%arg29 : memref<!tpu.dma_semaphore, #tpu.memory_space<semaphore_mem>>) src(%dma_wait3A_224 : memref<32x128xf32, #tpu.memory_space<hbm>>) dst(%arg12 : memref<32x128xf32, #tpu.memory_space<vmem>>)
      %parallel_loop3A_225 = arith.constant 0 : i32
      %parallel_loop3A_226 = arith.constant 32 : i32
      %parallel_loop3A_227 = arith.constant 1 : i32
      scf.for %parallel_loop3A_276 = %parallel_loop3A_225 to %parallel_loop3A_226 step %parallel_loop3A_227  : i32 {
        %parallel_loop3A_277 = arith.index_cast %parallel_loop3A_276 : i32 to index
        %parallel_loop3A_278 = arith.constant 0 : index
        %parallel_loop3A_279 = tpu.vector_load %arg8[%parallel_loop3A_277, %parallel_loop3A_278] {strides = array<i32>} : memref<32x64xi32, #tpu.memory_space<vmem>>, vector<16xi32>,
        %parallel_loop3A_280 = vector.bitcast %parallel_loop3A_279 : vector<16xi32> to vector<32xbf16>
        %parallel_loop3A_281 = tpu.unpack_subelements %parallel_loop3A_280, 0 {pack_format = #tpu.pack_format<interleaved>} : vector<32xbf16> -> vector<16xf32>
        %parallel_loop3A_282 = tpu.unpack_subelements %parallel_loop3A_280, 1 {pack_format = #tpu.pack_format<interleaved>} : vector<32xbf16> -> vector<16xf32>
        %parallel_loop3A_283 = arith.index_cast %parallel_loop3A_276 : i32 to index
        %parallel_loop3A_284 = arith.constant 0 : index
        %parallel_loop3A_285 = tpu.vector_load %arg12[%parallel_loop3A_283, %parallel_loop3A_284] {strides = array<i32>} : memref<32x128xf32, #tpu.memory_space<vmem>>, vector<16xf32>,
        %parallel_loop3A_286 = arith.addf %parallel_loop3A_281, %parallel_loop3A_285 : vector<16xf32>
        %parallel_loop3A_287 = arith.constant 0.000000e+00 : f32
        %parallel_loop3A_288 = vector.broadcast %parallel_loop3A_287 : f32 to vector<16xf32>
        %parallel_loop3A_289 = arith.maximumf %parallel_loop3A_286, %parallel_loop3A_288 : vector<16xf32>
        %parallel_loop3A_290 = arith.index_cast %parallel_loop3A_276 : i32 to index
        %parallel_loop3A_291 = arith.constant 0 : index
        %parallel_loop3A_292 = tpu.vector_load %arg14[%parallel_loop3A_290, %parallel_loop3A_291] {strides = array<i32>} : memref<32x128xf32, #tpu.memory_space<vmem>>, vector<16xf32>,
        tpu.vector_store %arg14[%parallel_loop3A_290, %parallel_loop3A_291], %parallel_loop3A_289 {strides = array<i32>} : memref<32x128xf32, #tpu.memory_space<vmem>>, vector<16xf32>,
        %parallel_loop3A_293 = arith.index_cast %parallel_loop3A_276 : i32 to index
        %parallel_loop3A_294 = arith.constant 16 : index
        %parallel_loop3A_295 = tpu.vector_load %arg12[%parallel_loop3A_293, %parallel_loop3A_294] {strides = array<i32>} : memref<32x128xf32, #tpu.memory_space<vmem>>, vector<16xf32>,
        %parallel_loop3A_296 = arith.addf %parallel_loop3A_282, %parallel_loop3A_295 : vector<16xf32>
        %parallel_loop3A_297 = arith.constant 0.000000e+00 : f32
        %parallel_loop3A_298 = vector.broadcast %parallel_loop3A_297 : f32 to vector<16xf32>
        %parallel_loop3A_299 = arith.maximumf %parallel_loop3A_296, %parallel_loop3A_298 : vector<16xf32>
        %parallel_loop3A_300 = arith.index_cast %parallel_loop3A_276 : i32 to index
        %parallel_loop3A_301 = arith.constant 16 : index
        %parallel_loop3A_302 = tpu.vector_load %arg14[%parallel_loop3A_300, %parallel_loop3A_301] {strides = array<i32>} : memref<32x128xf32, #tpu.memory_space<vmem>>, vector<16xf32>,
        tpu.vector_store %arg14[%parallel_loop3A_300, %parallel_loop3A_301], %parallel_loop3A_299 {strides = array<i32>} : memref<32x128xf32, #tpu.memory_space<vmem>>, vector<16xf32>,
        %parallel_loop3A_303 = arith.index_cast %parallel_loop3A_276 : i32 to index
        %parallel_loop3A_304 = arith.constant 16 : index
        %parallel_loop3A_305 = tpu.vector_load %arg8[%parallel_loop3A_303, %parallel_loop3A_304] {strides = array<i32>} : memref<32x64xi32, #tpu.memory_space<vmem>>, vector<16xi32>,
        %parallel_loop3A_306 = vector.bitcast %parallel_loop3A_305 : vector<16xi32> to vector<32xbf16>
        %parallel_loop3A_307 = tpu.unpack_subelements %parallel_loop3A_306, 0 {pack_format = #tpu.pack_format<interleaved>} : vector<32xbf16> -> vector<16xf32>
        %parallel_loop3A_308 = tpu.unpack_subelements %parallel_loop3A_306, 1 {pack_format = #tpu.pack_format<interleaved>} : vector<32xbf16> -> vector<16xf32>
        %parallel_loop3A_309 = arith.index_cast %parallel_loop3A_276 : i32 to index
        %parallel_loop3A_310 = arith.constant 32 : index
        %parallel_loop3A_311 = tpu.vector_load %arg12[%parallel_loop3A_309, %parallel_loop3A_310] {strides = array<i32>} : memref<32x128xf32, #tpu.memory_space<vmem>>, vector<16xf32>,
        %parallel_loop3A_312 = arith.addf %parallel_loop3A_307, %parallel_loop3A_311 : vector<16xf32>
        %parallel_loop3A_313 = arith.constant 0.000000e+00 : f32
        %parallel_loop3A_314 = vector.broadcast %parallel_loop3A_313 : f32 to vector<16xf32>
        %parallel_loop3A_315 = arith.maximumf %parallel_loop3A_312, %parallel_loop3A_314 : vector<16xf32>
        %parallel_loop3A_316 = arith.index_cast %parallel_loop3A_276 : i32 to index
        %parallel_loop3A_317 = arith.constant 32 : index
        %parallel_loop3A_318 = tpu.vector_load %arg14[%parallel_loop3A_316, %parallel_loop3A_317] {strides = array<i32>} : memref<32x128xf32, #tpu.memory_space<vmem>>, vector<16xf32>,
        tpu.vector_store %arg14[%parallel_loop3A_316, %parallel_loop3A_317], %parallel_loop3A_315 {strides = array<i32>} : memref<32x128xf32, #tpu.memory_space<vmem>>, vector<16xf32>,
        %parallel_loop3A_319 = arith.index_cast %parallel_loop3A_276 : i32 to index
        %parallel_loop3A_320 = arith.constant 48 : index
        %parallel_loop3A_321 = tpu.vector_load %arg12[%parallel_loop3A_319, %parallel_loop3A_320] {strides = array<i32>} : memref<32x128xf32, #tpu.memory_space<vmem>>, vector<16xf32>,
        %parallel_loop3A_322 = arith.addf %parallel_loop3A_308, %parallel_loop3A_321 : vector<16xf32>
        %parallel_loop3A_323 = arith.constant 0.000000e+00 : f32
        %parallel_loop3A_324 = vector.broadcast %parallel_loop3A_323 : f32 to vector<16xf32>
        %parallel_loop3A_325 = arith.maximumf %parallel_loop3A_322, %parallel_loop3A_324 : vector<16xf32>
        %parallel_loop3A_326 = arith.index_cast %parallel_loop3A_276 : i32 to index
        %parallel_loop3A_327 = arith.constant 48 : index
        %parallel_loop3A_328 = tpu.vector_load %arg14[%parallel_loop3A_326, %parallel_loop3A_327] {strides = array<i32>} : memref<32x128xf32, #tpu.memory_space<vmem>>, vector<16xf32>,
        tpu.vector_store %arg14[%parallel_loop3A_326, %parallel_loop3A_327], %parallel_loop3A_325 {strides = array<i32>} : memref<32x128xf32, #tpu.memory_space<vmem>>, vector<16xf32>,
        %parallel_loop3A_329 = arith.index_cast %parallel_loop3A_276 : i32 to index
        %parallel_loop3A_330 = arith.constant 32 : index
        %parallel_loop3A_331 = tpu.vector_load %arg8[%parallel_loop3A_329, %parallel_loop3A_330] {strides = array<i32>} : memref<32x64xi32, #tpu.memory_space<vmem>>, vector<16xi32>,
        %parallel_loop3A_332 = vector.bitcast %parallel_loop3A_331 : vector<16xi32> to vector<32xbf16>
        %parallel_loop3A_333 = tpu.unpack_subelements %parallel_loop3A_332, 0 {pack_format = #tpu.pack_format<interleaved>} : vector<32xbf16> -> vector<16xf32>
        %parallel_loop3A_334 = tpu.unpack_subelements %parallel_loop3A_332, 1 {pack_format = #tpu.pack_format<interleaved>} : vector<32xbf16> -> vector<16xf32>
        %parallel_loop3A_335 = arith.index_cast %parallel_loop3A_276 : i32 to index
        %parallel_loop3A_336 = arith.constant 64 : index
        %parallel_loop3A_337 = tpu.vector_load %arg12[%parallel_loop3A_335, %parallel_loop3A_336] {strides = array<i32>} : memref<32x128xf32, #tpu.memory_space<vmem>>, vector<16xf32>,
        %parallel_loop3A_338 = arith.addf %parallel_loop3A_333, %parallel_loop3A_337 : vector<16xf32>
        %parallel_loop3A_339 = arith.constant 0.000000e+00 : f32
        %parallel_loop3A_340 = vector.broadcast %parallel_loop3A_339 : f32 to vector<16xf32>
        %parallel_loop3A_341 = arith.maximumf %parallel_loop3A_338, %parallel_loop3A_340 : vector<16xf32>
        %parallel_loop3A_342 = arith.index_cast %parallel_loop3A_276 : i32 to index
        %parallel_loop3A_343 = arith.constant 64 : index
        %parallel_loop3A_344 = tpu.vector_load %arg14[%parallel_loop3A_342, %parallel_loop3A_343] {strides = array<i32>} : memref<32x128xf32, #tpu.memory_space<vmem>>, vector<16xf32>,
        tpu.vector_store %arg14[%parallel_loop3A_342, %parallel_loop3A_343], %parallel_loop3A_341 {strides = array<i32>} : memref<32x128xf32, #tpu.memory_space<vmem>>, vector<16xf32>,
        %parallel_loop3A_345 = arith.index_cast %parallel_loop3A_276 : i32 to index
        %parallel_loop3A_346 = arith.constant 80 : index
        %parallel_loop3A_347 = tpu.vector_load %arg12[%parallel_loop3A_345, %parallel_loop3A_346] {strides = array<i32>} : memref<32x128xf32, #tpu.memory_space<vmem>>, vector<16xf32>,
        %parallel_loop3A_348 = arith.addf %parallel_loop3A_334, %parallel_loop3A_347 : vector<16xf32>
        %parallel_loop3A_349 = arith.constant 0.000000e+00 : f32
        %parallel_loop3A_350 = vector.broadcast %parallel_loop3A_349 : f32 to vector<16xf32>
        %parallel_loop3A_351 = arith.maximumf %parallel_loop3A_348, %parallel_loop3A_350 : vector<16xf32>
        %parallel_loop3A_352 = arith.index_cast %parallel_loop3A_276 : i32 to index
        %parallel_loop3A_353 = arith.constant 80 : index
        %parallel_loop3A_354 = tpu.vector_load %arg14[%parallel_loop3A_352, %parallel_loop3A_353] {strides = array<i32>} : memref<32x128xf32, #tpu.memory_space<vmem>>, vector<16xf32>,
        tpu.vector_store %arg14[%parallel_loop3A_352, %parallel_loop3A_353], %parallel_loop3A_351 {strides = array<i32>} : memref<32x128xf32, #tpu.memory_space<vmem>>, vector<16xf32>,
        %parallel_loop3A_355 = arith.index_cast %parallel_loop3A_276 : i32 to index
        %parallel_loop3A_356 = arith.constant 48 : index
        %parallel_loop3A_357 = tpu.vector_load %arg8[%parallel_loop3A_355, %parallel_loop3A_356] {strides = array<i32>} : memref<32x64xi32, #tpu.memory_space<vmem>>, vector<16xi32>,
        %parallel_loop3A_358 = vector.bitcast %parallel_loop3A_357 : vector<16xi32> to vector<32xbf16>
        %parallel_loop3A_359 = tpu.unpack_subelements %parallel_loop3A_358, 0 {pack_format = #tpu.pack_format<interleaved>} : vector<32xbf16> -> vector<16xf32>
        %parallel_loop3A_360 = tpu.unpack_subelements %parallel_loop3A_358, 1 {pack_format = #tpu.pack_format<interleaved>} : vector<32xbf16> -> vector<16xf32>
        %parallel_loop3A_361 = arith.index_cast %parallel_loop3A_276 : i32 to index
        %parallel_loop3A_362 = arith.constant 96 : index
        %parallel_loop3A_363 = tpu.vector_load %arg12[%parallel_loop3A_361, %parallel_loop3A_362] {strides = array<i32>} : memref<32x128xf32, #tpu.memory_space<vmem>>, vector<16xf32>,
        %parallel_loop3A_364 = arith.addf %parallel_loop3A_359, %parallel_loop3A_363 : vector<16xf32>
        %parallel_loop3A_365 = arith.constant 0.000000e+00 : f32
        %parallel_loop3A_366 = vector.broadcast %parallel_loop3A_365 : f32 to vector<16xf32>
        %parallel_loop3A_367 = arith.maximumf %parallel_loop3A_364, %parallel_loop3A_366 : vector<16xf32>
        %parallel_loop3A_368 = arith.index_cast %parallel_loop3A_276 : i32 to index
        %parallel_loop3A_369 = arith.constant 96 : index
        %parallel_loop3A_370 = tpu.vector_load %arg14[%parallel_loop3A_368, %parallel_loop3A_369] {strides = array<i32>} : memref<32x128xf32, #tpu.memory_space<vmem>>, vector<16xf32>,
        tpu.vector_store %arg14[%parallel_loop3A_368, %parallel_loop3A_369], %parallel_loop3A_367 {strides = array<i32>} : memref<32x128xf32, #tpu.memory_space<vmem>>, vector<16xf32>,
        %parallel_loop3A_371 = arith.index_cast %parallel_loop3A_276 : i32 to index
        %parallel_loop3A_372 = arith.constant 112 : index
        %parallel_loop3A_373 = tpu.vector_load %arg12[%parallel_loop3A_371, %parallel_loop3A_372] {strides = array<i32>} : memref<32x128xf32, #tpu.memory_space<vmem>>, vector<16xf32>,
        %parallel_loop3A_374 = arith.addf %parallel_loop3A_360, %parallel_loop3A_373 : vector<16xf32>
        %parallel_loop3A_375 = arith.constant 0.000000e+00 : f32
        %parallel_loop3A_376 = vector.broadcast %parallel_loop3A_375 : f32 to vector<16xf32>
        %parallel_loop3A_377 = arith.maximumf %parallel_loop3A_374, %parallel_loop3A_376 : vector<16xf32>
        %parallel_loop3A_378 = arith.index_cast %parallel_loop3A_276 : i32 to index
        %parallel_loop3A_379 = arith.constant 112 : index
        %parallel_loop3A_380 = tpu.vector_load %arg14[%parallel_loop3A_378, %parallel_loop3A_379] {strides = array<i32>} : memref<32x128xf32, #tpu.memory_space<vmem>>, vector<16xf32>,
        tpu.vector_store %arg14[%parallel_loop3A_378, %parallel_loop3A_379], %parallel_loop3A_377 {strides = array<i32>} : memref<32x128xf32, #tpu.memory_space<vmem>>, vector<16xf32>,
      } {sc.loop_unroll_factor = 4 : i64, sc.parallel_access}
      %dma_start3A_228 = arith.constant 0 : i32
      %dma_start3A_229 = arith.constant 0 : i32
      %dma_start3A_230 = tpu.memref_slice %arg24[%dma_start3A_228, %dma_start3A_229] : memref<10240x128xf32, #tpu.memory_space<vmem_shared>> -> memref<10240x128xf32, #tpu.memory_space<vmem_shared>>
      tpu.enqueue_indirect_dma source(%arg14 : memref<32x128xf32, #tpu.memory_space<vmem>>) target(%dma_start3A_230 : memref<10240x128xf32, #tpu.memory_space<vmem_shared>>) offsets(%arg22 : memref<32xi32, #tpu.memory_space<vmem>>) semaphore(%arg31 : memref<!tpu.dma_semaphore, #tpu.memory_space<semaphore_mem>>) {add = true}
      %add3A_231 = arith.constant 2 : i32
      %add3A_232 = arith.addi %add3A_211, %add3A_231 : i32
      %lt3A_233 = arith.cmpi slt, %add3A_232, %min3A_4 : i32
      %convert_element_type3A_234 = arith.extui %lt3A_233 : i1 to i32
      %cond3A_235 = arith.constant 0 : i32
      %cond3A_236 = arith.cmpi ne, %convert_element_type3A_234, %cond3A_235 : i32
      scf.if %cond3A_236 {
        %add3A_276 = arith.constant 1 : i32
        %add3A_277 = arith.addi %select_n3A, %add3A_276 : i32
        %get3A_278 = arith.index_cast %add3A_277 : i32 to index
        %get3A_279 = arith.constant 0 : index
        %get3A_280 = tpu.vector_load %arg7[%get3A_278, %get3A_279] {strides = array<i32>} : memref<80x128xi32, #tpu.memory_space<vmem>>, vector<16xi32>,
        %and3A_281 = arith.constant 65535 : i32
        %and3A_282 = vector.broadcast %and3A_281 : i32 to vector<16xi32>
        %and3A_283 = arith.andi %get3A_280, %and3A_282 : vector<16xi32>
        %swap3A_284 = arith.constant 0 : index
        %swap3A_285 = tpu.vector_load %arg16[%swap3A_284] {strides = array<i32>} : memref<32xi32, #tpu.memory_space<vmem>>, vector<16xi32>,
        tpu.vector_store %arg16[%swap3A_284], %and3A_283 {strides = array<i32>} : memref<32xi32, #tpu.memory_space<vmem>>, vector<16xi32>,
        %shift_right_logical3A_286 = arith.constant 16 : i32
        %shift_right_logical3A_287 = vector.broadcast %shift_right_logical3A_286 : i32 to vector<16xi32>
        %shift_right_logical3A_288 = arith.shrui %get3A_280, %shift_right_logical3A_287 : vector<16xi32>
        %swap3A_289 = arith.constant 0 : index
        %swap3A_290 = tpu.vector_load %arg20[%swap3A_289] {strides = array<i32>} : memref<32xi32, #tpu.memory_space<vmem>>, vector<16xi32>,
        tpu.vector_store %arg20[%swap3A_289], %shift_right_logical3A_288 {strides = array<i32>} : memref<32xi32, #tpu.memory_space<vmem>>, vector<16xi32>,
        %get3A_291 = arith.index_cast %add3A_277 : i32 to index
        %get3A_292 = arith.constant 16 : index
        %get3A_293 = tpu.vector_load %arg7[%get3A_291, %get3A_292] {strides = array<i32>} : memref<80x128xi32, #tpu.memory_space<vmem>>, vector<16xi32>,
        %and3A_294 = arith.constant 65535 : i32
        %and3A_295 = vector.broadcast %and3A_294 : i32 to vector<16xi32>
        %and3A_296 = arith.andi %get3A_293, %and3A_295 : vector<16xi32>
        %swap3A_297 = arith.constant 16 : index
        %swap3A_298 = tpu.vector_load %arg16[%swap3A_297] {strides = array<i32>} : memref<32xi32, #tpu.memory_space<vmem>>, vector<16xi32>,
        tpu.vector_store %arg16[%swap3A_297], %and3A_296 {strides = array<i32>} : memref<32xi32, #tpu.memory_space<vmem>>, vector<16xi32>,
        %shift_right_logical3A_299 = arith.constant 16 : i32
        %shift_right_logical3A_300 = vector.broadcast %shift_right_logical3A_299 : i32 to vector<16xi32>
        %shift_right_logical3A_301 = arith.shrui %get3A_293, %shift_right_logical3A_300 : vector<16xi32>
        %swap3A_302 = arith.constant 16 : index
        %swap3A_303 = tpu.vector_load %arg20[%swap3A_302] {strides = array<i32>} : memref<32xi32, #tpu.memory_space<vmem>>, vector<16xi32>,
        tpu.vector_store %arg20[%swap3A_302], %shift_right_logical3A_301 {strides = array<i32>} : memref<32xi32, #tpu.memory_space<vmem>>, vector<16xi32>,
        %dma_start3A_304 = arith.constant 0 : i32
        %dma_start3A_305 = arith.constant 0 : i32
        %dma_start3A_306 = tpu.memref_slice %arg2[%dma_start3A_304, %dma_start3A_305] : memref<10000x64xi32, #tpu.memory_space<hbm>> -> memref<10000x64xi32, #tpu.memory_space<hbm>>
        tpu.enqueue_indirect_dma source(%dma_start3A_306 : memref<10000x64xi32, #tpu.memory_space<hbm>>) target(%arg8 : memref<32x64xi32, #tpu.memory_space<vmem>>) offsets(%arg16 : memref<32xi32, #tpu.memory_space<vmem>>) semaphore(%arg25 : memref<!tpu.dma_semaphore, #tpu.memory_space<semaphore_mem>>)
      } else {
      }
      %add3A_237 = arith.constant 4 : i32
      %add3A_238 = arith.addi %add3A_211, %add3A_237 : i32
      %lt3A_239 = arith.cmpi slt, %add3A_238, %min3A_4 : i32
      %convert_element_type3A_240 = arith.extui %lt3A_239 : i1 to i32
      %cond3A_241 = arith.constant 0 : i32
      %cond3A_242 = arith.cmpi ne, %convert_element_type3A_240, %cond3A_241 : i32
      scf.if %cond3A_242 {
        %add3A_276 = arith.constant 4 : i32
        %add3A_277 = arith.addi %add3A_211, %add3A_276 : i32
        %add3A_278 = arith.addi %mul3A_2, %add3A_277 : i32
        %mul3A_279 = arith.constant 32 : i32
        %mul3A_280 = arith.muli %add3A_278, %mul3A_279 : i32
        %dma_start3A_281 = arith.constant 0 : i32
        %dma_start3A_282 = tpu.memref_slice %arg4[%mul3A_280, %dma_start3A_281] : memref<320000x128xf32, #tpu.memory_space<hbm>> -> memref<32x128xf32, #tpu.memory_space<hbm>>
        %dma_start3A_283 = arith.constant 0 : i32
        %dma_start3A_284 = tpu.memref_slice %arg4[%mul3A_280, %dma_start3A_283] : memref<320000x128xf32, #tpu.memory_space<hbm>> -> memref<32x128xf32, #tpu.memory_space<hbm>>
        tpu.enqueue_dma source(%dma_start3A_284 : memref<32x128xf32, #tpu.memory_space<hbm>>) target(%arg12 : memref<32x128xf32, #tpu.memory_space<vmem>>) target_semaphore(%arg29 : memref<!tpu.dma_semaphore, #tpu.memory_space<semaphore_mem>>)
      } else {
      }
      %add3A_243 = arith.constant 3 : i32
      %add3A_244 = arith.addi %add3A_125, %add3A_243 : i32
      %dma_wait3A_245 = arith.constant 0 : i32
      %dma_wait3A_246 = arith.constant 0 : i32
      %dma_wait3A_247 = tpu.memref_slice %arg24[%dma_wait3A_245, %dma_wait3A_246] : memref<10240x128xf32, #tpu.memory_space<vmem_shared>> -> memref<10240x128xf32, #tpu.memory_space<vmem_shared>>
      tpu.wait_indirect_dma semaphore(%arg32 : memref<!tpu.dma_semaphore, #tpu.memory_space<semaphore_mem>>) src(%arg15 : memref<32x128xf32, #tpu.memory_space<vmem>>) dst(%dma_wait3A_247 : memref<10240x128xf32, #tpu.memory_space<vmem_shared>>)
      %dma_wait3A_248 = arith.constant 0 : i32
      %dma_wait3A_249 = arith.constant 0 : i32
      %dma_wait3A_250 = tpu.memref_slice %arg2[%dma_wait3A_248, %dma_wait3A_249] : memref<10000x64xi32, #tpu.memory_space<hbm>> -> memref<10000x64xi32, #tpu.memory_space<hbm>>
      tpu.wait_indirect_dma semaphore(%arg26 : memref<!tpu.dma_semaphore, #tpu.memory_space<semaphore_mem>>) src(%dma_wait3A_250 : memref<10000x64xi32, #tpu.memory_space<hbm>>) dst(%arg9 : memref<32x64xi32, #tpu.memory_space<vmem>>)
      %add3A_251 = arith.addi %mul3A_2, %add3A_244 : i32
      %mul3A_252 = arith.constant 32 : i32
      %mul3A_253 = arith.muli %add3A_251, %mul3A_252 : i32
      %dma_wait3A_254 = arith.constant 0 : i32
      %dma_wait3A_255 = tpu.memref_slice %arg4[%mul3A_253, %dma_wait3A_254] : memref<320000x128xf32, #tpu.memory_space<hbm>> -> memref<32x128xf32, #tpu.memory_space<hbm>>
      %dma_wait3A_256 = arith.constant 0 : i32
      %dma_wait3A_257 = tpu.memref_slice %arg4[%mul3A_253, %dma_wait3A_256] : memref<320000x128xf32, #tpu.memory_space<hbm>> -> memref<32x128xf32, #tpu.memory_space<hbm>>
      tpu.wait_dma2 semaphore(%arg30 : memref<!tpu.dma_semaphore, #tpu.memory_space<semaphore_mem>>) src(%dma_wait3A_257 : memref<32x128xf32, #tpu.memory_space<hbm>>) dst(%arg13 : memref<32x128xf32, #tpu.memory_space<vmem>>)
      %parallel_loop3A_258 = arith.constant 0 : i32
      %parallel_loop3A_259 = arith.constant 32 : i32
      %parallel_loop3A_260 = arith.constant 1 : i32
      scf.for %parallel_loop3A_276 = %parallel_loop3A_258 to %parallel_loop3A_259 step %parallel_loop3A_260  : i32 {
        %parallel_loop3A_277 = arith.index_cast %parallel_loop3A_276 : i32 to index
        %parallel_loop3A_278 = arith.constant 0 : index
        %parallel_loop3A_279 = tpu.vector_load %arg9[%parallel_loop3A_277, %parallel_loop3A_278] {strides = array<i32>} : memref<32x64xi32, #tpu.memory_space<vmem>>, vector<16xi32>,
        %parallel_loop3A_280 = vector.bitcast %parallel_loop3A_279 : vector<16xi32> to vector<32xbf16>
        %parallel_loop3A_281 = tpu.unpack_subelements %parallel_loop3A_280, 0 {pack_format = #tpu.pack_format<interleaved>} : vector<32xbf16> -> vector<16xf32>
        %parallel_loop3A_282 = tpu.unpack_subelements %parallel_loop3A_280, 1 {pack_format = #tpu.pack_format<interleaved>} : vector<32xbf16> -> vector<16xf32>
        %parallel_loop3A_283 = arith.index_cast %parallel_loop3A_276 : i32 to index
        %parallel_loop3A_284 = arith.constant 0 : index
        %parallel_loop3A_285 = tpu.vector_load %arg13[%parallel_loop3A_283, %parallel_loop3A_284] {strides = array<i32>} : memref<32x128xf32, #tpu.memory_space<vmem>>, vector<16xf32>,
        %parallel_loop3A_286 = arith.addf %parallel_loop3A_281, %parallel_loop3A_285 : vector<16xf32>
        %parallel_loop3A_287 = arith.constant 0.000000e+00 : f32
        %parallel_loop3A_288 = vector.broadcast %parallel_loop3A_287 : f32 to vector<16xf32>
        %parallel_loop3A_289 = arith.maximumf %parallel_loop3A_286, %parallel_loop3A_288 : vector<16xf32>
        %parallel_loop3A_290 = arith.index_cast %parallel_loop3A_276 : i32 to index
        %parallel_loop3A_291 = arith.constant 0 : index
        %parallel_loop3A_292 = tpu.vector_load %arg15[%parallel_loop3A_290, %parallel_loop3A_291] {strides = array<i32>} : memref<32x128xf32, #tpu.memory_space<vmem>>, vector<16xf32>,
        tpu.vector_store %arg15[%parallel_loop3A_290, %parallel_loop3A_291], %parallel_loop3A_289 {strides = array<i32>} : memref<32x128xf32, #tpu.memory_space<vmem>>, vector<16xf32>,
        %parallel_loop3A_293 = arith.index_cast %parallel_loop3A_276 : i32 to index
        %parallel_loop3A_294 = arith.constant 16 : index
        %parallel_loop3A_295 = tpu.vector_load %arg13[%parallel_loop3A_293, %parallel_loop3A_294] {strides = array<i32>} : memref<32x128xf32, #tpu.memory_space<vmem>>, vector<16xf32>,
        %parallel_loop3A_296 = arith.addf %parallel_loop3A_282, %parallel_loop3A_295 : vector<16xf32>
        %parallel_loop3A_297 = arith.constant 0.000000e+00 : f32
        %parallel_loop3A_298 = vector.broadcast %parallel_loop3A_297 : f32 to vector<16xf32>
        %parallel_loop3A_299 = arith.maximumf %parallel_loop3A_296, %parallel_loop3A_298 : vector<16xf32>
        %parallel_loop3A_300 = arith.index_cast %parallel_loop3A_276 : i32 to index
        %parallel_loop3A_301 = arith.constant 16 : index
        %parallel_loop3A_302 = tpu.vector_load %arg15[%parallel_loop3A_300, %parallel_loop3A_301] {strides = array<i32>} : memref<32x128xf32, #tpu.memory_space<vmem>>, vector<16xf32>,
        tpu.vector_store %arg15[%parallel_loop3A_300, %parallel_loop3A_301], %parallel_loop3A_299 {strides = array<i32>} : memref<32x128xf32, #tpu.memory_space<vmem>>, vector<16xf32>,
        %parallel_loop3A_303 = arith.index_cast %parallel_loop3A_276 : i32 to index
        %parallel_loop3A_304 = arith.constant 16 : index
        %parallel_loop3A_305 = tpu.vector_load %arg9[%parallel_loop3A_303, %parallel_loop3A_304] {strides = array<i32>} : memref<32x64xi32, #tpu.memory_space<vmem>>, vector<16xi32>,
        %parallel_loop3A_306 = vector.bitcast %parallel_loop3A_305 : vector<16xi32> to vector<32xbf16>
        %parallel_loop3A_307 = tpu.unpack_subelements %parallel_loop3A_306, 0 {pack_format = #tpu.pack_format<interleaved>} : vector<32xbf16> -> vector<16xf32>
        %parallel_loop3A_308 = tpu.unpack_subelements %parallel_loop3A_306, 1 {pack_format = #tpu.pack_format<interleaved>} : vector<32xbf16> -> vector<16xf32>
        %parallel_loop3A_309 = arith.index_cast %parallel_loop3A_276 : i32 to index
        %parallel_loop3A_310 = arith.constant 32 : index
        %parallel_loop3A_311 = tpu.vector_load %arg13[%parallel_loop3A_309, %parallel_loop3A_310] {strides = array<i32>} : memref<32x128xf32, #tpu.memory_space<vmem>>, vector<16xf32>,
        %parallel_loop3A_312 = arith.addf %parallel_loop3A_307, %parallel_loop3A_311 : vector<16xf32>
        %parallel_loop3A_313 = arith.constant 0.000000e+00 : f32
        %parallel_loop3A_314 = vector.broadcast %parallel_loop3A_313 : f32 to vector<16xf32>
        %parallel_loop3A_315 = arith.maximumf %parallel_loop3A_312, %parallel_loop3A_314 : vector<16xf32>
        %parallel_loop3A_316 = arith.index_cast %parallel_loop3A_276 : i32 to index
        %parallel_loop3A_317 = arith.constant 32 : index
        %parallel_loop3A_318 = tpu.vector_load %arg15[%parallel_loop3A_316, %parallel_loop3A_317] {strides = array<i32>} : memref<32x128xf32, #tpu.memory_space<vmem>>, vector<16xf32>,
        tpu.vector_store %arg15[%parallel_loop3A_316, %parallel_loop3A_317], %parallel_loop3A_315 {strides = array<i32>} : memref<32x128xf32, #tpu.memory_space<vmem>>, vector<16xf32>,
        %parallel_loop3A_319 = arith.index_cast %parallel_loop3A_276 : i32 to index
        %parallel_loop3A_320 = arith.constant 48 : index
        %parallel_loop3A_321 = tpu.vector_load %arg13[%parallel_loop3A_319, %parallel_loop3A_320] {strides = array<i32>} : memref<32x128xf32, #tpu.memory_space<vmem>>, vector<16xf32>,
        %parallel_loop3A_322 = arith.addf %parallel_loop3A_308, %parallel_loop3A_321 : vector<16xf32>
        %parallel_loop3A_323 = arith.constant 0.000000e+00 : f32
        %parallel_loop3A_324 = vector.broadcast %parallel_loop3A_323 : f32 to vector<16xf32>
        %parallel_loop3A_325 = arith.maximumf %parallel_loop3A_322, %parallel_loop3A_324 : vector<16xf32>
        %parallel_loop3A_326 = arith.index_cast %parallel_loop3A_276 : i32 to index
        %parallel_loop3A_327 = arith.constant 48 : index
        %parallel_loop3A_328 = tpu.vector_load %arg15[%parallel_loop3A_326, %parallel_loop3A_327] {strides = array<i32>} : memref<32x128xf32, #tpu.memory_space<vmem>>, vector<16xf32>,
        tpu.vector_store %arg15[%parallel_loop3A_326, %parallel_loop3A_327], %parallel_loop3A_325 {strides = array<i32>} : memref<32x128xf32, #tpu.memory_space<vmem>>, vector<16xf32>,
        %parallel_loop3A_329 = arith.index_cast %parallel_loop3A_276 : i32 to index
        %parallel_loop3A_330 = arith.constant 32 : index
        %parallel_loop3A_331 = tpu.vector_load %arg9[%parallel_loop3A_329, %parallel_loop3A_330] {strides = array<i32>} : memref<32x64xi32, #tpu.memory_space<vmem>>, vector<16xi32>,
        %parallel_loop3A_332 = vector.bitcast %parallel_loop3A_331 : vector<16xi32> to vector<32xbf16>
        %parallel_loop3A_333 = tpu.unpack_subelements %parallel_loop3A_332, 0 {pack_format = #tpu.pack_format<interleaved>} : vector<32xbf16> -> vector<16xf32>
        %parallel_loop3A_334 = tpu.unpack_subelements %parallel_loop3A_332, 1 {pack_format = #tpu.pack_format<interleaved>} : vector<32xbf16> -> vector<16xf32>
        %parallel_loop3A_335 = arith.index_cast %parallel_loop3A_276 : i32 to index
        %parallel_loop3A_336 = arith.constant 64 : index
        %parallel_loop3A_337 = tpu.vector_load %arg13[%parallel_loop3A_335, %parallel_loop3A_336] {strides = array<i32>} : memref<32x128xf32, #tpu.memory_space<vmem>>, vector<16xf32>,
        %parallel_loop3A_338 = arith.addf %parallel_loop3A_333, %parallel_loop3A_337 : vector<16xf32>
        %parallel_loop3A_339 = arith.constant 0.000000e+00 : f32
        %parallel_loop3A_340 = vector.broadcast %parallel_loop3A_339 : f32 to vector<16xf32>
        %parallel_loop3A_341 = arith.maximumf %parallel_loop3A_338, %parallel_loop3A_340 : vector<16xf32>
        %parallel_loop3A_342 = arith.index_cast %parallel_loop3A_276 : i32 to index
        %parallel_loop3A_343 = arith.constant 64 : index
        %parallel_loop3A_344 = tpu.vector_load %arg15[%parallel_loop3A_342, %parallel_loop3A_343] {strides = array<i32>} : memref<32x128xf32, #tpu.memory_space<vmem>>, vector<16xf32>,
        tpu.vector_store %arg15[%parallel_loop3A_342, %parallel_loop3A_343], %parallel_loop3A_341 {strides = array<i32>} : memref<32x128xf32, #tpu.memory_space<vmem>>, vector<16xf32>,
        %parallel_loop3A_345 = arith.index_cast %parallel_loop3A_276 : i32 to index
        %parallel_loop3A_346 = arith.constant 80 : index
        %parallel_loop3A_347 = tpu.vector_load %arg13[%parallel_loop3A_345, %parallel_loop3A_346] {strides = array<i32>} : memref<32x128xf32, #tpu.memory_space<vmem>>, vector<16xf32>,
        %parallel_loop3A_348 = arith.addf %parallel_loop3A_334, %parallel_loop3A_347 : vector<16xf32>
        %parallel_loop3A_349 = arith.constant 0.000000e+00 : f32
        %parallel_loop3A_350 = vector.broadcast %parallel_loop3A_349 : f32 to vector<16xf32>
        %parallel_loop3A_351 = arith.maximumf %parallel_loop3A_348, %parallel_loop3A_350 : vector<16xf32>
        %parallel_loop3A_352 = arith.index_cast %parallel_loop3A_276 : i32 to index
        %parallel_loop3A_353 = arith.constant 80 : index
        %parallel_loop3A_354 = tpu.vector_load %arg15[%parallel_loop3A_352, %parallel_loop3A_353] {strides = array<i32>} : memref<32x128xf32, #tpu.memory_space<vmem>>, vector<16xf32>,
        tpu.vector_store %arg15[%parallel_loop3A_352, %parallel_loop3A_353], %parallel_loop3A_351 {strides = array<i32>} : memref<32x128xf32, #tpu.memory_space<vmem>>, vector<16xf32>,
        %parallel_loop3A_355 = arith.index_cast %parallel_loop3A_276 : i32 to index
        %parallel_loop3A_356 = arith.constant 48 : index
        %parallel_loop3A_357 = tpu.vector_load %arg9[%parallel_loop3A_355, %parallel_loop3A_356] {strides = array<i32>} : memref<32x64xi32, #tpu.memory_space<vmem>>, vector<16xi32>,
        %parallel_loop3A_358 = vector.bitcast %parallel_loop3A_357 : vector<16xi32> to vector<32xbf16>
        %parallel_loop3A_359 = tpu.unpack_subelements %parallel_loop3A_358, 0 {pack_format = #tpu.pack_format<interleaved>} : vector<32xbf16> -> vector<16xf32>
        %parallel_loop3A_360 = tpu.unpack_subelements %parallel_loop3A_358, 1 {pack_format = #tpu.pack_format<interleaved>} : vector<32xbf16> -> vector<16xf32>
        %parallel_loop3A_361 = arith.index_cast %parallel_loop3A_276 : i32 to index
        %parallel_loop3A_362 = arith.constant 96 : index
        %parallel_loop3A_363 = tpu.vector_load %arg13[%parallel_loop3A_361, %parallel_loop3A_362] {strides = array<i32>} : memref<32x128xf32, #tpu.memory_space<vmem>>, vector<16xf32>,
        %parallel_loop3A_364 = arith.addf %parallel_loop3A_359, %parallel_loop3A_363 : vector<16xf32>
        %parallel_loop3A_365 = arith.constant 0.000000e+00 : f32
        %parallel_loop3A_366 = vector.broadcast %parallel_loop3A_365 : f32 to vector<16xf32>
        %parallel_loop3A_367 = arith.maximumf %parallel_loop3A_364, %parallel_loop3A_366 : vector<16xf32>
        %parallel_loop3A_368 = arith.index_cast %parallel_loop3A_276 : i32 to index
        %parallel_loop3A_369 = arith.constant 96 : index
        %parallel_loop3A_370 = tpu.vector_load %arg15[%parallel_loop3A_368, %parallel_loop3A_369] {strides = array<i32>} : memref<32x128xf32, #tpu.memory_space<vmem>>, vector<16xf32>,
        tpu.vector_store %arg15[%parallel_loop3A_368, %parallel_loop3A_369], %parallel_loop3A_367 {strides = array<i32>} : memref<32x128xf32, #tpu.memory_space<vmem>>, vector<16xf32>,
        %parallel_loop3A_371 = arith.index_cast %parallel_loop3A_276 : i32 to index
        %parallel_loop3A_372 = arith.constant 112 : index
        %parallel_loop3A_373 = tpu.vector_load %arg13[%parallel_loop3A_371, %parallel_loop3A_372] {strides = array<i32>} : memref<32x128xf32, #tpu.memory_space<vmem>>, vector<16xf32>,
        %parallel_loop3A_374 = arith.addf %parallel_loop3A_360, %parallel_loop3A_373 : vector<16xf32>
        %parallel_loop3A_375 = arith.constant 0.000000e+00 : f32
        %parallel_loop3A_376 = vector.broadcast %parallel_loop3A_375 : f32 to vector<16xf32>
        %parallel_loop3A_377 = arith.maximumf %parallel_loop3A_374, %parallel_loop3A_376 : vector<16xf32>
        %parallel_loop3A_378 = arith.index_cast %parallel_loop3A_276 : i32 to index
        %parallel_loop3A_379 = arith.constant 112 : index
        %parallel_loop3A_380 = tpu.vector_load %arg15[%parallel_loop3A_378, %parallel_loop3A_379] {strides = array<i32>} : memref<32x128xf32, #tpu.memory_space<vmem>>, vector<16xf32>,
        tpu.vector_store %arg15[%parallel_loop3A_378, %parallel_loop3A_379], %parallel_loop3A_377 {strides = array<i32>} : memref<32x128xf32, #tpu.memory_space<vmem>>, vector<16xf32>,
      } {sc.loop_unroll_factor = 4 : i64, sc.parallel_access}
      %dma_start3A_261 = arith.constant 0 : i32
      %dma_start3A_262 = arith.constant 0 : i32
      %dma_start3A_263 = tpu.memref_slice %arg24[%dma_start3A_261, %dma_start3A_262] : memref<10240x128xf32, #tpu.memory_space<vmem_shared>> -> memref<10240x128xf32, #tpu.memory_space<vmem_shared>>
      tpu.enqueue_indirect_dma source(%arg15 : memref<32x128xf32, #tpu.memory_space<vmem>>) target(%dma_start3A_263 : memref<10240x128xf32, #tpu.memory_space<vmem_shared>>) offsets(%arg23 : memref<32xi32, #tpu.memory_space<vmem>>) semaphore(%arg32 : memref<!tpu.dma_semaphore, #tpu.memory_space<semaphore_mem>>) {add = true}
      %add3A_264 = arith.constant 2 : i32
      %add3A_265 = arith.addi %add3A_244, %add3A_264 : i32
      %lt3A_266 = arith.cmpi slt, %add3A_265, %min3A_4 : i32
      %convert_element_type3A_267 = arith.extui %lt3A_266 : i1 to i32
      %cond3A_268 = arith.constant 0 : i32
      %cond3A_269 = arith.cmpi ne, %convert_element_type3A_267, %cond3A_268 : i32
      scf.if %cond3A_269 {
        %add3A_276 = arith.constant 1 : i32
        %add3A_277 = arith.addi %select_n3A, %add3A_276 : i32
        %get3A_278 = arith.index_cast %add3A_277 : i32 to index
        %get3A_279 = arith.constant 32 : index
        %get3A_280 = tpu.vector_load %arg7[%get3A_278, %get3A_279] {strides = array<i32>} : memref<80x128xi32, #tpu.memory_space<vmem>>, vector<16xi32>,
        %and3A_281 = arith.constant 65535 : i32
        %and3A_282 = vector.broadcast %and3A_281 : i32 to vector<16xi32>
        %and3A_283 = arith.andi %get3A_280, %and3A_282 : vector<16xi32>
        %swap3A_284 = arith.constant 0 : index
        %swap3A_285 = tpu.vector_load %arg17[%swap3A_284] {strides = array<i32>} : memref<32xi32, #tpu.memory_space<vmem>>, vector<16xi32>,
        tpu.vector_store %arg17[%swap3A_284], %and3A_283 {strides = array<i32>} : memref<32xi32, #tpu.memory_space<vmem>>, vector<16xi32>,
        %shift_right_logical3A_286 = arith.constant 16 : i32
        %shift_right_logical3A_287 = vector.broadcast %shift_right_logical3A_286 : i32 to vector<16xi32>
        %shift_right_logical3A_288 = arith.shrui %get3A_280, %shift_right_logical3A_287 : vector<16xi32>
        %swap3A_289 = arith.constant 0 : index
        %swap3A_290 = tpu.vector_load %arg21[%swap3A_289] {strides = array<i32>} : memref<32xi32, #tpu.memory_space<vmem>>, vector<16xi32>,
        tpu.vector_store %arg21[%swap3A_289], %shift_right_logical3A_288 {strides = array<i32>} : memref<32xi32, #tpu.memory_space<vmem>>, vector<16xi32>,
        %get3A_291 = arith.index_cast %add3A_277 : i32 to index
        %get3A_292 = arith.constant 48 : index
        %get3A_293 = tpu.vector_load %arg7[%get3A_291, %get3A_292] {strides = array<i32>} : memref<80x128xi32, #tpu.memory_space<vmem>>, vector<16xi32>,
        %and3A_294 = arith.constant 65535 : i32
        %and3A_295 = vector.broadcast %and3A_294 : i32 to vector<16xi32>
        %and3A_296 = arith.andi %get3A_293, %and3A_295 : vector<16xi32>
        %swap3A_297 = arith.constant 16 : index
        %swap3A_298 = tpu.vector_load %arg17[%swap3A_297] {strides = array<i32>} : memref<32xi32, #tpu.memory_space<vmem>>, vector<16xi32>,
        tpu.vector_store %arg17[%swap3A_297], %and3A_296 {strides = array<i32>} : memref<32xi32, #tpu.memory_space<vmem>>, vector<16xi32>,
        %shift_right_logical3A_299 = arith.constant 16 : i32
        %shift_right_logical3A_300 = vector.broadcast %shift_right_logical3A_299 : i32 to vector<16xi32>
        %shift_right_logical3A_301 = arith.shrui %get3A_293, %shift_right_logical3A_300 : vector<16xi32>
        %swap3A_302 = arith.constant 16 : index
        %swap3A_303 = tpu.vector_load %arg21[%swap3A_302] {strides = array<i32>} : memref<32xi32, #tpu.memory_space<vmem>>, vector<16xi32>,
        tpu.vector_store %arg21[%swap3A_302], %shift_right_logical3A_301 {strides = array<i32>} : memref<32xi32, #tpu.memory_space<vmem>>, vector<16xi32>,
        %dma_start3A_304 = arith.constant 0 : i32
        %dma_start3A_305 = arith.constant 0 : i32
        %dma_start3A_306 = tpu.memref_slice %arg2[%dma_start3A_304, %dma_start3A_305] : memref<10000x64xi32, #tpu.memory_space<hbm>> -> memref<10000x64xi32, #tpu.memory_space<hbm>>
        tpu.enqueue_indirect_dma source(%dma_start3A_306 : memref<10000x64xi32, #tpu.memory_space<hbm>>) target(%arg9 : memref<32x64xi32, #tpu.memory_space<vmem>>) offsets(%arg17 : memref<32xi32, #tpu.memory_space<vmem>>) semaphore(%arg26 : memref<!tpu.dma_semaphore, #tpu.memory_space<semaphore_mem>>)
      } else {
      }
      %add3A_270 = arith.constant 4 : i32
      %add3A_271 = arith.addi %add3A_244, %add3A_270 : i32
      %lt3A_272 = arith.cmpi slt, %add3A_271, %min3A_4 : i32
      %convert_element_type3A_273 = arith.extui %lt3A_272 : i1 to i32
      %cond3A_274 = arith.constant 0 : i32
      %cond3A_275 = arith.cmpi ne, %convert_element_type3A_273, %cond3A_274 : i32
      scf.if %cond3A_275 {
        %add3A_276 = arith.constant 4 : i32
        %add3A_277 = arith.addi %add3A_244, %add3A_276 : i32
        %add3A_278 = arith.addi %mul3A_2, %add3A_277 : i32
        %mul3A_279 = arith.constant 32 : i32
        %mul3A_280 = arith.muli %add3A_278, %mul3A_279 : i32
        %dma_start3A_281 = arith.constant 0 : i32
        %dma_start3A_282 = tpu.memref_slice %arg4[%mul3A_280, %dma_start3A_281] : memref<320000x128xf32, #tpu.memory_space<hbm>> -> memref<32x128xf32, #tpu.memory_space<hbm>>
        %dma_start3A_283 = arith.constant 0 : i32
        %dma_start3A_284 = tpu.memref_slice %arg4[%mul3A_280, %dma_start3A_283] : memref<320000x128xf32, #tpu.memory_space<hbm>> -> memref<32x128xf32, #tpu.memory_space<hbm>>
        tpu.enqueue_dma source(%dma_start3A_284 : memref<32x128xf32, #tpu.memory_space<hbm>>) target(%arg13 : memref<32x128xf32, #tpu.memory_space<vmem>>) target_semaphore(%arg30 : memref<!tpu.dma_semaphore, #tpu.memory_space<semaphore_mem>>)
      } else {
      }
    }
    %dma_wait3A = arith.constant 0 : i32
    %dma_wait3A_115 = arith.constant 0 : i32
    %dma_wait3A_116 = tpu.memref_slice %arg24[%dma_wait3A, %dma_wait3A_115] : memref<10240x128xf32, #tpu.memory_space<vmem_shared>> -> memref<10240x128xf32, #tpu.memory_space<vmem_shared>>
    tpu.wait_indirect_dma semaphore(%arg31 : memref<!tpu.dma_semaphore, #tpu.memory_space<semaphore_mem>>) src(%arg14 : memref<32x128xf32, #tpu.memory_space<vmem>>) dst(%dma_wait3A_116 : memref<10240x128xf32, #tpu.memory_space<vmem_shared>>)
    %dma_wait3A_117 = arith.constant 0 : i32
    %dma_wait3A_118 = arith.constant 0 : i32
    %dma_wait3A_119 = tpu.memref_slice %arg24[%dma_wait3A_117, %dma_wait3A_118] : memref<10240x128xf32, #tpu.memory_space<vmem_shared>> -> memref<10240x128xf32, #tpu.memory_space<vmem_shared>>
    tpu.wait_indirect_dma semaphore(%arg32 : memref<!tpu.dma_semaphore, #tpu.memory_space<semaphore_mem>>) src(%arg15 : memref<32x128xf32, #tpu.memory_space<vmem>>) dst(%dma_wait3A_119 : memref<10240x128xf32, #tpu.memory_space<vmem_shared>>)
    %barrier3A_120 = arith.constant 0 : index
    tpu.barrier barrier_id(%barrier3A_120)
    %mul3A_121 = arith.constant 640 : i32
    %mul3A_122 = arith.muli %arg1, %mul3A_121 : i32
    "tpu.region"() ({
      %run_scoped3A = tpu.sem_alloc : memref<!tpu.dma_semaphore, #tpu.memory_space<semaphore_mem>>
      %dma_start3A_123 = arith.constant 0 : i32
      %dma_start3A_124 = arith.constant 0 : i32
      %dma_start3A_125 = tpu.memref_slice %arg6[%arg0, %dma_start3A_123, %dma_start3A_124] : memref<2x10240x128xf32, #tpu.memory_space<hbm>> -> memref<1x10240x128xf32, #tpu.memory_space<hbm>>
      %dma_start3A_126 = tpu.memref_squeeze %dma_start3A_125 : memref<1x10240x128xf32, #tpu.memory_space<hbm>> -> memref<10240x128xf32, #tpu.memory_space<hbm>>
      %dma_start3A_127 = arith.constant 0 : i32
      %dma_start3A_128 = tpu.memref_slice %dma_start3A_126[%mul3A_122, %dma_start3A_127] : memref<10240x128xf32, #tpu.memory_space<hbm>> -> memref<640x128xf32, #tpu.memory_space<hbm>>
      %dma_start3A_129 = arith.constant 0 : i32
      %dma_start3A_130 = tpu.memref_slice %arg24[%mul3A_122, %dma_start3A_129] : memref<10240x128xf32, #tpu.memory_space<vmem_shared>> -> memref<640x128xf32, #tpu.memory_space<vmem_shared>>
      tpu.enqueue_dma source(%dma_start3A_130 : memref<640x128xf32, #tpu.memory_space<vmem_shared>>) target(%dma_start3A_128 : memref<640x128xf32, #tpu.memory_space<hbm>>) target_semaphore(%run_scoped3A : memref<!tpu.dma_semaphore, #tpu.memory_space<semaphore_mem>>)
      %dma_wait3A_131 = arith.constant 0 : i32
      %dma_wait3A_132 = arith.constant 0 : i32
      %dma_wait3A_133 = tpu.memref_slice %arg6[%arg0, %dma_wait3A_131, %dma_wait3A_132] : memref<2x10240x128xf32, #tpu.memory_space<hbm>> -> memref<1x10240x128xf32, #tpu.memory_space<hbm>>
      %dma_wait3A_134 = tpu.memref_squeeze %dma_wait3A_133 : memref<1x10240x128xf32, #tpu.memory_space<hbm>> -> memref<10240x128xf32, #tpu.memory_space<hbm>>
      %dma_wait3A_135 = arith.constant 0 : i32
      %dma_wait3A_136 = tpu.memref_slice %dma_wait3A_134[%mul3A_122, %dma_wait3A_135] : memref<10240x128xf32, #tpu.memory_space<hbm>> -> memref<640x128xf32, #tpu.memory_space<hbm>>
      %dma_wait3A_137 = arith.constant 0 : i32
      %dma_wait3A_138 = tpu.memref_slice %arg24[%mul3A_122, %dma_wait3A_137] : memref<10240x128xf32, #tpu.memory_space<vmem_shared>> -> memref<640x128xf32, #tpu.memory_space<vmem_shared>>
      tpu.wait_dma2 semaphore(%run_scoped3A : memref<!tpu.dma_semaphore, #tpu.memory_space<semaphore_mem>>) src(%dma_wait3A_138 : memref<640x128xf32, #tpu.memory_space<vmem_shared>>) dst(%dma_wait3A_136 : memref<640x128xf32, #tpu.memory_space<hbm>>)
      tpu.yield
    }) : () -> ()
    return
  }
}

module attributes {stable_mosaic.version = 14 : i64} {
  func.func @body(%arg0: i32, %arg1: memref<1000x128xf32, #tpu.memory_space<vmem>>, %arg2: memref<2x1000x128xf32, #tpu.memory_space<vmem>>, %arg3: memref<128x128xf32, #tpu.memory_space<vmem>>, %arg4: memref<1x128xf32, #tpu.memory_space<vmem>>, %arg5: memref<128x128xf32, #tpu.memory_space<vmem>>, %arg6: memref<1x128xf32, #tpu.memory_space<vmem>>, %arg7: memref<1000x128xf32, #tpu.memory_space<vmem>>) attributes {dimension_semantics = [#tpu.dimension_semantics<arbitrary>], iteration_bounds = array<i64: 10>, scalar_prefetch = 0 : i64, scratch_operands = 0 : i64, tpu.core_type = #tpu.core_type<tc>, window_params = [{transform_indices = @transform_0, window_bounds = array<i64: 1000, 128>}, {transform_indices = @transform_1, window_bounds = array<i64: 2, 1000, 128>}, {pipeline_mode = #tpu.pipeline_mode<synchronous>, transform_indices = @transform_2, window_bounds = array<i64: 128, 128>}, {pipeline_mode = #tpu.pipeline_mode<synchronous>, transform_indices = @transform_3, window_bounds = array<i64: 1, 128>}, {pipeline_mode = #tpu.pipeline_mode<synchronous>, transform_indices = @transform_4, window_bounds = array<i64: 128, 128>}, {pipeline_mode = #tpu.pipeline_mode<synchronous>, transform_indices = @transform_5, window_bounds = array<i64: 1, 128>}, {transform_indices = @transform_6, window_bounds = array<i64: 1000, 128>}]} {
    %get3A = arith.constant 0 : index
    %get3A_0 = arith.constant 0 : index
    %get3A_1 = vector.load %arg1[%get3A, %get3A_0] : memref<1000x128xf32, #tpu.memory_space<vmem>>, vector<1000x128xf32>
    %get3A_2 = arith.constant 0 : index
    %get3A_3 = arith.constant 0 : index
    %get3A_4 = arith.constant 0 : index
    %get3A_5 = vector.load %arg2[%get3A_2, %get3A_3, %get3A_4] : memref<2x1000x128xf32, #tpu.memory_space<vmem>>, vector<1x1000x128xf32>
    %get3A_6 = vector.shape_cast %get3A_5 : vector<1x1000x128xf32> to vector<1000x128xf32>
    %add3A = arith.addf %get3A_1, %get3A_6 : vector<1000x128xf32>
    %get3A_7 = arith.constant 1 : index
    %get3A_8 = arith.constant 0 : index
    %get3A_9 = arith.constant 0 : index
    %get3A_10 = vector.load %arg2[%get3A_7, %get3A_8, %get3A_9] : memref<2x1000x128xf32, #tpu.memory_space<vmem>>, vector<1x1000x128xf32>
    %get3A_11 = vector.shape_cast %get3A_10 : vector<1x1000x128xf32> to vector<1000x128xf32>
    %add3A_12 = arith.addf %add3A, %get3A_11 : vector<1000x128xf32>
    %get3A_13 = arith.constant 0 : index
    %get3A_14 = arith.constant 0 : index
    %get3A_15 = vector.load %arg3[%get3A_13, %get3A_14] : memref<128x128xf32, #tpu.memory_space<vmem>>, vector<128x128xf32>
    %dot_general3A = arith.constant dense<0.000000e+00> : vector<1000x128xf32>
    %dot_general3A_16 = tpu.matmul %add3A_12, %get3A_15, %dot_general3A {dimension_numbers = #tpu.dot_dimension_numbers<[1], [0], [0], [1], [0, 0, 1, 1], [], []>, transpose_lhs_hint = false} : vector<1000x128xf32>, vector<128x128xf32>, vector<1000x128xf32> -> vector<1000x128xf32>
    %get3A_17 = arith.constant 0 : index
    %get3A_18 = arith.constant 0 : index
    %get3A_19 = vector.load %arg4[%get3A_17, %get3A_18] : memref<1x128xf32, #tpu.memory_space<vmem>>, vector<1x128xf32>
    %add3A_20 = vector.broadcast %get3A_19 : vector<1x128xf32> to vector<1000x128xf32>
    %add3A_21 = arith.addf %dot_general3A_16, %add3A_20 : vector<1000x128xf32>
    %max3A = arith.constant 0.000000e+00 : f32
    %max3A_22 = vector.broadcast %max3A : f32 to vector<1000x128xf32>
    %max3A_23 = arith.maximumf %add3A_21, %max3A_22 : vector<1000x128xf32>
    %get3A_24 = arith.constant 0 : index
    %get3A_25 = arith.constant 0 : index
    %get3A_26 = vector.load %arg5[%get3A_24, %get3A_25] : memref<128x128xf32, #tpu.memory_space<vmem>>, vector<128x128xf32>
    %dot_general3A_27 = arith.constant dense<0.000000e+00> : vector<1000x128xf32>
    %dot_general3A_28 = tpu.matmul %max3A_23, %get3A_26, %dot_general3A_27 {dimension_numbers = #tpu.dot_dimension_numbers<[1], [0], [0], [1], [0, 0, 1, 1], [], []>, transpose_lhs_hint = false} : vector<1000x128xf32>, vector<128x128xf32>, vector<1000x128xf32> -> vector<1000x128xf32>
    %get3A_29 = arith.constant 0 : index
    %get3A_30 = arith.constant 0 : index
    %get3A_31 = vector.load %arg6[%get3A_29, %get3A_30] : memref<1x128xf32, #tpu.memory_space<vmem>>, vector<1x128xf32>
    %add3A_32 = vector.broadcast %get3A_31 : vector<1x128xf32> to vector<1000x128xf32>
    %add3A_33 = arith.addf %dot_general3A_28, %add3A_32 : vector<1000x128xf32>
    %swap3A = arith.constant 0 : index
    %swap3A_34 = arith.constant 0 : index
    %swap3A_35 = vector.load %arg7[%swap3A, %swap3A_34] : memref<1000x128xf32, #tpu.memory_space<vmem>>, vector<1000x128xf32>
    tpu.vector_store %arg7[%swap3A, %swap3A_34], %add3A_33 {strides = array<i32>} : memref<1000x128xf32, #tpu.memory_space<vmem>>, vector<1000x128xf32>,
    return
  }
  func.func @transform_0(%arg0: i32) -> (i32, i32) {
    %c0_i32 = arith.constant 0 : i32
    %c0_i32_0 = arith.constant 0 : i32
    return %arg0, %c0_i32 : i32, i32
  }
  func.func @transform_1(%arg0: i32) -> (i32, i32, i32) {
    %c0_i32 = arith.constant 0 : i32
    %c0_i32_0 = arith.constant 0 : i32
    %c0_i32_1 = arith.constant 0 : i32
    return %c0_i32, %arg0, %c0_i32_0 : i32, i32, i32
  }
  func.func @transform_2(%arg0: i32) -> (i32, i32) {
    %c0_i32 = arith.constant 0 : i32
    %c0_i32_0 = arith.constant 0 : i32
    %c0_i32_1 = arith.constant 0 : i32
    return %c0_i32, %c0_i32_0 : i32, i32
  }
  func.func @transform_3(%arg0: i32) -> (i32, i32) {
    %c0_i32 = arith.constant 0 : i32
    %c0_i32_0 = arith.constant 0 : i32
    %c0_i32_1 = arith.constant 0 : i32
    return %c0_i32, %c0_i32_0 : i32, i32
  }
  func.func @transform_4(%arg0: i32) -> (i32, i32) {
    %c0_i32 = arith.constant 0 : i32
    %c0_i32_0 = arith.constant 0 : i32
    %c0_i32_1 = arith.constant 0 : i32
    return %c0_i32, %c0_i32_0 : i32, i32
  }
  func.func @transform_5(%arg0: i32) -> (i32, i32) {
    %c0_i32 = arith.constant 0 : i32
    %c0_i32_0 = arith.constant 0 : i32
    %c0_i32_1 = arith.constant 0 : i32
    return %c0_i32, %c0_i32_0 : i32, i32
  }
  func.func @transform_6(%arg0: i32) -> (i32, i32) {
    %c0_i32 = arith.constant 0 : i32
    %c0_i32_0 = arith.constant 0 : i32
    return %arg0, %c0_i32 : i32, i32
  }
}

</mosaic_0001>

<sc_bundles>
// kernel: kernel.4.cloned.1.call-start
scs
__scs_entry_jumppad:
0x0: {  	(pc) =	sbr.rel $0x88, $3  }
0x1: {  	(tag) =	ssettag $0x0;
	lr =	simm.s32 $0x1  }
0x2: {  	[smem:$0x3F9A] =	sst lr;
	_ =	strace $0xD0000000  }
0x3: {  	_ = 	snop  }
0x4: {  	_ = 	snop  }
0x5: {  	_ = 	snop  }
0x6: {  	_ = 	snop  }
0x7: {  	_ = 	snop  }
__scs_overlays_trampoline_lowered:
0x8: {  	[smem:$0x3FA9] =	sst s0  }
0x9: {  	[smem:$0x3FAA] =	sst s1  }
0xa: {  	[smem:$0x3FAB] =	sst s2  }
0xb: {  	[smem:$0x3FAC] =	sst s3  }
0xc: {  	[smem:$0x3FAD] =	sst s4  }
0xd: {  	[smem:$0x3FAE] =	sst s5  }
0xe: {  	[smem:$0x3FAF] =	sst s6  }
0xf: {  	[smem:$0x3FB0] =	sst s7  }
0x10: {  	[smem:$0x3FB1] =	sst s8  }
0x11: {  	[smem:$0x3FB2] =	sst s9;
	s0 =	simm.s32 @!p0 $0x0  }
0x12: {  	s1 =	sld [smem:$0x3F98];
	s0 =	simm.s32 @p0 $0x1  }
0x13: {  	[smem:$0x3FB3] =	sst s0;
	s0 =	simm.s32 @!p1 $0x0  }
0x14: {  	s2 =	sld [smem:$0x3F97];
	s0 =	simm.s32 @p1 $0x1  }
0x15: {  	[smem:$0x3FB4] =	sst s0;
	s0 =	simm.s32 @!p2 $0x0  }
0x16: {  	s3 =	sld [smem:$0x3FDB];
	s0 =	simm.s32 @p2 $0x1  }
0x17: {  	s4 =	simm.s32 $0x1BF5;
	[smem:$0x3FB6] =	sst s0  }
0x18: {  	s0 =	sld [smem:$0x3F99];
	_ =	swait.ge [sflag:s4], $0x0  }
0x19: {  	s7 =	sld [smem:$0x3F9A]  }
0x1a: {  	s8 =	sadd.s32 $0xFFFFE003, lr  }
0x1b: {  	s9 =	sadd.s32 $0xFFFFFEF7, lr;
	s5 =	simm.s32 $0xFFFFFFFF;
	p2 =	slt.u32 s8, $0xFFFFF086  }
0x1c: {  	p1 =	slt.u32 s9, $0xF7A;
	s5 =	simm.s32 @!p2 $0x0  }
0x1d: {  	s5 =	simm.s32 @p1 $0x1;
	p0 =	seq.s32 s7, s2  }
0x1e: {  	s7 =	smul.u32 @!p0 $0xF7A, s2;
	p2 =	seq.s32 @!p0 s5, $0x0  }
0x1f: {  	s9 =	smul.u32 $0xF7A, s1;
	s8 =	simm.s32 @!p0 $0x1BF5;
	p2 =	por !p2, p0  }
0x20: {  	[sflag:s8] =	ssyncset.s32 @!p0 $0xFFFFF086;
	s6 =	sadd.s32 @!p0 s3, s7;
	s7 =	simm.s32 @!p0 $0x108  }
0x21: {  	s3 =	sadd.s32 s3, s9;
	s6 =	sadd.s32 @!p0 $0x88, s6;
	s7 =	simm.s32 @p2 $0x1082  }
0x22: {  	[simem:s7], [sflag:s8] =	dma.local @!p0 [hbm:s6], $0xF7A  }
0x23: {  	s9 =	sor.u32 $0xD0000000, s2;
	s6 =	simm.s32 $0x108;
	_ =	swait.ge @!p0 [sflag:s8], $0x0  }
0x24: {  	s3 =	sadd.s32 $0x88, s3;
	s6 =	simm.s32 @!p1 $0x1082;
	[sflag:s4] =	ssyncset.s32 $0xFFFFF086  }
0x25: {  	[simem:s6], [sflag:s4] =	dma.local [hbm:s3], $0xF7A  }
0x26: {  	[smem:$0x3F9A] =	sst s1;
	(tag) =	ssettag s2;
	_ =	strace s9  }
0x27: {  	s1 =	sld [smem:$0x3FAA]  }
0x28: {  	s2 =	sld [smem:$0x3FAB]  }
0x29: {  	s4 =	sld [smem:$0x3FAD]  }
0x2a: {  	p0 =	seq.s32 s5, $0x0;
	s5 =	sld [smem:$0x3FAE]  }
0x2b: {  	s6 =	sld [smem:$0x3FAF]  }
0x2c: {  	s7 =	sld [smem:$0x3FB0]  }
0x2d: {  	s3 =	simm.s32 $0x108;
	s8 =	sld [smem:$0x3FB1]  }
0x2e: {  	s3 =	simm.s32 @!p0 $0x1082;
	s9 =	sld [smem:$0x3FB2]  }
0x2f: {  	lr =	sadd.s32 s0, s3;
	s0 =	sld [smem:$0x3FA9]  }
0x30: {  	s3 =	sld [smem:$0x3FAC]  }
0x31: {  	[smem:$0x3FB5] =	sst s10  }
0x32: {  	s10 =	sld [smem:$0x3FB3];
	_ =	sdelay $0x3  }
0x33: {  	p0 =	seq.s32 s10, $0x1;
	s10 =	sld [smem:$0x3FB5];
	_ =	sdelay $0x3  }
0x34: {  	[smem:$0x3FB5] =	sst s10  }
0x35: {  	s10 =	sld [smem:$0x3FB4];
	_ =	sdelay $0x3  }
0x36: {  	p1 =	seq.s32 s10, $0x1;
	s10 =	sld [smem:$0x3FB5];
	_ =	sdelay $0x3  }
0x37: {  	[smem:$0x3FB5] =	sst s10  }
0x38: {  	s10 =	sld [smem:$0x3FB6]  }
0x39: {  	_ = 	snop;
	(pc) =	sbr.ind lr, $3  }
0x3a: {  	_ = 	snop  }
0x3b: {  	_ = 	snop  }
0x3c: {  	p2 =	seq.s32 s10, $0x1;
	s10 =	sld [smem:$0x3FB5]  }
0x3d: {  	_ =	shalt  }
0x3e: {  	_ =	shalt  }
0x3f: {  	_ =	shalt  }
0x40: {  	_ =	shalt  }
0x41: {  	_ =	shalt  }
0x42: {  	_ =	shalt  }
0x43: {  	_ =	shalt  }
0x44: {  	_ =	shalt  }
0x45: {  	_ =	shalt  }
0x46: {  	_ =	shalt  }
0x47: {  	_ =	shalt  }
0x48: {  	_ =	shalt  }
0x49: {  	_ =	shalt  }
0x4a: {  	_ =	shalt  }
0x4b: {  	_ =	shalt  }
0x4c: {  	_ =	shalt  }
0x4d: {  	_ =	shalt  }
0x4e: {  	_ =	shalt  }
0x4f: {  	_ =	shalt  }
0x50: {  	_ =	shalt  }
0x51: {  	_ =	shalt  }
0x52: {  	_ =	shalt  }
0x53: {  	_ =	shalt  }
0x54: {  	_ =	shalt  }
0x55: {  	_ =	shalt  }
0x56: {  	_ =	shalt  }
0x57: {  	_ =	shalt  }
0x58: {  	_ =	shalt  }
0x59: {  	_ =	shalt  }
0x5a: {  	_ =	shalt  }
0x5b: {  	_ =	shalt  }
0x5c: {  	_ =	shalt  }
0x5d: {  	_ =	shalt  }
0x5e: {  	_ =	shalt  }
0x5f: {  	_ =	shalt  }
0x60: {  	_ =	shalt  }
0x61: {  	_ =	shalt  }
0x62: {  	_ =	shalt  }
0x63: {  	_ =	shalt  }
0x64: {  	_ =	shalt  }
0x65: {  	_ =	shalt  }
0x66: {  	_ =	shalt  }
0x67: {  	_ =	shalt  }
0x68: {  	_ =	shalt  }
0x69: {  	_ =	shalt  }
0x6a: {  	_ =	shalt  }
0x6b: {  	_ =	shalt  }
0x6c: {  	_ =	shalt  }
0x6d: {  	_ =	shalt  }
0x6e: {  	_ =	shalt  }
0x6f: {  	_ =	shalt  }
0x70: {  	_ =	shalt  }
0x71: {  	_ =	shalt  }
0x72: {  	_ =	shalt  }
0x73: {  	_ =	shalt  }
0x74: {  	_ =	shalt  }
0x75: {  	_ =	shalt  }
0x76: {  	_ =	shalt  }
0x77: {  	_ =	shalt  }
0x78: {  	_ =	shalt  }
0x79: {  	_ =	shalt  }
0x7a: {  	_ =	shalt  }
0x7b: {  	_ =	shalt  }
0x7c: {  	_ =	shalt  }
0x7d: {  	_ =	shalt  }
0x7e: {  	_ =	shalt  }
0x7f: {  	_ =	shalt  }
0x80: {  	_ =	shalt  }
0x81: {  	_ =	shalt  }
0x82: {  	_ =	shalt  }
0x83: {  	_ =	shalt  }
0x84: {  	_ =	shalt  }
0x85: {  	_ =	shalt  }
0x86: {  	_ =	shalt  }
0x87: {  	_ =	shalt  }
.Lfunc_end0:
.L_simem_size_0:
called_computation_lowered:
.L_overlay_start_0:
0x88: {  	s2 =	sld [smem:$0x3FD9]  }
0x89: {  	s3 =	sld [smem:$0x3FFE];
	_ =	sdelay $0x1  }
0x8a: {  	s1 =	srdreg.scid  }
0x8b: {  	s0 =	sand.u32 $0x1, s1  }
0x8c: {  	s17 =	sshll.u32 s0, $0xA;
	s2 =	sadd.s32 s3, s2  }
0x8d: {  	s2 =	sadd.s32 s2, s17  }
0x8e: {  	[smem:$0x3FC1] =	sst s2  }
0x8f: {  	_ = 	snop  }
0x90: {  	s2 =	sld [smem:$0x3FC7]  }
0x91: {  	s18 =	sld [smem:$0x3FD0];
	(tm) =	ssettm $0x1  }
0x92: {  	s4 =	sld [smem:$0x3FFB];
	_ =	sdelay $0x3  }
0x93: {  	_ =	strace s4  }
0x94: {  	s4 =	sld [smem:$0x3FFC];
	_ =	sdelay $0x3  }
0x95: {  	_ =	strace s4  }
0x96: {  	s4 =	sld [smem:$0x3FFD];
	_ =	sdelay $0x3  }
0x97: {  	_ =	strace s4  }
0x98: {  	_ =	strace $0x8FFFFFFF  }
0x99: {  	s19 =	sld [smem:$0x3FDB];
	_ =	sdelay $0x1  }
0x9a: {  	s5 =	simm.s32 $_scs_section_size  }
0x9b: {  	s6 =	simm.s32 $_size__tile_overlayer_lowered;
	s7 =	simm.s32 $_tile_overlayer_lowered  }
0x9c: {  	s22 =	simm.s32 $0x1BFF;
	s21 =	sshll.u32 s7, $0x1;
	s4 =	sadd.s32 s5, s19  }
0x9d: {  	s8 =	simm.s32 $0x0;
	s20 =	sshll.u32 s6, $0x1;
	s6 =	sadd.s32 s21, s4  }
0x9e: {  	[timem:s8], [sflag:s22] =	dma.local [hbm:s6], s20  }
0x9f: {  	_ =	swait.ge [sflag:s22], s20  }
0xa0: {  	s5 =	ssub.s32 $0x0, s20;
	[sflag:s22] =	ssyncset.done $0x0  }
0xa1: {  	[sflag:s22] =	ssyncadd.s32 s5;
	_ =	sdelay $0x1  }
0xa2: {  	s23 =	simm.s32 $0x1B8B  }
0xa3: {  	_ =	swait.ge [sflag:s23], $0x1  }
0xa4: {  	[sflag:s23] =	ssyncset.done $0x0  }
0xa5: {  	s25 =	simm.s32 $0x1B8E;
	s24 =	sld [smem:$0x3FFE];
	[sflag:s23] =	ssyncadd.s32 $0xFFFFFFFF  }
0xa6: {  	s26 =	simm.s32 $execute0_lowered;
	[smem:$0x3FD2] =	sst s25  }
0xa7: {  	s6 =	sshll.u32 s26, $0x1;
	_ =	strace $0x80000046;
	[dreg:$0x1] =	wrdreg $0xFFFFFFFF  }
0xa8: {  	s28 =	simm.s32 $_size_execute0_lowered;
	s4 =	sadd.s32 s4, s6;
	[dreg:$0x0] =	wrdreg $0x0  }
0xa9: {  	s6 =	sshll.u32 s28, $0x1;
	[dreg:$0x2] =	wrdreg s4  }
0xaa: {  	[dreg:$0x3] =	wrdreg s6  }
0xab: {  	[dreg:$0x4] =	wrdreg $0xC0  }
0xac: {  	_ =	task [dreg:s8], $0x5FFFF  }
0xad: {  	[dreg:$0x1] =	wrdreg $0xFFFFFFFF  }
0xae: {  	[dreg:$0x0] =	wrdreg $0x60  }
0xaf: {  	[dreg:$0x2] =	wrdreg s18  }
0xb0: {  	[dreg:$0x3] =	wrdreg s24  }
0xb1: {  	[dreg:$0x4] =	wrdreg s2  }
0xb2: {  	[dreg:$0x5] =	wrdreg $0x99000  }
0xb3: {  	[dreg:$0x6] =	wrdreg $0x9  }
0xb4: {  	_ =	task.clear_ibuf [dreg:s8], $0x7FFFF;
	_ =	strace $0x90000046  }
0xb5: {  	s29 =	simm.s32 $0x9;
	_ =	strace $0x80000048  }
0xb6: {  	_ =	swait.ge [sflag:s29], $0x1  }
0xb7: {  	[sflag:s29] =	ssyncadd.s32 $0xFFFFFFFF  }
0xb8: {  	_ =	strace $0x90000048  }
0xb9: {  	_ =	sfence  }
0xba: {  	s30 =	sld [smem:$0x0];
	_ =	sdelay $0x2  }
0xbb: {  	s31 =	sshll.u32 s1, $0xD;
	s1 =	sshrl.u32 s1, $0x2  }
0xbc: {  	s3 =	sand.u32 $0x4000, s31;
	s1 =	sadd.s32 s1, s30  }
0xbd: {  	s0 =	sor.u32 s3, s0;
	s1 =	sshll.u32 s1, $0x11  }
0xbe: {  	s0 =	sor.u32 s1, s0  }
0xbf: {  	s0 =	sadd.s32 $0x8F2B, s0  }
0xc0: {  	[sflag:s0] =	ssyncadd.remote.s32 $0x1  }
0xc1: {  	_ =	sfence.sel $0xFFFF  }
0xc2: {  	[dreg:$0x0] =	wrdreg $0xFFFFFFFF;
	(pc) =	sbr.abs _section_cstart, $3  }
0xc3: {  	[dreg:$0x1] =	wrdreg $0xFFFFFFFF  }
0xc4: {  	_ =	task.clear_ibuf [dreg:s8], $0x2FFFF;
	_ =	strace $0x9FFFFFFF  }
0xc5: {  	(tm) =	ssettm $0x7FFFFFFF  }
tec
execute0_lowered:
.L_overlay_start_1:
0x0: {  	(tag) =	ssettag $0x1  }
0x1: {  	s0 =	rddreg [dreg:$0x0]  }
0x2: {  	s1 =	rddreg [dreg:$0x1]  }
0x3: {  	s2 =	srdreg.scid;
	s3 =	rddreg [dreg:$0x2]  }
0x4: {  	s4 =	rddreg [dreg:$0x3];
	s12 =	stileid.u32  }
0x5: {  	s6 =	simm.s32 $0x0;
	s31 =	simm.s32 $0x1;
	s28 =	simm.s32 $0x8800  }
0x6: {  	s29 =	simm.s32 $0x7;
	s30 =	simm.s32 $0x5;
	s11 =	smul.u32 $0xFFFFFEC0, s12  }
0x7: {  	s2 =	sand.u32 $0x1, s2;
	[smem:$0x7FF] =	sst s6;
	s22 =	smul.u32 $0x14000, s12  }
0x8: {  	s7 =	sadd.s32 $0xA600, s1;
	s5 =	sshll.u32 s2, $0x4;
	s8 =	smul.u32 $0x28000, s2  }
0x9: {  	s20 =	ssub.s32 $0x2, s2;
	s2 =	smul.u32 $0xFFFFEC00, s2;
	s5 =	sor.u32 s12, s5  }
0xa: {  	_ =	strace $0x80000047;
	[dreg:$0x5] =	wrdreg s7;
	s19 =	smul.u32 $0x500, s5  }
0xb: {  	s9 =	sshrl.u32 s20, $0x1;
	s25 =	sadd.s32 s22, s4;
	s7 =	smul.u32 $0x140, s5  }
0xc: {  	s5 =	smul.u32 $0x28000, s5;
	s9 =	ssub.s32 s20, s9;
	s2 =	sadd.s32 s2, s11  }
0xd: {  	[dreg:$0xb] =	wrdreg s25;
	s20 =	simm.s32 $0x20;
	s25 =	simm.s32 $0x4  }
0xe: {  	s11 =	simm.s32 $0x98E0;
	s2 =	sadd.s32 $0x2710, s2;
	s26 =	smax.u32 s9, $0x1  }
0xf: {  	s9 =	simm.s32 $0x6;
	s6 =	sadd.s32 s19, s1;
	s1 =	sadd.s32 s8, s1  }
0x10: {  	s10 =	ssub.s32 $0x2710, s7;
	s21 =	sadd.s32 s3, s5;
	s2 =	smin.u32 s2, $0x140  }
0x11: {  	s5 =	sshrl.u32 s22, $0x3;
	[dreg:$0xc] =	wrdreg s26;
	s22 =	simm.s32 $0x7800  }
0x12: {  	s8 =	smin.u32 s10, $0x140;
	s6 =	sadd.s32 $0x600, s6;
	[dreg:$0x7] =	wrdreg s21  }
0x13: {  	s23 =	sadd.s32 $0x200, s21;
	s24 =	sadd.s32 $0x400, s21;
	[dreg:$0x6] =	wrdreg s6  }
0x14: {  	s1 =	sadd.s32 $0xCE00, s1;
	s17 =	sshrl.u32 s2, $0x2;
	[dreg:$0x8] =	wrdreg s23  }
0x15: {  	s10 =	simm.s32 $0x9;
	[dreg:$0x9] =	wrdreg s24;
	s6 =	sadd.s32 $0x600, s21  }
0x16: {  	s15 =	sadd.s32 $0xFFFFFFFE, s8;
	s16 =	sadd.s32 $0xFFFFFFFD, s8;
	s1 =	sadd.s32 s5, s1  }
0x17: {  	s23 =	simm.s32 $0x2;
	s5 =	simm.s32 $0x0;
	[dreg:$0xa] =	wrdreg s6  }
0x18: {  	[dreg:$0xd] =	wrdreg s1;
	s1 =	simm.s32 $0x3;
	s6 =	simm.s32 $0x8  }
.LBB2_1:
0x19: {  	[dreg:$0xe] =	wrdreg s5  }
0x1a: {  	s2 =	simm.s32 $0x0;
	s24 =	rddreg [dreg:$0x6]  }
0x1b: {  	[tilespmem:s2], [sflag:$0x9] =	stream.linear.gather [hbm4b:s24+s2], $0x2800, $0x38;
	[tilespmem:$0x1D900] =	vst v63  }
0x1c: {  	_ =	swait.ge [sflag:s10], $0x2800  }
0x1d: {  	[sflag:s10] =	ssyncset.done $0x0  }
0x1e: {  	[sflag:s10] =	ssyncadd.s32 $0xFFFFD800  }
0x1f: {  	v0 =	vld [tilespmem:$0x0];
	_ =	sdelay $0x1  }
0x20: {  	v1 =	vld [tilespmem:$0x10];
	_ =	sdelay $0x1  }
0x21: {  	v2 =	vld [tilespmem:$0x20]  }
0x22: {  	v3 =	vand.u32 $0xFFFF, v0  }
0x23: {  	v57 =	vld [tilespmem:$0x30];
	v0 =	vshrl.u32 v0, $0x10;
	[tilespmem:$0x9800] =	vst v3  }
0x24: {  	v58 =	vand.u32 $0xFFFF, v1;
	[tilespmem:$0x9880] =	vst v0  }
0x25: {  	v59 =	vshrl.u32 v1, $0x10;
	[tilespmem:$0x9810] =	vst v58  }
0x26: {  	v60 =	vand.u32 $0xFFFF, v2;
	[tilespmem:$0x9890] =	vst v59  }
0x27: {  	v61 =	vshrl.u32 v2, $0x10;
	[tilespmem:$0x9820] =	vst v60  }
0x28: {  	v62 =	vand.u32 $0xFFFF, v57;
	[tilespmem:$0x98A0] =	vst v61  }
0x29: {  	v63 =	vshrl.u32 v57, $0x10;
	[tilespmem:$0x9830] =	vst v62  }
0x2a: {  	s26 =	simm.s32 $0x9800;
	s12 =	simm.s32 $0x2800;
	[tilespmem:$0x98B0] =	vst v63  }
0x2b: {  	[tilespmem:s12], [sflag:$0x1] =	stream.indirect.gather [hbm4b:s0+s20], $0x40, s26, s20, $0xb8;
	[tilespmem:$0x1D900] =	vst v63  }
0x2c: {  	s13 =	simm.s32 $0x3000;
	s14 =	rddreg [dreg:$0x7];
	s12 =	simm.s32 $0x9820  }
0x2d: {  	[tilespmem:s13], [sflag:$0x2] =	stream.indirect.gather [hbm4b:s0+s20], $0x40, s12, s20, $0xb8;
	[tilespmem:$0x1D900] =	vst v63  }
0x2e: {  	s18 =	simm.s32 $0x3800;
	s19 =	rddreg [dreg:$0x8]  }
0x2f: {  	[tilespmem:s18], [sflag:$0x3] =	stream.linear.gather [hbm4b:s14+s2], $0x1000, $0x38;
	[tilespmem:$0x1D900] =	vst v63  }
0x30: {  	s21 =	simm.s32 $0x4800;
	s24 =	rddreg [dreg:$0x9]  }
0x31: {  	[tilespmem:s21], [sflag:$0x4] =	stream.linear.gather [hbm4b:s19+s2], $0x1000, $0x38;
	[tilespmem:$0x1D900] =	vst v63  }
0x32: {  	s26 =	simm.s32 $0x5800;
	s13 =	rddreg [dreg:$0xa]  }
0x33: {  	[tilespmem:s26], [sflag:$0x5] =	stream.linear.gather [hbm4b:s24+s2], $0x1000, $0x38;
	[tilespmem:$0x1D900] =	vst v63  }
0x34: {  	s14 =	simm.s32 $0x6800;
	s18 =	stileid.u32;
	s21 =	rddreg [dreg:$0xb]  }
0x35: {  	[tilespmem:s14], [sflag:$0x6] =	stream.linear.gather [hbm4b:s13+s2], $0x1000, $0x38;
	[tilespmem:$0x1D900] =	vst v63  }
0x36: {  	s24 =	sshrl.u32 s21, $0x3;
	s26 =	rddreg [dreg:$0x5];
	s2 =	sshll.u32 s18, $0x6  }
0x37: {  	[dreg:$0x10] =	wrdreg s24;
	s19 =	sor.u32 $0x1C09, s2  }
0x38: {  	[dreg:$0xf] =	wrdreg s19  }
0x39: {  	[spmem:s24], [sflag:s19] =	dma.local [hbm:s26], $0x2800  }
0x3a: {  	_ =	swait.ge [sflag:s10], $0x2800  }
0x3b: {  	[sflag:s10] =	ssyncset.done $0x0  }
0x3c: {  	[sflag:s10] =	ssyncadd.s32 $0xFFFFD800  }
0x3d: {  	s18 =	simm.s32 $0x0;
	[bflag:$0x0] =	sbarrier.arrive $0xFFFF  }
.LBB2_2:
0x3e: {  	s24 =	sshll.u32 s18, $0x2  }
0x3f: {  	p1 =	seq.s32 s24, $0x0  }
0x40: {  	s2 =	simm.s32 @!p1 $0x7  }
0x41: {  	_ =	swait.ge @!p1 [sflag:s2], $0x1000  }
0x42: {  	[sflag:s2] =	ssyncset.done @!p1 $0x0  }
0x43: {  	[sflag:s2] =	ssyncadd.s32 @!p1 $0xFFFFF000  }
0x44: {  	_ =	swait.ge [sflag:s31], $0x800  }
0x45: {  	[sflag:s31] =	ssyncset.done $0x0  }
0x46: {  	[sflag:s31] =	ssyncadd.s32 $0xFFFFF800  }
0x47: {  	_ =	swait.ge [sflag:s1], $0x1000  }
0x48: {  	[sflag:s1] =	ssyncset.done $0x0  }
0x49: {  	s26 =	simm.s32 $0x2880;
	[sflag:s1] =	ssyncadd.s32 $0xFFFFF000  }
0x4a: {  	s5 =	simm.s32 $0x3900;
	v0 =	vld [tilespmem:s26+$0x40]  }
0x4b: {  	v1 =	vld [tilespmem:s5+$0x80];
	_ =	sdelay $0x2  }
0x4c: {  	v2 =	vld [tilespmem:s26+$0xFFFFFFC0]  }
0x4d: {  	v3 =	vld [tilespmem:s26+$0xFFFFFF80];
	v4 =	vunpack.i.l.bf16.f32 v0  }
0x4e: {  	v5 =	vld [tilespmem:s5+$0xFFFFFF00];
	v1 =	vadd.f32 v1, v4  }
0x4f: {  	v4 =	vld [tilespmem:s5+$0xFFFFFF80]  }
0x50: {  	s10 =	simm.s32 $0x7900;
	v1 =	vmax.f32 v1, $0.0e+00  }
0x51: {  	[tilespmem:s10+$0x80] =	vst v1  }
0x52: {  	v1 =	vunpack.i.l.bf16.f32 v3;
	v6 =	vld [tilespmem:s5+$0x90]  }
0x53: {  	v7 =	vunpack.i.l.bf16.f32 v2;
	v1 =	vadd.f32 v5, v1  }
0x54: {  	v4 =	vadd.f32 v4, v7  }
0x55: {  	v5 =	vld [tilespmem:s26+$0x0];
	v1 =	vmax.f32 v1, $0.0e+00  }
0x56: {  	v0 =	vunpack.i.u.bf16.f32 v0;
	v7 =	vld [tilespmem:s5+$0x0];
	[tilespmem:s10+$0xFFFFFF00] =	vst v1;
	v1 =	vmax.f32 v4, $0.0e+00  }
0x57: {  	v4 =	vld [tilespmem:s5+$0xFFFFFF10];
	[tilespmem:s10+$0xFFFFFF80] =	vst v1;
	v0 =	vadd.f32 v6, v0  }
0x58: {  	v1 =	vld [tilespmem:s5+$0xFFFFFF90]  }
0x59: {  	v0 =	vmax.f32 v0, $0.0e+00  }
0x5a: {  	v6 =	vunpack.i.l.bf16.f32 v5;
	[tilespmem:s10+$0x90] =	vst v0  }
0x5b: {  	v0 =	vunpack.i.u.bf16.f32 v3;
	v3 =	vadd.f32 v7, v6;
	v6 =	vld [tilespmem:s26+$0x50]  }
0x5c: {  	v2 =	vunpack.i.u.bf16.f32 v2;
	v0 =	vadd.f32 v4, v0;
	v4 =	vld [tilespmem:s5+$0xA0]  }
0x5d: {  	v3 =	vmax.f32 v3, $0.0e+00;
	v1 =	vadd.f32 v1, v2  }
0x5e: {  	[tilespmem:s10+$0x0] =	vst v3;
	v0 =	vmax.f32 v0, $0.0e+00  }
0x5f: {  	v2 =	vld [tilespmem:s5+$0x10];
	[tilespmem:s10+$0xFFFFFF10] =	vst v0;
	v0 =	vmax.f32 v1, $0.0e+00  }
0x60: {  	v1 =	vld [tilespmem:s26+$0xFFFFFF90];
	[tilespmem:s10+$0xFFFFFF90] =	vst v0;
	v0 =	vunpack.i.l.bf16.f32 v6  }
0x61: {  	v3 =	vld [tilespmem:s26+$0xFFFFFFD0];
	v0 =	vadd.f32 v4, v0  }
0x62: {  	v4 =	vld [tilespmem:s5+$0xFFFFFF20]  }
0x63: {  	v7 =	vld [tilespmem:s5+$0xFFFFFFA0];
	v0 =	vmax.f32 v0, $0.0e+00  }
0x64: {  	v5 =	vunpack.i.u.bf16.f32 v5;
	[tilespmem:s10+$0xA0] =	vst v0  }
0x65: {  	v0 =	vadd.f32 v2, v5;
	v2 =	vld [tilespmem:s5+$0xB0]  }
0x66: {  	v5 =	vunpack.i.l.bf16.f32 v1  }
0x67: {  	v8 =	vunpack.i.l.bf16.f32 v3;
	v0 =	vmax.f32 v0, $0.0e+00;
	v4 =	vadd.f32 v4, v5  }
0x68: {  	[tilespmem:s10+$0x10] =	vst v0;
	v0 =	vadd.f32 v7, v8  }
0x69: {  	v6 =	vunpack.i.u.bf16.f32 v6;
	v5 =	vld [tilespmem:s26+$0x10];
	v4 =	vmax.f32 v4, $0.0e+00  }
0x6a: {  	v7 =	vld [tilespmem:s5+$0x20];
	[tilespmem:s10+$0xFFFFFF20] =	vst v4;
	v0 =	vmax.f32 v0, $0.0e+00;
	v2 =	vadd.f32 v2, v6  }
0x6b: {  	v4 =	vld [tilespmem:s5+$0xFFFFFF30];
	[tilespmem:s10+$0xFFFFFFA0] =	vst v0  }
0x6c: {  	v0 =	vld [tilespmem:s5+$0xFFFFFFB0];
	v2 =	vmax.f32 v2, $0.0e+00  }
0x6d: {  	[tilespmem:s10+$0xB0] =	vst v2  }
0x6e: {  	v2 =	vunpack.i.l.bf16.f32 v5;
	v6 =	vld [tilespmem:s26+$0x60]  }
0x6f: {  	v1 =	vunpack.i.u.bf16.f32 v1;
	v2 =	vadd.f32 v7, v2;
	v7 =	vld [tilespmem:s5+$0xC0]  }
0x70: {  	v3 =	vunpack.i.u.bf16.f32 v3;
	v1 =	vadd.f32 v4, v1  }
0x71: {  	v0 =	vadd.f32 v0, v3  }
0x72: {  	s13 =	simm.s32 $0x2980;
	v1 =	vmax.f32 v1, $0.0e+00  }
0x73: {  	v9 =	vld [tilespmem:s13+$0x0];
	[tilespmem:s10+$0xFFFFFF30] =	vst v1;
	v0 =	vmax.f32 v0, $0.0e+00;
	v1 =	vunpack.i.l.bf16.f32 v6  }
0x74: {  	s14 =	simm.s32 $0x3B00;
	v10 =	vld [tilespmem:s13+$0xFFFFFF80];
	[tilespmem:s10+$0xFFFFFFB0] =	vst v0;
	v0 =	vadd.f32 v7, v1  }
0x75: {  	v12 =	vld [tilespmem:s14+$0xFFFFFF00]  }
0x76: {  	v4 =	vld [tilespmem:s13+$0x40];
	v0 =	vmax.f32 v0, $0.0e+00  }
0x77: {  	v7 =	vld [tilespmem:s14+$0x80];
	[tilespmem:s10+$0xC0] =	vst v0  }
0x78: {  	v2 =	vmax.f32 v2, $0.0e+00;
	v0 =	vld [tilespmem:s5+$0xD0]  }
0x79: {  	v8 =	vld [tilespmem:s13+$0xFFFFFFC0];
	[tilespmem:s10+$0x20] =	vst v2  }
0x7a: {  	v2 =	vld [tilespmem:s5+$0x30]  }
0x7b: {  	v3 =	vld [tilespmem:s26+$0xFFFFFFA0];
	v11 =	vunpack.i.l.bf16.f32 v4  }
0x7c: {  	v6 =	vunpack.i.u.bf16.f32 v6;
	v1 =	vld [tilespmem:s26+$0xFFFFFFE0];
	v7 =	vadd.f32 v7, v11  }
0x7d: {  	v11 =	vld [tilespmem:s14+$0xFFFFFF80];
	v0 =	vadd.f32 v0, v6  }
0x7e: {  	s19 =	simm.s32 $0x7B00;
	v5 =	vunpack.i.u.bf16.f32 v5;
	v7 =	vmax.f32 v7, $0.0e+00;
	v6 =	vld [tilespmem:s14+$0x0]  }
0x7f: {  	v2 =	vadd.f32 v2, v5;
	v5 =	vld [tilespmem:s5+$0xFFFFFF40];
	[tilespmem:s19+$0x80] =	vst v7;
	v0 =	vmax.f32 v0, $0.0e+00  }
0x80: {  	v7 =	vunpack.i.l.bf16.f32 v10;
	v13 =	vld [tilespmem:s14+$0x90];
	[tilespmem:s10+$0xD0] =	vst v0  }
0x81: {  	v7 =	vadd.f32 v12, v7;
	v0 =	vmax.f32 v2, $0.0e+00;
	v2 =	vunpack.i.l.bf16.f32 v8;
	v57 =	vld [tilespmem:s26+$0x70]  }
0x82: {  	[tilespmem:s10+$0x30] =	vst v0;
	v0 =	vunpack.i.l.bf16.f32 v9;
	v2 =	vadd.f32 v11, v2;
	v11 =	vld [tilespmem:s5+$0xE0]  }
0x83: {  	v15 =	vld [tilespmem:s5+$0xFFFFFFC0];
	v7 =	vmax.f32 v7, $0.0e+00;
	v0 =	vadd.f32 v6, v0  }
0x84: {  	[tilespmem:s19+$0xFFFFFF00] =	vst v7;
	v14 =	vld [tilespmem:s26+$0x20];
	v6 =	vunpack.i.l.bf16.f32 v3;
	v2 =	vmax.f32 v2, $0.0e+00  }
0x85: {  	v5 =	vadd.f32 v5, v6;
	v6 =	vld [tilespmem:s14+$0xFFFFFF10];
	[tilespmem:s19+$0xFFFFFF80] =	vst v2;
	v0 =	vmax.f32 v0, $0.0e+00;
	v2 =	vunpack.i.u.bf16.f32 v4  }
0x86: {  	v4 =	vld [tilespmem:s14+$0xFFFFFF90];
	[tilespmem:s19+$0x0] =	vst v0;
	v0 =	vadd.f32 v13, v2;
	v2 =	vunpack.i.l.bf16.f32 v57  }
0x87: {  	v5 =	vmax.f32 v5, $0.0e+00;
	v7 =	vld [tilespmem:s14+$0x10];
	v2 =	vadd.f32 v11, v2  }
0x88: {  	v58 =	vld [tilespmem:s5+$0x40];
	[tilespmem:s10+$0xFFFFFF40] =	vst v5;
	v11 =	vunpack.i.l.bf16.f32 v1;
	v0 =	vmax.f32 v0, $0.0e+00  }
0x89: {  	v5 =	vunpack.i.u.bf16.f32 v10;
	v10 =	vld [tilespmem:s5+$0xFFFFFF50];
	v11 =	vadd.f32 v15, v11;
	[tilespmem:s19+$0x90] =	vst v0;
	v0 =	vmax.f32 v2, $0.0e+00  }
0x8a: {  	v5 =	vadd.f32 v6, v5;
	v2 =	vunpack.i.u.bf16.f32 v8;
	v6 =	vld [tilespmem:s13+$0x50];
	[tilespmem:s10+$0xE0] =	vst v0  }
0x8b: {  	v0 =	vunpack.i.u.bf16.f32 v9;
	v8 =	vmax.f32 v11, $0.0e+00;
	v2 =	vadd.f32 v4, v2;
	v4 =	vld [tilespmem:s5+$0xF0]  }
0x8c: {  	v5 =	vmax.f32 v5, $0.0e+00;
	[tilespmem:s10+$0xFFFFFFC0] =	vst v8;
	v0 =	vadd.f32 v7, v0;
	v7 =	vld [tilespmem:s14+$0xA0]  }
0x8d: {  	[tilespmem:s19+$0xFFFFFF10] =	vst v5;
	v5 =	vld [tilespmem:s5+$0xFFFFFFD0]  }
0x8e: {  	v2 =	vmax.f32 v2, $0.0e+00;
	v8 =	vld [tilespmem:s13+$0xFFFFFF90]  }
0x8f: {  	v59 =	vld [tilespmem:s14+$0xFFFFFF20];
	[tilespmem:s19+$0xFFFFFF90] =	vst v2;
	v0 =	vmax.f32 v0, $0.0e+00;
	v2 =	vunpack.i.l.bf16.f32 v14  }
0x90: {  	v3 =	vunpack.i.u.bf16.f32 v3;
	v9 =	vld [tilespmem:s13+$0xFFFFFFD0];
	[tilespmem:s19+$0x10] =	vst v0;
	v0 =	vadd.f32 v58, v2;
	v11 =	vunpack.i.l.bf16.f32 v6  }
0x91: {  	v3 =	vadd.f32 v10, v3;
	v10 =	vld [tilespmem:s14+$0xFFFFFFA0];
	v7 =	vadd.f32 v7, v11  }
0x92: {  	v1 =	vunpack.i.u.bf16.f32 v1;
	v2 =	vld [tilespmem:s13+$0x10];
	v0 =	vmax.f32 v0, $0.0e+00  }
0x93: {  	[tilespmem:s10+$0x40] =	vst v0;
	v0 =	vadd.f32 v5, v1;
	v1 =	vld [tilespmem:s14+$0x20];
	v5 =	vmax.f32 v7, $0.0e+00  }
0x94: {  	v3 =	vmax.f32 v3, $0.0e+00;
	[tilespmem:s19+$0xA0] =	vst v5;
	v5 =	vld [tilespmem:s5+$0x50]  }
0x95: {  	[tilespmem:s10+$0xFFFFFF50] =	vst v3;
	v3 =	vunpack.i.l.bf16.f32 v8;
	v0 =	vmax.f32 v0, $0.0e+00;
	v7 =	vld [tilespmem:s14+$0xB0]  }
0x96: {  	v60 =	vld [tilespmem:s26+$0xFFFFFFB0];
	v11 =	vunpack.i.l.bf16.f32 v9;
	[tilespmem:s10+$0xFFFFFFD0] =	vst v0;
	v0 =	vadd.f32 v59, v3  }
0x97: {  	v3 =	vunpack.i.l.bf16.f32 v2;
	v10 =	vadd.f32 v10, v11;
	v11 =	vld [tilespmem:s26+$0xFFFFFFF0]  }
0x98: {  	v14 =	vunpack.i.u.bf16.f32 v14;
	v0 =	vmax.f32 v0, $0.0e+00;
	v1 =	vadd.f32 v1, v3;
	v3 =	vld [tilespmem:s5+$0xFFFFFF60]  }
0x99: {  	v6 =	vunpack.i.u.bf16.f32 v6;
	[tilespmem:s19+$0xFFFFFF20] =	vst v0;
	v0 =	vmax.f32 v10, $0.0e+00;
	v10 =	vld [tilespmem:s5+$0xFFFFFFE0];
	v5 =	vadd.f32 v5, v14  }
0x9a: {  	v61 =	vld [tilespmem:s14+$0xFFFFFF30];
	[tilespmem:s19+$0xFFFFFFA0] =	vst v0;
	v0 =	vmax.f32 v1, $0.0e+00;
	v1 =	vadd.f32 v7, v6  }
0x9b: {  	v6 =	vld [tilespmem:s14+$0xFFFFFFB0];
	[tilespmem:s19+$0x20] =	vst v0;
	v0 =	vmax.f32 v5, $0.0e+00  }
0x9c: {  	v5 =	vunpack.i.l.bf16.f32 v60;
	v7 =	vld [tilespmem:s14+$0x30];
	v1 =	vmax.f32 v1, $0.0e+00;
	[tilespmem:s10+$0x50] =	vst v0  }
0x9d: {  	v0 =	vunpack.i.l.bf16.f32 v11;
	[tilespmem:s19+$0xB0] =	vst v1;
	v1 =	vadd.f32 v3, v5;
	v62 =	vld [tilespmem:s26+$0x30]  }
0x9e: {  	v8 =	vunpack.i.u.bf16.f32 v8;
	v9 =	vunpack.i.u.bf16.f32 v9;
	v0 =	vadd.f32 v10, v0;
	v3 =	vld [tilespmem:s13+$0x60]  }
0x9f: {  	v2 =	vunpack.i.u.bf16.f32 v2;
	v8 =	vadd.f32 v61, v8;
	v10 =	vld [tilespmem:s14+$0xC0];
	v1 =	vmax.f32 v1, $0.0e+00  }
0xa0: {  	v5 =	vunpack.i.u.bf16.f32 v57;
	v6 =	vadd.f32 v6, v9;
	v0 =	vmax.f32 v0, $0.0e+00;
	v9 =	vld [tilespmem:s5+$0x60];
	[tilespmem:s10+$0xFFFFFF60] =	vst v1  }
0xa1: {  	v1 =	vadd.f32 v4, v5;
	v5 =	vmax.f32 v8, $0.0e+00;
	v2 =	vadd.f32 v7, v2;
	[tilespmem:s10+$0xFFFFFFE0] =	vst v0;
	v4 =	vld [tilespmem:s5+$0xFFFFFF70]  }
0xa2: {  	[tilespmem:s19+$0xFFFFFF30] =	vst v5;
	v0 =	vmax.f32 v6, $0.0e+00;
	v5 =	vld [tilespmem:s5+$0xFFFFFFF0]  }
0xa3: {  	v6 =	vmax.f32 v1, $0.0e+00;
	v7 =	vld [tilespmem:s13+$0xFFFFFFA0];
	[tilespmem:s19+$0xFFFFFFB0] =	vst v0;
	v0 =	vmax.f32 v2, $0.0e+00;
	v63 =	vunpack.i.l.bf16.f32 v3  }
0xa4: {  	s21 =	simm.s32 $0x3B00;
	v2 =	vunpack.i.u.bf16.f32 v11;
	v11 =	vunpack.i.l.bf16.f32 v62;
	v8 =	vld [tilespmem:s13+$0xFFFFFFE0];
	[tilespmem:s19+$0x30] =	vst v0;
	v10 =	vadd.f32 v10, v63  }
0xa5: {  	s12 =	simm.s32 $0x7B00;
	s2 =	simm.s32 $0x2A80;
	s26 =	simm.s32 $0x4;
	v1 =	vunpack.i.u.bf16.f32 v60;
	[tilespmem:s10+$0xF0] =	vst v6;
	v0 =	vunpack.i.u.bf16.f32 v62;
	v6 =	vld [tilespmem:s13+$0x20];
	v9 =	vadd.f32 v9, v11  }
.LBB2_3:
0xa6: {  	v11 =	vld [tilespmem:s2+$0x40];
	v10 =	vmax.f32 v10, $0.0e+00;
	s14 =	sadd.s32 $0x200, s14;
	v1 =	vadd.f32 v4, v1  }
0xa7: {  	v4 =	vld [tilespmem:s14+$0x80];
	[tilespmem:s19+$0xC0] =	vst v10;
	v2 =	vadd.f32 v5, v2;
	v5 =	vmax.f32 v9, $0.0e+00  }
0xa8: {  	s26 =	sadd.s32 $0x4, s26;
	v9 =	vunpack.i.u.bf16.f32 v7;
	v7 =	vunpack.i.l.bf16.f32 v7;
	v10 =	vld [tilespmem:s21+$0xD0];
	v1 =	vmax.f32 v1, $0.0e+00;
	[tilespmem:s10+$0x60] =	vst v5  }
0xa9: {  	p0 =	slt.u32 s26, $0x1C;
	v5 =	vld [tilespmem:s2+$0xFFFFFFC0];
	v12 =	vunpack.i.u.bf16.f32 v8;
	v8 =	vunpack.i.l.bf16.f32 v8;
	[tilespmem:s10+$0xFFFFFF70] =	vst v1;
	v2 =	vmax.f32 v2, $0.0e+00  }
0xaa: {  	v13 =	vld [tilespmem:s2+$0x0];
	v1 =	vunpack.i.u.bf16.f32 v6;
	v6 =	vunpack.i.l.bf16.f32 v6;
	[tilespmem:s10+$0xFFFFFFF0] =	vst v2  }
0xab: {  	v2 =	vld [tilespmem:s2+$0xFFFFFF80];
	v14 =	vunpack.i.l.bf16.f32 v11  }
0xac: {  	v3 =	vunpack.i.u.bf16.f32 v3;
	v15 =	vld [tilespmem:s14+$0xFFFFFF00];
	v4 =	vadd.f32 v4, v14  }
0xad: {  	v14 =	vld [tilespmem:s14+$0xFFFFFF80];
	v3 =	vadd.f32 v10, v3  }
0xae: {  	s19 =	sadd.s32 $0x200, s19;
	v10 =	vunpack.i.u.bf16.f32 v5;
	v5 =	vunpack.i.l.bf16.f32 v5;
	v16 =	vld [tilespmem:s14+$0x0];
	v4 =	vmax.f32 v4, $0.0e+00  }
0xaf: {  	v17 =	vunpack.i.u.bf16.f32 v13;
	v13 =	vunpack.i.l.bf16.f32 v13;
	[tilespmem:s19+$0x80] =	vst v4;
	v4 =	vld [tilespmem:s21+$0xFFFFFF40];
	v3 =	vmax.f32 v3, $0.0e+00  }
0xb0: {  	v18 =	vunpack.i.u.bf16.f32 v2;
	v2 =	vunpack.i.l.bf16.f32 v2;
	v19 =	vld [tilespmem:s14+$0x90];
	[tilespmem:s12+$0xD0] =	vst v3  }
0xb1: {  	v2 =	vadd.f32 v15, v2;
	v3 =	vld [tilespmem:s13+$0x70]  }
0xb2: {  	v5 =	vadd.f32 v14, v5;
	v14 =	vld [tilespmem:s21+$0xE0]  }
0xb3: {  	v2 =	vmax.f32 v2, $0.0e+00;
	v13 =	vadd.f32 v16, v13;
	v15 =	vld [tilespmem:s21+$0xFFFFFFC0]  }
0xb4: {  	[tilespmem:s19+$0xFFFFFF00] =	vst v2;
	v2 =	vmax.f32 v5, $0.0e+00;
	v4 =	vadd.f32 v4, v7;
	v5 =	vld [tilespmem:s21+$0x40]  }
0xb5: {  	v11 =	vunpack.i.u.bf16.f32 v11;
	v7 =	vld [tilespmem:s14+$0xFFFFFF10];
	[tilespmem:s19+$0xFFFFFF80] =	vst v2;
	v2 =	vmax.f32 v13, $0.0e+00  }
0xb6: {  	v13 =	vld [tilespmem:s14+$0xFFFFFF90];
	[tilespmem:s19+$0x0] =	vst v2;
	v2 =	vadd.f32 v19, v11;
	v4 =	vmax.f32 v4, $0.0e+00;
	v11 =	vunpack.i.l.bf16.f32 v3  }
0xb7: {  	v16 =	vld [tilespmem:s14+$0x10];
	[tilespmem:s12+$0xFFFFFF40] =	vst v4;
	v4 =	vadd.f32 v14, v11  }
0xb8: {  	v2 =	vmax.f32 v2, $0.0e+00;
	v11 =	vld [tilespmem:s21+$0xFFFFFF50];
	v8 =	vadd.f32 v15, v8  }
0xb9: {  	[tilespmem:s19+$0x90] =	vst v2;
	v2 =	vadd.f32 v5, v6;
	v4 =	vmax.f32 v4, $0.0e+00;
	v5 =	vld [tilespmem:s5+$0x70];
	s5 =	smov.u32 s21;
	s21 =	smov.u32 s14  }
0xba: {  	v6 =	vadd.f32 v7, v18;
	v7 =	vld [tilespmem:s2+$0x50];
	v8 =	vmax.f32 v8, $0.0e+00;
	[tilespmem:s12+$0xE0] =	vst v4  }
0xbb: {  	v4 =	vadd.f32 v13, v10;
	[tilespmem:s12+$0xFFFFFFC0] =	vst v8;
	v2 =	vmax.f32 v2, $0.0e+00;
	v8 =	vld [tilespmem:s5+$0xF0]  }
0xbc: {  	v6 =	vmax.f32 v6, $0.0e+00;
	v10 =	vadd.f32 v16, v17;
	v13 =	vld [tilespmem:s14+$0xA0];
	[tilespmem:s12+$0x40] =	vst v2  }
0xbd: {  	[tilespmem:s19+$0xFFFFFF10] =	vst v6;
	v2 =	vmax.f32 v4, $0.0e+00;
	v4 =	vadd.f32 v11, v9;
	v6 =	vld [tilespmem:s5+$0xFFFFFFD0]  }
0xbe: {  	v9 =	vld [tilespmem:s2+$0xFFFFFF90];
	[tilespmem:s19+$0xFFFFFF90] =	vst v2;
	v2 =	vmax.f32 v10, $0.0e+00;
	v0 =	vadd.f32 v5, v0  }
0xbf: {  	v3 =	vunpack.i.u.bf16.f32 v3;
	v5 =	vld [tilespmem:s2+$0xFFFFFFD0];
	[tilespmem:s19+$0x10] =	vst v2;
	v2 =	vmax.f32 v4, $0.0e+00  }
0xc0: {  	v10 =	vunpack.i.l.bf16.f32 v7;
	v4 =	vld [tilespmem:s2+$0x10];
	[tilespmem:s12+$0xFFFFFF50] =	vst v2;
	v2 =	vadd.f32 v8, v3;
	v0 =	vmax.f32 v0, $0.0e+00  }
0xc1: {  	v3 =	vld [tilespmem:s14+$0xFFFFFF20];
	v8 =	vadd.f32 v13, v10;
	[tilespmem:s10+$0x70] =	vst v0;
	s10 =	smov.u32 s12;
	s12 =	smov.u32 s19  }
0xc2: {  	v0 =	vld [tilespmem:s14+$0xFFFFFFA0];
	v6 =	vadd.f32 v6, v12;
	v2 =	vmax.f32 v2, $0.0e+00  }
0xc3: {  	v10 =	vunpack.i.u.bf16.f32 v9;
	v9 =	vunpack.i.l.bf16.f32 v9;
	v11 =	vld [tilespmem:s14+$0x20];
	v8 =	vmax.f32 v8, $0.0e+00;
	[tilespmem:s10+$0xF0] =	vst v2  }
0xc4: {  	v12 =	vunpack.i.u.bf16.f32 v5;
	v2 =	vunpack.i.l.bf16.f32 v5;
	[tilespmem:s19+$0xA0] =	vst v8;
	v5 =	vmax.f32 v6, $0.0e+00;
	v6 =	vld [tilespmem:s5+$0x50]  }
0xc5: {  	v8 =	vunpack.i.u.bf16.f32 v4;
	v4 =	vunpack.i.l.bf16.f32 v4;
	v13 =	vld [tilespmem:s14+$0xB0];
	[tilespmem:s10+$0xFFFFFFD0] =	vst v5  }
0xc6: {  	v3 =	vadd.f32 v3, v9;
	v5 =	vld [tilespmem:s13+$0xFFFFFFB0]  }
0xc7: {  	v0 =	vadd.f32 v0, v2;
	v9 =	vld [tilespmem:s13+$0xFFFFFFF0]  }
0xc8: {  	v2 =	vmax.f32 v3, $0.0e+00;
	v3 =	vadd.f32 v11, v4;
	v4 =	vld [tilespmem:s5+$0xFFFFFF60]  }
0xc9: {  	[tilespmem:s19+$0xFFFFFF20] =	vst v2;
	v0 =	vmax.f32 v0, $0.0e+00;
	v2 =	vunpack.i.u.bf16.f32 v7;
	v7 =	vld [tilespmem:s5+$0xFFFFFFE0];
	v6 =	vadd.f32 v6, v1  }
0xca: {  	v11 =	vld [tilespmem:s14+$0xFFFFFF30];
	[tilespmem:s19+$0xFFFFFFA0] =	vst v0;
	v0 =	vmax.f32 v3, $0.0e+00;
	v2 =	vadd.f32 v13, v2  }
0xcb: {  	v13 =	vld [tilespmem:s14+$0xFFFFFFB0];
	[tilespmem:s19+$0x20] =	vst v0;
	v1 =	vunpack.i.u.bf16.f32 v5;
	v0 =	vunpack.i.l.bf16.f32 v5;
	v3 =	vmax.f32 v6, $0.0e+00  }
0xcc: {  	v5 =	vld [tilespmem:s14+$0x30];
	v6 =	vmax.f32 v2, $0.0e+00;
	v2 =	vunpack.i.u.bf16.f32 v9;
	v9 =	vunpack.i.l.bf16.f32 v9;
	[tilespmem:s10+$0x50] =	vst v3  }
0xcd: {  	[tilespmem:s19+$0xB0] =	vst v6;
	v0 =	vadd.f32 v4, v0;
	v6 =	vld [tilespmem:s13+$0x30];
	s13 =	smov.u32 s2  }
0xce: {  	v3 =	vld [tilespmem:s2+$0x60];
	v4 =	vadd.f32 v7, v9  }
0xcf: {  	v7 =	vadd.f32 v11, v10;
	v9 =	vld [tilespmem:s14+$0xC0];
	v0 =	vmax.f32 v0, $0.0e+00  }
0xd0: {  	v10 =	vadd.f32 v13, v12;
	[tilespmem:s10+$0xFFFFFF60] =	vst v0;
	v0 =	vmax.f32 v4, $0.0e+00;
	v11 =	vld [tilespmem:s5+$0x60]  }
.Ltmp0:
0xd1: {  	v7 =	vmax.f32 v7, $0.0e+00;
	v8 =	vadd.f32 v5, v8;
	v4 =	vld [tilespmem:s5+$0xFFFFFF70];
	[tilespmem:s10+$0xFFFFFFE0] =	vst v0;
	(pc) =	sbr.rel @p0 .LBB2_3-.Ltmp0, $4  }
0xd2: {  	[tilespmem:s19+$0xFFFFFF30] =	vst v7;
	v10 =	vmax.f32 v10, $0.0e+00;
	v5 =	vld [tilespmem:s5+$0xFFFFFFF0];
	v0 =	vunpack.i.u.bf16.f32 v6;
	v12 =	vunpack.i.l.bf16.f32 v6  }
0xd3: {  	v7 =	vld [tilespmem:s2+$0xFFFFFFA0];
	[tilespmem:s19+$0xFFFFFFB0] =	vst v10;
	v6 =	vmax.f32 v8, $0.0e+00;
	v10 =	vunpack.i.l.bf16.f32 v3  }
0xd4: {  	v8 =	vld [tilespmem:s2+$0xFFFFFFE0];
	[tilespmem:s19+$0x30] =	vst v6;
	v10 =	vadd.f32 v9, v10  }
0xd5: {  	s2 =	sadd.s32 $0x100, s2;
	v6 =	vld [tilespmem:s13+$0x20];
	v9 =	vadd.f32 v11, v12  }
0xd6: {  	v11 =	vld [tilespmem:s21+$0xFFFFFF40]  }
0xd7: {  	v12 =	vld [tilespmem:s21+$0xFFFFFFC0];
	_ =	sdelay $0x2  }
0xd8: {  	v14 =	vld [tilespmem:s21+$0x40];
	v13 =	vunpack.i.l.bf16.f32 v7  }
0xd9: {  	v10 =	vmax.f32 v10, $0.0e+00;
	v15 =	vunpack.i.l.bf16.f32 v8;
	v11 =	vadd.f32 v11, v13  }
0xda: {  	[tilespmem:s19+$0xC0] =	vst v10;
	v10 =	vadd.f32 v12, v15  }
0xdb: {  	v43 =	vld [tilespmem:s21+$0xD0];
	v11 =	vmax.f32 v11, $0.0e+00  }
0xdc: {  	v44 =	vunpack.i.l.bf16.f32 v6;
	v10 =	vmax.f32 v10, $0.0e+00;
	[tilespmem:s12+$0xFFFFFF40] =	vst v11  }
0xdd: {  	v13 =	vadd.f32 v14, v44;
	[tilespmem:s12+$0xFFFFFFC0] =	vst v10;
	v11 =	vld [tilespmem:s21+$0xFFFFFF50]  }
0xde: {  	v10 =	vld [tilespmem:s21+$0xFFFFFFD0]  }
0xdf: {  	v3 =	vunpack.i.u.bf16.f32 v3;
	v13 =	vmax.f32 v13, $0.0e+00  }
0xe0: {  	v3 =	vadd.f32 v43, v3;
	[tilespmem:s12+$0x40] =	vst v13  }
0xe1: {  	v7 =	vunpack.i.u.bf16.f32 v7;
	v45 =	vld [tilespmem:s21+$0x50]  }
0xe2: {  	v8 =	vunpack.i.u.bf16.f32 v8;
	v3 =	vmax.f32 v3, $0.0e+00;
	v7 =	vadd.f32 v11, v7  }
0xe3: {  	[tilespmem:s12+$0xD0] =	vst v3;
	v3 =	vadd.f32 v10, v8  }
0xe4: {  	v8 =	vld [tilespmem:s13+$0x70];
	v7 =	vmax.f32 v7, $0.0e+00  }
0xe5: {  	v6 =	vunpack.i.u.bf16.f32 v6;
	v10 =	vld [tilespmem:s21+$0xE0];
	v3 =	vmax.f32 v3, $0.0e+00;
	[tilespmem:s12+$0xFFFFFF50] =	vst v7  }
0xe6: {  	v6 =	vadd.f32 v45, v6;
	[tilespmem:s12+$0xFFFFFFD0] =	vst v3;
	v3 =	vld [tilespmem:s13+$0xFFFFFFB0]  }
0xe7: {  	v7 =	vld [tilespmem:s13+$0xFFFFFFF0]  }
0xe8: {  	v6 =	vmax.f32 v6, $0.0e+00;
	v11 =	vld [tilespmem:s21+$0xFFFFFF60]  }
0xe9: {  	[tilespmem:s12+$0x50] =	vst v6;
	v46 =	vld [tilespmem:s21+$0xFFFFFFE0]  }
0xea: {  	v6 =	vld [tilespmem:s13+$0x30]  }
0xeb: {  	v13 =	vld [tilespmem:s21+$0x60]  }
0xec: {  	v47 =	vunpack.i.l.bf16.f32 v8  }
0xed: {  	v10 =	vadd.f32 v10, v47;
	v48 =	vunpack.i.l.bf16.f32 v3  }
0xee: {  	v9 =	vmax.f32 v9, $0.0e+00;
	v49 =	vunpack.i.l.bf16.f32 v7;
	v11 =	vadd.f32 v11, v48  }
0xef: {  	[tilespmem:s10+$0x60] =	vst v9;
	v9 =	vmax.f32 v10, $0.0e+00;
	v50 =	vunpack.i.l.bf16.f32 v6;
	v10 =	vadd.f32 v46, v49  }
0xf0: {  	v51 =	vld [tilespmem:s5+$0x70];
	[tilespmem:s12+$0xE0] =	vst v9;
	v9 =	vmax.f32 v11, $0.0e+00;
	v11 =	vadd.f32 v13, v50  }
0xf1: {  	v52 =	vld [tilespmem:s21+$0xF0];
	[tilespmem:s12+$0xFFFFFF60] =	vst v9;
	v9 =	vmax.f32 v10, $0.0e+00  }
0xf2: {  	v10 =	vld [tilespmem:s21+$0xFFFFFF70];
	[tilespmem:s12+$0xFFFFFFE0] =	vst v9;
	v9 =	vmax.f32 v11, $0.0e+00  }
0xf3: {  	v1 =	vadd.f32 v4, v1;
	v4 =	vld [tilespmem:s21+$0xFFFFFFF0];
	[tilespmem:s12+$0x60] =	vst v9  }
0xf4: {  	v2 =	vadd.f32 v5, v2;
	v5 =	vld [tilespmem:s21+$0x70]  }
0xf5: {  	v1 =	vmax.f32 v1, $0.0e+00;
	v0 =	vadd.f32 v51, v0;
	v8 =	vunpack.i.u.bf16.f32 v8  }
0xf6: {  	[tilespmem:s10+$0xFFFFFF70] =	vst v1;
	v1 =	vmax.f32 v2, $0.0e+00;
	v3 =	vunpack.i.u.bf16.f32 v3;
	v2 =	vadd.f32 v52, v8  }
0xf7: {  	[tilespmem:s10+$0xFFFFFFF0] =	vst v1;
	v0 =	vmax.f32 v0, $0.0e+00;
	v1 =	vunpack.i.u.bf16.f32 v7;
	v3 =	vadd.f32 v10, v3  }
0xf8: {  	[tilespmem:s10+$0x70] =	vst v0;
	v0 =	vmax.f32 v2, $0.0e+00;
	v2 =	vunpack.i.u.bf16.f32 v6;
	v1 =	vadd.f32 v4, v1  }
0xf9: {  	[tilespmem:s12+$0xF0] =	vst v0;
	v0 =	vmax.f32 v3, $0.0e+00;
	v2 =	vadd.f32 v5, v2  }
0xfa: {  	[tilespmem:s12+$0xFFFFFF70] =	vst v0;
	v0 =	vmax.f32 v1, $0.0e+00  }
0xfb: {  	[tilespmem:s12+$0xFFFFFFF0] =	vst v0;
	v0 =	vmax.f32 v2, $0.0e+00  }
0xfc: {  	s2 =	simm.s32 $0x9880;
	p0 =	sge.u32 s24, s15;
	[tilespmem:s12+$0x70] =	vst v0  }
0xfd: {  	[spmem:s4] =	stream.indirect.scatter.add.f32 [tilespmem:s22], [sflag:$0x7], $0x80, s2, s20, $0xb8;
	[tilespmem:$0x1D900] =	vst v63  }
0xfe: {  	s2 =	sshll.u32 @!p0 s18, $0x9  }
0xff: {  	s2 =	sshra.s32 @!p0 s2, $0x2  }
0x100: {  	v0 =	vld @!p0 [tilespmem:s2+$0x40];
	_ =	sdelay $0x4  }
0x101: {  	v1 =	vand.u32 @!p0 $0xFFFF, v0  }
0x102: {  	v0 =	vshrl.u32 @!p0 v0, $0x10;
	[tilespmem:$0x9840] =	vst @!p0 v1  }
0x103: {  	[tilespmem:$0x98C0] =	vst @!p0 v0  }
0x104: {  	v0 =	vld @!p0 [tilespmem:s2+$0x50];
	_ =	sdelay $0x4  }
0x105: {  	v1 =	vand.u32 @!p0 $0xFFFF, v0  }
0x106: {  	v0 =	vshrl.u32 @!p0 v0, $0x10;
	[tilespmem:$0x9850] =	vst @!p0 v1  }
0x107: {  	s5 =	simm.s32 @!p0 $0x9840;
	s10 =	simm.s32 @!p0 $0x2800;
	s2 =	simm.s32 @!p0 $0x20;
	[tilespmem:$0x98D0] =	vst @!p0 v0  }
0x108: {  	[tilespmem:s10], [sflag:$0x1] =	stream.indirect.gather @!p0 [hbm4b:s0+s2], $0x40, s5, s2, $0xb8;
	[tilespmem:$0x1D900] =	vst v63  }
0x109: {  	s2 =	sadd.s32 $0x4, s24  }
0x10a: {  	p0 =	sge.u32 s2, s8  }
0x10b: {  	s2 =	sadd.s32 @!p0 s7, s2  }
0x10c: {  	s2 =	sshll.u32 @!p0 s2, $0x9  }
0x10d: {  	s2 =	sand.u32 @!p0 $0x1FFFF800, s2  }
0x10e: {  	s5 =	simm.s32 @!p0 $0x0;
	s10 =	simm.s32 @!p0 $0x3800;
	s2 =	sadd.s32 @!p0 s3, s2  }
0x10f: {  	[tilespmem:s10], [sflag:$0x3] =	stream.linear.gather @!p0 [hbm4b:s2+s5], $0x1000, $0x38;
	[tilespmem:$0x1D900] =	vst v63  }
0x110: {  	s2 =	simm.s32 @!p1 $0x8  }
0x111: {  	_ =	swait.ge @!p1 [sflag:s2], $0x1000  }
0x112: {  	[sflag:s2] =	ssyncset.done @!p1 $0x0  }
0x113: {  	[sflag:s2] =	ssyncadd.s32 @!p1 $0xFFFFF000  }
0x114: {  	_ =	swait.ge [sflag:s23], $0x800  }
0x115: {  	[sflag:s23] =	ssyncset.done $0x0  }
0x116: {  	[sflag:s23] =	ssyncadd.s32 $0xFFFFF800  }
0x117: {  	_ =	swait.ge [sflag:s25], $0x1000  }
0x118: {  	[sflag:s25] =	ssyncset.done $0x0  }
0x119: {  	s26 =	simm.s32 $0x3080;
	[sflag:s25] =	ssyncadd.s32 $0xFFFFF000  }
0x11a: {  	s5 =	simm.s32 $0x4900;
	v0 =	vld [tilespmem:s26+$0x40]  }
0x11b: {  	v1 =	vld [tilespmem:s5+$0x80];
	_ =	sdelay $0x2  }
0x11c: {  	v2 =	vld [tilespmem:s26+$0xFFFFFFC0]  }
0x11d: {  	v3 =	vld [tilespmem:s26+$0xFFFFFF80];
	v4 =	vunpack.i.l.bf16.f32 v0  }
0x11e: {  	v5 =	vld [tilespmem:s5+$0xFFFFFF00];
	v1 =	vadd.f32 v1, v4  }
0x11f: {  	v4 =	vld [tilespmem:s5+$0xFFFFFF80]  }
0x120: {  	s10 =	simm.s32 $0x8900;
	v1 =	vmax.f32 v1, $0.0e+00  }
0x121: {  	[tilespmem:s10+$0x80] =	vst v1  }
0x122: {  	v1 =	vunpack.i.l.bf16.f32 v3;
	v6 =	vld [tilespmem:s5+$0x90]  }
0x123: {  	v7 =	vunpack.i.l.bf16.f32 v2;
	v1 =	vadd.f32 v5, v1  }
0x124: {  	v4 =	vadd.f32 v4, v7  }
0x125: {  	v5 =	vld [tilespmem:s26+$0x0];
	v1 =	vmax.f32 v1, $0.0e+00  }
0x126: {  	v0 =	vunpack.i.u.bf16.f32 v0;
	v7 =	vld [tilespmem:s5+$0x0];
	[tilespmem:s10+$0xFFFFFF00] =	vst v1;
	v1 =	vmax.f32 v4, $0.0e+00  }
0x127: {  	v4 =	vld [tilespmem:s5+$0xFFFFFF10];
	[tilespmem:s10+$0xFFFFFF80] =	vst v1;
	v0 =	vadd.f32 v6, v0  }
0x128: {  	v1 =	vld [tilespmem:s5+$0xFFFFFF90]  }
0x129: {  	v0 =	vmax.f32 v0, $0.0e+00  }
0x12a: {  	v6 =	vunpack.i.l.bf16.f32 v5;
	[tilespmem:s10+$0x90] =	vst v0  }
0x12b: {  	v0 =	vunpack.i.u.bf16.f32 v3;
	v3 =	vadd.f32 v7, v6;
	v6 =	vld [tilespmem:s26+$0x50]  }
0x12c: {  	v2 =	vunpack.i.u.bf16.f32 v2;
	v0 =	vadd.f32 v4, v0;
	v4 =	vld [tilespmem:s5+$0xA0]  }
0x12d: {  	v3 =	vmax.f32 v3, $0.0e+00;
	v1 =	vadd.f32 v1, v2  }
0x12e: {  	[tilespmem:s10+$0x0] =	vst v3;
	v0 =	vmax.f32 v0, $0.0e+00  }
0x12f: {  	v2 =	vld [tilespmem:s5+$0x10];
	[tilespmem:s10+$0xFFFFFF10] =	vst v0;
	v0 =	vmax.f32 v1, $0.0e+00  }
0x130: {  	v1 =	vld [tilespmem:s26+$0xFFFFFF90];
	[tilespmem:s10+$0xFFFFFF90] =	vst v0;
	v0 =	vunpack.i.l.bf16.f32 v6  }
0x131: {  	v3 =	vld [tilespmem:s26+$0xFFFFFFD0];
	v0 =	vadd.f32 v4, v0  }
0x132: {  	v4 =	vld [tilespmem:s5+$0xFFFFFF20]  }
0x133: {  	v7 =	vld [tilespmem:s5+$0xFFFFFFA0];
	v0 =	vmax.f32 v0, $0.0e+00  }
0x134: {  	v5 =	vunpack.i.u.bf16.f32 v5;
	[tilespmem:s10+$0xA0] =	vst v0  }
0x135: {  	v0 =	vadd.f32 v2, v5;
	v2 =	vld [tilespmem:s5+$0xB0]  }
0x136: {  	v5 =	vunpack.i.l.bf16.f32 v1  }
0x137: {  	v8 =	vunpack.i.l.bf16.f32 v3;
	v0 =	vmax.f32 v0, $0.0e+00;
	v4 =	vadd.f32 v4, v5  }
0x138: {  	[tilespmem:s10+$0x10] =	vst v0;
	v0 =	vadd.f32 v7, v8  }
0x139: {  	v6 =	vunpack.i.u.bf16.f32 v6;
	v5 =	vld [tilespmem:s26+$0x10];
	v4 =	vmax.f32 v4, $0.0e+00  }
0x13a: {  	v7 =	vld [tilespmem:s5+$0x20];
	[tilespmem:s10+$0xFFFFFF20] =	vst v4;
	v0 =	vmax.f32 v0, $0.0e+00;
	v2 =	vadd.f32 v2, v6  }
0x13b: {  	v4 =	vld [tilespmem:s5+$0xFFFFFF30];
	[tilespmem:s10+$0xFFFFFFA0] =	vst v0  }
0x13c: {  	v0 =	vld [tilespmem:s5+$0xFFFFFFB0];
	v2 =	vmax.f32 v2, $0.0e+00  }
0x13d: {  	[tilespmem:s10+$0xB0] =	vst v2  }
0x13e: {  	v2 =	vunpack.i.l.bf16.f32 v5;
	v6 =	vld [tilespmem:s26+$0x60]  }
0x13f: {  	v1 =	vunpack.i.u.bf16.f32 v1;
	v2 =	vadd.f32 v7, v2;
	v7 =	vld [tilespmem:s5+$0xC0]  }
0x140: {  	v3 =	vunpack.i.u.bf16.f32 v3;
	v1 =	vadd.f32 v4, v1  }
0x141: {  	v0 =	vadd.f32 v0, v3  }
0x142: {  	s13 =	simm.s32 $0x3180;
	v1 =	vmax.f32 v1, $0.0e+00  }
0x143: {  	v9 =	vld [tilespmem:s13+$0x0];
	[tilespmem:s10+$0xFFFFFF30] =	vst v1;
	v0 =	vmax.f32 v0, $0.0e+00;
	v1 =	vunpack.i.l.bf16.f32 v6  }
0x144: {  	s14 =	simm.s32 $0x4B00;
	v10 =	vld [tilespmem:s13+$0xFFFFFF80];
	[tilespmem:s10+$0xFFFFFFB0] =	vst v0;
	v0 =	vadd.f32 v7, v1  }
0x145: {  	v53 =	vld [tilespmem:s14+$0xFFFFFF00]  }
0x146: {  	v4 =	vld [tilespmem:s13+$0x40];
	v0 =	vmax.f32 v0, $0.0e+00  }
0x147: {  	v7 =	vld [tilespmem:s14+$0x80];
	[tilespmem:s10+$0xC0] =	vst v0  }
0x148: {  	v2 =	vmax.f32 v2, $0.0e+00;
	v0 =	vld [tilespmem:s5+$0xD0]  }
0x149: {  	v8 =	vld [tilespmem:s13+$0xFFFFFFC0];
	[tilespmem:s10+$0x20] =	vst v2  }
0x14a: {  	v2 =	vld [tilespmem:s5+$0x30]  }
0x14b: {  	v3 =	vld [tilespmem:s26+$0xFFFFFFA0];
	v11 =	vunpack.i.l.bf16.f32 v4  }
0x14c: {  	v6 =	vunpack.i.u.bf16.f32 v6;
	v1 =	vld [tilespmem:s26+$0xFFFFFFE0];
	v7 =	vadd.f32 v7, v11  }
0x14d: {  	v11 =	vld [tilespmem:s14+$0xFFFFFF80];
	v0 =	vadd.f32 v0, v6  }
0x14e: {  	s19 =	simm.s32 $0x8B00;
	v5 =	vunpack.i.u.bf16.f32 v5;
	v7 =	vmax.f32 v7, $0.0e+00;
	v6 =	vld [tilespmem:s14+$0x0]  }
0x14f: {  	v2 =	vadd.f32 v2, v5;
	v5 =	vld [tilespmem:s5+$0xFFFFFF40];
	[tilespmem:s19+$0x80] =	vst v7;
	v0 =	vmax.f32 v0, $0.0e+00  }
0x150: {  	v7 =	vunpack.i.l.bf16.f32 v10;
	v54 =	vld [tilespmem:s14+$0x90];
	[tilespmem:s10+$0xD0] =	vst v0  }
0x151: {  	v7 =	vadd.f32 v53, v7;
	v0 =	vmax.f32 v2, $0.0e+00;
	v2 =	vunpack.i.l.bf16.f32 v8;
	v55 =	vld [tilespmem:s26+$0x70]  }
0x152: {  	[tilespmem:s10+$0x30] =	vst v0;
	v0 =	vunpack.i.l.bf16.f32 v9;
	v2 =	vadd.f32 v11, v2;
	v11 =	vld [tilespmem:s5+$0xE0]  }
0x153: {  	v57 =	vld [tilespmem:s5+$0xFFFFFFC0];
	v7 =	vmax.f32 v7, $0.0e+00;
	v0 =	vadd.f32 v6, v0  }
0x154: {  	[tilespmem:s19+$0xFFFFFF00] =	vst v7;
	v56 =	vld [tilespmem:s26+$0x20];
	v6 =	vunpack.i.l.bf16.f32 v3;
	v2 =	vmax.f32 v2, $0.0e+00  }
0x155: {  	v5 =	vadd.f32 v5, v6;
	v6 =	vld [tilespmem:s14+$0xFFFFFF10];
	[tilespmem:s19+$0xFFFFFF80] =	vst v2;
	v0 =	vmax.f32 v0, $0.0e+00;
	v2 =	vunpack.i.u.bf16.f32 v4  }
0x156: {  	v4 =	vld [tilespmem:s14+$0xFFFFFF90];
	[tilespmem:s19+$0x0] =	vst v0;
	v0 =	vadd.f32 v54, v2;
	v2 =	vunpack.i.l.bf16.f32 v55  }
0x157: {  	v5 =	vmax.f32 v5, $0.0e+00;
	v7 =	vld [tilespmem:s14+$0x10];
	v2 =	vadd.f32 v11, v2  }
0x158: {  	v58 =	vld [tilespmem:s5+$0x40];
	[tilespmem:s10+$0xFFFFFF40] =	vst v5;
	v11 =	vunpack.i.l.bf16.f32 v1;
	v0 =	vmax.f32 v0, $0.0e+00  }
0x159: {  	v5 =	vunpack.i.u.bf16.f32 v10;
	v10 =	vld [tilespmem:s5+$0xFFFFFF50];
	v11 =	vadd.f32 v57, v11;
	[tilespmem:s19+$0x90] =	vst v0;
	v0 =	vmax.f32 v2, $0.0e+00  }
0x15a: {  	v5 =	vadd.f32 v6, v5;
	v2 =	vunpack.i.u.bf16.f32 v8;
	v6 =	vld [tilespmem:s13+$0x50];
	[tilespmem:s10+$0xE0] =	vst v0  }
0x15b: {  	v0 =	vunpack.i.u.bf16.f32 v9;
	v8 =	vmax.f32 v11, $0.0e+00;
	v2 =	vadd.f32 v4, v2;
	v4 =	vld [tilespmem:s5+$0xF0]  }
0x15c: {  	v5 =	vmax.f32 v5, $0.0e+00;
	[tilespmem:s10+$0xFFFFFFC0] =	vst v8;
	v0 =	vadd.f32 v7, v0;
	v7 =	vld [tilespmem:s14+$0xA0]  }
0x15d: {  	[tilespmem:s19+$0xFFFFFF10] =	vst v5;
	v5 =	vld [tilespmem:s5+$0xFFFFFFD0]  }
0x15e: {  	v2 =	vmax.f32 v2, $0.0e+00;
	v8 =	vld [tilespmem:s13+$0xFFFFFF90]  }
0x15f: {  	v59 =	vld [tilespmem:s14+$0xFFFFFF20];
	[tilespmem:s19+$0xFFFFFF90] =	vst v2;
	v0 =	vmax.f32 v0, $0.0e+00;
	v2 =	vunpack.i.l.bf16.f32 v56  }
0x160: {  	v3 =	vunpack.i.u.bf16.f32 v3;
	v9 =	vld [tilespmem:s13+$0xFFFFFFD0];
	[tilespmem:s19+$0x10] =	vst v0;
	v0 =	vadd.f32 v58, v2;
	v11 =	vunpack.i.l.bf16.f32 v6  }
0x161: {  	v3 =	vadd.f32 v10, v3;
	v10 =	vld [tilespmem:s14+$0xFFFFFFA0];
	v7 =	vadd.f32 v7, v11  }
0x162: {  	v1 =	vunpack.i.u.bf16.f32 v1;
	v2 =	vld [tilespmem:s13+$0x10];
	v0 =	vmax.f32 v0, $0.0e+00  }
0x163: {  	[tilespmem:s10+$0x40] =	vst v0;
	v0 =	vadd.f32 v5, v1;
	v1 =	vld [tilespmem:s14+$0x20];
	v5 =	vmax.f32 v7, $0.0e+00  }
0x164: {  	v3 =	vmax.f32 v3, $0.0e+00;
	[tilespmem:s19+$0xA0] =	vst v5;
	v5 =	vld [tilespmem:s5+$0x50]  }
0x165: {  	[tilespmem:s10+$0xFFFFFF50] =	vst v3;
	v3 =	vunpack.i.l.bf16.f32 v8;
	v0 =	vmax.f32 v0, $0.0e+00;
	v7 =	vld [tilespmem:s14+$0xB0]  }
0x166: {  	v60 =	vld [tilespmem:s26+$0xFFFFFFB0];
	v11 =	vunpack.i.l.bf16.f32 v9;
	[tilespmem:s10+$0xFFFFFFD0] =	vst v0;
	v0 =	vadd.f32 v59, v3  }
0x167: {  	v3 =	vunpack.i.l.bf16.f32 v2;
	v10 =	vadd.f32 v10, v11;
	v11 =	vld [tilespmem:s26+$0xFFFFFFF0]  }
0x168: {  	v14 =	vunpack.i.u.bf16.f32 v56;
	v0 =	vmax.f32 v0, $0.0e+00;
	v1 =	vadd.f32 v1, v3;
	v3 =	vld [tilespmem:s5+$0xFFFFFF60]  }
0x169: {  	v6 =	vunpack.i.u.bf16.f32 v6;
	[tilespmem:s19+$0xFFFFFF20] =	vst v0;
	v0 =	vmax.f32 v10, $0.0e+00;
	v10 =	vld [tilespmem:s5+$0xFFFFFFE0];
	v5 =	vadd.f32 v5, v14  }
0x16a: {  	v61 =	vld [tilespmem:s14+$0xFFFFFF30];
	[tilespmem:s19+$0xFFFFFFA0] =	vst v0;
	v0 =	vmax.f32 v1, $0.0e+00;
	v1 =	vadd.f32 v7, v6  }
0x16b: {  	v6 =	vld [tilespmem:s14+$0xFFFFFFB0];
	[tilespmem:s19+$0x20] =	vst v0;
	v0 =	vmax.f32 v5, $0.0e+00  }
0x16c: {  	v5 =	vunpack.i.l.bf16.f32 v60;
	v7 =	vld [tilespmem:s14+$0x30];
	v1 =	vmax.f32 v1, $0.0e+00;
	[tilespmem:s10+$0x50] =	vst v0  }
0x16d: {  	v0 =	vunpack.i.l.bf16.f32 v11;
	[tilespmem:s19+$0xB0] =	vst v1;
	v1 =	vadd.f32 v3, v5;
	v62 =	vld [tilespmem:s26+$0x30]  }
0x16e: {  	v8 =	vunpack.i.u.bf16.f32 v8;
	v9 =	vunpack.i.u.bf16.f32 v9;
	v0 =	vadd.f32 v10, v0;
	v3 =	vld [tilespmem:s13+$0x60]  }
0x16f: {  	v2 =	vunpack.i.u.bf16.f32 v2;
	v8 =	vadd.f32 v61, v8;
	v10 =	vld [tilespmem:s14+$0xC0];
	v1 =	vmax.f32 v1, $0.0e+00  }
0x170: {  	v5 =	vunpack.i.u.bf16.f32 v55;
	v6 =	vadd.f32 v6, v9;
	v0 =	vmax.f32 v0, $0.0e+00;
	v9 =	vld [tilespmem:s5+$0x60];
	[tilespmem:s10+$0xFFFFFF60] =	vst v1  }
0x171: {  	v1 =	vadd.f32 v4, v5;
	v5 =	vmax.f32 v8, $0.0e+00;
	v2 =	vadd.f32 v7, v2;
	[tilespmem:s10+$0xFFFFFFE0] =	vst v0;
	v4 =	vld [tilespmem:s5+$0xFFFFFF70]  }
0x172: {  	[tilespmem:s19+$0xFFFFFF30] =	vst v5;
	v0 =	vmax.f32 v6, $0.0e+00;
	v5 =	vld [tilespmem:s5+$0xFFFFFFF0]  }
0x173: {  	v6 =	vmax.f32 v1, $0.0e+00;
	v7 =	vld [tilespmem:s13+$0xFFFFFFA0];
	[tilespmem:s19+$0xFFFFFFB0] =	vst v0;
	v0 =	vmax.f32 v2, $0.0e+00;
	v63 =	vunpack.i.l.bf16.f32 v3  }
0x174: {  	s21 =	simm.s32 $0x4B00;
	v2 =	vunpack.i.u.bf16.f32 v11;
	v11 =	vunpack.i.l.bf16.f32 v62;
	v8 =	vld [tilespmem:s13+$0xFFFFFFE0];
	[tilespmem:s19+$0x30] =	vst v0;
	v10 =	vadd.f32 v10, v63  }
0x175: {  	s12 =	simm.s32 $0x8B00;
	s2 =	simm.s32 $0x3280;
	s26 =	simm.s32 $0x4;
	v1 =	vunpack.i.u.bf16.f32 v60;
	[tilespmem:s10+$0xF0] =	vst v6;
	v0 =	vunpack.i.u.bf16.f32 v62;
	v6 =	vld [tilespmem:s13+$0x20];
	v9 =	vadd.f32 v9, v11  }
.LBB2_5:
0x176: {  	v11 =	vld [tilespmem:s2+$0x40];
	v10 =	vmax.f32 v10, $0.0e+00;
	s14 =	sadd.s32 $0x200, s14;
	v1 =	vadd.f32 v4, v1  }
0x177: {  	v4 =	vld [tilespmem:s14+$0x80];
	[tilespmem:s19+$0xC0] =	vst v10;
	v2 =	vadd.f32 v5, v2;
	v5 =	vmax.f32 v9, $0.0e+00  }
0x178: {  	s26 =	sadd.s32 $0x4, s26;
	v9 =	vunpack.i.u.bf16.f32 v7;
	v7 =	vunpack.i.l.bf16.f32 v7;
	v10 =	vld [tilespmem:s21+$0xD0];
	v1 =	vmax.f32 v1, $0.0e+00;
	[tilespmem:s10+$0x60] =	vst v5  }
0x179: {  	p1 =	slt.u32 s26, $0x1C;
	v5 =	vld [tilespmem:s2+$0xFFFFFFC0];
	v12 =	vunpack.i.u.bf16.f32 v8;
	v8 =	vunpack.i.l.bf16.f32 v8;
	[tilespmem:s10+$0xFFFFFF70] =	vst v1;
	v2 =	vmax.f32 v2, $0.0e+00  }
0x17a: {  	v13 =	vld [tilespmem:s2+$0x0];
	v1 =	vunpack.i.u.bf16.f32 v6;
	v6 =	vunpack.i.l.bf16.f32 v6;
	[tilespmem:s10+$0xFFFFFFF0] =	vst v2  }
0x17b: {  	v2 =	vld [tilespmem:s2+$0xFFFFFF80];
	v14 =	vunpack.i.l.bf16.f32 v11  }
0x17c: {  	v3 =	vunpack.i.u.bf16.f32 v3;
	v15 =	vld [tilespmem:s14+$0xFFFFFF00];
	v4 =	vadd.f32 v4, v14  }
0x17d: {  	v14 =	vld [tilespmem:s14+$0xFFFFFF80];
	v3 =	vadd.f32 v10, v3  }
0x17e: {  	s19 =	sadd.s32 $0x200, s19;
	v10 =	vunpack.i.u.bf16.f32 v5;
	v5 =	vunpack.i.l.bf16.f32 v5;
	v16 =	vld [tilespmem:s14+$0x0];
	v4 =	vmax.f32 v4, $0.0e+00  }
0x17f: {  	v17 =	vunpack.i.u.bf16.f32 v13;
	v13 =	vunpack.i.l.bf16.f32 v13;
	[tilespmem:s19+$0x80] =	vst v4;
	v4 =	vld [tilespmem:s21+$0xFFFFFF40];
	v3 =	vmax.f32 v3, $0.0e+00  }
0x180: {  	v18 =	vunpack.i.u.bf16.f32 v2;
	v2 =	vunpack.i.l.bf16.f32 v2;
	v19 =	vld [tilespmem:s14+$0x90];
	[tilespmem:s12+$0xD0] =	vst v3  }
0x181: {  	v2 =	vadd.f32 v15, v2;
	v3 =	vld [tilespmem:s13+$0x70]  }
0x182: {  	v5 =	vadd.f32 v14, v5;
	v14 =	vld [tilespmem:s21+$0xE0]  }
0x183: {  	v2 =	vmax.f32 v2, $0.0e+00;
	v13 =	vadd.f32 v16, v13;
	v15 =	vld [tilespmem:s21+$0xFFFFFFC0]  }
0x184: {  	[tilespmem:s19+$0xFFFFFF00] =	vst v2;
	v2 =	vmax.f32 v5, $0.0e+00;
	v4 =	vadd.f32 v4, v7;
	v5 =	vld [tilespmem:s21+$0x40]  }
0x185: {  	v11 =	vunpack.i.u.bf16.f32 v11;
	v7 =	vld [tilespmem:s14+$0xFFFFFF10];
	[tilespmem:s19+$0xFFFFFF80] =	vst v2;
	v2 =	vmax.f32 v13, $0.0e+00  }
0x186: {  	v13 =	vld [tilespmem:s14+$0xFFFFFF90];
	[tilespmem:s19+$0x0] =	vst v2;
	v2 =	vadd.f32 v19, v11;
	v4 =	vmax.f32 v4, $0.0e+00;
	v11 =	vunpack.i.l.bf16.f32 v3  }
0x187: {  	v16 =	vld [tilespmem:s14+$0x10];
	[tilespmem:s12+$0xFFFFFF40] =	vst v4;
	v4 =	vadd.f32 v14, v11  }
0x188: {  	v2 =	vmax.f32 v2, $0.0e+00;
	v11 =	vld [tilespmem:s21+$0xFFFFFF50];
	v8 =	vadd.f32 v15, v8  }
0x189: {  	[tilespmem:s19+$0x90] =	vst v2;
	v2 =	vadd.f32 v5, v6;
	v4 =	vmax.f32 v4, $0.0e+00;
	v5 =	vld [tilespmem:s5+$0x70];
	s5 =	smov.u32 s21;
	s21 =	smov.u32 s14  }
0x18a: {  	v6 =	vadd.f32 v7, v18;
	v7 =	vld [tilespmem:s2+$0x50];
	v8 =	vmax.f32 v8, $0.0e+00;
	[tilespmem:s12+$0xE0] =	vst v4  }
0x18b: {  	v4 =	vadd.f32 v13, v10;
	[tilespmem:s12+$0xFFFFFFC0] =	vst v8;
	v2 =	vmax.f32 v2, $0.0e+00;
	v8 =	vld [tilespmem:s5+$0xF0]  }
0x18c: {  	v6 =	vmax.f32 v6, $0.0e+00;
	v10 =	vadd.f32 v16, v17;
	v13 =	vld [tilespmem:s14+$0xA0];
	[tilespmem:s12+$0x40] =	vst v2  }
0x18d: {  	[tilespmem:s19+$0xFFFFFF10] =	vst v6;
	v2 =	vmax.f32 v4, $0.0e+00;
	v4 =	vadd.f32 v11, v9;
	v6 =	vld [tilespmem:s5+$0xFFFFFFD0]  }
0x18e: {  	v9 =	vld [tilespmem:s2+$0xFFFFFF90];
	[tilespmem:s19+$0xFFFFFF90] =	vst v2;
	v2 =	vmax.f32 v10, $0.0e+00;
	v0 =	vadd.f32 v5, v0  }
0x18f: {  	v3 =	vunpack.i.u.bf16.f32 v3;
	v5 =	vld [tilespmem:s2+$0xFFFFFFD0];
	[tilespmem:s19+$0x10] =	vst v2;
	v2 =	vmax.f32 v4, $0.0e+00  }
0x190: {  	v10 =	vunpack.i.l.bf16.f32 v7;
	v4 =	vld [tilespmem:s2+$0x10];
	[tilespmem:s12+$0xFFFFFF50] =	vst v2;
	v2 =	vadd.f32 v8, v3;
	v0 =	vmax.f32 v0, $0.0e+00  }
0x191: {  	v3 =	vld [tilespmem:s14+$0xFFFFFF20];
	v8 =	vadd.f32 v13, v10;
	[tilespmem:s10+$0x70] =	vst v0;
	s10 =	smov.u32 s12;
	s12 =	smov.u32 s19  }
0x192: {  	v0 =	vld [tilespmem:s14+$0xFFFFFFA0];
	v6 =	vadd.f32 v6, v12;
	v2 =	vmax.f32 v2, $0.0e+00  }
0x193: {  	v10 =	vunpack.i.u.bf16.f32 v9;
	v9 =	vunpack.i.l.bf16.f32 v9;
	v11 =	vld [tilespmem:s14+$0x20];
	v8 =	vmax.f32 v8, $0.0e+00;
	[tilespmem:s10+$0xF0] =	vst v2  }
0x194: {  	v12 =	vunpack.i.u.bf16.f32 v5;
	v2 =	vunpack.i.l.bf16.f32 v5;
	[tilespmem:s19+$0xA0] =	vst v8;
	v5 =	vmax.f32 v6, $0.0e+00;
	v6 =	vld [tilespmem:s5+$0x50]  }
0x195: {  	v8 =	vunpack.i.u.bf16.f32 v4;
	v4 =	vunpack.i.l.bf16.f32 v4;
	v13 =	vld [tilespmem:s14+$0xB0];
	[tilespmem:s10+$0xFFFFFFD0] =	vst v5  }
0x196: {  	v3 =	vadd.f32 v3, v9;
	v5 =	vld [tilespmem:s13+$0xFFFFFFB0]  }
0x197: {  	v0 =	vadd.f32 v0, v2;
	v9 =	vld [tilespmem:s13+$0xFFFFFFF0]  }
0x198: {  	v2 =	vmax.f32 v3, $0.0e+00;
	v3 =	vadd.f32 v11, v4;
	v4 =	vld [tilespmem:s5+$0xFFFFFF60]  }
0x199: {  	[tilespmem:s19+$0xFFFFFF20] =	vst v2;
	v0 =	vmax.f32 v0, $0.0e+00;
	v2 =	vunpack.i.u.bf16.f32 v7;
	v7 =	vld [tilespmem:s5+$0xFFFFFFE0];
	v6 =	vadd.f32 v6, v1  }
0x19a: {  	v11 =	vld [tilespmem:s14+$0xFFFFFF30];
	[tilespmem:s19+$0xFFFFFFA0] =	vst v0;
	v0 =	vmax.f32 v3, $0.0e+00;
	v2 =	vadd.f32 v13, v2  }
0x19b: {  	v13 =	vld [tilespmem:s14+$0xFFFFFFB0];
	[tilespmem:s19+$0x20] =	vst v0;
	v1 =	vunpack.i.u.bf16.f32 v5;
	v0 =	vunpack.i.l.bf16.f32 v5;
	v3 =	vmax.f32 v6, $0.0e+00  }
0x19c: {  	v5 =	vld [tilespmem:s14+$0x30];
	v6 =	vmax.f32 v2, $0.0e+00;
	v2 =	vunpack.i.u.bf16.f32 v9;
	v9 =	vunpack.i.l.bf16.f32 v9;
	[tilespmem:s10+$0x50] =	vst v3  }
0x19d: {  	[tilespmem:s19+$0xB0] =	vst v6;
	v0 =	vadd.f32 v4, v0;
	v6 =	vld [tilespmem:s13+$0x30];
	s13 =	smov.u32 s2  }
0x19e: {  	v3 =	vld [tilespmem:s2+$0x60];
	v4 =	vadd.f32 v7, v9  }
0x19f: {  	v7 =	vadd.f32 v11, v10;
	v9 =	vld [tilespmem:s14+$0xC0];
	v0 =	vmax.f32 v0, $0.0e+00  }
0x1a0: {  	v10 =	vadd.f32 v13, v12;
	[tilespmem:s10+$0xFFFFFF60] =	vst v0;
	v0 =	vmax.f32 v4, $0.0e+00;
	v11 =	vld [tilespmem:s5+$0x60]  }
.Ltmp1:
0x1a1: {  	v7 =	vmax.f32 v7, $0.0e+00;
	v8 =	vadd.f32 v5, v8;
	v4 =	vld [tilespmem:s5+$0xFFFFFF70];
	[tilespmem:s10+$0xFFFFFFE0] =	vst v0;
	(pc) =	sbr.rel @p1 .LBB2_5-.Ltmp1, $4  }
0x1a2: {  	[tilespmem:s19+$0xFFFFFF30] =	vst v7;
	v10 =	vmax.f32 v10, $0.0e+00;
	v5 =	vld [tilespmem:s5+$0xFFFFFFF0];
	v0 =	vunpack.i.u.bf16.f32 v6;
	v12 =	vunpack.i.l.bf16.f32 v6  }
0x1a3: {  	v7 =	vld [tilespmem:s2+$0xFFFFFFA0];
	[tilespmem:s19+$0xFFFFFFB0] =	vst v10;
	v6 =	vmax.f32 v8, $0.0e+00;
	v10 =	vunpack.i.l.bf16.f32 v3  }
0x1a4: {  	v8 =	vld [tilespmem:s2+$0xFFFFFFE0];
	[tilespmem:s19+$0x30] =	vst v6;
	v10 =	vadd.f32 v9, v10  }
0x1a5: {  	s2 =	sadd.s32 $0x100, s2;
	v6 =	vld [tilespmem:s13+$0x20];
	v9 =	vadd.f32 v11, v12  }
0x1a6: {  	v11 =	vld [tilespmem:s21+$0xFFFFFF40]  }
0x1a7: {  	v12 =	vld [tilespmem:s21+$0xFFFFFFC0];
	_ =	sdelay $0x2  }
0x1a8: {  	v14 =	vld [tilespmem:s21+$0x40];
	v13 =	vunpack.i.l.bf16.f32 v7  }
0x1a9: {  	v10 =	vmax.f32 v10, $0.0e+00;
	v15 =	vunpack.i.l.bf16.f32 v8;
	v11 =	vadd.f32 v11, v13  }
0x1aa: {  	[tilespmem:s19+$0xC0] =	vst v10;
	v10 =	vadd.f32 v12, v15  }
0x1ab: {  	v43 =	vld [tilespmem:s21+$0xD0];
	v11 =	vmax.f32 v11, $0.0e+00  }
0x1ac: {  	v44 =	vunpack.i.l.bf16.f32 v6;
	v10 =	vmax.f32 v10, $0.0e+00;
	[tilespmem:s12+$0xFFFFFF40] =	vst v11  }
0x1ad: {  	v13 =	vadd.f32 v14, v44;
	[tilespmem:s12+$0xFFFFFFC0] =	vst v10;
	v11 =	vld [tilespmem:s21+$0xFFFFFF50]  }
0x1ae: {  	v10 =	vld [tilespmem:s21+$0xFFFFFFD0]  }
0x1af: {  	v3 =	vunpack.i.u.bf16.f32 v3;
	v13 =	vmax.f32 v13, $0.0e+00  }
0x1b0: {  	v3 =	vadd.f32 v43, v3;
	[tilespmem:s12+$0x40] =	vst v13  }
0x1b1: {  	v7 =	vunpack.i.u.bf16.f32 v7;
	v45 =	vld [tilespmem:s21+$0x50]  }
0x1b2: {  	v8 =	vunpack.i.u.bf16.f32 v8;
	v3 =	vmax.f32 v3, $0.0e+00;
	v7 =	vadd.f32 v11, v7  }
0x1b3: {  	[tilespmem:s12+$0xD0] =	vst v3;
	v3 =	vadd.f32 v10, v8  }
0x1b4: {  	v8 =	vld [tilespmem:s13+$0x70];
	v7 =	vmax.f32 v7, $0.0e+00  }
0x1b5: {  	v6 =	vunpack.i.u.bf16.f32 v6;
	v10 =	vld [tilespmem:s21+$0xE0];
	v3 =	vmax.f32 v3, $0.0e+00;
	[tilespmem:s12+$0xFFFFFF50] =	vst v7  }
0x1b6: {  	v6 =	vadd.f32 v45, v6;
	[tilespmem:s12+$0xFFFFFFD0] =	vst v3;
	v3 =	vld [tilespmem:s13+$0xFFFFFFB0]  }
0x1b7: {  	v7 =	vld [tilespmem:s13+$0xFFFFFFF0]  }
0x1b8: {  	v6 =	vmax.f32 v6, $0.0e+00;
	v11 =	vld [tilespmem:s21+$0xFFFFFF60]  }
0x1b9: {  	[tilespmem:s12+$0x50] =	vst v6;
	v46 =	vld [tilespmem:s21+$0xFFFFFFE0]  }
0x1ba: {  	v6 =	vld [tilespmem:s13+$0x30]  }
0x1bb: {  	v13 =	vld [tilespmem:s21+$0x60]  }
0x1bc: {  	v47 =	vunpack.i.l.bf16.f32 v8  }
0x1bd: {  	v10 =	vadd.f32 v10, v47;
	v48 =	vunpack.i.l.bf16.f32 v3  }
0x1be: {  	v9 =	vmax.f32 v9, $0.0e+00;
	v49 =	vunpack.i.l.bf16.f32 v7;
	v11 =	vadd.f32 v11, v48  }
0x1bf: {  	[tilespmem:s10+$0x60] =	vst v9;
	v9 =	vmax.f32 v10, $0.0e+00;
	v50 =	vunpack.i.l.bf16.f32 v6;
	v10 =	vadd.f32 v46, v49  }
0x1c0: {  	v51 =	vld [tilespmem:s5+$0x70];
	[tilespmem:s12+$0xE0] =	vst v9;
	v9 =	vmax.f32 v11, $0.0e+00;
	v11 =	vadd.f32 v13, v50  }
0x1c1: {  	v52 =	vld [tilespmem:s21+$0xF0];
	[tilespmem:s12+$0xFFFFFF60] =	vst v9;
	v9 =	vmax.f32 v10, $0.0e+00  }
0x1c2: {  	v10 =	vld [tilespmem:s21+$0xFFFFFF70];
	[tilespmem:s12+$0xFFFFFFE0] =	vst v9;
	v9 =	vmax.f32 v11, $0.0e+00  }
0x1c3: {  	v1 =	vadd.f32 v4, v1;
	v4 =	vld [tilespmem:s21+$0xFFFFFFF0];
	[tilespmem:s12+$0x60] =	vst v9  }
0x1c4: {  	v2 =	vadd.f32 v5, v2;
	v5 =	vld [tilespmem:s21+$0x70]  }
0x1c5: {  	v1 =	vmax.f32 v1, $0.0e+00;
	v0 =	vadd.f32 v51, v0;
	v8 =	vunpack.i.u.bf16.f32 v8  }
0x1c6: {  	[tilespmem:s10+$0xFFFFFF70] =	vst v1;
	v1 =	vmax.f32 v2, $0.0e+00;
	v3 =	vunpack.i.u.bf16.f32 v3;
	v2 =	vadd.f32 v52, v8  }
0x1c7: {  	[tilespmem:s10+$0xFFFFFFF0] =	vst v1;
	v0 =	vmax.f32 v0, $0.0e+00;
	v1 =	vunpack.i.u.bf16.f32 v7;
	v3 =	vadd.f32 v10, v3  }
0x1c8: {  	[tilespmem:s10+$0x70] =	vst v0;
	v0 =	vmax.f32 v2, $0.0e+00;
	v2 =	vunpack.i.u.bf16.f32 v6;
	v1 =	vadd.f32 v4, v1  }
0x1c9: {  	[tilespmem:s12+$0xF0] =	vst v0;
	v0 =	vmax.f32 v3, $0.0e+00;
	v2 =	vadd.f32 v5, v2  }
0x1ca: {  	[tilespmem:s12+$0xFFFFFF70] =	vst v0;
	v0 =	vmax.f32 v1, $0.0e+00  }
0x1cb: {  	[tilespmem:s12+$0xFFFFFFF0] =	vst v0;
	v0 =	vmax.f32 v2, $0.0e+00  }
0x1cc: {  	s2 =	simm.s32 $0x98A0;
	p1 =	sge.u32 s24, s16;
	[tilespmem:s12+$0x70] =	vst v0  }
0x1cd: {  	[spmem:s4] =	stream.indirect.scatter.add.f32 [tilespmem:s28], [sflag:$0x8], $0x80, s2, s20, $0xb8;
	[tilespmem:$0x1D900] =	vst v63  }
0x1ce: {  	s2 =	sshll.u32 @!p1 s18, $0x9  }
0x1cf: {  	s2 =	sshra.s32 @!p1 s2, $0x2  }
0x1d0: {  	v0 =	vld @!p1 [tilespmem:s2+$0x60];
	_ =	sdelay $0x4  }
0x1d1: {  	v1 =	vand.u32 @!p1 $0xFFFF, v0  }
0x1d2: {  	v0 =	vshrl.u32 @!p1 v0, $0x10;
	[tilespmem:$0x9860] =	vst @!p1 v1  }
0x1d3: {  	[tilespmem:$0x98E0] =	vst @!p1 v0  }
0x1d4: {  	v0 =	vld @!p1 [tilespmem:s2+$0x70];
	_ =	sdelay $0x4  }
0x1d5: {  	v1 =	vand.u32 @!p1 $0xFFFF, v0  }
0x1d6: {  	v0 =	vshrl.u32 @!p1 v0, $0x10;
	[tilespmem:$0x9870] =	vst @!p1 v1  }
0x1d7: {  	s5 =	simm.s32 @!p1 $0x9860;
	s10 =	simm.s32 @!p1 $0x3000;
	s2 =	simm.s32 @!p1 $0x20;
	[tilespmem:$0x98F0] =	vst @!p1 v0  }
0x1d8: {  	[tilespmem:s10], [sflag:$0x2] =	stream.indirect.gather @!p1 [hbm4b:s0+s2], $0x40, s5, s2, $0xb8;
	[tilespmem:$0x1D900] =	vst v63  }
0x1d9: {  	s2 =	sadd.s32 $0x5, s24  }
0x1da: {  	p1 =	sge.u32 s2, s8  }
0x1db: {  	s2 =	sadd.s32 @!p1 s7, s2  }
0x1dc: {  	s2 =	sshll.u32 @!p1 s2, $0x9  }
0x1dd: {  	s2 =	sand.u32 @!p1 $0x1FFFFA00, s2  }
0x1de: {  	s5 =	simm.s32 @!p1 $0x0;
	s10 =	simm.s32 @!p1 $0x4800;
	s2 =	sadd.s32 @!p1 s3, s2  }
0x1df: {  	[tilespmem:s10], [sflag:$0x4] =	stream.linear.gather @!p1 [hbm4b:s2+s5], $0x1000, $0x38;
	[tilespmem:$0x1D900] =	vst v63  }
0x1e0: {  	_ =	swait.ge [sflag:s29], $0x1000  }
0x1e1: {  	[sflag:s29] =	ssyncset.done $0x0  }
0x1e2: {  	[sflag:s29] =	ssyncadd.s32 $0xFFFFF000  }
0x1e3: {  	_ =	swait.ge [sflag:s31], $0x800  }
0x1e4: {  	[sflag:s31] =	ssyncset.done $0x0  }
0x1e5: {  	[sflag:s31] =	ssyncadd.s32 $0xFFFFF800  }
0x1e6: {  	_ =	swait.ge [sflag:s30], $0x1000  }
0x1e7: {  	[sflag:s30] =	ssyncset.done $0x0  }
0x1e8: {  	s26 =	simm.s32 $0x2880;
	[sflag:s30] =	ssyncadd.s32 $0xFFFFF000  }
0x1e9: {  	s5 =	simm.s32 $0x5900;
	v0 =	vld [tilespmem:s26+$0x40]  }
0x1ea: {  	v1 =	vld [tilespmem:s5+$0x80];
	_ =	sdelay $0x2  }
0x1eb: {  	v2 =	vld [tilespmem:s26+$0xFFFFFFC0]  }
0x1ec: {  	v3 =	vld [tilespmem:s26+$0xFFFFFF80];
	v4 =	vunpack.i.l.bf16.f32 v0  }
0x1ed: {  	v5 =	vld [tilespmem:s5+$0xFFFFFF00];
	v1 =	vadd.f32 v1, v4  }
0x1ee: {  	v4 =	vld [tilespmem:s5+$0xFFFFFF80]  }
0x1ef: {  	s10 =	simm.s32 $0x7900;
	v1 =	vmax.f32 v1, $0.0e+00  }
0x1f0: {  	[tilespmem:s10+$0x80] =	vst v1  }
0x1f1: {  	v1 =	vunpack.i.l.bf16.f32 v3;
	v6 =	vld [tilespmem:s5+$0x90]  }
0x1f2: {  	v7 =	vunpack.i.l.bf16.f32 v2;
	v1 =	vadd.f32 v5, v1  }
0x1f3: {  	v4 =	vadd.f32 v4, v7  }
0x1f4: {  	v5 =	vld [tilespmem:s26+$0x0];
	v1 =	vmax.f32 v1, $0.0e+00  }
0x1f5: {  	v0 =	vunpack.i.u.bf16.f32 v0;
	v7 =	vld [tilespmem:s5+$0x0];
	[tilespmem:s10+$0xFFFFFF00] =	vst v1;
	v1 =	vmax.f32 v4, $0.0e+00  }
0x1f6: {  	v4 =	vld [tilespmem:s5+$0xFFFFFF10];
	[tilespmem:s10+$0xFFFFFF80] =	vst v1;
	v0 =	vadd.f32 v6, v0  }
0x1f7: {  	v1 =	vld [tilespmem:s5+$0xFFFFFF90]  }
0x1f8: {  	v0 =	vmax.f32 v0, $0.0e+00  }
0x1f9: {  	v6 =	vunpack.i.l.bf16.f32 v5;
	[tilespmem:s10+$0x90] =	vst v0  }
0x1fa: {  	v0 =	vunpack.i.u.bf16.f32 v3;
	v3 =	vadd.f32 v7, v6;
	v6 =	vld [tilespmem:s26+$0x50]  }
0x1fb: {  	v2 =	vunpack.i.u.bf16.f32 v2;
	v0 =	vadd.f32 v4, v0;
	v4 =	vld [tilespmem:s5+$0xA0]  }
0x1fc: {  	v3 =	vmax.f32 v3, $0.0e+00;
	v1 =	vadd.f32 v1, v2  }
0x1fd: {  	[tilespmem:s10+$0x0] =	vst v3;
	v0 =	vmax.f32 v0, $0.0e+00  }
0x1fe: {  	v2 =	vld [tilespmem:s5+$0x10];
	[tilespmem:s10+$0xFFFFFF10] =	vst v0;
	v0 =	vmax.f32 v1, $0.0e+00  }
0x1ff: {  	v1 =	vld [tilespmem:s26+$0xFFFFFF90];
	[tilespmem:s10+$0xFFFFFF90] =	vst v0;
	v0 =	vunpack.i.l.bf16.f32 v6  }
0x200: {  	v3 =	vld [tilespmem:s26+$0xFFFFFFD0];
	v0 =	vadd.f32 v4, v0  }
0x201: {  	v4 =	vld [tilespmem:s5+$0xFFFFFF20]  }
0x202: {  	v7 =	vld [tilespmem:s5+$0xFFFFFFA0];
	v0 =	vmax.f32 v0, $0.0e+00  }
0x203: {  	v5 =	vunpack.i.u.bf16.f32 v5;
	[tilespmem:s10+$0xA0] =	vst v0  }
0x204: {  	v0 =	vadd.f32 v2, v5;
	v2 =	vld [tilespmem:s5+$0xB0]  }
0x205: {  	v5 =	vunpack.i.l.bf16.f32 v1  }
0x206: {  	v8 =	vunpack.i.l.bf16.f32 v3;
	v0 =	vmax.f32 v0, $0.0e+00;
	v4 =	vadd.f32 v4, v5  }
0x207: {  	[tilespmem:s10+$0x10] =	vst v0;
	v0 =	vadd.f32 v7, v8  }
0x208: {  	v6 =	vunpack.i.u.bf16.f32 v6;
	v5 =	vld [tilespmem:s26+$0x10];
	v4 =	vmax.f32 v4, $0.0e+00  }
0x209: {  	v7 =	vld [tilespmem:s5+$0x20];
	[tilespmem:s10+$0xFFFFFF20] =	vst v4;
	v0 =	vmax.f32 v0, $0.0e+00;
	v2 =	vadd.f32 v2, v6  }
0x20a: {  	v4 =	vld [tilespmem:s5+$0xFFFFFF30];
	[tilespmem:s10+$0xFFFFFFA0] =	vst v0  }
0x20b: {  	v0 =	vld [tilespmem:s5+$0xFFFFFFB0];
	v2 =	vmax.f32 v2, $0.0e+00  }
0x20c: {  	[tilespmem:s10+$0xB0] =	vst v2  }
0x20d: {  	v2 =	vunpack.i.l.bf16.f32 v5;
	v6 =	vld [tilespmem:s26+$0x60]  }
0x20e: {  	v1 =	vunpack.i.u.bf16.f32 v1;
	v2 =	vadd.f32 v7, v2;
	v7 =	vld [tilespmem:s5+$0xC0]  }
0x20f: {  	v3 =	vunpack.i.u.bf16.f32 v3;
	v1 =	vadd.f32 v4, v1  }
0x210: {  	v0 =	vadd.f32 v0, v3  }
0x211: {  	s13 =	simm.s32 $0x2980;
	v1 =	vmax.f32 v1, $0.0e+00  }
0x212: {  	v9 =	vld [tilespmem:s13+$0x0];
	[tilespmem:s10+$0xFFFFFF30] =	vst v1;
	v0 =	vmax.f32 v0, $0.0e+00;
	v1 =	vunpack.i.l.bf16.f32 v6  }
0x213: {  	s14 =	simm.s32 $0x5B00;
	v10 =	vld [tilespmem:s13+$0xFFFFFF80];
	[tilespmem:s10+$0xFFFFFFB0] =	vst v0;
	v0 =	vadd.f32 v7, v1  }
0x214: {  	v53 =	vld [tilespmem:s14+$0xFFFFFF00]  }
0x215: {  	v4 =	vld [tilespmem:s13+$0x40];
	v0 =	vmax.f32 v0, $0.0e+00  }
0x216: {  	v7 =	vld [tilespmem:s14+$0x80];
	[tilespmem:s10+$0xC0] =	vst v0  }
0x217: {  	v2 =	vmax.f32 v2, $0.0e+00;
	v0 =	vld [tilespmem:s5+$0xD0]  }
0x218: {  	v8 =	vld [tilespmem:s13+$0xFFFFFFC0];
	[tilespmem:s10+$0x20] =	vst v2  }
0x219: {  	v2 =	vld [tilespmem:s5+$0x30]  }
0x21a: {  	v3 =	vld [tilespmem:s26+$0xFFFFFFA0];
	v11 =	vunpack.i.l.bf16.f32 v4  }
0x21b: {  	v6 =	vunpack.i.u.bf16.f32 v6;
	v1 =	vld [tilespmem:s26+$0xFFFFFFE0];
	v7 =	vadd.f32 v7, v11  }
0x21c: {  	v11 =	vld [tilespmem:s14+$0xFFFFFF80];
	v0 =	vadd.f32 v0, v6  }
0x21d: {  	s19 =	simm.s32 $0x7B00;
	v5 =	vunpack.i.u.bf16.f32 v5;
	v7 =	vmax.f32 v7, $0.0e+00;
	v6 =	vld [tilespmem:s14+$0x0]  }
0x21e: {  	v2 =	vadd.f32 v2, v5;
	v5 =	vld [tilespmem:s5+$0xFFFFFF40];
	[tilespmem:s19+$0x80] =	vst v7;
	v0 =	vmax.f32 v0, $0.0e+00  }
0x21f: {  	v7 =	vunpack.i.l.bf16.f32 v10;
	v54 =	vld [tilespmem:s14+$0x90];
	[tilespmem:s10+$0xD0] =	vst v0  }
0x220: {  	v7 =	vadd.f32 v53, v7;
	v0 =	vmax.f32 v2, $0.0e+00;
	v2 =	vunpack.i.l.bf16.f32 v8;
	v55 =	vld [tilespmem:s26+$0x70]  }
0x221: {  	[tilespmem:s10+$0x30] =	vst v0;
	v0 =	vunpack.i.l.bf16.f32 v9;
	v2 =	vadd.f32 v11, v2;
	v11 =	vld [tilespmem:s5+$0xE0]  }
0x222: {  	v57 =	vld [tilespmem:s5+$0xFFFFFFC0];
	v7 =	vmax.f32 v7, $0.0e+00;
	v0 =	vadd.f32 v6, v0  }
0x223: {  	[tilespmem:s19+$0xFFFFFF00] =	vst v7;
	v56 =	vld [tilespmem:s26+$0x20];
	v6 =	vunpack.i.l.bf16.f32 v3;
	v2 =	vmax.f32 v2, $0.0e+00  }
0x224: {  	v5 =	vadd.f32 v5, v6;
	v6 =	vld [tilespmem:s14+$0xFFFFFF10];
	[tilespmem:s19+$0xFFFFFF80] =	vst v2;
	v0 =	vmax.f32 v0, $0.0e+00;
	v2 =	vunpack.i.u.bf16.f32 v4  }
0x225: {  	v4 =	vld [tilespmem:s14+$0xFFFFFF90];
	[tilespmem:s19+$0x0] =	vst v0;
	v0 =	vadd.f32 v54, v2;
	v2 =	vunpack.i.l.bf16.f32 v55  }
0x226: {  	v5 =	vmax.f32 v5, $0.0e+00;
	v7 =	vld [tilespmem:s14+$0x10];
	v2 =	vadd.f32 v11, v2  }
0x227: {  	v58 =	vld [tilespmem:s5+$0x40];
	[tilespmem:s10+$0xFFFFFF40] =	vst v5;
	v11 =	vunpack.i.l.bf16.f32 v1;
	v0 =	vmax.f32 v0, $0.0e+00  }
0x228: {  	v5 =	vunpack.i.u.bf16.f32 v10;
	v10 =	vld [tilespmem:s5+$0xFFFFFF50];
	v11 =	vadd.f32 v57, v11;
	[tilespmem:s19+$0x90] =	vst v0;
	v0 =	vmax.f32 v2, $0.0e+00  }
0x229: {  	v5 =	vadd.f32 v6, v5;
	v2 =	vunpack.i.u.bf16.f32 v8;
	v6 =	vld [tilespmem:s13+$0x50];
	[tilespmem:s10+$0xE0] =	vst v0  }
0x22a: {  	v0 =	vunpack.i.u.bf16.f32 v9;
	v8 =	vmax.f32 v11, $0.0e+00;
	v2 =	vadd.f32 v4, v2;
	v4 =	vld [tilespmem:s5+$0xF0]  }
0x22b: {  	v5 =	vmax.f32 v5, $0.0e+00;
	[tilespmem:s10+$0xFFFFFFC0] =	vst v8;
	v0 =	vadd.f32 v7, v0;
	v7 =	vld [tilespmem:s14+$0xA0]  }
0x22c: {  	[tilespmem:s19+$0xFFFFFF10] =	vst v5;
	v5 =	vld [tilespmem:s5+$0xFFFFFFD0]  }
0x22d: {  	v2 =	vmax.f32 v2, $0.0e+00;
	v8 =	vld [tilespmem:s13+$0xFFFFFF90]  }
0x22e: {  	v59 =	vld [tilespmem:s14+$0xFFFFFF20];
	[tilespmem:s19+$0xFFFFFF90] =	vst v2;
	v0 =	vmax.f32 v0, $0.0e+00;
	v2 =	vunpack.i.l.bf16.f32 v56  }
0x22f: {  	v3 =	vunpack.i.u.bf16.f32 v3;
	v9 =	vld [tilespmem:s13+$0xFFFFFFD0];
	[tilespmem:s19+$0x10] =	vst v0;
	v0 =	vadd.f32 v58, v2;
	v11 =	vunpack.i.l.bf16.f32 v6  }
0x230: {  	v3 =	vadd.f32 v10, v3;
	v10 =	vld [tilespmem:s14+$0xFFFFFFA0];
	v7 =	vadd.f32 v7, v11  }
0x231: {  	v1 =	vunpack.i.u.bf16.f32 v1;
	v2 =	vld [tilespmem:s13+$0x10];
	v0 =	vmax.f32 v0, $0.0e+00  }
0x232: {  	[tilespmem:s10+$0x40] =	vst v0;
	v0 =	vadd.f32 v5, v1;
	v1 =	vld [tilespmem:s14+$0x20];
	v5 =	vmax.f32 v7, $0.0e+00  }
0x233: {  	v3 =	vmax.f32 v3, $0.0e+00;
	[tilespmem:s19+$0xA0] =	vst v5;
	v5 =	vld [tilespmem:s5+$0x50]  }
0x234: {  	[tilespmem:s10+$0xFFFFFF50] =	vst v3;
	v3 =	vunpack.i.l.bf16.f32 v8;
	v0 =	vmax.f32 v0, $0.0e+00;
	v7 =	vld [tilespmem:s14+$0xB0]  }
0x235: {  	v60 =	vld [tilespmem:s26+$0xFFFFFFB0];
	v11 =	vunpack.i.l.bf16.f32 v9;
	[tilespmem:s10+$0xFFFFFFD0] =	vst v0;
	v0 =	vadd.f32 v59, v3  }
0x236: {  	v3 =	vunpack.i.l.bf16.f32 v2;
	v10 =	vadd.f32 v10, v11;
	v11 =	vld [tilespmem:s26+$0xFFFFFFF0]  }
0x237: {  	v14 =	vunpack.i.u.bf16.f32 v56;
	v0 =	vmax.f32 v0, $0.0e+00;
	v1 =	vadd.f32 v1, v3;
	v3 =	vld [tilespmem:s5+$0xFFFFFF60]  }
0x238: {  	v6 =	vunpack.i.u.bf16.f32 v6;
	[tilespmem:s19+$0xFFFFFF20] =	vst v0;
	v0 =	vmax.f32 v10, $0.0e+00;
	v10 =	vld [tilespmem:s5+$0xFFFFFFE0];
	v5 =	vadd.f32 v5, v14  }
0x239: {  	v61 =	vld [tilespmem:s14+$0xFFFFFF30];
	[tilespmem:s19+$0xFFFFFFA0] =	vst v0;
	v0 =	vmax.f32 v1, $0.0e+00;
	v1 =	vadd.f32 v7, v6  }
0x23a: {  	v6 =	vld [tilespmem:s14+$0xFFFFFFB0];
	[tilespmem:s19+$0x20] =	vst v0;
	v0 =	vmax.f32 v5, $0.0e+00  }
0x23b: {  	v5 =	vunpack.i.l.bf16.f32 v60;
	v7 =	vld [tilespmem:s14+$0x30];
	v1 =	vmax.f32 v1, $0.0e+00;
	[tilespmem:s10+$0x50] =	vst v0  }
0x23c: {  	v0 =	vunpack.i.l.bf16.f32 v11;
	[tilespmem:s19+$0xB0] =	vst v1;
	v1 =	vadd.f32 v3, v5;
	v62 =	vld [tilespmem:s26+$0x30]  }
0x23d: {  	v8 =	vunpack.i.u.bf16.f32 v8;
	v9 =	vunpack.i.u.bf16.f32 v9;
	v0 =	vadd.f32 v10, v0;
	v3 =	vld [tilespmem:s13+$0x60]  }
0x23e: {  	v2 =	vunpack.i.u.bf16.f32 v2;
	v8 =	vadd.f32 v61, v8;
	v10 =	vld [tilespmem:s14+$0xC0];
	v1 =	vmax.f32 v1, $0.0e+00  }
0x23f: {  	v5 =	vunpack.i.u.bf16.f32 v55;
	v6 =	vadd.f32 v6, v9;
	v0 =	vmax.f32 v0, $0.0e+00;
	v9 =	vld [tilespmem:s5+$0x60];
	[tilespmem:s10+$0xFFFFFF60] =	vst v1  }
0x240: {  	v1 =	vadd.f32 v4, v5;
	v5 =	vmax.f32 v8, $0.0e+00;
	v2 =	vadd.f32 v7, v2;
	[tilespmem:s10+$0xFFFFFFE0] =	vst v0;
	v4 =	vld [tilespmem:s5+$0xFFFFFF70]  }
0x241: {  	[tilespmem:s19+$0xFFFFFF30] =	vst v5;
	v0 =	vmax.f32 v6, $0.0e+00;
	v5 =	vld [tilespmem:s5+$0xFFFFFFF0]  }
0x242: {  	v6 =	vmax.f32 v1, $0.0e+00;
	v7 =	vld [tilespmem:s13+$0xFFFFFFA0];
	[tilespmem:s19+$0xFFFFFFB0] =	vst v0;
	v0 =	vmax.f32 v2, $0.0e+00;
	v63 =	vunpack.i.l.bf16.f32 v3  }
0x243: {  	s21 =	simm.s32 $0x5B00;
	v2 =	vunpack.i.u.bf16.f32 v11;
	v11 =	vunpack.i.l.bf16.f32 v62;
	v8 =	vld [tilespmem:s13+$0xFFFFFFE0];
	[tilespmem:s19+$0x30] =	vst v0;
	v10 =	vadd.f32 v10, v63  }
0x244: {  	s12 =	simm.s32 $0x7B00;
	s2 =	simm.s32 $0x2A80;
	s26 =	simm.s32 $0x4;
	v1 =	vunpack.i.u.bf16.f32 v60;
	[tilespmem:s10+$0xF0] =	vst v6;
	v0 =	vunpack.i.u.bf16.f32 v62;
	v6 =	vld [tilespmem:s13+$0x20];
	v9 =	vadd.f32 v9, v11  }
.LBB2_7:
0x245: {  	v11 =	vld [tilespmem:s2+$0x40];
	v10 =	vmax.f32 v10, $0.0e+00;
	s14 =	sadd.s32 $0x200, s14;
	v1 =	vadd.f32 v4, v1  }
0x246: {  	v4 =	vld [tilespmem:s14+$0x80];
	[tilespmem:s19+$0xC0] =	vst v10;
	v2 =	vadd.f32 v5, v2;
	v5 =	vmax.f32 v9, $0.0e+00  }
0x247: {  	s26 =	sadd.s32 $0x4, s26;
	v9 =	vunpack.i.u.bf16.f32 v7;
	v7 =	vunpack.i.l.bf16.f32 v7;
	v10 =	vld [tilespmem:s21+$0xD0];
	v1 =	vmax.f32 v1, $0.0e+00;
	[tilespmem:s10+$0x60] =	vst v5  }
0x248: {  	p2 =	slt.u32 s26, $0x1C;
	v5 =	vld [tilespmem:s2+$0xFFFFFFC0];
	v12 =	vunpack.i.u.bf16.f32 v8;
	v8 =	vunpack.i.l.bf16.f32 v8;
	[tilespmem:s10+$0xFFFFFF70] =	vst v1;
	v2 =	vmax.f32 v2, $0.0e+00  }
0x249: {  	v13 =	vld [tilespmem:s2+$0x0];
	v1 =	vunpack.i.u.bf16.f32 v6;
	v6 =	vunpack.i.l.bf16.f32 v6;
	[tilespmem:s10+$0xFFFFFFF0] =	vst v2  }
0x24a: {  	v2 =	vld [tilespmem:s2+$0xFFFFFF80];
	v14 =	vunpack.i.l.bf16.f32 v11  }
0x24b: {  	v3 =	vunpack.i.u.bf16.f32 v3;
	v15 =	vld [tilespmem:s14+$0xFFFFFF00];
	v4 =	vadd.f32 v4, v14  }
0x24c: {  	v14 =	vld [tilespmem:s14+$0xFFFFFF80];
	v3 =	vadd.f32 v10, v3  }
0x24d: {  	s19 =	sadd.s32 $0x200, s19;
	v10 =	vunpack.i.u.bf16.f32 v5;
	v5 =	vunpack.i.l.bf16.f32 v5;
	v16 =	vld [tilespmem:s14+$0x0];
	v4 =	vmax.f32 v4, $0.0e+00  }
0x24e: {  	v17 =	vunpack.i.u.bf16.f32 v13;
	v13 =	vunpack.i.l.bf16.f32 v13;
	[tilespmem:s19+$0x80] =	vst v4;
	v4 =	vld [tilespmem:s21+$0xFFFFFF40];
	v3 =	vmax.f32 v3, $0.0e+00  }
0x24f: {  	v18 =	vunpack.i.u.bf16.f32 v2;
	v2 =	vunpack.i.l.bf16.f32 v2;
	v19 =	vld [tilespmem:s14+$0x90];
	[tilespmem:s12+$0xD0] =	vst v3  }
0x250: {  	v2 =	vadd.f32 v15, v2;
	v3 =	vld [tilespmem:s13+$0x70]  }
0x251: {  	v5 =	vadd.f32 v14, v5;
	v14 =	vld [tilespmem:s21+$0xE0]  }
0x252: {  	v2 =	vmax.f32 v2, $0.0e+00;
	v13 =	vadd.f32 v16, v13;
	v15 =	vld [tilespmem:s21+$0xFFFFFFC0]  }
0x253: {  	[tilespmem:s19+$0xFFFFFF00] =	vst v2;
	v2 =	vmax.f32 v5, $0.0e+00;
	v4 =	vadd.f32 v4, v7;
	v5 =	vld [tilespmem:s21+$0x40]  }
0x254: {  	v11 =	vunpack.i.u.bf16.f32 v11;
	v7 =	vld [tilespmem:s14+$0xFFFFFF10];
	[tilespmem:s19+$0xFFFFFF80] =	vst v2;
	v2 =	vmax.f32 v13, $0.0e+00  }
0x255: {  	v13 =	vld [tilespmem:s14+$0xFFFFFF90];
	[tilespmem:s19+$0x0] =	vst v2;
	v2 =	vadd.f32 v19, v11;
	v4 =	vmax.f32 v4, $0.0e+00;
	v11 =	vunpack.i.l.bf16.f32 v3  }
0x256: {  	v16 =	vld [tilespmem:s14+$0x10];
	[tilespmem:s12+$0xFFFFFF40] =	vst v4;
	v4 =	vadd.f32 v14, v11  }
0x257: {  	v2 =	vmax.f32 v2, $0.0e+00;
	v11 =	vld [tilespmem:s21+$0xFFFFFF50];
	v8 =	vadd.f32 v15, v8  }
0x258: {  	[tilespmem:s19+$0x90] =	vst v2;
	v2 =	vadd.f32 v5, v6;
	v4 =	vmax.f32 v4, $0.0e+00;
	v5 =	vld [tilespmem:s5+$0x70];
	s5 =	smov.u32 s21;
	s21 =	smov.u32 s14  }
0x259: {  	v6 =	vadd.f32 v7, v18;
	v7 =	vld [tilespmem:s2+$0x50];
	v8 =	vmax.f32 v8, $0.0e+00;
	[tilespmem:s12+$0xE0] =	vst v4  }
0x25a: {  	v4 =	vadd.f32 v13, v10;
	[tilespmem:s12+$0xFFFFFFC0] =	vst v8;
	v2 =	vmax.f32 v2, $0.0e+00;
	v8 =	vld [tilespmem:s5+$0xF0]  }
0x25b: {  	v6 =	vmax.f32 v6, $0.0e+00;
	v10 =	vadd.f32 v16, v17;
	v13 =	vld [tilespmem:s14+$0xA0];
	[tilespmem:s12+$0x40] =	vst v2  }
0x25c: {  	[tilespmem:s19+$0xFFFFFF10] =	vst v6;
	v2 =	vmax.f32 v4, $0.0e+00;
	v4 =	vadd.f32 v11, v9;
	v6 =	vld [tilespmem:s5+$0xFFFFFFD0]  }
0x25d: {  	v9 =	vld [tilespmem:s2+$0xFFFFFF90];
	[tilespmem:s19+$0xFFFFFF90] =	vst v2;
	v2 =	vmax.f32 v10, $0.0e+00;
	v0 =	vadd.f32 v5, v0  }
0x25e: {  	v3 =	vunpack.i.u.bf16.f32 v3;
	v5 =	vld [tilespmem:s2+$0xFFFFFFD0];
	[tilespmem:s19+$0x10] =	vst v2;
	v2 =	vmax.f32 v4, $0.0e+00  }
0x25f: {  	v10 =	vunpack.i.l.bf16.f32 v7;
	v4 =	vld [tilespmem:s2+$0x10];
	[tilespmem:s12+$0xFFFFFF50] =	vst v2;
	v2 =	vadd.f32 v8, v3;
	v0 =	vmax.f32 v0, $0.0e+00  }
0x260: {  	v3 =	vld [tilespmem:s14+$0xFFFFFF20];
	v8 =	vadd.f32 v13, v10;
	[tilespmem:s10+$0x70] =	vst v0;
	s10 =	smov.u32 s12;
	s12 =	smov.u32 s19  }
0x261: {  	v0 =	vld [tilespmem:s14+$0xFFFFFFA0];
	v6 =	vadd.f32 v6, v12;
	v2 =	vmax.f32 v2, $0.0e+00  }
0x262: {  	v10 =	vunpack.i.u.bf16.f32 v9;
	v9 =	vunpack.i.l.bf16.f32 v9;
	v11 =	vld [tilespmem:s14+$0x20];
	v8 =	vmax.f32 v8, $0.0e+00;
	[tilespmem:s10+$0xF0] =	vst v2  }
0x263: {  	v12 =	vunpack.i.u.bf16.f32 v5;
	v2 =	vunpack.i.l.bf16.f32 v5;
	[tilespmem:s19+$0xA0] =	vst v8;
	v5 =	vmax.f32 v6, $0.0e+00;
	v6 =	vld [tilespmem:s5+$0x50]  }
0x264: {  	v8 =	vunpack.i.u.bf16.f32 v4;
	v4 =	vunpack.i.l.bf16.f32 v4;
	v13 =	vld [tilespmem:s14+$0xB0];
	[tilespmem:s10+$0xFFFFFFD0] =	vst v5  }
0x265: {  	v3 =	vadd.f32 v3, v9;
	v5 =	vld [tilespmem:s13+$0xFFFFFFB0]  }
0x266: {  	v0 =	vadd.f32 v0, v2;
	v9 =	vld [tilespmem:s13+$0xFFFFFFF0]  }
0x267: {  	v2 =	vmax.f32 v3, $0.0e+00;
	v3 =	vadd.f32 v11, v4;
	v4 =	vld [tilespmem:s5+$0xFFFFFF60]  }
0x268: {  	[tilespmem:s19+$0xFFFFFF20] =	vst v2;
	v0 =	vmax.f32 v0, $0.0e+00;
	v2 =	vunpack.i.u.bf16.f32 v7;
	v7 =	vld [tilespmem:s5+$0xFFFFFFE0];
	v6 =	vadd.f32 v6, v1  }
0x269: {  	v11 =	vld [tilespmem:s14+$0xFFFFFF30];
	[tilespmem:s19+$0xFFFFFFA0] =	vst v0;
	v0 =	vmax.f32 v3, $0.0e+00;
	v2 =	vadd.f32 v13, v2  }
0x26a: {  	v13 =	vld [tilespmem:s14+$0xFFFFFFB0];
	[tilespmem:s19+$0x20] =	vst v0;
	v1 =	vunpack.i.u.bf16.f32 v5;
	v0 =	vunpack.i.l.bf16.f32 v5;
	v3 =	vmax.f32 v6, $0.0e+00  }
0x26b: {  	v5 =	vld [tilespmem:s14+$0x30];
	v6 =	vmax.f32 v2, $0.0e+00;
	v2 =	vunpack.i.u.bf16.f32 v9;
	v9 =	vunpack.i.l.bf16.f32 v9;
	[tilespmem:s10+$0x50] =	vst v3  }
0x26c: {  	[tilespmem:s19+$0xB0] =	vst v6;
	v0 =	vadd.f32 v4, v0;
	v6 =	vld [tilespmem:s13+$0x30];
	s13 =	smov.u32 s2  }
0x26d: {  	v3 =	vld [tilespmem:s2+$0x60];
	v4 =	vadd.f32 v7, v9  }
0x26e: {  	v7 =	vadd.f32 v11, v10;
	v9 =	vld [tilespmem:s14+$0xC0];
	v0 =	vmax.f32 v0, $0.0e+00  }
0x26f: {  	v10 =	vadd.f32 v13, v12;
	[tilespmem:s10+$0xFFFFFF60] =	vst v0;
	v0 =	vmax.f32 v4, $0.0e+00;
	v11 =	vld [tilespmem:s5+$0x60]  }
.Ltmp2:
0x270: {  	v7 =	vmax.f32 v7, $0.0e+00;
	v8 =	vadd.f32 v5, v8;
	v4 =	vld [tilespmem:s5+$0xFFFFFF70];
	[tilespmem:s10+$0xFFFFFFE0] =	vst v0;
	(pc) =	sbr.rel @p2 .LBB2_7-.Ltmp2, $4  }
0x271: {  	[tilespmem:s19+$0xFFFFFF30] =	vst v7;
	v10 =	vmax.f32 v10, $0.0e+00;
	v5 =	vld [tilespmem:s5+$0xFFFFFFF0];
	v0 =	vunpack.i.u.bf16.f32 v6;
	v12 =	vunpack.i.l.bf16.f32 v6  }
0x272: {  	v7 =	vld [tilespmem:s2+$0xFFFFFFA0];
	[tilespmem:s19+$0xFFFFFFB0] =	vst v10;
	v6 =	vmax.f32 v8, $0.0e+00;
	v10 =	vunpack.i.l.bf16.f32 v3  }
0x273: {  	v8 =	vld [tilespmem:s2+$0xFFFFFFE0];
	[tilespmem:s19+$0x30] =	vst v6;
	v10 =	vadd.f32 v9, v10  }
0x274: {  	s2 =	sadd.s32 $0x100, s2;
	v6 =	vld [tilespmem:s13+$0x20];
	v9 =	vadd.f32 v11, v12  }
0x275: {  	v11 =	vld [tilespmem:s21+$0xFFFFFF40]  }
0x276: {  	v12 =	vld [tilespmem:s21+$0xFFFFFFC0];
	_ =	sdelay $0x2  }
0x277: {  	v14 =	vld [tilespmem:s21+$0x40];
	v13 =	vunpack.i.l.bf16.f32 v7  }
0x278: {  	v10 =	vmax.f32 v10, $0.0e+00;
	v15 =	vunpack.i.l.bf16.f32 v8;
	v11 =	vadd.f32 v11, v13  }
0x279: {  	[tilespmem:s19+$0xC0] =	vst v10;
	v10 =	vadd.f32 v12, v15  }
0x27a: {  	v43 =	vld [tilespmem:s21+$0xD0];
	v11 =	vmax.f32 v11, $0.0e+00  }
0x27b: {  	v44 =	vunpack.i.l.bf16.f32 v6;
	v10 =	vmax.f32 v10, $0.0e+00;
	[tilespmem:s12+$0xFFFFFF40] =	vst v11  }
0x27c: {  	v13 =	vadd.f32 v14, v44;
	[tilespmem:s12+$0xFFFFFFC0] =	vst v10;
	v11 =	vld [tilespmem:s21+$0xFFFFFF50]  }
0x27d: {  	v10 =	vld [tilespmem:s21+$0xFFFFFFD0]  }
0x27e: {  	v3 =	vunpack.i.u.bf16.f32 v3;
	v13 =	vmax.f32 v13, $0.0e+00  }
0x27f: {  	v3 =	vadd.f32 v43, v3;
	[tilespmem:s12+$0x40] =	vst v13  }
0x280: {  	v7 =	vunpack.i.u.bf16.f32 v7;
	v45 =	vld [tilespmem:s21+$0x50]  }
0x281: {  	v8 =	vunpack.i.u.bf16.f32 v8;
	v3 =	vmax.f32 v3, $0.0e+00;
	v7 =	vadd.f32 v11, v7  }
0x282: {  	[tilespmem:s12+$0xD0] =	vst v3;
	v3 =	vadd.f32 v10, v8  }
0x283: {  	v8 =	vld [tilespmem:s13+$0x70];
	v7 =	vmax.f32 v7, $0.0e+00  }
0x284: {  	v6 =	vunpack.i.u.bf16.f32 v6;
	v10 =	vld [tilespmem:s21+$0xE0];
	v3 =	vmax.f32 v3, $0.0e+00;
	[tilespmem:s12+$0xFFFFFF50] =	vst v7  }
0x285: {  	v6 =	vadd.f32 v45, v6;
	[tilespmem:s12+$0xFFFFFFD0] =	vst v3;
	v3 =	vld [tilespmem:s13+$0xFFFFFFB0]  }
0x286: {  	v7 =	vld [tilespmem:s13+$0xFFFFFFF0]  }
0x287: {  	v6 =	vmax.f32 v6, $0.0e+00;
	v11 =	vld [tilespmem:s21+$0xFFFFFF60]  }
0x288: {  	[tilespmem:s12+$0x50] =	vst v6;
	v46 =	vld [tilespmem:s21+$0xFFFFFFE0]  }
0x289: {  	v6 =	vld [tilespmem:s13+$0x30]  }
0x28a: {  	v13 =	vld [tilespmem:s21+$0x60]  }
0x28b: {  	v47 =	vunpack.i.l.bf16.f32 v8  }
0x28c: {  	v10 =	vadd.f32 v10, v47;
	v48 =	vunpack.i.l.bf16.f32 v3  }
0x28d: {  	v9 =	vmax.f32 v9, $0.0e+00;
	v49 =	vunpack.i.l.bf16.f32 v7;
	v11 =	vadd.f32 v11, v48  }
0x28e: {  	[tilespmem:s10+$0x60] =	vst v9;
	v9 =	vmax.f32 v10, $0.0e+00;
	v50 =	vunpack.i.l.bf16.f32 v6;
	v10 =	vadd.f32 v46, v49  }
0x28f: {  	v51 =	vld [tilespmem:s5+$0x70];
	[tilespmem:s12+$0xE0] =	vst v9;
	v9 =	vmax.f32 v11, $0.0e+00;
	v11 =	vadd.f32 v13, v50  }
0x290: {  	v52 =	vld [tilespmem:s21+$0xF0];
	[tilespmem:s12+$0xFFFFFF60] =	vst v9;
	v9 =	vmax.f32 v10, $0.0e+00  }
0x291: {  	v10 =	vld [tilespmem:s21+$0xFFFFFF70];
	[tilespmem:s12+$0xFFFFFFE0] =	vst v9;
	v9 =	vmax.f32 v11, $0.0e+00  }
0x292: {  	v1 =	vadd.f32 v4, v1;
	v4 =	vld [tilespmem:s21+$0xFFFFFFF0];
	[tilespmem:s12+$0x60] =	vst v9  }
0x293: {  	v2 =	vadd.f32 v5, v2;
	v5 =	vld [tilespmem:s21+$0x70]  }
0x294: {  	v1 =	vmax.f32 v1, $0.0e+00;
	v0 =	vadd.f32 v51, v0;
	v8 =	vunpack.i.u.bf16.f32 v8  }
0x295: {  	[tilespmem:s10+$0xFFFFFF70] =	vst v1;
	v1 =	vmax.f32 v2, $0.0e+00;
	v3 =	vunpack.i.u.bf16.f32 v3;
	v2 =	vadd.f32 v52, v8  }
0x296: {  	[tilespmem:s10+$0xFFFFFFF0] =	vst v1;
	v0 =	vmax.f32 v0, $0.0e+00;
	v1 =	vunpack.i.u.bf16.f32 v7;
	v3 =	vadd.f32 v10, v3  }
0x297: {  	[tilespmem:s10+$0x70] =	vst v0;
	v0 =	vmax.f32 v2, $0.0e+00;
	v2 =	vunpack.i.u.bf16.f32 v6;
	v1 =	vadd.f32 v4, v1  }
0x298: {  	[tilespmem:s12+$0xF0] =	vst v0;
	v0 =	vmax.f32 v3, $0.0e+00;
	v2 =	vadd.f32 v5, v2  }
0x299: {  	[tilespmem:s12+$0xFFFFFF70] =	vst v0;
	v0 =	vmax.f32 v1, $0.0e+00  }
0x29a: {  	[tilespmem:s12+$0xFFFFFFF0] =	vst v0;
	v0 =	vmax.f32 v2, $0.0e+00  }
0x29b: {  	s2 =	simm.s32 $0x98C0;
	[tilespmem:s12+$0x70] =	vst v0  }
0x29c: {  	[spmem:s4] =	stream.indirect.scatter.add.f32 [tilespmem:s22], [sflag:$0x7], $0x80, s2, s20, $0xb8;
	[tilespmem:$0x1D900] =	vst v63  }
0x29d: {  	s2 =	sshll.u32 @!p0 s18, $0x9  }
0x29e: {  	s2 =	sshra.s32 @!p0 s2, $0x2  }
0x29f: {  	v0 =	vld @!p0 [tilespmem:s2+$0x80];
	_ =	sdelay $0x4  }
0x2a0: {  	v1 =	vand.u32 @!p0 $0xFFFF, v0  }
0x2a1: {  	v0 =	vshrl.u32 @!p0 v0, $0x10;
	[tilespmem:$0x9800] =	vst @!p0 v1  }
0x2a2: {  	[tilespmem:$0x9880] =	vst @!p0 v0  }
0x2a3: {  	v0 =	vld @!p0 [tilespmem:s2+$0x90];
	_ =	sdelay $0x4  }
0x2a4: {  	v1 =	vand.u32 @!p0 $0xFFFF, v0  }
0x2a5: {  	v0 =	vshrl.u32 @!p0 v0, $0x10;
	[tilespmem:$0x9810] =	vst @!p0 v1  }
0x2a6: {  	s5 =	simm.s32 @!p0 $0x9800;
	s10 =	simm.s32 @!p0 $0x2800;
	s2 =	simm.s32 @!p0 $0x20;
	[tilespmem:$0x9890] =	vst @!p0 v0  }
0x2a7: {  	[tilespmem:s10], [sflag:$0x1] =	stream.indirect.gather @!p0 [hbm4b:s0+s2], $0x40, s5, s2, $0xb8;
	[tilespmem:$0x1D900] =	vst v63  }
0x2a8: {  	s2 =	sadd.s32 $0x6, s24  }
0x2a9: {  	p0 =	sge.u32 s2, s8  }
0x2aa: {  	s2 =	sadd.s32 @!p0 s7, s2  }
0x2ab: {  	s2 =	sshll.u32 @!p0 s2, $0x9  }
0x2ac: {  	s2 =	sand.u32 @!p0 $0x1FFFFC00, s2  }
0x2ad: {  	s5 =	simm.s32 @!p0 $0x0;
	s10 =	simm.s32 @!p0 $0x5800;
	s2 =	sadd.s32 @!p0 s3, s2  }
0x2ae: {  	[tilespmem:s10], [sflag:$0x5] =	stream.linear.gather @!p0 [hbm4b:s2+s5], $0x1000, $0x38;
	[tilespmem:$0x1D900] =	vst v63  }
0x2af: {  	_ =	swait.ge [sflag:s6], $0x1000  }
0x2b0: {  	[sflag:s6] =	ssyncset.done $0x0  }
0x2b1: {  	[sflag:s6] =	ssyncadd.s32 $0xFFFFF000  }
0x2b2: {  	_ =	swait.ge [sflag:s23], $0x800  }
0x2b3: {  	[sflag:s23] =	ssyncset.done $0x0  }
0x2b4: {  	[sflag:s23] =	ssyncadd.s32 $0xFFFFF800  }
0x2b5: {  	_ =	swait.ge [sflag:s9], $0x1000  }
0x2b6: {  	[sflag:s9] =	ssyncset.done $0x0  }
0x2b7: {  	s26 =	simm.s32 $0x3080;
	[sflag:s9] =	ssyncadd.s32 $0xFFFFF000  }
0x2b8: {  	s5 =	simm.s32 $0x6900;
	v0 =	vld [tilespmem:s26+$0x40]  }
0x2b9: {  	v1 =	vld [tilespmem:s5+$0x80];
	_ =	sdelay $0x2  }
0x2ba: {  	v2 =	vld [tilespmem:s26+$0xFFFFFFC0]  }
0x2bb: {  	v3 =	vld [tilespmem:s26+$0xFFFFFF80];
	v4 =	vunpack.i.l.bf16.f32 v0  }
0x2bc: {  	v5 =	vld [tilespmem:s5+$0xFFFFFF00];
	v1 =	vadd.f32 v1, v4  }
0x2bd: {  	v4 =	vld [tilespmem:s5+$0xFFFFFF80]  }
0x2be: {  	s10 =	simm.s32 $0x8900;
	v1 =	vmax.f32 v1, $0.0e+00  }
0x2bf: {  	[tilespmem:s10+$0x80] =	vst v1  }
0x2c0: {  	v1 =	vunpack.i.l.bf16.f32 v3;
	v6 =	vld [tilespmem:s5+$0x90]  }
0x2c1: {  	v7 =	vunpack.i.l.bf16.f32 v2;
	v1 =	vadd.f32 v5, v1  }
0x2c2: {  	v4 =	vadd.f32 v4, v7  }
0x2c3: {  	v5 =	vld [tilespmem:s26+$0x0];
	v1 =	vmax.f32 v1, $0.0e+00  }
0x2c4: {  	v0 =	vunpack.i.u.bf16.f32 v0;
	v7 =	vld [tilespmem:s5+$0x0];
	[tilespmem:s10+$0xFFFFFF00] =	vst v1;
	v1 =	vmax.f32 v4, $0.0e+00  }
0x2c5: {  	v4 =	vld [tilespmem:s5+$0xFFFFFF10];
	[tilespmem:s10+$0xFFFFFF80] =	vst v1;
	v0 =	vadd.f32 v6, v0  }
0x2c6: {  	v1 =	vld [tilespmem:s5+$0xFFFFFF90]  }
0x2c7: {  	v0 =	vmax.f32 v0, $0.0e+00  }
0x2c8: {  	v6 =	vunpack.i.l.bf16.f32 v5;
	[tilespmem:s10+$0x90] =	vst v0  }
0x2c9: {  	v0 =	vunpack.i.u.bf16.f32 v3;
	v3 =	vadd.f32 v7, v6;
	v6 =	vld [tilespmem:s26+$0x50]  }
0x2ca: {  	v2 =	vunpack.i.u.bf16.f32 v2;
	v0 =	vadd.f32 v4, v0;
	v4 =	vld [tilespmem:s5+$0xA0]  }
0x2cb: {  	v3 =	vmax.f32 v3, $0.0e+00;
	v1 =	vadd.f32 v1, v2  }
0x2cc: {  	[tilespmem:s10+$0x0] =	vst v3;
	v0 =	vmax.f32 v0, $0.0e+00  }
0x2cd: {  	v2 =	vld [tilespmem:s5+$0x10];
	[tilespmem:s10+$0xFFFFFF10] =	vst v0;
	v0 =	vmax.f32 v1, $0.0e+00  }
0x2ce: {  	v1 =	vld [tilespmem:s26+$0xFFFFFF90];
	[tilespmem:s10+$0xFFFFFF90] =	vst v0;
	v0 =	vunpack.i.l.bf16.f32 v6  }
0x2cf: {  	v3 =	vld [tilespmem:s26+$0xFFFFFFD0];
	v0 =	vadd.f32 v4, v0  }
0x2d0: {  	v4 =	vld [tilespmem:s5+$0xFFFFFF20]  }
0x2d1: {  	v7 =	vld [tilespmem:s5+$0xFFFFFFA0];
	v0 =	vmax.f32 v0, $0.0e+00  }
0x2d2: {  	v5 =	vunpack.i.u.bf16.f32 v5;
	[tilespmem:s10+$0xA0] =	vst v0  }
0x2d3: {  	v0 =	vadd.f32 v2, v5;
	v2 =	vld [tilespmem:s5+$0xB0]  }
0x2d4: {  	v5 =	vunpack.i.l.bf16.f32 v1  }
0x2d5: {  	v8 =	vunpack.i.l.bf16.f32 v3;
	v0 =	vmax.f32 v0, $0.0e+00;
	v4 =	vadd.f32 v4, v5  }
0x2d6: {  	[tilespmem:s10+$0x10] =	vst v0;
	v0 =	vadd.f32 v7, v8  }
0x2d7: {  	v6 =	vunpack.i.u.bf16.f32 v6;
	v5 =	vld [tilespmem:s26+$0x10];
	v4 =	vmax.f32 v4, $0.0e+00  }
0x2d8: {  	v7 =	vld [tilespmem:s5+$0x20];
	[tilespmem:s10+$0xFFFFFF20] =	vst v4;
	v0 =	vmax.f32 v0, $0.0e+00;
	v2 =	vadd.f32 v2, v6  }
0x2d9: {  	v4 =	vld [tilespmem:s5+$0xFFFFFF30];
	[tilespmem:s10+$0xFFFFFFA0] =	vst v0  }
0x2da: {  	v0 =	vld [tilespmem:s5+$0xFFFFFFB0];
	v2 =	vmax.f32 v2, $0.0e+00  }
0x2db: {  	[tilespmem:s10+$0xB0] =	vst v2  }
0x2dc: {  	v2 =	vunpack.i.l.bf16.f32 v5;
	v6 =	vld [tilespmem:s26+$0x60]  }
0x2dd: {  	v1 =	vunpack.i.u.bf16.f32 v1;
	v2 =	vadd.f32 v7, v2;
	v7 =	vld [tilespmem:s5+$0xC0]  }
0x2de: {  	v3 =	vunpack.i.u.bf16.f32 v3;
	v1 =	vadd.f32 v4, v1  }
0x2df: {  	v0 =	vadd.f32 v0, v3  }
0x2e0: {  	s13 =	simm.s32 $0x3180;
	v1 =	vmax.f32 v1, $0.0e+00  }
0x2e1: {  	v9 =	vld [tilespmem:s13+$0x0];
	[tilespmem:s10+$0xFFFFFF30] =	vst v1;
	v0 =	vmax.f32 v0, $0.0e+00;
	v1 =	vunpack.i.l.bf16.f32 v6  }
0x2e2: {  	s14 =	simm.s32 $0x6B00;
	v10 =	vld [tilespmem:s13+$0xFFFFFF80];
	[tilespmem:s10+$0xFFFFFFB0] =	vst v0;
	v0 =	vadd.f32 v7, v1  }
0x2e3: {  	v53 =	vld [tilespmem:s14+$0xFFFFFF00]  }
0x2e4: {  	v4 =	vld [tilespmem:s13+$0x40];
	v0 =	vmax.f32 v0, $0.0e+00  }
0x2e5: {  	v7 =	vld [tilespmem:s14+$0x80];
	[tilespmem:s10+$0xC0] =	vst v0  }
0x2e6: {  	v2 =	vmax.f32 v2, $0.0e+00;
	v0 =	vld [tilespmem:s5+$0xD0]  }
0x2e7: {  	v8 =	vld [tilespmem:s13+$0xFFFFFFC0];
	[tilespmem:s10+$0x20] =	vst v2  }
0x2e8: {  	v2 =	vld [tilespmem:s5+$0x30]  }
0x2e9: {  	v3 =	vld [tilespmem:s26+$0xFFFFFFA0];
	v11 =	vunpack.i.l.bf16.f32 v4  }
0x2ea: {  	v6 =	vunpack.i.u.bf16.f32 v6;
	v1 =	vld [tilespmem:s26+$0xFFFFFFE0];
	v7 =	vadd.f32 v7, v11  }
0x2eb: {  	v11 =	vld [tilespmem:s14+$0xFFFFFF80];
	v0 =	vadd.f32 v0, v6  }
0x2ec: {  	s19 =	simm.s32 $0x8B00;
	v5 =	vunpack.i.u.bf16.f32 v5;
	v7 =	vmax.f32 v7, $0.0e+00;
	v6 =	vld [tilespmem:s14+$0x0]  }
0x2ed: {  	v2 =	vadd.f32 v2, v5;
	v5 =	vld [tilespmem:s5+$0xFFFFFF40];
	[tilespmem:s19+$0x80] =	vst v7;
	v0 =	vmax.f32 v0, $0.0e+00  }
0x2ee: {  	v7 =	vunpack.i.l.bf16.f32 v10;
	v54 =	vld [tilespmem:s14+$0x90];
	[tilespmem:s10+$0xD0] =	vst v0  }
0x2ef: {  	v7 =	vadd.f32 v53, v7;
	v0 =	vmax.f32 v2, $0.0e+00;
	v2 =	vunpack.i.l.bf16.f32 v8;
	v55 =	vld [tilespmem:s26+$0x70]  }
0x2f0: {  	[tilespmem:s10+$0x30] =	vst v0;
	v0 =	vunpack.i.l.bf16.f32 v9;
	v2 =	vadd.f32 v11, v2;
	v11 =	vld [tilespmem:s5+$0xE0]  }
0x2f1: {  	v57 =	vld [tilespmem:s5+$0xFFFFFFC0];
	v7 =	vmax.f32 v7, $0.0e+00;
	v0 =	vadd.f32 v6, v0  }
0x2f2: {  	[tilespmem:s19+$0xFFFFFF00] =	vst v7;
	v56 =	vld [tilespmem:s26+$0x20];
	v6 =	vunpack.i.l.bf16.f32 v3;
	v2 =	vmax.f32 v2, $0.0e+00  }
0x2f3: {  	v5 =	vadd.f32 v5, v6;
	v6 =	vld [tilespmem:s14+$0xFFFFFF10];
	[tilespmem:s19+$0xFFFFFF80] =	vst v2;
	v0 =	vmax.f32 v0, $0.0e+00;
	v2 =	vunpack.i.u.bf16.f32 v4  }
0x2f4: {  	v4 =	vld [tilespmem:s14+$0xFFFFFF90];
	[tilespmem:s19+$0x0] =	vst v0;
	v0 =	vadd.f32 v54, v2;
	v2 =	vunpack.i.l.bf16.f32 v55  }
0x2f5: {  	v5 =	vmax.f32 v5, $0.0e+00;
	v7 =	vld [tilespmem:s14+$0x10];
	v2 =	vadd.f32 v11, v2  }
0x2f6: {  	v58 =	vld [tilespmem:s5+$0x40];
	[tilespmem:s10+$0xFFFFFF40] =	vst v5;
	v11 =	vunpack.i.l.bf16.f32 v1;
	v0 =	vmax.f32 v0, $0.0e+00  }
0x2f7: {  	v5 =	vunpack.i.u.bf16.f32 v10;
	v10 =	vld [tilespmem:s5+$0xFFFFFF50];
	v11 =	vadd.f32 v57, v11;
	[tilespmem:s19+$0x90] =	vst v0;
	v0 =	vmax.f32 v2, $0.0e+00  }
0x2f8: {  	v5 =	vadd.f32 v6, v5;
	v2 =	vunpack.i.u.bf16.f32 v8;
	v6 =	vld [tilespmem:s13+$0x50];
	[tilespmem:s10+$0xE0] =	vst v0  }
0x2f9: {  	v0 =	vunpack.i.u.bf16.f32 v9;
	v8 =	vmax.f32 v11, $0.0e+00;
	v2 =	vadd.f32 v4, v2;
	v4 =	vld [tilespmem:s5+$0xF0]  }
0x2fa: {  	v5 =	vmax.f32 v5, $0.0e+00;
	[tilespmem:s10+$0xFFFFFFC0] =	vst v8;
	v0 =	vadd.f32 v7, v0;
	v7 =	vld [tilespmem:s14+$0xA0]  }
0x2fb: {  	[tilespmem:s19+$0xFFFFFF10] =	vst v5;
	v5 =	vld [tilespmem:s5+$0xFFFFFFD0]  }
0x2fc: {  	v2 =	vmax.f32 v2, $0.0e+00;
	v8 =	vld [tilespmem:s13+$0xFFFFFF90]  }
0x2fd: {  	v59 =	vld [tilespmem:s14+$0xFFFFFF20];
	[tilespmem:s19+$0xFFFFFF90] =	vst v2;
	v0 =	vmax.f32 v0, $0.0e+00;
	v2 =	vunpack.i.l.bf16.f32 v56  }
0x2fe: {  	v3 =	vunpack.i.u.bf16.f32 v3;
	v9 =	vld [tilespmem:s13+$0xFFFFFFD0];
	[tilespmem:s19+$0x10] =	vst v0;
	v0 =	vadd.f32 v58, v2;
	v11 =	vunpack.i.l.bf16.f32 v6  }
0x2ff: {  	v3 =	vadd.f32 v10, v3;
	v10 =	vld [tilespmem:s14+$0xFFFFFFA0];
	v7 =	vadd.f32 v7, v11  }
0x300: {  	v1 =	vunpack.i.u.bf16.f32 v1;
	v2 =	vld [tilespmem:s13+$0x10];
	v0 =	vmax.f32 v0, $0.0e+00  }
0x301: {  	[tilespmem:s10+$0x40] =	vst v0;
	v0 =	vadd.f32 v5, v1;
	v1 =	vld [tilespmem:s14+$0x20];
	v5 =	vmax.f32 v7, $0.0e+00  }
0x302: {  	v3 =	vmax.f32 v3, $0.0e+00;
	[tilespmem:s19+$0xA0] =	vst v5;
	v5 =	vld [tilespmem:s5+$0x50]  }
0x303: {  	[tilespmem:s10+$0xFFFFFF50] =	vst v3;
	v3 =	vunpack.i.l.bf16.f32 v8;
	v0 =	vmax.f32 v0, $0.0e+00;
	v7 =	vld [tilespmem:s14+$0xB0]  }
0x304: {  	v60 =	vld [tilespmem:s26+$0xFFFFFFB0];
	v11 =	vunpack.i.l.bf16.f32 v9;
	[tilespmem:s10+$0xFFFFFFD0] =	vst v0;
	v0 =	vadd.f32 v59, v3  }
0x305: {  	v3 =	vunpack.i.l.bf16.f32 v2;
	v10 =	vadd.f32 v10, v11;
	v11 =	vld [tilespmem:s26+$0xFFFFFFF0]  }
0x306: {  	v14 =	vunpack.i.u.bf16.f32 v56;
	v0 =	vmax.f32 v0, $0.0e+00;
	v1 =	vadd.f32 v1, v3;
	v3 =	vld [tilespmem:s5+$0xFFFFFF60]  }
0x307: {  	v6 =	vunpack.i.u.bf16.f32 v6;
	[tilespmem:s19+$0xFFFFFF20] =	vst v0;
	v0 =	vmax.f32 v10, $0.0e+00;
	v10 =	vld [tilespmem:s5+$0xFFFFFFE0];
	v5 =	vadd.f32 v5, v14  }
0x308: {  	v61 =	vld [tilespmem:s14+$0xFFFFFF30];
	[tilespmem:s19+$0xFFFFFFA0] =	vst v0;
	v0 =	vmax.f32 v1, $0.0e+00;
	v1 =	vadd.f32 v7, v6  }
0x309: {  	v6 =	vld [tilespmem:s14+$0xFFFFFFB0];
	[tilespmem:s19+$0x20] =	vst v0;
	v0 =	vmax.f32 v5, $0.0e+00  }
0x30a: {  	v5 =	vunpack.i.l.bf16.f32 v60;
	v7 =	vld [tilespmem:s14+$0x30];
	v1 =	vmax.f32 v1, $0.0e+00;
	[tilespmem:s10+$0x50] =	vst v0  }
0x30b: {  	v0 =	vunpack.i.l.bf16.f32 v11;
	[tilespmem:s19+$0xB0] =	vst v1;
	v1 =	vadd.f32 v3, v5;
	v62 =	vld [tilespmem:s26+$0x30]  }
0x30c: {  	v8 =	vunpack.i.u.bf16.f32 v8;
	v9 =	vunpack.i.u.bf16.f32 v9;
	v0 =	vadd.f32 v10, v0;
	v3 =	vld [tilespmem:s13+$0x60]  }
0x30d: {  	v2 =	vunpack.i.u.bf16.f32 v2;
	v8 =	vadd.f32 v61, v8;
	v10 =	vld [tilespmem:s14+$0xC0];
	v1 =	vmax.f32 v1, $0.0e+00  }
0x30e: {  	v5 =	vunpack.i.u.bf16.f32 v55;
	v6 =	vadd.f32 v6, v9;
	v0 =	vmax.f32 v0, $0.0e+00;
	v9 =	vld [tilespmem:s5+$0x60];
	[tilespmem:s10+$0xFFFFFF60] =	vst v1  }
0x30f: {  	v1 =	vadd.f32 v4, v5;
	v5 =	vmax.f32 v8, $0.0e+00;
	v2 =	vadd.f32 v7, v2;
	[tilespmem:s10+$0xFFFFFFE0] =	vst v0;
	v4 =	vld [tilespmem:s5+$0xFFFFFF70]  }
0x310: {  	[tilespmem:s19+$0xFFFFFF30] =	vst v5;
	v0 =	vmax.f32 v6, $0.0e+00;
	v5 =	vld [tilespmem:s5+$0xFFFFFFF0]  }
0x311: {  	v6 =	vmax.f32 v1, $0.0e+00;
	v7 =	vld [tilespmem:s13+$0xFFFFFFA0];
	[tilespmem:s19+$0xFFFFFFB0] =	vst v0;
	v0 =	vmax.f32 v2, $0.0e+00;
	v63 =	vunpack.i.l.bf16.f32 v3  }
0x312: {  	s21 =	simm.s32 $0x6B00;
	v2 =	vunpack.i.u.bf16.f32 v11;
	v11 =	vunpack.i.l.bf16.f32 v62;
	v8 =	vld [tilespmem:s13+$0xFFFFFFE0];
	[tilespmem:s19+$0x30] =	vst v0;
	v10 =	vadd.f32 v10, v63  }
0x313: {  	s12 =	simm.s32 $0x8B00;
	s2 =	simm.s32 $0x3280;
	s26 =	simm.s32 $0x4;
	v1 =	vunpack.i.u.bf16.f32 v60;
	[tilespmem:s10+$0xF0] =	vst v6;
	v0 =	vunpack.i.u.bf16.f32 v62;
	v6 =	vld [tilespmem:s13+$0x20];
	v9 =	vadd.f32 v9, v11  }
.LBB2_9:
0x314: {  	v11 =	vld [tilespmem:s2+$0x40];
	v10 =	vmax.f32 v10, $0.0e+00;
	s14 =	sadd.s32 $0x200, s14;
	v1 =	vadd.f32 v4, v1  }
0x315: {  	v4 =	vld [tilespmem:s14+$0x80];
	[tilespmem:s19+$0xC0] =	vst v10;
	v2 =	vadd.f32 v5, v2;
	v5 =	vmax.f32 v9, $0.0e+00  }
0x316: {  	s26 =	sadd.s32 $0x4, s26;
	v9 =	vunpack.i.u.bf16.f32 v7;
	v7 =	vunpack.i.l.bf16.f32 v7;
	v10 =	vld [tilespmem:s21+$0xD0];
	v1 =	vmax.f32 v1, $0.0e+00;
	[tilespmem:s10+$0x60] =	vst v5  }
0x317: {  	p0 =	slt.u32 s26, $0x1C;
	v5 =	vld [tilespmem:s2+$0xFFFFFFC0];
	v12 =	vunpack.i.u.bf16.f32 v8;
	v8 =	vunpack.i.l.bf16.f32 v8;
	[tilespmem:s10+$0xFFFFFF70] =	vst v1;
	v2 =	vmax.f32 v2, $0.0e+00  }
0x318: {  	v13 =	vld [tilespmem:s2+$0x0];
	v1 =	vunpack.i.u.bf16.f32 v6;
	v6 =	vunpack.i.l.bf16.f32 v6;
	[tilespmem:s10+$0xFFFFFFF0] =	vst v2  }
0x319: {  	v2 =	vld [tilespmem:s2+$0xFFFFFF80];
	v14 =	vunpack.i.l.bf16.f32 v11  }
0x31a: {  	v3 =	vunpack.i.u.bf16.f32 v3;
	v15 =	vld [tilespmem:s14+$0xFFFFFF00];
	v4 =	vadd.f32 v4, v14  }
0x31b: {  	v14 =	vld [tilespmem:s14+$0xFFFFFF80];
	v3 =	vadd.f32 v10, v3  }
0x31c: {  	s19 =	sadd.s32 $0x200, s19;
	v10 =	vunpack.i.u.bf16.f32 v5;
	v5 =	vunpack.i.l.bf16.f32 v5;
	v16 =	vld [tilespmem:s14+$0x0];
	v4 =	vmax.f32 v4, $0.0e+00  }
0x31d: {  	v17 =	vunpack.i.u.bf16.f32 v13;
	v13 =	vunpack.i.l.bf16.f32 v13;
	[tilespmem:s19+$0x80] =	vst v4;
	v4 =	vld [tilespmem:s21+$0xFFFFFF40];
	v3 =	vmax.f32 v3, $0.0e+00  }
0x31e: {  	v18 =	vunpack.i.u.bf16.f32 v2;
	v2 =	vunpack.i.l.bf16.f32 v2;
	v19 =	vld [tilespmem:s14+$0x90];
	[tilespmem:s12+$0xD0] =	vst v3  }
0x31f: {  	v2 =	vadd.f32 v15, v2;
	v3 =	vld [tilespmem:s13+$0x70]  }
0x320: {  	v5 =	vadd.f32 v14, v5;
	v14 =	vld [tilespmem:s21+$0xE0]  }
0x321: {  	v2 =	vmax.f32 v2, $0.0e+00;
	v13 =	vadd.f32 v16, v13;
	v15 =	vld [tilespmem:s21+$0xFFFFFFC0]  }
0x322: {  	[tilespmem:s19+$0xFFFFFF00] =	vst v2;
	v2 =	vmax.f32 v5, $0.0e+00;
	v4 =	vadd.f32 v4, v7;
	v5 =	vld [tilespmem:s21+$0x40]  }
0x323: {  	v11 =	vunpack.i.u.bf16.f32 v11;
	v7 =	vld [tilespmem:s14+$0xFFFFFF10];
	[tilespmem:s19+$0xFFFFFF80] =	vst v2;
	v2 =	vmax.f32 v13, $0.0e+00  }
0x324: {  	v13 =	vld [tilespmem:s14+$0xFFFFFF90];
	[tilespmem:s19+$0x0] =	vst v2;
	v2 =	vadd.f32 v19, v11;
	v4 =	vmax.f32 v4, $0.0e+00;
	v11 =	vunpack.i.l.bf16.f32 v3  }
0x325: {  	v16 =	vld [tilespmem:s14+$0x10];
	[tilespmem:s12+$0xFFFFFF40] =	vst v4;
	v4 =	vadd.f32 v14, v11  }
0x326: {  	v2 =	vmax.f32 v2, $0.0e+00;
	v11 =	vld [tilespmem:s21+$0xFFFFFF50];
	v8 =	vadd.f32 v15, v8  }
0x327: {  	[tilespmem:s19+$0x90] =	vst v2;
	v2 =	vadd.f32 v5, v6;
	v4 =	vmax.f32 v4, $0.0e+00;
	v5 =	vld [tilespmem:s5+$0x70];
	s5 =	smov.u32 s21;
	s21 =	smov.u32 s14  }
0x328: {  	v6 =	vadd.f32 v7, v18;
	v7 =	vld [tilespmem:s2+$0x50];
	v8 =	vmax.f32 v8, $0.0e+00;
	[tilespmem:s12+$0xE0] =	vst v4  }
0x329: {  	v4 =	vadd.f32 v13, v10;
	[tilespmem:s12+$0xFFFFFFC0] =	vst v8;
	v2 =	vmax.f32 v2, $0.0e+00;
	v8 =	vld [tilespmem:s5+$0xF0]  }
0x32a: {  	v6 =	vmax.f32 v6, $0.0e+00;
	v10 =	vadd.f32 v16, v17;
	v13 =	vld [tilespmem:s14+$0xA0];
	[tilespmem:s12+$0x40] =	vst v2  }
0x32b: {  	[tilespmem:s19+$0xFFFFFF10] =	vst v6;
	v2 =	vmax.f32 v4, $0.0e+00;
	v4 =	vadd.f32 v11, v9;
	v6 =	vld [tilespmem:s5+$0xFFFFFFD0]  }
0x32c: {  	v9 =	vld [tilespmem:s2+$0xFFFFFF90];
	[tilespmem:s19+$0xFFFFFF90] =	vst v2;
	v2 =	vmax.f32 v10, $0.0e+00;
	v0 =	vadd.f32 v5, v0  }
0x32d: {  	v3 =	vunpack.i.u.bf16.f32 v3;
	v5 =	vld [tilespmem:s2+$0xFFFFFFD0];
	[tilespmem:s19+$0x10] =	vst v2;
	v2 =	vmax.f32 v4, $0.0e+00  }
0x32e: {  	v10 =	vunpack.i.l.bf16.f32 v7;
	v4 =	vld [tilespmem:s2+$0x10];
	[tilespmem:s12+$0xFFFFFF50] =	vst v2;
	v2 =	vadd.f32 v8, v3;
	v0 =	vmax.f32 v0, $0.0e+00  }
0x32f: {  	v3 =	vld [tilespmem:s14+$0xFFFFFF20];
	v8 =	vadd.f32 v13, v10;
	[tilespmem:s10+$0x70] =	vst v0;
	s10 =	smov.u32 s12;
	s12 =	smov.u32 s19  }
0x330: {  	v0 =	vld [tilespmem:s14+$0xFFFFFFA0];
	v6 =	vadd.f32 v6, v12;
	v2 =	vmax.f32 v2, $0.0e+00  }
0x331: {  	v10 =	vunpack.i.u.bf16.f32 v9;
	v9 =	vunpack.i.l.bf16.f32 v9;
	v11 =	vld [tilespmem:s14+$0x20];
	v8 =	vmax.f32 v8, $0.0e+00;
	[tilespmem:s10+$0xF0] =	vst v2  }
0x332: {  	v12 =	vunpack.i.u.bf16.f32 v5;
	v2 =	vunpack.i.l.bf16.f32 v5;
	[tilespmem:s19+$0xA0] =	vst v8;
	v5 =	vmax.f32 v6, $0.0e+00;
	v6 =	vld [tilespmem:s5+$0x50]  }
0x333: {  	v8 =	vunpack.i.u.bf16.f32 v4;
	v4 =	vunpack.i.l.bf16.f32 v4;
	v13 =	vld [tilespmem:s14+$0xB0];
	[tilespmem:s10+$0xFFFFFFD0] =	vst v5  }
0x334: {  	v3 =	vadd.f32 v3, v9;
	v5 =	vld [tilespmem:s13+$0xFFFFFFB0]  }
0x335: {  	v0 =	vadd.f32 v0, v2;
	v9 =	vld [tilespmem:s13+$0xFFFFFFF0]  }
0x336: {  	v2 =	vmax.f32 v3, $0.0e+00;
	v3 =	vadd.f32 v11, v4;
	v4 =	vld [tilespmem:s5+$0xFFFFFF60]  }
0x337: {  	[tilespmem:s19+$0xFFFFFF20] =	vst v2;
	v0 =	vmax.f32 v0, $0.0e+00;
	v2 =	vunpack.i.u.bf16.f32 v7;
	v7 =	vld [tilespmem:s5+$0xFFFFFFE0];
	v6 =	vadd.f32 v6, v1  }
0x338: {  	v11 =	vld [tilespmem:s14+$0xFFFFFF30];
	[tilespmem:s19+$0xFFFFFFA0] =	vst v0;
	v0 =	vmax.f32 v3, $0.0e+00;
	v2 =	vadd.f32 v13, v2  }
0x339: {  	v13 =	vld [tilespmem:s14+$0xFFFFFFB0];
	[tilespmem:s19+$0x20] =	vst v0;
	v1 =	vunpack.i.u.bf16.f32 v5;
	v0 =	vunpack.i.l.bf16.f32 v5;
	v3 =	vmax.f32 v6, $0.0e+00  }
0x33a: {  	v5 =	vld [tilespmem:s14+$0x30];
	v6 =	vmax.f32 v2, $0.0e+00;
	v2 =	vunpack.i.u.bf16.f32 v9;
	v9 =	vunpack.i.l.bf16.f32 v9;
	[tilespmem:s10+$0x50] =	vst v3  }
0x33b: {  	[tilespmem:s19+$0xB0] =	vst v6;
	v0 =	vadd.f32 v4, v0;
	v6 =	vld [tilespmem:s13+$0x30];
	s13 =	smov.u32 s2  }
0x33c: {  	v3 =	vld [tilespmem:s2+$0x60];
	v4 =	vadd.f32 v7, v9  }
0x33d: {  	v7 =	vadd.f32 v11, v10;
	v9 =	vld [tilespmem:s14+$0xC0];
	v0 =	vmax.f32 v0, $0.0e+00  }
0x33e: {  	v10 =	vadd.f32 v13, v12;
	[tilespmem:s10+$0xFFFFFF60] =	vst v0;
	v0 =	vmax.f32 v4, $0.0e+00;
	v11 =	vld [tilespmem:s5+$0x60]  }
.Ltmp3:
0x33f: {  	v7 =	vmax.f32 v7, $0.0e+00;
	v8 =	vadd.f32 v5, v8;
	v4 =	vld [tilespmem:s5+$0xFFFFFF70];
	[tilespmem:s10+$0xFFFFFFE0] =	vst v0;
	(pc) =	sbr.rel @p0 .LBB2_9-.Ltmp3, $4  }
0x340: {  	[tilespmem:s19+$0xFFFFFF30] =	vst v7;
	v10 =	vmax.f32 v10, $0.0e+00;
	v5 =	vld [tilespmem:s5+$0xFFFFFFF0];
	v0 =	vunpack.i.u.bf16.f32 v6;
	v12 =	vunpack.i.l.bf16.f32 v6  }
0x341: {  	v7 =	vld [tilespmem:s2+$0xFFFFFFA0];
	[tilespmem:s19+$0xFFFFFFB0] =	vst v10;
	v6 =	vmax.f32 v8, $0.0e+00;
	v10 =	vunpack.i.l.bf16.f32 v3  }
0x342: {  	v8 =	vld [tilespmem:s2+$0xFFFFFFE0];
	[tilespmem:s19+$0x30] =	vst v6;
	v10 =	vadd.f32 v9, v10  }
0x343: {  	s2 =	sadd.s32 $0x100, s2;
	v6 =	vld [tilespmem:s13+$0x20];
	v9 =	vadd.f32 v11, v12  }
0x344: {  	v11 =	vld [tilespmem:s21+$0xFFFFFF40]  }
0x345: {  	v12 =	vld [tilespmem:s21+$0xFFFFFFC0];
	_ =	sdelay $0x2  }
0x346: {  	v14 =	vld [tilespmem:s21+$0x40];
	v13 =	vunpack.i.l.bf16.f32 v7  }
0x347: {  	v10 =	vmax.f32 v10, $0.0e+00;
	v29 =	vunpack.i.l.bf16.f32 v8;
	v11 =	vadd.f32 v11, v13  }
0x348: {  	[tilespmem:s19+$0xC0] =	vst v10;
	v30 =	vadd.f32 v12, v29  }
0x349: {  	v31 =	vld [tilespmem:s21+$0xD0];
	v11 =	vmax.f32 v11, $0.0e+00  }
0x34a: {  	v32 =	vunpack.i.l.bf16.f32 v6;
	v10 =	vmax.f32 v30, $0.0e+00;
	[tilespmem:s12+$0xFFFFFF40] =	vst v11  }
0x34b: {  	v13 =	vadd.f32 v14, v32;
	[tilespmem:s12+$0xFFFFFFC0] =	vst v10;
	v11 =	vld [tilespmem:s21+$0xFFFFFF50]  }
0x34c: {  	v10 =	vld [tilespmem:s21+$0xFFFFFFD0]  }
0x34d: {  	v3 =	vunpack.i.u.bf16.f32 v3;
	v13 =	vmax.f32 v13, $0.0e+00  }
0x34e: {  	v3 =	vadd.f32 v31, v3;
	[tilespmem:s12+$0x40] =	vst v13  }
0x34f: {  	v33 =	vunpack.i.u.bf16.f32 v7;
	v34 =	vld [tilespmem:s21+$0x50]  }
0x350: {  	v35 =	vunpack.i.u.bf16.f32 v8;
	v3 =	vmax.f32 v3, $0.0e+00;
	v7 =	vadd.f32 v11, v33  }
0x351: {  	[tilespmem:s12+$0xD0] =	vst v3;
	v36 =	vadd.f32 v10, v35  }
0x352: {  	v37 =	vld [tilespmem:s13+$0x70];
	v7 =	vmax.f32 v7, $0.0e+00  }
0x353: {  	v38 =	vunpack.i.u.bf16.f32 v6;
	v39 =	vld [tilespmem:s21+$0xE0];
	v3 =	vmax.f32 v36, $0.0e+00;
	[tilespmem:s12+$0xFFFFFF50] =	vst v7  }
0x354: {  	v6 =	vadd.f32 v34, v38;
	[tilespmem:s12+$0xFFFFFFD0] =	vst v3;
	v40 =	vld [tilespmem:s13+$0xFFFFFFB0]  }
0x355: {  	v41 =	vld [tilespmem:s13+$0xFFFFFFF0]  }
0x356: {  	v6 =	vmax.f32 v6, $0.0e+00;
	v42 =	vld [tilespmem:s21+$0xFFFFFF60]  }
0x357: {  	[tilespmem:s12+$0x50] =	vst v6;
	v43 =	vld [tilespmem:s21+$0xFFFFFFE0]  }
0x358: {  	v6 =	vld [tilespmem:s13+$0x30]  }
0x359: {  	v13 =	vld [tilespmem:s21+$0x60]  }
0x35a: {  	v44 =	vunpack.i.l.bf16.f32 v37  }
0x35b: {  	v10 =	vadd.f32 v39, v44;
	v45 =	vunpack.i.l.bf16.f32 v40  }
0x35c: {  	v9 =	vmax.f32 v9, $0.0e+00;
	v46 =	vunpack.i.l.bf16.f32 v41;
	v11 =	vadd.f32 v42, v45  }
0x35d: {  	[tilespmem:s10+$0x60] =	vst v9;
	v47 =	vmax.f32 v10, $0.0e+00;
	v49 =	vunpack.i.l.bf16.f32 v6;
	v48 =	vadd.f32 v43, v46  }
0x35e: {  	v51 =	vld [tilespmem:s5+$0x70];
	[tilespmem:s12+$0xE0] =	vst v47;
	v50 =	vadd.f32 v13, v49;
	v11 =	vmax.f32 v11, $0.0e+00  }
0x35f: {  	v52 =	vld [tilespmem:s21+$0xF0];
	v10 =	vmax.f32 v48, $0.0e+00;
	[tilespmem:s12+$0xFFFFFF60] =	vst v11  }
0x360: {  	v9 =	vmax.f32 v50, $0.0e+00;
	[tilespmem:s12+$0xFFFFFFE0] =	vst v10;
	v53 =	vld [tilespmem:s21+$0xFFFFFF70]  }
0x361: {  	v1 =	vadd.f32 v4, v1;
	[tilespmem:s12+$0x60] =	vst v9;
	v54 =	vld [tilespmem:s21+$0xFFFFFFF0]  }
0x362: {  	v2 =	vadd.f32 v5, v2;
	v55 =	vld [tilespmem:s21+$0x70]  }
0x363: {  	v1 =	vmax.f32 v1, $0.0e+00;
	v0 =	vadd.f32 v51, v0;
	v8 =	vunpack.i.u.bf16.f32 v37  }
0x364: {  	[tilespmem:s10+$0xFFFFFF70] =	vst v1;
	v56 =	vmax.f32 v2, $0.0e+00;
	v3 =	vunpack.i.u.bf16.f32 v40;
	v57 =	vadd.f32 v52, v8  }
0x365: {  	[tilespmem:s10+$0xFFFFFFF0] =	vst v56;
	v0 =	vmax.f32 v0, $0.0e+00;
	v58 =	vunpack.i.u.bf16.f32 v41;
	v3 =	vadd.f32 v53, v3  }
0x366: {  	[tilespmem:s10+$0x70] =	vst v0;
	v60 =	vunpack.i.u.bf16.f32 v6;
	v59 =	vmax.f32 v57, $0.0e+00;
	v1 =	vadd.f32 v54, v58  }
0x367: {  	[tilespmem:s12+$0xF0] =	vst v59;
	v2 =	vadd.f32 v55, v60;
	v61 =	vmax.f32 v3, $0.0e+00  }
0x368: {  	v62 =	vmax.f32 v1, $0.0e+00;
	[tilespmem:s12+$0xFFFFFF70] =	vst v61  }
0x369: {  	s2 =	sshll.u32 @!p1 s18, $0x9;
	v63 =	vmax.f32 v2, $0.0e+00;
	[tilespmem:s12+$0xFFFFFFF0] =	vst v62  }
0x36a: {  	s2 =	sshra.s32 @!p1 s2, $0x2;
	[tilespmem:s12+$0x70] =	vst v63  }
0x36b: {  	[spmem:s4] =	stream.indirect.scatter.add.f32 [tilespmem:s28], [sflag:$0x8], $0x80, s11, s20, $0xb8;
	[tilespmem:$0x1D900] =	vst v63  }
0x36c: {  	v0 =	vld @!p1 [tilespmem:s2+$0xA0];
	_ =	sdelay $0x4  }
0x36d: {  	v1 =	vand.u32 @!p1 $0xFFFF, v0  }
0x36e: {  	v0 =	vshrl.u32 @!p1 v0, $0x10;
	[tilespmem:$0x9820] =	vst @!p1 v1  }
0x36f: {  	[tilespmem:$0x98A0] =	vst @!p1 v0  }
0x370: {  	v0 =	vld @!p1 [tilespmem:s2+$0xB0];
	_ =	sdelay $0x4  }
0x371: {  	v1 =	vand.u32 @!p1 $0xFFFF, v0  }
0x372: {  	v0 =	vshrl.u32 @!p1 v0, $0x10;
	[tilespmem:$0x9830] =	vst @!p1 v1  }
0x373: {  	s5 =	simm.s32 @!p1 $0x9820;
	s10 =	simm.s32 @!p1 $0x3000;
	s2 =	simm.s32 @!p1 $0x20;
	[tilespmem:$0x98B0] =	vst @!p1 v0  }
0x374: {  	[tilespmem:s10], [sflag:$0x2] =	stream.indirect.gather @!p1 [hbm4b:s0+s2], $0x40, s5, s2, $0xb8;
	[tilespmem:$0x1D900] =	vst v63  }
0x375: {  	s2 =	sadd.s32 $0x7, s24  }
0x376: {  	p0 =	sge.u32 s2, s8  }
0x377: {  	s2 =	sadd.s32 @!p0 s7, s2  }
0x378: {  	s2 =	sshll.u32 @!p0 s2, $0x9  }
0x379: {  	s18 =	sadd.s32 $0x1, s18;
	s2 =	sand.u32 @!p0 $0x1FFFFE00, s2  }
0x37a: {  	s5 =	simm.s32 @!p0 $0x0;
	s10 =	simm.s32 @!p0 $0x6800;
	s2 =	sadd.s32 @!p0 s3, s2  }
0x37b: {  	[tilespmem:s10], [sflag:$0x6] =	stream.linear.gather @!p0 [hbm4b:s2+s5], $0x1000, $0x38;
	[tilespmem:$0x1D900] =	vst v63  }
0x37c: {  	p0 =	sne.s32 s18, s17  }
.Ltmp4:
0x37d: {  	_ = 	snop;
	(pc) =	sbr.rel @p0 .LBB2_2-.Ltmp4, $1  }
0x37e: {  	_ =	sdelay $0x3  }
0x37f: {  	_ =	swait.ge [sflag:s29], $0x1000  }
0x380: {  	[sflag:s29] =	ssyncset.done $0x0  }
0x381: {  	[sflag:s29] =	ssyncadd.s32 $0xFFFFF000  }
0x382: {  	_ =	swait.ge [sflag:s6], $0x1000  }
0x383: {  	[sflag:s6] =	ssyncset.done $0x0  }
0x384: {  	[sflag:s6] =	ssyncadd.s32 $0xFFFFF000  }
0x385: {  	[bflag:$0x0] =	sbarrier.arrive $0xFFFF  }
0x386: {  	s2 =	rddreg [dreg:$0xd]  }
0x387: {  	s5 =	rddreg [dreg:$0xf]  }
0x388: {  	s10 =	rddreg [dreg:$0x10]  }
0x389: {  	[hbm:s2], [sflag:s5] =	dma.local [spmem:s10], $0x2800  }
0x38a: {  	s10 =	simm.s32 $0x9  }
0x38b: {  	_ =	swait.ge [sflag:s10], $0x2800  }
0x38c: {  	s24 =	rddreg [dreg:$0xe]  }
0x38d: {  	s26 =	rddreg [dreg:$0xc];
	s5 =	sadd.s32 $0x1, s24  }
0x38e: {  	p0 =	sne.s32 s5, s26  }
.Ltmp5:
0x38f: {  	_ = 	snop;
	(pc) =	sbr.rel @p0 .LBB2_1-.Ltmp5, $3  }
0x390: {  	_ =	sdelay $0x1  }
0x391: {  	[sflag:s10] =	ssyncset.done $0x0  }
0x392: {  	[sflag:s10] =	ssyncadd.s32 $0xFFFFD800  }
0x393: {  	_ =	sfence.sel $0x180000  }
0x394: {  	[bflag:$0x0] =	sbarrier.arrive $0xFFFF  }
0x395: {  	_ =	strace $0x90000047  }
0x396: {  	s0 =	stileid.u32;
	[bflag:$0x2] =	sbarrier.arrive $0xFFFF  }
0x397: {  	p0 =	sne.s32 s0, $0x0;
	s0 =	rddreg [dreg:$0x4]  }
0x398: {  	s0 =	sadd.s32 @!p0 $0x100000, s0  }
0x399: {  	[sflag:s0] =	ssyncadd.tile.s32 @!p0 $0x1;
	_ =	shalt  }
.Lfunc_end2:
_tile_overlayer_lowered:
.L_overlay_start_2:
0x39a: {  	(tag) =	ssettag $0x2  }
0x39b: {  	s0 =	rddreg [dreg:$0x0];
	s2 =	stileid.u32  }
0x39c: {  	s1 =	rddreg [dreg:$0x1];
	p0 =	sne.s32 s2, $0x0  }
0x39d: {  	s3 =	rddreg [dreg:$0x2];
	[bflag:$0x3] =	sbarrier.arrive $0xFFFF;
	s2 =	simm.s32 @!p0 $0x1C09  }
0x39e: {  	[timem:s3], [sflag:s2] =	dma.local @!p0 [hbm:s0], s1  }
0x39f: {  	s0 =	simm.s32 @!p0 $0x9  }
0x3a0: {  	_ =	swait.ge @!p0 [sflag:s0], s1  }
0x3a1: {  	s1 =	ssub.s32 @!p0 $0x0, s1;
	[sflag:s0] =	ssyncset.done @!p0 $0x0  }
0x3a2: {  	[sflag:s0] =	ssyncadd.s32 @!p0 s1  }
0x3a3: {  	[bflag:$0x3] =	sbarrier.arrive $0xFFFF  }
0x3a4: {  	_ =	shalt  }

</sc_bundles>
